<compile_context>
chip_gen: v7x
topology: tpu7x:2x2x1
jax: 0.10.2.dev20260603
libtpu: 0.0.44.dev20260713+nightly
codegen_flags: <defaults>
</compile_context>

<pallas_src>
import functools

import jax
import jax.numpy as jnp
from jax import lax
from jax.experimental import pallas as pl
from jax.experimental.pallas import tpu as pltpu
from jax.experimental.pallas import tpu_sc as plsc

N = 10000
D = 128
NNZ = 320000
NP = 10112
NC, NS = 2, 16
NW = NC * NS
CB = 128
CP = 128
KW = 80
NNZ_P = NW * KW * CP
NROW_P = NNZ_P // CP
NNZ_H = 327680
NROW_H = NNZ_H // CB
KH = NNZ_H // NS // CB
RPS = NP // NS
R = NP // 8

_mesh = plsc.VectorSubcoreMesh(core_axis_name="c", subcore_axis_name="s")


def _zero_fill(buf, nrows, ncols):
    @pl.loop(0, nrows)
    def _(r):
        @pl.loop(0, ncols // 16)
        def _(q):
            buf[r, pl.ds(q * 16, 16)] = jnp.zeros((16,), jnp.float32)


def _sc_propagate_body(src_sel, table_hbm, eidx_hbm, out_hbm,
                       srca, dsta, srcb, dstb, bufa, bufb, acc, sema, semb):
    c = lax.axis_index("c")
    s = lax.axis_index("s")
    w = c * NS + s
    _zero_fill(bufa, CP, D)
    base = s * RPS
    nz = RPS // CP
    @pl.loop(0, nz)
    def _(k):
        pltpu.sync_copy(bufa, acc.at[pl.ds(base + k * CP, CP)])
    pltpu.sync_copy(bufa.at[pl.ds(0, RPS - nz * CP)],
                    acc.at[pl.ds(base + nz * CP, RPS - nz * CP)])
    plsc.subcore_barrier()

    def load_idx(j, sv, dv):
        r = jnp.minimum(w * KW + j, NW * KW - 1)
        pltpu.sync_copy(eidx_hbm.at[src_sel, r], sv)
        pltpu.sync_copy(eidx_hbm.at[1 - src_sel, r], dv)

    def start(sv, buf, sem):
        pltpu.async_copy(table_hbm.at[sv], buf, sem)

    def wait(sv, buf, sem):
        pltpu.make_async_copy(table_hbm.at[sv], buf, sem).wait()

    def scat(dv, buf):
        pltpu.sync_copy(buf, acc.at[dv], add=True)

    load_idx(0, srca, dsta)
    start(srca, bufa, sema)
    load_idx(1, srcb, dstb)
    start(srcb, bufb, semb)

    @pl.loop(0, KW // 2)
    def _(p):
        j0 = p * 2
        wait(srca, bufa, sema)
        scat(dsta, bufa)
        load_idx(j0 + 2, srca, dsta)
        @pl.when(j0 + 2 < KW)
        def _():
            start(srca, bufa, sema)
        wait(srcb, bufb, semb)
        scat(dstb, bufb)
        load_idx(j0 + 3, srcb, dstb)
        @pl.when(j0 + 3 < KW)
        def _():
            start(srcb, bufb, semb)

    plsc.subcore_barrier()
    @pl.loop(0, nz)
    def _(k):
        pltpu.sync_copy(acc.at[pl.ds(base + k * CP, CP)],
                        out_hbm.at[c, pl.ds(base + k * CP, CP)])
    pltpu.sync_copy(acc.at[pl.ds(base + nz * CP, RPS - nz * CP)],
                    out_hbm.at[c, pl.ds(base + nz * CP, RPS - nz * CP)])


def _make_propagate(src_sel):
    return pl.kernel(
        functools.partial(_sc_propagate_body, src_sel),
        out_type=jax.ShapeDtypeStruct((NC, NP, D), jnp.float32),
        mesh=_mesh,
        scratch_types=[
            pltpu.VMEM((CP,), jnp.int32),
            pltpu.VMEM((CP,), jnp.int32),
            pltpu.VMEM((CP,), jnp.int32),
            pltpu.VMEM((CP,), jnp.int32),
            pltpu.VMEM((CP, D), jnp.float32),
            pltpu.VMEM((CP, D), jnp.float32),
            pltpu.VMEM_SHARED((NP, D), jnp.float32),
            pltpu.SemaphoreType.DMA,
            pltpu.SemaphoreType.DMA,
        ],
    )


_sc_n2e = _make_propagate(0)
_sc_e2n = _make_propagate(1)


@functools.partial(
    pl.kernel,
    out_type=jax.ShapeDtypeStruct((NC, NP, D), jnp.float32),
    mesh=_mesh,
    scratch_types=[
        pltpu.VMEM((CB,), jnp.int32),
        pltpu.VMEM((CB,), jnp.int32),
        pltpu.VMEM((CB, D), jnp.float32),
        pltpu.VMEM_SHARED((NP, D), jnp.float32),
        pltpu.SemaphoreType.DMA,
    ],
)
def _sc_degrees(eidx_hbm, out_hbm, ia, ib, ones_v, acc, semi):
    c = lax.axis_index("c")
    s = lax.axis_index("s")
    _zero_fill(ones_v, CB, D)
    base = s * RPS
    @pl.loop(0, 4)
    def _(k):
        pltpu.sync_copy(ones_v, acc.at[pl.ds(base + k * CB, CB)])
    pltpu.sync_copy(ones_v.at[pl.ds(0, RPS - 4 * CB)],
                    acc.at[pl.ds(base + 4 * CB, RPS - 4 * CB)])
    @pl.loop(0, CB)
    def _(r):
        @pl.loop(0, D // 16)
        def _(q):
            ones_v[r, pl.ds(q * 16, 16)] = jnp.ones((16,), jnp.float32)
    plsc.subcore_barrier()

    def istart(j, iv):
        pltpu.async_copy(eidx_hbm.at[c, s * KH + j], iv, semi)

    def iwait(j, iv):
        pltpu.make_async_copy(eidx_hbm.at[c, s * KH + j], iv, semi).wait()

    istart(0, ia)
    iwait(0, ia)

    @pl.loop(0, KH // 2)
    def _(p):
        j0 = p * 2
        istart(j0 + 1, ib)
        pltpu.sync_copy(ones_v, acc.at[ia], add=True)
        iwait(j0 + 1, ib)
        @pl.when(j0 + 2 < KH)
        def _():
            istart(j0 + 2, ia)
        pltpu.sync_copy(ones_v, acc.at[ib], add=True)
        @pl.when(j0 + 2 < KH)
        def _():
            iwait(j0 + 2, ia)
    plsc.subcore_barrier()
    pltpu.sync_copy(acc.at[pl.ds(base, RPS)], out_hbm.at[c, pl.ds(base, RPS)])


def _dinv_sqrt(hist_ref, idx):
    deg = hist_ref[idx, :, 0:1]
    return jnp.where(deg > 0, 1.0 / jnp.sqrt(deg), 0.0)


def _tc_xw_scale_body(x_ref, w_ref, hist_ref, o_ref):
    ds_ = _dinv_sqrt(hist_ref, 0)
    o_ref[...] = jnp.dot(x_ref[...] * ds_, w_ref[...],
                         preferred_element_type=jnp.float32,
                         precision=lax.Precision.HIGHEST)


def _tc_combine_binv_body(p_ref, hist_ref, o_ref):
    e = hist_ref[0, :, 0:1]
    binv = jnp.where(e > 0, 1.0 / e, 0.0)
    o_ref[...] = (p_ref[0] + p_ref[1]) * binv


def _tc_layer2_head_body(p_ref, hist_ref, b1_ref, w2_ref, o_ref):
    ds_ = _dinv_sqrt(hist_ref, 0)
    h = jnp.maximum((p_ref[0] + p_ref[1]) * ds_ + b1_ref[...], 0.0)
    o_ref[...] = jnp.dot(h * ds_, w2_ref[...],
                         preferred_element_type=jnp.float32,
                         precision=lax.Precision.HIGHEST)


def _tc_final_body(p_ref, hist_ref, b2_ref, o_ref):
    ds_ = _dinv_sqrt(hist_ref, 0)
    o_ref[...] = (p_ref[0] + p_ref[1]) * ds_ + b2_ref[...]


_row_spec = pl.BlockSpec((R, D), lambda i: (i, 0))
_w_spec = pl.BlockSpec((D, D), lambda i: (0, 0))
_b_spec = pl.BlockSpec((1, D), lambda i: (0, 0))
_part_spec = pl.BlockSpec((2, R, D), lambda i: (0, i, 0))


def _hist_spec(which):
    return pl.BlockSpec((1, R, D), lambda i, _w=which: (_w, i, 0))


_OUT = jax.ShapeDtypeStruct((NP, D), jnp.float32)
_G = NP // R

_tc_xw_scale = pl.pallas_call(
    _tc_xw_scale_body, grid=(_G,), out_shape=_OUT,
    in_specs=[_row_spec, _w_spec, _hist_spec(0)], out_specs=_row_spec)
_tc_combine_binv = pl.pallas_call(
    _tc_combine_binv_body, grid=(_G,), out_shape=_OUT,
    in_specs=[_part_spec, _hist_spec(1)], out_specs=_row_spec)
_tc_layer2_head = pl.pallas_call(
    _tc_layer2_head_body, grid=(_G,), out_shape=_OUT,
    in_specs=[_part_spec, _hist_spec(0), _b_spec, _w_spec],
    out_specs=_row_spec)
_tc_final = pl.pallas_call(
    _tc_final_body, grid=(_G,), out_shape=_OUT,
    in_specs=[_part_spec, _hist_spec(0), _b_spec], out_specs=_row_spec)


def kernel(x, edge_index, W1, b1, W2, b2):
    def pad_idx(total, nrow, cb):
        npad = total - NNZ
        pad_ids = (N + jnp.arange(npad, dtype=jnp.int32) % (NP - N))
        return jnp.concatenate(
            [edge_index, jnp.broadcast_to(pad_ids, (2, npad))], axis=1
        ).reshape(2, nrow, cb)

    eidx = pad_idx(NNZ_P, NROW_P, CP)
    eidx_h = pad_idx(NNZ_H, NROW_H, CB)
    xp = jnp.concatenate([x, jnp.zeros((NP - N, D), x.dtype)])
    b1r = b1.reshape(1, D)
    b2r = b2.reshape(1, D)

    hist = _sc_degrees(eidx_h)
    xn1 = _tc_xw_scale(xp, W1, hist)
    e1 = _sc_n2e(xn1, eidx)
    ef1 = _tc_combine_binv(e1, hist)
    n1 = _sc_e2n(ef1, eidx)
    xn2 = _tc_layer2_head(n1, hist, b1r, W2)
    e2 = _sc_n2e(xn2, eidx)
    ef2 = _tc_combine_binv(e2, hist)
    n2 = _sc_e2n(ef2, eidx)
    out = _tc_final(n2, hist, b2r)
    return out[:N]

# --- scband reference (transcript-rebuilt; emitter-appended) ---
"""Pipeline reference for scband-hcha-41566693490885 (READ-ONLY COPY).

The authoritative reference and input builder live on the scoring server;
editing this copy changes nothing except your own understanding.
"""

import jax, jax.numpy as jnp
import numpy as np

N_NODES = 10000
N_HYPEREDGES = 10000
N_INCIDENCE = 320000
D_IN = 128
D_HID = 128
D_OUT = 128


def setup_inputs(seed: int = 0) -> dict:
    key = jax.random.key(seed)
    k1, k2, k3, k4, k5, k6 = jax.random.split(key, 6)
    x = jax.random.normal(k1, (N_NODES, D_IN), dtype=jnp.float32)
    # hypergraph incidence: row 0 = node indices, row 1 = hyperedge indices
    edge_index = jax.random.randint(k2, (2, N_INCIDENCE), 0, N_NODES, dtype=jnp.int32)
    # learned parameters for two HypergraphConv layers (glorot-ish init)
    W1 = jax.random.normal(k3, (D_IN, D_HID), dtype=jnp.float32) * (1.0 / np.sqrt(D_IN))
    b1 = jnp.zeros((D_HID,), dtype=jnp.float32)
    W2 = jax.random.normal(k4, (D_HID, D_OUT), dtype=jnp.float32) * (1.0 / np.sqrt(D_HID))
    b2 = jnp.zeros((D_OUT,), dtype=jnp.float32)
    return {"x": x, "edge_index": edge_index, "W1": W1, "b1": b1, "W2": W2, "b2": b2}


def _hypergraph_conv(x, edge_index, W, b):
    # Symmetric-degree-normalized hypergraph convolution (HCHA, symdegnorm=True):
    #   X' = D^{-1/2} H W_e B^{-1} H^T D^{-1/2} X Theta + bias
    row = edge_index[0]  # node ids
    col = edge_index[1]  # hyperedge ids
    x = x @ W  # Theta
    ones = jnp.ones((row.shape[0],), dtype=x.dtype)
    deg = jax.ops.segment_sum(ones, row, num_segments=N_NODES)  # node degree D
    dinv_sqrt = jnp.where(deg > 0, 1.0 / jnp.sqrt(deg), 0.0)
    edeg = jax.ops.segment_sum(ones, col, num_segments=N_HYPEREDGES)  # hyperedge degree B
    binv = jnp.where(edeg > 0, 1.0 / edeg, 0.0)
    xn = x * dinv_sqrt[:, None]
    # propagate node -> hyperedge: gather node feats along incidences, scatter-add to hyperedges
    edge_feat = jax.ops.segment_sum(xn[row], col, num_segments=N_HYPEREDGES)
    edge_feat = edge_feat * binv[:, None]
    # propagate hyperedge -> node: gather edge feats along incidences, scatter-add to nodes
    out = jax.ops.segment_sum(edge_feat[col], row, num_segments=N_NODES)
    out = out * dinv_sqrt[:, None]
    return out + b


def reference(x, edge_index, W1, b1, W2, b2):
    # layer 1 + relu (dropout is identity at inference)
    h = jax.nn.relu(_hypergraph_conv(x, edge_index, W1, b1))
    # final layer, no activation
    out = _hypergraph_conv(h, edge_index, W2, b2)
    return out

if __name__ == "__main__":
    import jax
    _d = setup_inputs()
    print(jax.jit(kernel)(*tuple(_d.values())))

</pallas_src>

<mosaic_0001>
#map = affine_map<(d0, d1) -> (0, 0, 0)>
module attributes {stable_mosaic.version = 14 : i64} {
  func.func @_sc_degrees(%arg0: i32, %arg1: i32, %arg2: memref<2x2560x128xi32, #tpu.memory_space<hbm>>, %arg3: memref<2x10112x128xf32, #tpu.memory_space<hbm>>, %arg4: memref<128xi32, #tpu.memory_space<vmem>>, %arg5: memref<128xi32, #tpu.memory_space<vmem>>, %arg6: memref<128x128xf32, #tpu.memory_space<vmem>>, %arg7: memref<10112x128xf32, #tpu.memory_space<vmem_shared>>, %arg8: memref<!tpu.dma_semaphore, #tpu.memory_space<semaphore_mem>>) attributes {dimension_semantics = [#tpu.dimension_semantics<core_parallel>, #tpu.dimension_semantics<subcore_parallel>], iteration_bounds = array<i64: 2, 16>, scalar_prefetch = 0 : i64, scratch_operands = 5 : i64, tpu.core_type = #tpu.core_type<sc_vector_subcore>, window_params = [{transform_indices = #map}, {transform_indices = #map}]} {
    %scan3A = arith.constant 0 : i32
    %scan3A_0 = arith.constant 128 : i32
    %scan3A_1 = arith.addi %scan3A, %scan3A_0 : i32
    %scan3A_2 = arith.constant 1 : i32
    scf.for %scan3A_40 = %scan3A to %scan3A_1 step %scan3A_2  : i32 {
      %mul3A_41 = arith.constant 1 : i32
      %mul3A_42 = arith.muli %scan3A_40, %mul3A_41 : i32
      %add3A_43 = arith.constant 0 : i32
      %add3A_44 = arith.addi %add3A_43, %mul3A_42 : i32
      %scan3A_45 = arith.constant 0 : i32
      %scan3A_46 = arith.constant 8 : i32
      %scan3A_47 = arith.addi %scan3A_45, %scan3A_46 : i32
      %scan3A_48 = arith.constant 1 : i32
      scf.for %scan3A_50 = %scan3A_45 to %scan3A_47 step %scan3A_48  : i32 {
        %mul3A_51 = arith.constant 1 : i32
        %mul3A_52 = arith.muli %scan3A_50, %mul3A_51 : i32
        %add3A_53 = arith.constant 0 : i32
        %add3A_54 = arith.addi %add3A_53, %mul3A_52 : i32
        %broadcast_in_dim3A = arith.constant 0.000000e+00 : f32
        %broadcast_in_dim3A_55 = vector.broadcast %broadcast_in_dim3A : f32 to vector<16xf32>
        %mul3A_56 = arith.constant 16 : i32
        %mul3A_57 = arith.muli %add3A_54, %mul3A_56 : i32
        %swap3A = arith.index_cast %add3A_44 : i32 to index
        %swap3A_58 = arith.index_cast %mul3A_57 : i32 to index
        %swap3A_59 = tpu.vector_load %arg6[%swap3A, %swap3A_58] {strides = array<i32>} : memref<128x128xf32, #tpu.memory_space<vmem>>, vector<1x16xf32>,
        %swap3A_60 = vector.shape_cast %swap3A_59 : vector<1x16xf32> to vector<16xf32>
        %swap3A_61 = vector.shape_cast %broadcast_in_dim3A_55 : vector<16xf32> to vector<1x16xf32>
        tpu.vector_store %arg6[%swap3A, %swap3A_58], %swap3A_61 {strides = array<i32>} : memref<128x128xf32, #tpu.memory_space<vmem>>, vector<1x16xf32>,
      }
      %scan3A_49 = arith.constant 8 : i32
    }
    %scan3A_3 = arith.constant 128 : i32
    %mul3A = arith.constant 632 : i32
    %mul3A_4 = arith.muli %arg1, %mul3A : i32
    %scan3A_5 = arith.constant 0 : i32
    %scan3A_6 = arith.constant 4 : i32
    %scan3A_7 = arith.addi %scan3A_5, %scan3A_6 : i32
    %scan3A_8 = arith.constant 1 : i32
    scf.for %scan3A_40 = %scan3A_5 to %scan3A_7 step %scan3A_8  : i32 {
      %mul3A_41 = arith.constant 1 : i32
      %mul3A_42 = arith.muli %scan3A_40, %mul3A_41 : i32
      %add3A_43 = arith.constant 0 : i32
      %add3A_44 = arith.addi %add3A_43, %mul3A_42 : i32
      %mul3A_45 = arith.constant 128 : i32
      %mul3A_46 = arith.muli %add3A_44, %mul3A_45 : i32
      %add3A_47 = arith.addi %mul3A_4, %mul3A_46 : i32
      "tpu.region"() ({
        %run_scoped3A = tpu.sem_alloc : memref<!tpu.dma_semaphore, #tpu.memory_space<semaphore_mem>>
        %dma_start3A_48 = arith.constant 0 : i32
        %dma_start3A_49 = tpu.memref_slice %arg7[%add3A_47, %dma_start3A_48] : memref<10112x128xf32, #tpu.memory_space<vmem_shared>> -> memref<128x128xf32, #tpu.memory_space<vmem_shared>>
        %dma_start3A_50 = arith.constant 0 : i32
        %dma_start3A_51 = tpu.memref_slice %arg7[%add3A_47, %dma_start3A_50] : memref<10112x128xf32, #tpu.memory_space<vmem_shared>> -> memref<128x128xf32, #tpu.memory_space<vmem_shared>>
        tpu.enqueue_dma source(%arg6 : memref<128x128xf32, #tpu.memory_space<vmem>>) target(%dma_start3A_51 : memref<128x128xf32, #tpu.memory_space<vmem_shared>>) target_semaphore(%run_scoped3A : memref<!tpu.dma_semaphore, #tpu.memory_space<semaphore_mem>>)
        %dma_wait3A_52 = arith.constant 0 : i32
        %dma_wait3A_53 = tpu.memref_slice %arg7[%add3A_47, %dma_wait3A_52] : memref<10112x128xf32, #tpu.memory_space<vmem_shared>> -> memref<128x128xf32, #tpu.memory_space<vmem_shared>>
        %dma_wait3A_54 = arith.constant 0 : i32
        %dma_wait3A_55 = tpu.memref_slice %arg7[%add3A_47, %dma_wait3A_54] : memref<10112x128xf32, #tpu.memory_space<vmem_shared>> -> memref<128x128xf32, #tpu.memory_space<vmem_shared>>
        tpu.wait_dma2 semaphore(%run_scoped3A : memref<!tpu.dma_semaphore, #tpu.memory_space<semaphore_mem>>) src(%arg6 : memref<128x128xf32, #tpu.memory_space<vmem>>) dst(%dma_wait3A_55 : memref<128x128xf32, #tpu.memory_space<vmem_shared>>)
        tpu.yield
      }) : () -> ()
    }
    %scan3A_9 = arith.constant 4 : i32
    %add3A = arith.constant 512 : i32
    %add3A_10 = arith.addi %mul3A_4, %add3A : i32
    "tpu.region"() ({
      %run_scoped3A = tpu.sem_alloc : memref<!tpu.dma_semaphore, #tpu.memory_space<semaphore_mem>>
      %dma_start3A_40 = arith.constant 0 : i32
      %dma_start3A_41 = arith.constant 0 : i32
      %dma_start3A_42 = tpu.memref_slice %arg6[%dma_start3A_40, %dma_start3A_41] : memref<128x128xf32, #tpu.memory_space<vmem>> -> memref<120x128xf32, #tpu.memory_space<vmem>>
      %dma_start3A_43 = arith.constant 0 : i32
      %dma_start3A_44 = tpu.memref_slice %arg7[%add3A_10, %dma_start3A_43] : memref<10112x128xf32, #tpu.memory_space<vmem_shared>> -> memref<120x128xf32, #tpu.memory_space<vmem_shared>>
      %dma_start3A_45 = arith.constant 0 : i32
      %dma_start3A_46 = tpu.memref_slice %arg7[%add3A_10, %dma_start3A_45] : memref<10112x128xf32, #tpu.memory_space<vmem_shared>> -> memref<120x128xf32, #tpu.memory_space<vmem_shared>>
      %dma_start3A_47 = arith.constant 0 : i32
      %dma_start3A_48 = arith.constant 0 : i32
      %dma_start3A_49 = tpu.memref_slice %arg6[%dma_start3A_47, %dma_start3A_48] : memref<128x128xf32, #tpu.memory_space<vmem>> -> memref<120x128xf32, #tpu.memory_space<vmem>>
      tpu.enqueue_dma source(%dma_start3A_49 : memref<120x128xf32, #tpu.memory_space<vmem>>) target(%dma_start3A_46 : memref<120x128xf32, #tpu.memory_space<vmem_shared>>) target_semaphore(%run_scoped3A : memref<!tpu.dma_semaphore, #tpu.memory_space<semaphore_mem>>)
      %dma_wait3A_50 = arith.constant 0 : i32
      %dma_wait3A_51 = arith.constant 0 : i32
      %dma_wait3A_52 = tpu.memref_slice %arg6[%dma_wait3A_50, %dma_wait3A_51] : memref<128x128xf32, #tpu.memory_space<vmem>> -> memref<120x128xf32, #tpu.memory_space<vmem>>
      %dma_wait3A_53 = arith.constant 0 : i32
      %dma_wait3A_54 = tpu.memref_slice %arg7[%add3A_10, %dma_wait3A_53] : memref<10112x128xf32, #tpu.memory_space<vmem_shared>> -> memref<120x128xf32, #tpu.memory_space<vmem_shared>>
      %dma_wait3A_55 = arith.constant 0 : i32
      %dma_wait3A_56 = tpu.memref_slice %arg7[%add3A_10, %dma_wait3A_55] : memref<10112x128xf32, #tpu.memory_space<vmem_shared>> -> memref<120x128xf32, #tpu.memory_space<vmem_shared>>
      %dma_wait3A_57 = arith.constant 0 : i32
      %dma_wait3A_58 = arith.constant 0 : i32
      %dma_wait3A_59 = tpu.memref_slice %arg6[%dma_wait3A_57, %dma_wait3A_58] : memref<128x128xf32, #tpu.memory_space<vmem>> -> memref<120x128xf32, #tpu.memory_space<vmem>>
      tpu.wait_dma2 semaphore(%run_scoped3A : memref<!tpu.dma_semaphore, #tpu.memory_space<semaphore_mem>>) src(%dma_wait3A_59 : memref<120x128xf32, #tpu.memory_space<vmem>>) dst(%dma_wait3A_56 : memref<120x128xf32, #tpu.memory_space<vmem_shared>>)
      tpu.yield
    }) : () -> ()
    %scan3A_11 = arith.constant 0 : i32
    %scan3A_12 = arith.constant 128 : i32
    %scan3A_13 = arith.addi %scan3A_11, %scan3A_12 : i32
    %scan3A_14 = arith.constant 1 : i32
    scf.for %scan3A_40 = %scan3A_11 to %scan3A_13 step %scan3A_14  : i32 {
      %mul3A_41 = arith.constant 1 : i32
      %mul3A_42 = arith.muli %scan3A_40, %mul3A_41 : i32
      %add3A_43 = arith.constant 0 : i32
      %add3A_44 = arith.addi %add3A_43, %mul3A_42 : i32
      %scan3A_45 = arith.constant 0 : i32
      %scan3A_46 = arith.constant 8 : i32
      %scan3A_47 = arith.addi %scan3A_45, %scan3A_46 : i32
      %scan3A_48 = arith.constant 1 : i32
      scf.for %scan3A_50 = %scan3A_45 to %scan3A_47 step %scan3A_48  : i32 {
        %mul3A_51 = arith.constant 1 : i32
        %mul3A_52 = arith.muli %scan3A_50, %mul3A_51 : i32
        %add3A_53 = arith.constant 0 : i32
        %add3A_54 = arith.addi %add3A_53, %mul3A_52 : i32
        %broadcast_in_dim3A = arith.constant 1.000000e+00 : f32
        %broadcast_in_dim3A_55 = vector.broadcast %broadcast_in_dim3A : f32 to vector<16xf32>
        %mul3A_56 = arith.constant 16 : i32
        %mul3A_57 = arith.muli %add3A_54, %mul3A_56 : i32
        %swap3A = arith.index_cast %add3A_44 : i32 to index
        %swap3A_58 = arith.index_cast %mul3A_57 : i32 to index
        %swap3A_59 = tpu.vector_load %arg6[%swap3A, %swap3A_58] {strides = array<i32>} : memref<128x128xf32, #tpu.memory_space<vmem>>, vector<1x16xf32>,
        %swap3A_60 = vector.shape_cast %swap3A_59 : vector<1x16xf32> to vector<16xf32>
        %swap3A_61 = vector.shape_cast %broadcast_in_dim3A_55 : vector<16xf32> to vector<1x16xf32>
        tpu.vector_store %arg6[%swap3A, %swap3A_58], %swap3A_61 {strides = array<i32>} : memref<128x128xf32, #tpu.memory_space<vmem>>, vector<1x16xf32>,
      }
      %scan3A_49 = arith.constant 8 : i32
    }
    %scan3A_15 = arith.constant 128 : i32
    %barrier3A = arith.constant 0 : index
    tpu.barrier barrier_id(%barrier3A)
    %mul3A_16 = arith.constant 160 : i32
    %mul3A_17 = arith.muli %arg1, %mul3A_16 : i32
    %add3A_18 = arith.constant 0 : i32
    %add3A_19 = arith.addi %mul3A_17, %add3A_18 : i32
    %dma_start3A = arith.constant 0 : i32
    %dma_start3A_20 = tpu.memref_slice %arg2[%arg0, %add3A_19, %dma_start3A] : memref<2x2560x128xi32, #tpu.memory_space<hbm>> -> memref<1x1x128xi32, #tpu.memory_space<hbm>>
    %dma_start3A_21 = tpu.memref_squeeze %dma_start3A_20 : memref<1x1x128xi32, #tpu.memory_space<hbm>> -> memref<128xi32, #tpu.memory_space<hbm>>
    %dma_start3A_22 = arith.constant 0 : i32
    %dma_start3A_23 = tpu.memref_slice %arg2[%arg0, %add3A_19, %dma_start3A_22] : memref<2x2560x128xi32, #tpu.memory_space<hbm>> -> memref<1x1x128xi32, #tpu.memory_space<hbm>>
    %dma_start3A_24 = tpu.memref_squeeze %dma_start3A_23 : memref<1x1x128xi32, #tpu.memory_space<hbm>> -> memref<128xi32, #tpu.memory_space<hbm>>
    tpu.enqueue_dma source(%dma_start3A_24 : memref<128xi32, #tpu.memory_space<hbm>>) target(%arg4 : memref<128xi32, #tpu.memory_space<vmem>>) target_semaphore(%arg8 : memref<!tpu.dma_semaphore, #tpu.memory_space<semaphore_mem>>)
    %mul3A_25 = arith.constant 160 : i32
    %mul3A_26 = arith.muli %arg1, %mul3A_25 : i32
    %add3A_27 = arith.constant 0 : i32
    %add3A_28 = arith.addi %mul3A_26, %add3A_27 : i32
    %dma_wait3A = arith.constant 0 : i32
    %dma_wait3A_29 = tpu.memref_slice %arg2[%arg0, %add3A_28, %dma_wait3A] : memref<2x2560x128xi32, #tpu.memory_space<hbm>> -> memref<1x1x128xi32, #tpu.memory_space<hbm>>
    %dma_wait3A_30 = tpu.memref_squeeze %dma_wait3A_29 : memref<1x1x128xi32, #tpu.memory_space<hbm>> -> memref<128xi32, #tpu.memory_space<hbm>>
    %dma_wait3A_31 = arith.constant 0 : i32
    %dma_wait3A_32 = tpu.memref_slice %arg2[%arg0, %add3A_28, %dma_wait3A_31] : memref<2x2560x128xi32, #tpu.memory_space<hbm>> -> memref<1x1x128xi32, #tpu.memory_space<hbm>>
    %dma_wait3A_33 = tpu.memref_squeeze %dma_wait3A_32 : memref<1x1x128xi32, #tpu.memory_space<hbm>> -> memref<128xi32, #tpu.memory_space<hbm>>
    tpu.wait_dma2 semaphore(%arg8 : memref<!tpu.dma_semaphore, #tpu.memory_space<semaphore_mem>>) src(%dma_wait3A_33 : memref<128xi32, #tpu.memory_space<hbm>>) dst(%arg4 : memref<128xi32, #tpu.memory_space<vmem>>)
    %scan3A_34 = arith.constant 0 : i32
    %scan3A_35 = arith.constant 80 : i32
    %scan3A_36 = arith.addi %scan3A_34, %scan3A_35 : i32
    %scan3A_37 = arith.constant 1 : i32
    scf.for %scan3A_40 = %scan3A_34 to %scan3A_36 step %scan3A_37  : i32 {
      %mul3A_41 = arith.constant 1 : i32
      %mul3A_42 = arith.muli %scan3A_40, %mul3A_41 : i32
      %add3A_43 = arith.constant 0 : i32
      %add3A_44 = arith.addi %add3A_43, %mul3A_42 : i32
      %mul3A_45 = arith.constant 2 : i32
      %mul3A_46 = arith.muli %add3A_44, %mul3A_45 : i32
      %add3A_47 = arith.constant 1 : i32
      %add3A_48 = arith.addi %mul3A_46, %add3A_47 : i32
      %mul3A_49 = arith.constant 160 : i32
      %mul3A_50 = arith.muli %arg1, %mul3A_49 : i32
      %add3A_51 = arith.addi %mul3A_50, %add3A_48 : i32
      %dma_start3A_52 = arith.constant 0 : i32
      %dma_start3A_53 = tpu.memref_slice %arg2[%arg0, %add3A_51, %dma_start3A_52] : memref<2x2560x128xi32, #tpu.memory_space<hbm>> -> memref<1x1x128xi32, #tpu.memory_space<hbm>>
      %dma_start3A_54 = tpu.memref_squeeze %dma_start3A_53 : memref<1x1x128xi32, #tpu.memory_space<hbm>> -> memref<128xi32, #tpu.memory_space<hbm>>
      %dma_start3A_55 = arith.constant 0 : i32
      %dma_start3A_56 = tpu.memref_slice %arg2[%arg0, %add3A_51, %dma_start3A_55] : memref<2x2560x128xi32, #tpu.memory_space<hbm>> -> memref<1x1x128xi32, #tpu.memory_space<hbm>>
      %dma_start3A_57 = tpu.memref_squeeze %dma_start3A_56 : memref<1x1x128xi32, #tpu.memory_space<hbm>> -> memref<128xi32, #tpu.memory_space<hbm>>
      tpu.enqueue_dma source(%dma_start3A_57 : memref<128xi32, #tpu.memory_space<hbm>>) target(%arg5 : memref<128xi32, #tpu.memory_space<vmem>>) target_semaphore(%arg8 : memref<!tpu.dma_semaphore, #tpu.memory_space<semaphore_mem>>)
      "tpu.region"() ({
        %run_scoped3A = tpu.sem_alloc : memref<!tpu.dma_semaphore, #tpu.memory_space<semaphore_mem>>
        %dma_start3A_80 = arith.constant 0 : i32
        %dma_start3A_81 = arith.constant 0 : i32
        %dma_start3A_82 = tpu.memref_slice %arg7[%dma_start3A_80, %dma_start3A_81] : memref<10112x128xf32, #tpu.memory_space<vmem_shared>> -> memref<10112x128xf32, #tpu.memory_space<vmem_shared>>
        tpu.enqueue_indirect_dma source(%arg6 : memref<128x128xf32, #tpu.memory_space<vmem>>) target(%dma_start3A_82 : memref<10112x128xf32, #tpu.memory_space<vmem_shared>>) offsets(%arg4 : memref<128xi32, #tpu.memory_space<vmem>>) semaphore(%run_scoped3A : memref<!tpu.dma_semaphore, #tpu.memory_space<semaphore_mem>>) {add = true}
        %dma_wait3A_83 = arith.constant 0 : i32
        %dma_wait3A_84 = arith.constant 0 : i32
        %dma_wait3A_85 = tpu.memref_slice %arg7[%dma_wait3A_83, %dma_wait3A_84] : memref<10112x128xf32, #tpu.memory_space<vmem_shared>> -> memref<10112x128xf32, #tpu.memory_space<vmem_shared>>
        tpu.wait_indirect_dma semaphore(%run_scoped3A : memref<!tpu.dma_semaphore, #tpu.memory_space<semaphore_mem>>) src(%arg6 : memref<128x128xf32, #tpu.memory_space<vmem>>) dst(%dma_wait3A_85 : memref<10112x128xf32, #tpu.memory_space<vmem_shared>>)
        tpu.yield
      }) : () -> ()
      %add3A_58 = arith.constant 1 : i32
      %add3A_59 = arith.addi %mul3A_46, %add3A_58 : i32
      %mul3A_60 = arith.constant 160 : i32
      %mul3A_61 = arith.muli %arg1, %mul3A_60 : i32
      %add3A_62 = arith.addi %mul3A_61, %add3A_59 : i32
      %dma_wait3A_63 = arith.constant 0 : i32
      %dma_wait3A_64 = tpu.memref_slice %arg2[%arg0, %add3A_62, %dma_wait3A_63] : memref<2x2560x128xi32, #tpu.memory_space<hbm>> -> memref<1x1x128xi32, #tpu.memory_space<hbm>>
      %dma_wait3A_65 = tpu.memref_squeeze %dma_wait3A_64 : memref<1x1x128xi32, #tpu.memory_space<hbm>> -> memref<128xi32, #tpu.memory_space<hbm>>
      %dma_wait3A_66 = arith.constant 0 : i32
      %dma_wait3A_67 = tpu.memref_slice %arg2[%arg0, %add3A_62, %dma_wait3A_66] : memref<2x2560x128xi32, #tpu.memory_space<hbm>> -> memref<1x1x128xi32, #tpu.memory_space<hbm>>
      %dma_wait3A_68 = tpu.memref_squeeze %dma_wait3A_67 : memref<1x1x128xi32, #tpu.memory_space<hbm>> -> memref<128xi32, #tpu.memory_space<hbm>>
      tpu.wait_dma2 semaphore(%arg8 : memref<!tpu.dma_semaphore, #tpu.memory_space<semaphore_mem>>) src(%dma_wait3A_68 : memref<128xi32, #tpu.memory_space<hbm>>) dst(%arg5 : memref<128xi32, #tpu.memory_space<vmem>>)
      %add3A_69 = arith.constant 2 : i32
      %add3A_70 = arith.addi %mul3A_46, %add3A_69 : i32
      %lt3A = arith.constant 160 : i32
      %lt3A_71 = arith.cmpi slt, %add3A_70, %lt3A : i32
      %convert_element_type3A = arith.extui %lt3A_71 : i1 to i32
      %cond3A = arith.constant 0 : i32
      %cond3A_72 = arith.cmpi ne, %convert_element_type3A, %cond3A : i32
      scf.if %cond3A_72 {
        %add3A_80 = arith.constant 2 : i32
        %add3A_81 = arith.addi %mul3A_46, %add3A_80 : i32
        %mul3A_82 = arith.constant 160 : i32
        %mul3A_83 = arith.muli %arg1, %mul3A_82 : i32
        %add3A_84 = arith.addi %mul3A_83, %add3A_81 : i32
        %dma_start3A_85 = arith.constant 0 : i32
        %dma_start3A_86 = tpu.memref_slice %arg2[%arg0, %add3A_84, %dma_start3A_85] : memref<2x2560x128xi32, #tpu.memory_space<hbm>> -> memref<1x1x128xi32, #tpu.memory_space<hbm>>
        %dma_start3A_87 = tpu.memref_squeeze %dma_start3A_86 : memref<1x1x128xi32, #tpu.memory_space<hbm>> -> memref<128xi32, #tpu.memory_space<hbm>>
        %dma_start3A_88 = arith.constant 0 : i32
        %dma_start3A_89 = tpu.memref_slice %arg2[%arg0, %add3A_84, %dma_start3A_88] : memref<2x2560x128xi32, #tpu.memory_space<hbm>> -> memref<1x1x128xi32, #tpu.memory_space<hbm>>
        %dma_start3A_90 = tpu.memref_squeeze %dma_start3A_89 : memref<1x1x128xi32, #tpu.memory_space<hbm>> -> memref<128xi32, #tpu.memory_space<hbm>>
        tpu.enqueue_dma source(%dma_start3A_90 : memref<128xi32, #tpu.memory_space<hbm>>) target(%arg4 : memref<128xi32, #tpu.memory_space<vmem>>) target_semaphore(%arg8 : memref<!tpu.dma_semaphore, #tpu.memory_space<semaphore_mem>>)
      } else {
      }
      "tpu.region"() ({
        %run_scoped3A = tpu.sem_alloc : memref<!tpu.dma_semaphore, #tpu.memory_space<semaphore_mem>>
        %dma_start3A_80 = arith.constant 0 : i32
        %dma_start3A_81 = arith.constant 0 : i32
        %dma_start3A_82 = tpu.memref_slice %arg7[%dma_start3A_80, %dma_start3A_81] : memref<10112x128xf32, #tpu.memory_space<vmem_shared>> -> memref<10112x128xf32, #tpu.memory_space<vmem_shared>>
        tpu.enqueue_indirect_dma source(%arg6 : memref<128x128xf32, #tpu.memory_space<vmem>>) target(%dma_start3A_82 : memref<10112x128xf32, #tpu.memory_space<vmem_shared>>) offsets(%arg5 : memref<128xi32, #tpu.memory_space<vmem>>) semaphore(%run_scoped3A : memref<!tpu.dma_semaphore, #tpu.memory_space<semaphore_mem>>) {add = true}
        %dma_wait3A_83 = arith.constant 0 : i32
        %dma_wait3A_84 = arith.constant 0 : i32
        %dma_wait3A_85 = tpu.memref_slice %arg7[%dma_wait3A_83, %dma_wait3A_84] : memref<10112x128xf32, #tpu.memory_space<vmem_shared>> -> memref<10112x128xf32, #tpu.memory_space<vmem_shared>>
        tpu.wait_indirect_dma semaphore(%run_scoped3A : memref<!tpu.dma_semaphore, #tpu.memory_space<semaphore_mem>>) src(%arg6 : memref<128x128xf32, #tpu.memory_space<vmem>>) dst(%dma_wait3A_85 : memref<10112x128xf32, #tpu.memory_space<vmem_shared>>)
        tpu.yield
      }) : () -> ()
      %add3A_73 = arith.constant 2 : i32
      %add3A_74 = arith.addi %mul3A_46, %add3A_73 : i32
      %lt3A_75 = arith.constant 160 : i32
      %lt3A_76 = arith.cmpi slt, %add3A_74, %lt3A_75 : i32
      %convert_element_type3A_77 = arith.extui %lt3A_76 : i1 to i32
      %cond3A_78 = arith.constant 0 : i32
      %cond3A_79 = arith.cmpi ne, %convert_element_type3A_77, %cond3A_78 : i32
      scf.if %cond3A_79 {
        %add3A_80 = arith.constant 2 : i32
        %add3A_81 = arith.addi %mul3A_46, %add3A_80 : i32
        %mul3A_82 = arith.constant 160 : i32
        %mul3A_83 = arith.muli %arg1, %mul3A_82 : i32
        %add3A_84 = arith.addi %mul3A_83, %add3A_81 : i32
        %dma_wait3A_85 = arith.constant 0 : i32
        %dma_wait3A_86 = tpu.memref_slice %arg2[%arg0, %add3A_84, %dma_wait3A_85] : memref<2x2560x128xi32, #tpu.memory_space<hbm>> -> memref<1x1x128xi32, #tpu.memory_space<hbm>>
        %dma_wait3A_87 = tpu.memref_squeeze %dma_wait3A_86 : memref<1x1x128xi32, #tpu.memory_space<hbm>> -> memref<128xi32, #tpu.memory_space<hbm>>
        %dma_wait3A_88 = arith.constant 0 : i32
        %dma_wait3A_89 = tpu.memref_slice %arg2[%arg0, %add3A_84, %dma_wait3A_88] : memref<2x2560x128xi32, #tpu.memory_space<hbm>> -> memref<1x1x128xi32, #tpu.memory_space<hbm>>
        %dma_wait3A_90 = tpu.memref_squeeze %dma_wait3A_89 : memref<1x1x128xi32, #tpu.memory_space<hbm>> -> memref<128xi32, #tpu.memory_space<hbm>>
        tpu.wait_dma2 semaphore(%arg8 : memref<!tpu.dma_semaphore, #tpu.memory_space<semaphore_mem>>) src(%dma_wait3A_90 : memref<128xi32, #tpu.memory_space<hbm>>) dst(%arg4 : memref<128xi32, #tpu.memory_space<vmem>>)
      } else {
      }
    }
    %scan3A_38 = arith.constant 80 : i32
    %barrier3A_39 = arith.constant 0 : index
    tpu.barrier barrier_id(%barrier3A_39)
    "tpu.region"() ({
      %run_scoped3A = tpu.sem_alloc : memref<!tpu.dma_semaphore, #tpu.memory_space<semaphore_mem>>
      %dma_start3A_40 = arith.constant 0 : i32
      %dma_start3A_41 = tpu.memref_slice %arg3[%arg0, %mul3A_4, %dma_start3A_40] : memref<2x10112x128xf32, #tpu.memory_space<hbm>> -> memref<1x632x128xf32, #tpu.memory_space<hbm>>
      %dma_start3A_42 = tpu.memref_squeeze %dma_start3A_41 : memref<1x632x128xf32, #tpu.memory_space<hbm>> -> memref<632x128xf32, #tpu.memory_space<hbm>>
      %dma_start3A_43 = arith.constant 0 : i32
      %dma_start3A_44 = tpu.memref_slice %arg7[%mul3A_4, %dma_start3A_43] : memref<10112x128xf32, #tpu.memory_space<vmem_shared>> -> memref<632x128xf32, #tpu.memory_space<vmem_shared>>
      tpu.enqueue_dma source(%dma_start3A_44 : memref<632x128xf32, #tpu.memory_space<vmem_shared>>) target(%dma_start3A_42 : memref<632x128xf32, #tpu.memory_space<hbm>>) target_semaphore(%run_scoped3A : memref<!tpu.dma_semaphore, #tpu.memory_space<semaphore_mem>>)
      %dma_wait3A_45 = arith.constant 0 : i32
      %dma_wait3A_46 = tpu.memref_slice %arg3[%arg0, %mul3A_4, %dma_wait3A_45] : memref<2x10112x128xf32, #tpu.memory_space<hbm>> -> memref<1x632x128xf32, #tpu.memory_space<hbm>>
      %dma_wait3A_47 = tpu.memref_squeeze %dma_wait3A_46 : memref<1x632x128xf32, #tpu.memory_space<hbm>> -> memref<632x128xf32, #tpu.memory_space<hbm>>
      %dma_wait3A_48 = arith.constant 0 : i32
      %dma_wait3A_49 = tpu.memref_slice %arg7[%mul3A_4, %dma_wait3A_48] : memref<10112x128xf32, #tpu.memory_space<vmem_shared>> -> memref<632x128xf32, #tpu.memory_space<vmem_shared>>
      tpu.wait_dma2 semaphore(%run_scoped3A : memref<!tpu.dma_semaphore, #tpu.memory_space<semaphore_mem>>) src(%dma_wait3A_49 : memref<632x128xf32, #tpu.memory_space<vmem_shared>>) dst(%dma_wait3A_47 : memref<632x128xf32, #tpu.memory_space<hbm>>)
      tpu.yield
    }) : () -> ()
    return
  }
}

#map = affine_map<(d0, d1) -> (0, 0)>
#map1 = affine_map<(d0, d1) -> (0, 0, 0)>
module attributes {stable_mosaic.version = 14 : i64} {
  func.func @_sc_propagate_body(%arg0: i32, %arg1: i32, %arg2: memref<10112x128xf32, #tpu.memory_space<hbm>>, %arg3: memref<2x2560x128xi32, #tpu.memory_space<hbm>>, %arg4: memref<2x10112x128xf32, #tpu.memory_space<hbm>>, %arg5: memref<128xi32, #tpu.memory_space<vmem>>, %arg6: memref<128xi32, #tpu.memory_space<vmem>>, %arg7: memref<128xi32, #tpu.memory_space<vmem>>, %arg8: memref<128xi32, #tpu.memory_space<vmem>>, %arg9: memref<128x128xf32, #tpu.memory_space<vmem>>, %arg10: memref<128x128xf32, #tpu.memory_space<vmem>>, %arg11: memref<10112x128xf32, #tpu.memory_space<vmem_shared>>, %arg12: memref<!tpu.dma_semaphore, #tpu.memory_space<semaphore_mem>>, %arg13: memref<!tpu.dma_semaphore, #tpu.memory_space<semaphore_mem>>) attributes {dimension_semantics = [#tpu.dimension_semantics<core_parallel>, #tpu.dimension_semantics<subcore_parallel>], iteration_bounds = array<i64: 2, 16>, scalar_prefetch = 0 : i64, scratch_operands = 9 : i64, tpu.core_type = #tpu.core_type<sc_vector_subcore>, window_params = [{transform_indices = #map}, {transform_indices = #map1}, {transform_indices = #map1}]} {
    %mul3A = arith.constant 16 : i32
    %mul3A_0 = arith.muli %arg0, %mul3A : i32
    %add3A = arith.addi %mul3A_0, %arg1 : i32
    %scan3A = arith.constant 0 : i32
    %scan3A_1 = arith.constant 128 : i32
    %scan3A_2 = arith.addi %scan3A, %scan3A_1 : i32
    %scan3A_3 = arith.constant 1 : i32
    scf.for %scan3A_48 = %scan3A to %scan3A_2 step %scan3A_3  : i32 {
      %mul3A_49 = arith.constant 1 : i32
      %mul3A_50 = arith.muli %scan3A_48, %mul3A_49 : i32
      %add3A_51 = arith.constant 0 : i32
      %add3A_52 = arith.addi %add3A_51, %mul3A_50 : i32
      %scan3A_53 = arith.constant 0 : i32
      %scan3A_54 = arith.constant 8 : i32
      %scan3A_55 = arith.addi %scan3A_53, %scan3A_54 : i32
      %scan3A_56 = arith.constant 1 : i32
      scf.for %scan3A_58 = %scan3A_53 to %scan3A_55 step %scan3A_56  : i32 {
        %mul3A_59 = arith.constant 1 : i32
        %mul3A_60 = arith.muli %scan3A_58, %mul3A_59 : i32
        %add3A_61 = arith.constant 0 : i32
        %add3A_62 = arith.addi %add3A_61, %mul3A_60 : i32
        %broadcast_in_dim3A = arith.constant 0.000000e+00 : f32
        %broadcast_in_dim3A_63 = vector.broadcast %broadcast_in_dim3A : f32 to vector<16xf32>
        %mul3A_64 = arith.constant 16 : i32
        %mul3A_65 = arith.muli %add3A_62, %mul3A_64 : i32
        %swap3A = arith.index_cast %add3A_52 : i32 to index
        %swap3A_66 = arith.index_cast %mul3A_65 : i32 to index
        %swap3A_67 = tpu.vector_load %arg9[%swap3A, %swap3A_66] {strides = array<i32>} : memref<128x128xf32, #tpu.memory_space<vmem>>, vector<1x16xf32>,
        %swap3A_68 = vector.shape_cast %swap3A_67 : vector<1x16xf32> to vector<16xf32>
        %swap3A_69 = vector.shape_cast %broadcast_in_dim3A_63 : vector<16xf32> to vector<1x16xf32>
        tpu.vector_store %arg9[%swap3A, %swap3A_66], %swap3A_69 {strides = array<i32>} : memref<128x128xf32, #tpu.memory_space<vmem>>, vector<1x16xf32>,
      }
      %scan3A_57 = arith.constant 8 : i32
    }
    %scan3A_4 = arith.constant 128 : i32
    %mul3A_5 = arith.constant 632 : i32
    %mul3A_6 = arith.muli %arg1, %mul3A_5 : i32
    %scan3A_7 = arith.constant 0 : i32
    %scan3A_8 = arith.constant 4 : i32
    %scan3A_9 = arith.addi %scan3A_7, %scan3A_8 : i32
    %scan3A_10 = arith.constant 1 : i32
    scf.for %scan3A_48 = %scan3A_7 to %scan3A_9 step %scan3A_10  : i32 {
      %mul3A_49 = arith.constant 1 : i32
      %mul3A_50 = arith.muli %scan3A_48, %mul3A_49 : i32
      %add3A_51 = arith.constant 0 : i32
      %add3A_52 = arith.addi %add3A_51, %mul3A_50 : i32
      %mul3A_53 = arith.constant 128 : i32
      %mul3A_54 = arith.muli %add3A_52, %mul3A_53 : i32
      %add3A_55 = arith.addi %mul3A_6, %mul3A_54 : i32
      "tpu.region"() ({
        %run_scoped3A_56 = tpu.sem_alloc : memref<!tpu.dma_semaphore, #tpu.memory_space<semaphore_mem>>
        %dma_start3A_57 = arith.constant 0 : i32
        %dma_start3A_58 = tpu.memref_slice %arg11[%add3A_55, %dma_start3A_57] : memref<10112x128xf32, #tpu.memory_space<vmem_shared>> -> memref<128x128xf32, #tpu.memory_space<vmem_shared>>
        %dma_start3A_59 = arith.constant 0 : i32
        %dma_start3A_60 = tpu.memref_slice %arg11[%add3A_55, %dma_start3A_59] : memref<10112x128xf32, #tpu.memory_space<vmem_shared>> -> memref<128x128xf32, #tpu.memory_space<vmem_shared>>
        tpu.enqueue_dma source(%arg9 : memref<128x128xf32, #tpu.memory_space<vmem>>) target(%dma_start3A_60 : memref<128x128xf32, #tpu.memory_space<vmem_shared>>) target_semaphore(%run_scoped3A_56 : memref<!tpu.dma_semaphore, #tpu.memory_space<semaphore_mem>>)
        %dma_wait3A = arith.constant 0 : i32
        %dma_wait3A_61 = tpu.memref_slice %arg11[%add3A_55, %dma_wait3A] : memref<10112x128xf32, #tpu.memory_space<vmem_shared>> -> memref<128x128xf32, #tpu.memory_space<vmem_shared>>
        %dma_wait3A_62 = arith.constant 0 : i32
        %dma_wait3A_63 = tpu.memref_slice %arg11[%add3A_55, %dma_wait3A_62] : memref<10112x128xf32, #tpu.memory_space<vmem_shared>> -> memref<128x128xf32, #tpu.memory_space<vmem_shared>>
        tpu.wait_dma2 semaphore(%run_scoped3A_56 : memref<!tpu.dma_semaphore, #tpu.memory_space<semaphore_mem>>) src(%arg9 : memref<128x128xf32, #tpu.memory_space<vmem>>) dst(%dma_wait3A_63 : memref<128x128xf32, #tpu.memory_space<vmem_shared>>)
        tpu.yield
      }) : () -> ()
    }
    %scan3A_11 = arith.constant 4 : i32
    %add3A_12 = arith.constant 512 : i32
    %add3A_13 = arith.addi %mul3A_6, %add3A_12 : i32
    "tpu.region"() ({
      %run_scoped3A_48 = tpu.sem_alloc : memref<!tpu.dma_semaphore, #tpu.memory_space<semaphore_mem>>
      %dma_start3A_49 = arith.constant 0 : i32
      %dma_start3A_50 = arith.constant 0 : i32
      %dma_start3A_51 = tpu.memref_slice %arg9[%dma_start3A_49, %dma_start3A_50] : memref<128x128xf32, #tpu.memory_space<vmem>> -> memref<120x128xf32, #tpu.memory_space<vmem>>
      %dma_start3A_52 = arith.constant 0 : i32
      %dma_start3A_53 = tpu.memref_slice %arg11[%add3A_13, %dma_start3A_52] : memref<10112x128xf32, #tpu.memory_space<vmem_shared>> -> memref<120x128xf32, #tpu.memory_space<vmem_shared>>
      %dma_start3A_54 = arith.constant 0 : i32
      %dma_start3A_55 = tpu.memref_slice %arg11[%add3A_13, %dma_start3A_54] : memref<10112x128xf32, #tpu.memory_space<vmem_shared>> -> memref<120x128xf32, #tpu.memory_space<vmem_shared>>
      %dma_start3A_56 = arith.constant 0 : i32
      %dma_start3A_57 = arith.constant 0 : i32
      %dma_start3A_58 = tpu.memref_slice %arg9[%dma_start3A_56, %dma_start3A_57] : memref<128x128xf32, #tpu.memory_space<vmem>> -> memref<120x128xf32, #tpu.memory_space<vmem>>
      tpu.enqueue_dma source(%dma_start3A_58 : memref<120x128xf32, #tpu.memory_space<vmem>>) target(%dma_start3A_55 : memref<120x128xf32, #tpu.memory_space<vmem_shared>>) target_semaphore(%run_scoped3A_48 : memref<!tpu.dma_semaphore, #tpu.memory_space<semaphore_mem>>)
      %dma_wait3A = arith.constant 0 : i32
      %dma_wait3A_59 = arith.constant 0 : i32
      %dma_wait3A_60 = tpu.memref_slice %arg9[%dma_wait3A, %dma_wait3A_59] : memref<128x128xf32, #tpu.memory_space<vmem>> -> memref<120x128xf32, #tpu.memory_space<vmem>>
      %dma_wait3A_61 = arith.constant 0 : i32
      %dma_wait3A_62 = tpu.memref_slice %arg11[%add3A_13, %dma_wait3A_61] : memref<10112x128xf32, #tpu.memory_space<vmem_shared>> -> memref<120x128xf32, #tpu.memory_space<vmem_shared>>
      %dma_wait3A_63 = arith.constant 0 : i32
      %dma_wait3A_64 = tpu.memref_slice %arg11[%add3A_13, %dma_wait3A_63] : memref<10112x128xf32, #tpu.memory_space<vmem_shared>> -> memref<120x128xf32, #tpu.memory_space<vmem_shared>>
      %dma_wait3A_65 = arith.constant 0 : i32
      %dma_wait3A_66 = arith.constant 0 : i32
      %dma_wait3A_67 = tpu.memref_slice %arg9[%dma_wait3A_65, %dma_wait3A_66] : memref<128x128xf32, #tpu.memory_space<vmem>> -> memref<120x128xf32, #tpu.memory_space<vmem>>
      tpu.wait_dma2 semaphore(%run_scoped3A_48 : memref<!tpu.dma_semaphore, #tpu.memory_space<semaphore_mem>>) src(%dma_wait3A_67 : memref<120x128xf32, #tpu.memory_space<vmem>>) dst(%dma_wait3A_64 : memref<120x128xf32, #tpu.memory_space<vmem_shared>>)
      tpu.yield
    }) : () -> ()
    %barrier3A = arith.constant 0 : index
    tpu.barrier barrier_id(%barrier3A)
    %mul3A_14 = arith.constant 80 : i32
    %mul3A_15 = arith.muli %add3A, %mul3A_14 : i32
    %add3A_16 = arith.constant 0 : i32
    %add3A_17 = arith.addi %mul3A_15, %add3A_16 : i32
    %min3A = arith.constant 2559 : i32
    %min3A_18 = arith.minsi %add3A_17, %min3A : i32
    %run_scoped3A = arith.constant 0 : i32
    "tpu.region"() ({
      %run_scoped3A_48 = tpu.sem_alloc : memref<!tpu.dma_semaphore, #tpu.memory_space<semaphore_mem>>
      %dma_start3A_49 = arith.constant 0 : i32
      %dma_start3A_50 = tpu.memref_slice %arg3[%run_scoped3A, %min3A_18, %dma_start3A_49] : memref<2x2560x128xi32, #tpu.memory_space<hbm>> -> memref<1x1x128xi32, #tpu.memory_space<hbm>>
      %dma_start3A_51 = tpu.memref_squeeze %dma_start3A_50 : memref<1x1x128xi32, #tpu.memory_space<hbm>> -> memref<128xi32, #tpu.memory_space<hbm>>
      %dma_start3A_52 = arith.constant 0 : i32
      %dma_start3A_53 = tpu.memref_slice %arg3[%run_scoped3A, %min3A_18, %dma_start3A_52] : memref<2x2560x128xi32, #tpu.memory_space<hbm>> -> memref<1x1x128xi32, #tpu.memory_space<hbm>>
      %dma_start3A_54 = tpu.memref_squeeze %dma_start3A_53 : memref<1x1x128xi32, #tpu.memory_space<hbm>> -> memref<128xi32, #tpu.memory_space<hbm>>
      tpu.enqueue_dma source(%dma_start3A_54 : memref<128xi32, #tpu.memory_space<hbm>>) target(%arg5 : memref<128xi32, #tpu.memory_space<vmem>>) target_semaphore(%run_scoped3A_48 : memref<!tpu.dma_semaphore, #tpu.memory_space<semaphore_mem>>)
      %dma_wait3A = arith.constant 0 : i32
      %dma_wait3A_55 = tpu.memref_slice %arg3[%run_scoped3A, %min3A_18, %dma_wait3A] : memref<2x2560x128xi32, #tpu.memory_space<hbm>> -> memref<1x1x128xi32, #tpu.memory_space<hbm>>
      %dma_wait3A_56 = tpu.memref_squeeze %dma_wait3A_55 : memref<1x1x128xi32, #tpu.memory_space<hbm>> -> memref<128xi32, #tpu.memory_space<hbm>>
      %dma_wait3A_57 = arith.constant 0 : i32
      %dma_wait3A_58 = tpu.memref_slice %arg3[%run_scoped3A, %min3A_18, %dma_wait3A_57] : memref<2x2560x128xi32, #tpu.memory_space<hbm>> -> memref<1x1x128xi32, #tpu.memory_space<hbm>>
      %dma_wait3A_59 = tpu.memref_squeeze %dma_wait3A_58 : memref<1x1x128xi32, #tpu.memory_space<hbm>> -> memref<128xi32, #tpu.memory_space<hbm>>
      tpu.wait_dma2 semaphore(%run_scoped3A_48 : memref<!tpu.dma_semaphore, #tpu.memory_space<semaphore_mem>>) src(%dma_wait3A_59 : memref<128xi32, #tpu.memory_space<hbm>>) dst(%arg5 : memref<128xi32, #tpu.memory_space<vmem>>)
      tpu.yield
    }) : () -> ()
    %run_scoped3A_19 = arith.constant 1 : i32
    "tpu.region"() ({
      %run_scoped3A_48 = tpu.sem_alloc : memref<!tpu.dma_semaphore, #tpu.memory_space<semaphore_mem>>
      %dma_start3A_49 = arith.constant 0 : i32
      %dma_start3A_50 = tpu.memref_slice %arg3[%run_scoped3A_19, %min3A_18, %dma_start3A_49] : memref<2x2560x128xi32, #tpu.memory_space<hbm>> -> memref<1x1x128xi32, #tpu.memory_space<hbm>>
      %dma_start3A_51 = tpu.memref_squeeze %dma_start3A_50 : memref<1x1x128xi32, #tpu.memory_space<hbm>> -> memref<128xi32, #tpu.memory_space<hbm>>
      %dma_start3A_52 = arith.constant 0 : i32
      %dma_start3A_53 = tpu.memref_slice %arg3[%run_scoped3A_19, %min3A_18, %dma_start3A_52] : memref<2x2560x128xi32, #tpu.memory_space<hbm>> -> memref<1x1x128xi32, #tpu.memory_space<hbm>>
      %dma_start3A_54 = tpu.memref_squeeze %dma_start3A_53 : memref<1x1x128xi32, #tpu.memory_space<hbm>> -> memref<128xi32, #tpu.memory_space<hbm>>
      tpu.enqueue_dma source(%dma_start3A_54 : memref<128xi32, #tpu.memory_space<hbm>>) target(%arg6 : memref<128xi32, #tpu.memory_space<vmem>>) target_semaphore(%run_scoped3A_48 : memref<!tpu.dma_semaphore, #tpu.memory_space<semaphore_mem>>)
      %dma_wait3A = arith.constant 0 : i32
      %dma_wait3A_55 = tpu.memref_slice %arg3[%run_scoped3A_19, %min3A_18, %dma_wait3A] : memref<2x2560x128xi32, #tpu.memory_space<hbm>> -> memref<1x1x128xi32, #tpu.memory_space<hbm>>
      %dma_wait3A_56 = tpu.memref_squeeze %dma_wait3A_55 : memref<1x1x128xi32, #tpu.memory_space<hbm>> -> memref<128xi32, #tpu.memory_space<hbm>>
      %dma_wait3A_57 = arith.constant 0 : i32
      %dma_wait3A_58 = tpu.memref_slice %arg3[%run_scoped3A_19, %min3A_18, %dma_wait3A_57] : memref<2x2560x128xi32, #tpu.memory_space<hbm>> -> memref<1x1x128xi32, #tpu.memory_space<hbm>>
      %dma_wait3A_59 = tpu.memref_squeeze %dma_wait3A_58 : memref<1x1x128xi32, #tpu.memory_space<hbm>> -> memref<128xi32, #tpu.memory_space<hbm>>
      tpu.wait_dma2 semaphore(%run_scoped3A_48 : memref<!tpu.dma_semaphore, #tpu.memory_space<semaphore_mem>>) src(%dma_wait3A_59 : memref<128xi32, #tpu.memory_space<hbm>>) dst(%arg6 : memref<128xi32, #tpu.memory_space<vmem>>)
      tpu.yield
    }) : () -> ()
    %dma_start3A = arith.constant 0 : i32
    %dma_start3A_20 = arith.constant 0 : i32
    %dma_start3A_21 = tpu.memref_slice %arg2[%dma_start3A, %dma_start3A_20] : memref<10112x128xf32, #tpu.memory_space<hbm>> -> memref<10112x128xf32, #tpu.memory_space<hbm>>
    tpu.enqueue_indirect_dma source(%dma_start3A_21 : memref<10112x128xf32, #tpu.memory_space<hbm>>) target(%arg9 : memref<128x128xf32, #tpu.memory_space<vmem>>) offsets(%arg5 : memref<128xi32, #tpu.memory_space<vmem>>) semaphore(%arg12 : memref<!tpu.dma_semaphore, #tpu.memory_space<semaphore_mem>>)
    %mul3A_22 = arith.constant 80 : i32
    %mul3A_23 = arith.muli %add3A, %mul3A_22 : i32
    %add3A_24 = arith.constant 1 : i32
    %add3A_25 = arith.addi %mul3A_23, %add3A_24 : i32
    %min3A_26 = arith.constant 2559 : i32
    %min3A_27 = arith.minsi %add3A_25, %min3A_26 : i32
    %run_scoped3A_28 = arith.constant 0 : i32
    "tpu.region"() ({
      %run_scoped3A_48 = tpu.sem_alloc : memref<!tpu.dma_semaphore, #tpu.memory_space<semaphore_mem>>
      %dma_start3A_49 = arith.constant 0 : i32
      %dma_start3A_50 = tpu.memref_slice %arg3[%run_scoped3A_28, %min3A_27, %dma_start3A_49] : memref<2x2560x128xi32, #tpu.memory_space<hbm>> -> memref<1x1x128xi32, #tpu.memory_space<hbm>>
      %dma_start3A_51 = tpu.memref_squeeze %dma_start3A_50 : memref<1x1x128xi32, #tpu.memory_space<hbm>> -> memref<128xi32, #tpu.memory_space<hbm>>
      %dma_start3A_52 = arith.constant 0 : i32
      %dma_start3A_53 = tpu.memref_slice %arg3[%run_scoped3A_28, %min3A_27, %dma_start3A_52] : memref<2x2560x128xi32, #tpu.memory_space<hbm>> -> memref<1x1x128xi32, #tpu.memory_space<hbm>>
      %dma_start3A_54 = tpu.memref_squeeze %dma_start3A_53 : memref<1x1x128xi32, #tpu.memory_space<hbm>> -> memref<128xi32, #tpu.memory_space<hbm>>
      tpu.enqueue_dma source(%dma_start3A_54 : memref<128xi32, #tpu.memory_space<hbm>>) target(%arg7 : memref<128xi32, #tpu.memory_space<vmem>>) target_semaphore(%run_scoped3A_48 : memref<!tpu.dma_semaphore, #tpu.memory_space<semaphore_mem>>)
      %dma_wait3A = arith.constant 0 : i32
      %dma_wait3A_55 = tpu.memref_slice %arg3[%run_scoped3A_28, %min3A_27, %dma_wait3A] : memref<2x2560x128xi32, #tpu.memory_space<hbm>> -> memref<1x1x128xi32, #tpu.memory_space<hbm>>
      %dma_wait3A_56 = tpu.memref_squeeze %dma_wait3A_55 : memref<1x1x128xi32, #tpu.memory_space<hbm>> -> memref<128xi32, #tpu.memory_space<hbm>>
      %dma_wait3A_57 = arith.constant 0 : i32
      %dma_wait3A_58 = tpu.memref_slice %arg3[%run_scoped3A_28, %min3A_27, %dma_wait3A_57] : memref<2x2560x128xi32, #tpu.memory_space<hbm>> -> memref<1x1x128xi32, #tpu.memory_space<hbm>>
      %dma_wait3A_59 = tpu.memref_squeeze %dma_wait3A_58 : memref<1x1x128xi32, #tpu.memory_space<hbm>> -> memref<128xi32, #tpu.memory_space<hbm>>
      tpu.wait_dma2 semaphore(%run_scoped3A_48 : memref<!tpu.dma_semaphore, #tpu.memory_space<semaphore_mem>>) src(%dma_wait3A_59 : memref<128xi32, #tpu.memory_space<hbm>>) dst(%arg7 : memref<128xi32, #tpu.memory_space<vmem>>)
      tpu.yield
    }) : () -> ()
    %run_scoped3A_29 = arith.constant 1 : i32
    "tpu.region"() ({
      %run_scoped3A_48 = tpu.sem_alloc : memref<!tpu.dma_semaphore, #tpu.memory_space<semaphore_mem>>
      %dma_start3A_49 = arith.constant 0 : i32
      %dma_start3A_50 = tpu.memref_slice %arg3[%run_scoped3A_29, %min3A_27, %dma_start3A_49] : memref<2x2560x128xi32, #tpu.memory_space<hbm>> -> memref<1x1x128xi32, #tpu.memory_space<hbm>>
      %dma_start3A_51 = tpu.memref_squeeze %dma_start3A_50 : memref<1x1x128xi32, #tpu.memory_space<hbm>> -> memref<128xi32, #tpu.memory_space<hbm>>
      %dma_start3A_52 = arith.constant 0 : i32
      %dma_start3A_53 = tpu.memref_slice %arg3[%run_scoped3A_29, %min3A_27, %dma_start3A_52] : memref<2x2560x128xi32, #tpu.memory_space<hbm>> -> memref<1x1x128xi32, #tpu.memory_space<hbm>>
      %dma_start3A_54 = tpu.memref_squeeze %dma_start3A_53 : memref<1x1x128xi32, #tpu.memory_space<hbm>> -> memref<128xi32, #tpu.memory_space<hbm>>
      tpu.enqueue_dma source(%dma_start3A_54 : memref<128xi32, #tpu.memory_space<hbm>>) target(%arg8 : memref<128xi32, #tpu.memory_space<vmem>>) target_semaphore(%run_scoped3A_48 : memref<!tpu.dma_semaphore, #tpu.memory_space<semaphore_mem>>)
      %dma_wait3A = arith.constant 0 : i32
      %dma_wait3A_55 = tpu.memref_slice %arg3[%run_scoped3A_29, %min3A_27, %dma_wait3A] : memref<2x2560x128xi32, #tpu.memory_space<hbm>> -> memref<1x1x128xi32, #tpu.memory_space<hbm>>
      %dma_wait3A_56 = tpu.memref_squeeze %dma_wait3A_55 : memref<1x1x128xi32, #tpu.memory_space<hbm>> -> memref<128xi32, #tpu.memory_space<hbm>>
      %dma_wait3A_57 = arith.constant 0 : i32
      %dma_wait3A_58 = tpu.memref_slice %arg3[%run_scoped3A_29, %min3A_27, %dma_wait3A_57] : memref<2x2560x128xi32, #tpu.memory_space<hbm>> -> memref<1x1x128xi32, #tpu.memory_space<hbm>>
      %dma_wait3A_59 = tpu.memref_squeeze %dma_wait3A_58 : memref<1x1x128xi32, #tpu.memory_space<hbm>> -> memref<128xi32, #tpu.memory_space<hbm>>
      tpu.wait_dma2 semaphore(%run_scoped3A_48 : memref<!tpu.dma_semaphore, #tpu.memory_space<semaphore_mem>>) src(%dma_wait3A_59 : memref<128xi32, #tpu.memory_space<hbm>>) dst(%arg8 : memref<128xi32, #tpu.memory_space<vmem>>)
      tpu.yield
    }) : () -> ()
    %dma_start3A_30 = arith.constant 0 : i32
    %dma_start3A_31 = arith.constant 0 : i32
    %dma_start3A_32 = tpu.memref_slice %arg2[%dma_start3A_30, %dma_start3A_31] : memref<10112x128xf32, #tpu.memory_space<hbm>> -> memref<10112x128xf32, #tpu.memory_space<hbm>>
    tpu.enqueue_indirect_dma source(%dma_start3A_32 : memref<10112x128xf32, #tpu.memory_space<hbm>>) target(%arg10 : memref<128x128xf32, #tpu.memory_space<vmem>>) offsets(%arg7 : memref<128xi32, #tpu.memory_space<vmem>>) semaphore(%arg13 : memref<!tpu.dma_semaphore, #tpu.memory_space<semaphore_mem>>)
    %scan3A_33 = arith.constant 0 : i32
    %scan3A_34 = arith.constant 40 : i32
    %scan3A_35 = arith.addi %scan3A_33, %scan3A_34 : i32
    %scan3A_36 = arith.constant 1 : i32
    scf.for %scan3A_48 = %scan3A_33 to %scan3A_35 step %scan3A_36  : i32 {
      %mul3A_49 = arith.constant 1 : i32
      %mul3A_50 = arith.muli %scan3A_48, %mul3A_49 : i32
      %add3A_51 = arith.constant 0 : i32
      %add3A_52 = arith.addi %add3A_51, %mul3A_50 : i32
      %mul3A_53 = arith.constant 2 : i32
      %mul3A_54 = arith.muli %add3A_52, %mul3A_53 : i32
      %dma_wait3A = arith.constant 0 : i32
      %dma_wait3A_55 = arith.constant 0 : i32
      %dma_wait3A_56 = tpu.memref_slice %arg2[%dma_wait3A, %dma_wait3A_55] : memref<10112x128xf32, #tpu.memory_space<hbm>> -> memref<10112x128xf32, #tpu.memory_space<hbm>>
      tpu.wait_indirect_dma semaphore(%arg12 : memref<!tpu.dma_semaphore, #tpu.memory_space<semaphore_mem>>) src(%dma_wait3A_56 : memref<10112x128xf32, #tpu.memory_space<hbm>>) dst(%arg9 : memref<128x128xf32, #tpu.memory_space<vmem>>)
      "tpu.region"() ({
        %run_scoped3A_89 = tpu.sem_alloc : memref<!tpu.dma_semaphore, #tpu.memory_space<semaphore_mem>>
        %dma_start3A_90 = arith.constant 0 : i32
        %dma_start3A_91 = arith.constant 0 : i32
        %dma_start3A_92 = tpu.memref_slice %arg11[%dma_start3A_90, %dma_start3A_91] : memref<10112x128xf32, #tpu.memory_space<vmem_shared>> -> memref<10112x128xf32, #tpu.memory_space<vmem_shared>>
        tpu.enqueue_indirect_dma source(%arg9 : memref<128x128xf32, #tpu.memory_space<vmem>>) target(%dma_start3A_92 : memref<10112x128xf32, #tpu.memory_space<vmem_shared>>) offsets(%arg6 : memref<128xi32, #tpu.memory_space<vmem>>) semaphore(%run_scoped3A_89 : memref<!tpu.dma_semaphore, #tpu.memory_space<semaphore_mem>>) {add = true}
        %dma_wait3A_93 = arith.constant 0 : i32
        %dma_wait3A_94 = arith.constant 0 : i32
        %dma_wait3A_95 = tpu.memref_slice %arg11[%dma_wait3A_93, %dma_wait3A_94] : memref<10112x128xf32, #tpu.memory_space<vmem_shared>> -> memref<10112x128xf32, #tpu.memory_space<vmem_shared>>
        tpu.wait_indirect_dma semaphore(%run_scoped3A_89 : memref<!tpu.dma_semaphore, #tpu.memory_space<semaphore_mem>>) src(%arg9 : memref<128x128xf32, #tpu.memory_space<vmem>>) dst(%dma_wait3A_95 : memref<10112x128xf32, #tpu.memory_space<vmem_shared>>)
        tpu.yield
      }) : () -> ()
      %add3A_57 = arith.constant 2 : i32
      %add3A_58 = arith.addi %mul3A_54, %add3A_57 : i32
      %mul3A_59 = arith.constant 80 : i32
      %mul3A_60 = arith.muli %add3A, %mul3A_59 : i32
      %add3A_61 = arith.addi %mul3A_60, %add3A_58 : i32
      %min3A_62 = arith.constant 2559 : i32
      %min3A_63 = arith.minsi %add3A_61, %min3A_62 : i32
      %run_scoped3A_64 = arith.constant 0 : i32
      "tpu.region"() ({
        %run_scoped3A_89 = tpu.sem_alloc : memref<!tpu.dma_semaphore, #tpu.memory_space<semaphore_mem>>
        %dma_start3A_90 = arith.constant 0 : i32
        %dma_start3A_91 = tpu.memref_slice %arg3[%run_scoped3A_64, %min3A_63, %dma_start3A_90] : memref<2x2560x128xi32, #tpu.memory_space<hbm>> -> memref<1x1x128xi32, #tpu.memory_space<hbm>>
        %dma_start3A_92 = tpu.memref_squeeze %dma_start3A_91 : memref<1x1x128xi32, #tpu.memory_space<hbm>> -> memref<128xi32, #tpu.memory_space<hbm>>
        %dma_start3A_93 = arith.constant 0 : i32
        %dma_start3A_94 = tpu.memref_slice %arg3[%run_scoped3A_64, %min3A_63, %dma_start3A_93] : memref<2x2560x128xi32, #tpu.memory_space<hbm>> -> memref<1x1x128xi32, #tpu.memory_space<hbm>>
        %dma_start3A_95 = tpu.memref_squeeze %dma_start3A_94 : memref<1x1x128xi32, #tpu.memory_space<hbm>> -> memref<128xi32, #tpu.memory_space<hbm>>
        tpu.enqueue_dma source(%dma_start3A_95 : memref<128xi32, #tpu.memory_space<hbm>>) target(%arg5 : memref<128xi32, #tpu.memory_space<vmem>>) target_semaphore(%run_scoped3A_89 : memref<!tpu.dma_semaphore, #tpu.memory_space<semaphore_mem>>)
        %dma_wait3A_96 = arith.constant 0 : i32
        %dma_wait3A_97 = tpu.memref_slice %arg3[%run_scoped3A_64, %min3A_63, %dma_wait3A_96] : memref<2x2560x128xi32, #tpu.memory_space<hbm>> -> memref<1x1x128xi32, #tpu.memory_space<hbm>>
        %dma_wait3A_98 = tpu.memref_squeeze %dma_wait3A_97 : memref<1x1x128xi32, #tpu.memory_space<hbm>> -> memref<128xi32, #tpu.memory_space<hbm>>
        %dma_wait3A_99 = arith.constant 0 : i32
        %dma_wait3A_100 = tpu.memref_slice %arg3[%run_scoped3A_64, %min3A_63, %dma_wait3A_99] : memref<2x2560x128xi32, #tpu.memory_space<hbm>> -> memref<1x1x128xi32, #tpu.memory_space<hbm>>
        %dma_wait3A_101 = tpu.memref_squeeze %dma_wait3A_100 : memref<1x1x128xi32, #tpu.memory_space<hbm>> -> memref<128xi32, #tpu.memory_space<hbm>>
        tpu.wait_dma2 semaphore(%run_scoped3A_89 : memref<!tpu.dma_semaphore, #tpu.memory_space<semaphore_mem>>) src(%dma_wait3A_101 : memref<128xi32, #tpu.memory_space<hbm>>) dst(%arg5 : memref<128xi32, #tpu.memory_space<vmem>>)
        tpu.yield
      }) : () -> ()
      %run_scoped3A_65 = arith.constant 1 : i32
      "tpu.region"() ({
        %run_scoped3A_89 = tpu.sem_alloc : memref<!tpu.dma_semaphore, #tpu.memory_space<semaphore_mem>>
        %dma_start3A_90 = arith.constant 0 : i32
        %dma_start3A_91 = tpu.memref_slice %arg3[%run_scoped3A_65, %min3A_63, %dma_start3A_90] : memref<2x2560x128xi32, #tpu.memory_space<hbm>> -> memref<1x1x128xi32, #tpu.memory_space<hbm>>
        %dma_start3A_92 = tpu.memref_squeeze %dma_start3A_91 : memref<1x1x128xi32, #tpu.memory_space<hbm>> -> memref<128xi32, #tpu.memory_space<hbm>>
        %dma_start3A_93 = arith.constant 0 : i32
        %dma_start3A_94 = tpu.memref_slice %arg3[%run_scoped3A_65, %min3A_63, %dma_start3A_93] : memref<2x2560x128xi32, #tpu.memory_space<hbm>> -> memref<1x1x128xi32, #tpu.memory_space<hbm>>
        %dma_start3A_95 = tpu.memref_squeeze %dma_start3A_94 : memref<1x1x128xi32, #tpu.memory_space<hbm>> -> memref<128xi32, #tpu.memory_space<hbm>>
        tpu.enqueue_dma source(%dma_start3A_95 : memref<128xi32, #tpu.memory_space<hbm>>) target(%arg6 : memref<128xi32, #tpu.memory_space<vmem>>) target_semaphore(%run_scoped3A_89 : memref<!tpu.dma_semaphore, #tpu.memory_space<semaphore_mem>>)
        %dma_wait3A_96 = arith.constant 0 : i32
        %dma_wait3A_97 = tpu.memref_slice %arg3[%run_scoped3A_65, %min3A_63, %dma_wait3A_96] : memref<2x2560x128xi32, #tpu.memory_space<hbm>> -> memref<1x1x128xi32, #tpu.memory_space<hbm>>
        %dma_wait3A_98 = tpu.memref_squeeze %dma_wait3A_97 : memref<1x1x128xi32, #tpu.memory_space<hbm>> -> memref<128xi32, #tpu.memory_space<hbm>>
        %dma_wait3A_99 = arith.constant 0 : i32
        %dma_wait3A_100 = tpu.memref_slice %arg3[%run_scoped3A_65, %min3A_63, %dma_wait3A_99] : memref<2x2560x128xi32, #tpu.memory_space<hbm>> -> memref<1x1x128xi32, #tpu.memory_space<hbm>>
        %dma_wait3A_101 = tpu.memref_squeeze %dma_wait3A_100 : memref<1x1x128xi32, #tpu.memory_space<hbm>> -> memref<128xi32, #tpu.memory_space<hbm>>
        tpu.wait_dma2 semaphore(%run_scoped3A_89 : memref<!tpu.dma_semaphore, #tpu.memory_space<semaphore_mem>>) src(%dma_wait3A_101 : memref<128xi32, #tpu.memory_space<hbm>>) dst(%arg6 : memref<128xi32, #tpu.memory_space<vmem>>)
        tpu.yield
      }) : () -> ()
      %add3A_66 = arith.constant 2 : i32
      %add3A_67 = arith.addi %mul3A_54, %add3A_66 : i32
      %lt3A = arith.constant 80 : i32
      %lt3A_68 = arith.cmpi slt, %add3A_67, %lt3A : i32
      %convert_element_type3A = arith.extui %lt3A_68 : i1 to i32
      %cond3A = arith.constant 0 : i32
      %cond3A_69 = arith.cmpi ne, %convert_element_type3A, %cond3A : i32
      scf.if %cond3A_69 {
        %dma_start3A_89 = arith.constant 0 : i32
        %dma_start3A_90 = arith.constant 0 : i32
        %dma_start3A_91 = tpu.memref_slice %arg2[%dma_start3A_89, %dma_start3A_90] : memref<10112x128xf32, #tpu.memory_space<hbm>> -> memref<10112x128xf32, #tpu.memory_space<hbm>>
        tpu.enqueue_indirect_dma source(%dma_start3A_91 : memref<10112x128xf32, #tpu.memory_space<hbm>>) target(%arg9 : memref<128x128xf32, #tpu.memory_space<vmem>>) offsets(%arg5 : memref<128xi32, #tpu.memory_space<vmem>>) semaphore(%arg12 : memref<!tpu.dma_semaphore, #tpu.memory_space<semaphore_mem>>)
      } else {
      }
      %dma_wait3A_70 = arith.constant 0 : i32
      %dma_wait3A_71 = arith.constant 0 : i32
      %dma_wait3A_72 = tpu.memref_slice %arg2[%dma_wait3A_70, %dma_wait3A_71] : memref<10112x128xf32, #tpu.memory_space<hbm>> -> memref<10112x128xf32, #tpu.memory_space<hbm>>
      tpu.wait_indirect_dma semaphore(%arg13 : memref<!tpu.dma_semaphore, #tpu.memory_space<semaphore_mem>>) src(%dma_wait3A_72 : memref<10112x128xf32, #tpu.memory_space<hbm>>) dst(%arg10 : memref<128x128xf32, #tpu.memory_space<vmem>>)
      "tpu.region"() ({
        %run_scoped3A_89 = tpu.sem_alloc : memref<!tpu.dma_semaphore, #tpu.memory_space<semaphore_mem>>
        %dma_start3A_90 = arith.constant 0 : i32
        %dma_start3A_91 = arith.constant 0 : i32
        %dma_start3A_92 = tpu.memref_slice %arg11[%dma_start3A_90, %dma_start3A_91] : memref<10112x128xf32, #tpu.memory_space<vmem_shared>> -> memref<10112x128xf32, #tpu.memory_space<vmem_shared>>
        tpu.enqueue_indirect_dma source(%arg10 : memref<128x128xf32, #tpu.memory_space<vmem>>) target(%dma_start3A_92 : memref<10112x128xf32, #tpu.memory_space<vmem_shared>>) offsets(%arg8 : memref<128xi32, #tpu.memory_space<vmem>>) semaphore(%run_scoped3A_89 : memref<!tpu.dma_semaphore, #tpu.memory_space<semaphore_mem>>) {add = true}
        %dma_wait3A_93 = arith.constant 0 : i32
        %dma_wait3A_94 = arith.constant 0 : i32
        %dma_wait3A_95 = tpu.memref_slice %arg11[%dma_wait3A_93, %dma_wait3A_94] : memref<10112x128xf32, #tpu.memory_space<vmem_shared>> -> memref<10112x128xf32, #tpu.memory_space<vmem_shared>>
        tpu.wait_indirect_dma semaphore(%run_scoped3A_89 : memref<!tpu.dma_semaphore, #tpu.memory_space<semaphore_mem>>) src(%arg10 : memref<128x128xf32, #tpu.memory_space<vmem>>) dst(%dma_wait3A_95 : memref<10112x128xf32, #tpu.memory_space<vmem_shared>>)
        tpu.yield
      }) : () -> ()
      %add3A_73 = arith.constant 3 : i32
      %add3A_74 = arith.addi %mul3A_54, %add3A_73 : i32
      %mul3A_75 = arith.constant 80 : i32
      %mul3A_76 = arith.muli %add3A, %mul3A_75 : i32
      %add3A_77 = arith.addi %mul3A_76, %add3A_74 : i32
      %min3A_78 = arith.constant 2559 : i32
      %min3A_79 = arith.minsi %add3A_77, %min3A_78 : i32
      %run_scoped3A_80 = arith.constant 0 : i32
      "tpu.region"() ({
        %run_scoped3A_89 = tpu.sem_alloc : memref<!tpu.dma_semaphore, #tpu.memory_space<semaphore_mem>>
        %dma_start3A_90 = arith.constant 0 : i32
        %dma_start3A_91 = tpu.memref_slice %arg3[%run_scoped3A_80, %min3A_79, %dma_start3A_90] : memref<2x2560x128xi32, #tpu.memory_space<hbm>> -> memref<1x1x128xi32, #tpu.memory_space<hbm>>
        %dma_start3A_92 = tpu.memref_squeeze %dma_start3A_91 : memref<1x1x128xi32, #tpu.memory_space<hbm>> -> memref<128xi32, #tpu.memory_space<hbm>>
        %dma_start3A_93 = arith.constant 0 : i32
        %dma_start3A_94 = tpu.memref_slice %arg3[%run_scoped3A_80, %min3A_79, %dma_start3A_93] : memref<2x2560x128xi32, #tpu.memory_space<hbm>> -> memref<1x1x128xi32, #tpu.memory_space<hbm>>
        %dma_start3A_95 = tpu.memref_squeeze %dma_start3A_94 : memref<1x1x128xi32, #tpu.memory_space<hbm>> -> memref<128xi32, #tpu.memory_space<hbm>>
        tpu.enqueue_dma source(%dma_start3A_95 : memref<128xi32, #tpu.memory_space<hbm>>) target(%arg7 : memref<128xi32, #tpu.memory_space<vmem>>) target_semaphore(%run_scoped3A_89 : memref<!tpu.dma_semaphore, #tpu.memory_space<semaphore_mem>>)
        %dma_wait3A_96 = arith.constant 0 : i32
        %dma_wait3A_97 = tpu.memref_slice %arg3[%run_scoped3A_80, %min3A_79, %dma_wait3A_96] : memref<2x2560x128xi32, #tpu.memory_space<hbm>> -> memref<1x1x128xi32, #tpu.memory_space<hbm>>
        %dma_wait3A_98 = tpu.memref_squeeze %dma_wait3A_97 : memref<1x1x128xi32, #tpu.memory_space<hbm>> -> memref<128xi32, #tpu.memory_space<hbm>>
        %dma_wait3A_99 = arith.constant 0 : i32
        %dma_wait3A_100 = tpu.memref_slice %arg3[%run_scoped3A_80, %min3A_79, %dma_wait3A_99] : memref<2x2560x128xi32, #tpu.memory_space<hbm>> -> memref<1x1x128xi32, #tpu.memory_space<hbm>>
        %dma_wait3A_101 = tpu.memref_squeeze %dma_wait3A_100 : memref<1x1x128xi32, #tpu.memory_space<hbm>> -> memref<128xi32, #tpu.memory_space<hbm>>
        tpu.wait_dma2 semaphore(%run_scoped3A_89 : memref<!tpu.dma_semaphore, #tpu.memory_space<semaphore_mem>>) src(%dma_wait3A_101 : memref<128xi32, #tpu.memory_space<hbm>>) dst(%arg7 : memref<128xi32, #tpu.memory_space<vmem>>)
        tpu.yield
      }) : () -> ()
      %run_scoped3A_81 = arith.constant 1 : i32
      "tpu.region"() ({
        %run_scoped3A_89 = tpu.sem_alloc : memref<!tpu.dma_semaphore, #tpu.memory_space<semaphore_mem>>
        %dma_start3A_90 = arith.constant 0 : i32
        %dma_start3A_91 = tpu.memref_slice %arg3[%run_scoped3A_81, %min3A_79, %dma_start3A_90] : memref<2x2560x128xi32, #tpu.memory_space<hbm>> -> memref<1x1x128xi32, #tpu.memory_space<hbm>>
        %dma_start3A_92 = tpu.memref_squeeze %dma_start3A_91 : memref<1x1x128xi32, #tpu.memory_space<hbm>> -> memref<128xi32, #tpu.memory_space<hbm>>
        %dma_start3A_93 = arith.constant 0 : i32
        %dma_start3A_94 = tpu.memref_slice %arg3[%run_scoped3A_81, %min3A_79, %dma_start3A_93] : memref<2x2560x128xi32, #tpu.memory_space<hbm>> -> memref<1x1x128xi32, #tpu.memory_space<hbm>>
        %dma_start3A_95 = tpu.memref_squeeze %dma_start3A_94 : memref<1x1x128xi32, #tpu.memory_space<hbm>> -> memref<128xi32, #tpu.memory_space<hbm>>
        tpu.enqueue_dma source(%dma_start3A_95 : memref<128xi32, #tpu.memory_space<hbm>>) target(%arg8 : memref<128xi32, #tpu.memory_space<vmem>>) target_semaphore(%run_scoped3A_89 : memref<!tpu.dma_semaphore, #tpu.memory_space<semaphore_mem>>)
        %dma_wait3A_96 = arith.constant 0 : i32
        %dma_wait3A_97 = tpu.memref_slice %arg3[%run_scoped3A_81, %min3A_79, %dma_wait3A_96] : memref<2x2560x128xi32, #tpu.memory_space<hbm>> -> memref<1x1x128xi32, #tpu.memory_space<hbm>>
        %dma_wait3A_98 = tpu.memref_squeeze %dma_wait3A_97 : memref<1x1x128xi32, #tpu.memory_space<hbm>> -> memref<128xi32, #tpu.memory_space<hbm>>
        %dma_wait3A_99 = arith.constant 0 : i32
        %dma_wait3A_100 = tpu.memref_slice %arg3[%run_scoped3A_81, %min3A_79, %dma_wait3A_99] : memref<2x2560x128xi32, #tpu.memory_space<hbm>> -> memref<1x1x128xi32, #tpu.memory_space<hbm>>
        %dma_wait3A_101 = tpu.memref_squeeze %dma_wait3A_100 : memref<1x1x128xi32, #tpu.memory_space<hbm>> -> memref<128xi32, #tpu.memory_space<hbm>>
        tpu.wait_dma2 semaphore(%run_scoped3A_89 : memref<!tpu.dma_semaphore, #tpu.memory_space<semaphore_mem>>) src(%dma_wait3A_101 : memref<128xi32, #tpu.memory_space<hbm>>) dst(%arg8 : memref<128xi32, #tpu.memory_space<vmem>>)
        tpu.yield
      }) : () -> ()
      %add3A_82 = arith.constant 3 : i32
      %add3A_83 = arith.addi %mul3A_54, %add3A_82 : i32
      %lt3A_84 = arith.constant 80 : i32
      %lt3A_85 = arith.cmpi slt, %add3A_83, %lt3A_84 : i32
      %convert_element_type3A_86 = arith.extui %lt3A_85 : i1 to i32
      %cond3A_87 = arith.constant 0 : i32
      %cond3A_88 = arith.cmpi ne, %convert_element_type3A_86, %cond3A_87 : i32
      scf.if %cond3A_88 {
        %dma_start3A_89 = arith.constant 0 : i32
        %dma_start3A_90 = arith.constant 0 : i32
        %dma_start3A_91 = tpu.memref_slice %arg2[%dma_start3A_89, %dma_start3A_90] : memref<10112x128xf32, #tpu.memory_space<hbm>> -> memref<10112x128xf32, #tpu.memory_space<hbm>>
        tpu.enqueue_indirect_dma source(%dma_start3A_91 : memref<10112x128xf32, #tpu.memory_space<hbm>>) target(%arg10 : memref<128x128xf32, #tpu.memory_space<vmem>>) offsets(%arg7 : memref<128xi32, #tpu.memory_space<vmem>>) semaphore(%arg13 : memref<!tpu.dma_semaphore, #tpu.memory_space<semaphore_mem>>)
      } else {
      }
    }
    %scan3A_37 = arith.constant 40 : i32
    %barrier3A_38 = arith.constant 0 : index
    tpu.barrier barrier_id(%barrier3A_38)
    %scan3A_39 = arith.constant 0 : i32
    %scan3A_40 = arith.constant 4 : i32
    %scan3A_41 = arith.addi %scan3A_39, %scan3A_40 : i32
    %scan3A_42 = arith.constant 1 : i32
    scf.for %scan3A_48 = %scan3A_39 to %scan3A_41 step %scan3A_42  : i32 {
      %mul3A_49 = arith.constant 1 : i32
      %mul3A_50 = arith.muli %scan3A_48, %mul3A_49 : i32
      %add3A_51 = arith.constant 0 : i32
      %add3A_52 = arith.addi %add3A_51, %mul3A_50 : i32
      %mul3A_53 = arith.constant 128 : i32
      %mul3A_54 = arith.muli %add3A_52, %mul3A_53 : i32
      %add3A_55 = arith.addi %mul3A_6, %mul3A_54 : i32
      %mul3A_56 = arith.constant 128 : i32
      %mul3A_57 = arith.muli %add3A_52, %mul3A_56 : i32
      %add3A_58 = arith.addi %mul3A_6, %mul3A_57 : i32
      "tpu.region"() ({
        %run_scoped3A_59 = tpu.sem_alloc : memref<!tpu.dma_semaphore, #tpu.memory_space<semaphore_mem>>
        %dma_start3A_60 = arith.constant 0 : i32
        %dma_start3A_61 = tpu.memref_slice %arg4[%arg0, %add3A_58, %dma_start3A_60] : memref<2x10112x128xf32, #tpu.memory_space<hbm>> -> memref<1x128x128xf32, #tpu.memory_space<hbm>>
        %dma_start3A_62 = tpu.memref_squeeze %dma_start3A_61 : memref<1x128x128xf32, #tpu.memory_space<hbm>> -> memref<128x128xf32, #tpu.memory_space<hbm>>
        %dma_start3A_63 = arith.constant 0 : i32
        %dma_start3A_64 = tpu.memref_slice %arg11[%add3A_55, %dma_start3A_63] : memref<10112x128xf32, #tpu.memory_space<vmem_shared>> -> memref<128x128xf32, #tpu.memory_space<vmem_shared>>
        tpu.enqueue_dma source(%dma_start3A_64 : memref<128x128xf32, #tpu.memory_space<vmem_shared>>) target(%dma_start3A_62 : memref<128x128xf32, #tpu.memory_space<hbm>>) target_semaphore(%run_scoped3A_59 : memref<!tpu.dma_semaphore, #tpu.memory_space<semaphore_mem>>)
        %dma_wait3A = arith.constant 0 : i32
        %dma_wait3A_65 = tpu.memref_slice %arg4[%arg0, %add3A_58, %dma_wait3A] : memref<2x10112x128xf32, #tpu.memory_space<hbm>> -> memref<1x128x128xf32, #tpu.memory_space<hbm>>
        %dma_wait3A_66 = tpu.memref_squeeze %dma_wait3A_65 : memref<1x128x128xf32, #tpu.memory_space<hbm>> -> memref<128x128xf32, #tpu.memory_space<hbm>>
        %dma_wait3A_67 = arith.constant 0 : i32
        %dma_wait3A_68 = tpu.memref_slice %arg11[%add3A_55, %dma_wait3A_67] : memref<10112x128xf32, #tpu.memory_space<vmem_shared>> -> memref<128x128xf32, #tpu.memory_space<vmem_shared>>
        tpu.wait_dma2 semaphore(%run_scoped3A_59 : memref<!tpu.dma_semaphore, #tpu.memory_space<semaphore_mem>>) src(%dma_wait3A_68 : memref<128x128xf32, #tpu.memory_space<vmem_shared>>) dst(%dma_wait3A_66 : memref<128x128xf32, #tpu.memory_space<hbm>>)
        tpu.yield
      }) : () -> ()
    }
    %scan3A_43 = arith.constant 4 : i32
    %add3A_44 = arith.constant 512 : i32
    %add3A_45 = arith.addi %mul3A_6, %add3A_44 : i32
    %add3A_46 = arith.constant 512 : i32
    %add3A_47 = arith.addi %mul3A_6, %add3A_46 : i32
    "tpu.region"() ({
      %run_scoped3A_48 = tpu.sem_alloc : memref<!tpu.dma_semaphore, #tpu.memory_space<semaphore_mem>>
      %dma_start3A_49 = arith.constant 0 : i32
      %dma_start3A_50 = tpu.memref_slice %arg4[%arg0, %add3A_47, %dma_start3A_49] : memref<2x10112x128xf32, #tpu.memory_space<hbm>> -> memref<1x120x128xf32, #tpu.memory_space<hbm>>
      %dma_start3A_51 = tpu.memref_squeeze %dma_start3A_50 : memref<1x120x128xf32, #tpu.memory_space<hbm>> -> memref<120x128xf32, #tpu.memory_space<hbm>>
      %dma_start3A_52 = arith.constant 0 : i32
      %dma_start3A_53 = tpu.memref_slice %arg11[%add3A_45, %dma_start3A_52] : memref<10112x128xf32, #tpu.memory_space<vmem_shared>> -> memref<120x128xf32, #tpu.memory_space<vmem_shared>>
      tpu.enqueue_dma source(%dma_start3A_53 : memref<120x128xf32, #tpu.memory_space<vmem_shared>>) target(%dma_start3A_51 : memref<120x128xf32, #tpu.memory_space<hbm>>) target_semaphore(%run_scoped3A_48 : memref<!tpu.dma_semaphore, #tpu.memory_space<semaphore_mem>>)
      %dma_wait3A = arith.constant 0 : i32
      %dma_wait3A_54 = tpu.memref_slice %arg4[%arg0, %add3A_47, %dma_wait3A] : memref<2x10112x128xf32, #tpu.memory_space<hbm>> -> memref<1x120x128xf32, #tpu.memory_space<hbm>>
      %dma_wait3A_55 = tpu.memref_squeeze %dma_wait3A_54 : memref<1x120x128xf32, #tpu.memory_space<hbm>> -> memref<120x128xf32, #tpu.memory_space<hbm>>
      %dma_wait3A_56 = arith.constant 0 : i32
      %dma_wait3A_57 = tpu.memref_slice %arg11[%add3A_45, %dma_wait3A_56] : memref<10112x128xf32, #tpu.memory_space<vmem_shared>> -> memref<120x128xf32, #tpu.memory_space<vmem_shared>>
      tpu.wait_dma2 semaphore(%run_scoped3A_48 : memref<!tpu.dma_semaphore, #tpu.memory_space<semaphore_mem>>) src(%dma_wait3A_57 : memref<120x128xf32, #tpu.memory_space<vmem_shared>>) dst(%dma_wait3A_55 : memref<120x128xf32, #tpu.memory_space<hbm>>)
      tpu.yield
    }) : () -> ()
    return
  }
}

#map = affine_map<(d0, d1) -> (0, 0)>
#map1 = affine_map<(d0, d1) -> (0, 0, 0)>
module attributes {stable_mosaic.version = 14 : i64} {
  func.func @_sc_propagate_body(%arg0: i32, %arg1: i32, %arg2: memref<10112x128xf32, #tpu.memory_space<hbm>>, %arg3: memref<2x2560x128xi32, #tpu.memory_space<hbm>>, %arg4: memref<2x10112x128xf32, #tpu.memory_space<hbm>>, %arg5: memref<128xi32, #tpu.memory_space<vmem>>, %arg6: memref<128xi32, #tpu.memory_space<vmem>>, %arg7: memref<128xi32, #tpu.memory_space<vmem>>, %arg8: memref<128xi32, #tpu.memory_space<vmem>>, %arg9: memref<128x128xf32, #tpu.memory_space<vmem>>, %arg10: memref<128x128xf32, #tpu.memory_space<vmem>>, %arg11: memref<10112x128xf32, #tpu.memory_space<vmem_shared>>, %arg12: memref<!tpu.dma_semaphore, #tpu.memory_space<semaphore_mem>>, %arg13: memref<!tpu.dma_semaphore, #tpu.memory_space<semaphore_mem>>) attributes {dimension_semantics = [#tpu.dimension_semantics<core_parallel>, #tpu.dimension_semantics<subcore_parallel>], iteration_bounds = array<i64: 2, 16>, scalar_prefetch = 0 : i64, scratch_operands = 9 : i64, tpu.core_type = #tpu.core_type<sc_vector_subcore>, window_params = [{transform_indices = #map}, {transform_indices = #map1}, {transform_indices = #map1}]} {
    %mul3A = arith.constant 16 : i32
    %mul3A_0 = arith.muli %arg0, %mul3A : i32
    %add3A = arith.addi %mul3A_0, %arg1 : i32
    %scan3A = arith.constant 0 : i32
    %scan3A_1 = arith.constant 128 : i32
    %scan3A_2 = arith.addi %scan3A, %scan3A_1 : i32
    %scan3A_3 = arith.constant 1 : i32
    scf.for %scan3A_48 = %scan3A to %scan3A_2 step %scan3A_3  : i32 {
      %mul3A_49 = arith.constant 1 : i32
      %mul3A_50 = arith.muli %scan3A_48, %mul3A_49 : i32
      %add3A_51 = arith.constant 0 : i32
      %add3A_52 = arith.addi %add3A_51, %mul3A_50 : i32
      %scan3A_53 = arith.constant 0 : i32
      %scan3A_54 = arith.constant 8 : i32
      %scan3A_55 = arith.addi %scan3A_53, %scan3A_54 : i32
      %scan3A_56 = arith.constant 1 : i32
      scf.for %scan3A_58 = %scan3A_53 to %scan3A_55 step %scan3A_56  : i32 {
        %mul3A_59 = arith.constant 1 : i32
        %mul3A_60 = arith.muli %scan3A_58, %mul3A_59 : i32
        %add3A_61 = arith.constant 0 : i32
        %add3A_62 = arith.addi %add3A_61, %mul3A_60 : i32
        %broadcast_in_dim3A = arith.constant 0.000000e+00 : f32
        %broadcast_in_dim3A_63 = vector.broadcast %broadcast_in_dim3A : f32 to vector<16xf32>
        %mul3A_64 = arith.constant 16 : i32
        %mul3A_65 = arith.muli %add3A_62, %mul3A_64 : i32
        %swap3A = arith.index_cast %add3A_52 : i32 to index
        %swap3A_66 = arith.index_cast %mul3A_65 : i32 to index
        %swap3A_67 = tpu.vector_load %arg9[%swap3A, %swap3A_66] {strides = array<i32>} : memref<128x128xf32, #tpu.memory_space<vmem>>, vector<1x16xf32>,
        %swap3A_68 = vector.shape_cast %swap3A_67 : vector<1x16xf32> to vector<16xf32>
        %swap3A_69 = vector.shape_cast %broadcast_in_dim3A_63 : vector<16xf32> to vector<1x16xf32>
        tpu.vector_store %arg9[%swap3A, %swap3A_66], %swap3A_69 {strides = array<i32>} : memref<128x128xf32, #tpu.memory_space<vmem>>, vector<1x16xf32>,
      }
      %scan3A_57 = arith.constant 8 : i32
    }
    %scan3A_4 = arith.constant 128 : i32
    %mul3A_5 = arith.constant 632 : i32
    %mul3A_6 = arith.muli %arg1, %mul3A_5 : i32
    %scan3A_7 = arith.constant 0 : i32
    %scan3A_8 = arith.constant 4 : i32
    %scan3A_9 = arith.addi %scan3A_7, %scan3A_8 : i32
    %scan3A_10 = arith.constant 1 : i32
    scf.for %scan3A_48 = %scan3A_7 to %scan3A_9 step %scan3A_10  : i32 {
      %mul3A_49 = arith.constant 1 : i32
      %mul3A_50 = arith.muli %scan3A_48, %mul3A_49 : i32
      %add3A_51 = arith.constant 0 : i32
      %add3A_52 = arith.addi %add3A_51, %mul3A_50 : i32
      %mul3A_53 = arith.constant 128 : i32
      %mul3A_54 = arith.muli %add3A_52, %mul3A_53 : i32
      %add3A_55 = arith.addi %mul3A_6, %mul3A_54 : i32
      "tpu.region"() ({
        %run_scoped3A_56 = tpu.sem_alloc : memref<!tpu.dma_semaphore, #tpu.memory_space<semaphore_mem>>
        %dma_start3A_57 = arith.constant 0 : i32
        %dma_start3A_58 = tpu.memref_slice %arg11[%add3A_55, %dma_start3A_57] : memref<10112x128xf32, #tpu.memory_space<vmem_shared>> -> memref<128x128xf32, #tpu.memory_space<vmem_shared>>
        %dma_start3A_59 = arith.constant 0 : i32
        %dma_start3A_60 = tpu.memref_slice %arg11[%add3A_55, %dma_start3A_59] : memref<10112x128xf32, #tpu.memory_space<vmem_shared>> -> memref<128x128xf32, #tpu.memory_space<vmem_shared>>
        tpu.enqueue_dma source(%arg9 : memref<128x128xf32, #tpu.memory_space<vmem>>) target(%dma_start3A_60 : memref<128x128xf32, #tpu.memory_space<vmem_shared>>) target_semaphore(%run_scoped3A_56 : memref<!tpu.dma_semaphore, #tpu.memory_space<semaphore_mem>>)
        %dma_wait3A = arith.constant 0 : i32
        %dma_wait3A_61 = tpu.memref_slice %arg11[%add3A_55, %dma_wait3A] : memref<10112x128xf32, #tpu.memory_space<vmem_shared>> -> memref<128x128xf32, #tpu.memory_space<vmem_shared>>
        %dma_wait3A_62 = arith.constant 0 : i32
        %dma_wait3A_63 = tpu.memref_slice %arg11[%add3A_55, %dma_wait3A_62] : memref<10112x128xf32, #tpu.memory_space<vmem_shared>> -> memref<128x128xf32, #tpu.memory_space<vmem_shared>>
        tpu.wait_dma2 semaphore(%run_scoped3A_56 : memref<!tpu.dma_semaphore, #tpu.memory_space<semaphore_mem>>) src(%arg9 : memref<128x128xf32, #tpu.memory_space<vmem>>) dst(%dma_wait3A_63 : memref<128x128xf32, #tpu.memory_space<vmem_shared>>)
        tpu.yield
      }) : () -> ()
    }
    %scan3A_11 = arith.constant 4 : i32
    %add3A_12 = arith.constant 512 : i32
    %add3A_13 = arith.addi %mul3A_6, %add3A_12 : i32
    "tpu.region"() ({
      %run_scoped3A_48 = tpu.sem_alloc : memref<!tpu.dma_semaphore, #tpu.memory_space<semaphore_mem>>
      %dma_start3A_49 = arith.constant 0 : i32
      %dma_start3A_50 = arith.constant 0 : i32
      %dma_start3A_51 = tpu.memref_slice %arg9[%dma_start3A_49, %dma_start3A_50] : memref<128x128xf32, #tpu.memory_space<vmem>> -> memref<120x128xf32, #tpu.memory_space<vmem>>
      %dma_start3A_52 = arith.constant 0 : i32
      %dma_start3A_53 = tpu.memref_slice %arg11[%add3A_13, %dma_start3A_52] : memref<10112x128xf32, #tpu.memory_space<vmem_shared>> -> memref<120x128xf32, #tpu.memory_space<vmem_shared>>
      %dma_start3A_54 = arith.constant 0 : i32
      %dma_start3A_55 = tpu.memref_slice %arg11[%add3A_13, %dma_start3A_54] : memref<10112x128xf32, #tpu.memory_space<vmem_shared>> -> memref<120x128xf32, #tpu.memory_space<vmem_shared>>
      %dma_start3A_56 = arith.constant 0 : i32
      %dma_start3A_57 = arith.constant 0 : i32
      %dma_start3A_58 = tpu.memref_slice %arg9[%dma_start3A_56, %dma_start3A_57] : memref<128x128xf32, #tpu.memory_space<vmem>> -> memref<120x128xf32, #tpu.memory_space<vmem>>
      tpu.enqueue_dma source(%dma_start3A_58 : memref<120x128xf32, #tpu.memory_space<vmem>>) target(%dma_start3A_55 : memref<120x128xf32, #tpu.memory_space<vmem_shared>>) target_semaphore(%run_scoped3A_48 : memref<!tpu.dma_semaphore, #tpu.memory_space<semaphore_mem>>)
      %dma_wait3A = arith.constant 0 : i32
      %dma_wait3A_59 = arith.constant 0 : i32
      %dma_wait3A_60 = tpu.memref_slice %arg9[%dma_wait3A, %dma_wait3A_59] : memref<128x128xf32, #tpu.memory_space<vmem>> -> memref<120x128xf32, #tpu.memory_space<vmem>>
      %dma_wait3A_61 = arith.constant 0 : i32
      %dma_wait3A_62 = tpu.memref_slice %arg11[%add3A_13, %dma_wait3A_61] : memref<10112x128xf32, #tpu.memory_space<vmem_shared>> -> memref<120x128xf32, #tpu.memory_space<vmem_shared>>
      %dma_wait3A_63 = arith.constant 0 : i32
      %dma_wait3A_64 = tpu.memref_slice %arg11[%add3A_13, %dma_wait3A_63] : memref<10112x128xf32, #tpu.memory_space<vmem_shared>> -> memref<120x128xf32, #tpu.memory_space<vmem_shared>>
      %dma_wait3A_65 = arith.constant 0 : i32
      %dma_wait3A_66 = arith.constant 0 : i32
      %dma_wait3A_67 = tpu.memref_slice %arg9[%dma_wait3A_65, %dma_wait3A_66] : memref<128x128xf32, #tpu.memory_space<vmem>> -> memref<120x128xf32, #tpu.memory_space<vmem>>
      tpu.wait_dma2 semaphore(%run_scoped3A_48 : memref<!tpu.dma_semaphore, #tpu.memory_space<semaphore_mem>>) src(%dma_wait3A_67 : memref<120x128xf32, #tpu.memory_space<vmem>>) dst(%dma_wait3A_64 : memref<120x128xf32, #tpu.memory_space<vmem_shared>>)
      tpu.yield
    }) : () -> ()
    %barrier3A = arith.constant 0 : index
    tpu.barrier barrier_id(%barrier3A)
    %mul3A_14 = arith.constant 80 : i32
    %mul3A_15 = arith.muli %add3A, %mul3A_14 : i32
    %add3A_16 = arith.constant 0 : i32
    %add3A_17 = arith.addi %mul3A_15, %add3A_16 : i32
    %min3A = arith.constant 2559 : i32
    %min3A_18 = arith.minsi %add3A_17, %min3A : i32
    %run_scoped3A = arith.constant 1 : i32
    "tpu.region"() ({
      %run_scoped3A_48 = tpu.sem_alloc : memref<!tpu.dma_semaphore, #tpu.memory_space<semaphore_mem>>
      %dma_start3A_49 = arith.constant 0 : i32
      %dma_start3A_50 = tpu.memref_slice %arg3[%run_scoped3A, %min3A_18, %dma_start3A_49] : memref<2x2560x128xi32, #tpu.memory_space<hbm>> -> memref<1x1x128xi32, #tpu.memory_space<hbm>>
      %dma_start3A_51 = tpu.memref_squeeze %dma_start3A_50 : memref<1x1x128xi32, #tpu.memory_space<hbm>> -> memref<128xi32, #tpu.memory_space<hbm>>
      %dma_start3A_52 = arith.constant 0 : i32
      %dma_start3A_53 = tpu.memref_slice %arg3[%run_scoped3A, %min3A_18, %dma_start3A_52] : memref<2x2560x128xi32, #tpu.memory_space<hbm>> -> memref<1x1x128xi32, #tpu.memory_space<hbm>>
      %dma_start3A_54 = tpu.memref_squeeze %dma_start3A_53 : memref<1x1x128xi32, #tpu.memory_space<hbm>> -> memref<128xi32, #tpu.memory_space<hbm>>
      tpu.enqueue_dma source(%dma_start3A_54 : memref<128xi32, #tpu.memory_space<hbm>>) target(%arg5 : memref<128xi32, #tpu.memory_space<vmem>>) target_semaphore(%run_scoped3A_48 : memref<!tpu.dma_semaphore, #tpu.memory_space<semaphore_mem>>)
      %dma_wait3A = arith.constant 0 : i32
      %dma_wait3A_55 = tpu.memref_slice %arg3[%run_scoped3A, %min3A_18, %dma_wait3A] : memref<2x2560x128xi32, #tpu.memory_space<hbm>> -> memref<1x1x128xi32, #tpu.memory_space<hbm>>
      %dma_wait3A_56 = tpu.memref_squeeze %dma_wait3A_55 : memref<1x1x128xi32, #tpu.memory_space<hbm>> -> memref<128xi32, #tpu.memory_space<hbm>>
      %dma_wait3A_57 = arith.constant 0 : i32
      %dma_wait3A_58 = tpu.memref_slice %arg3[%run_scoped3A, %min3A_18, %dma_wait3A_57] : memref<2x2560x128xi32, #tpu.memory_space<hbm>> -> memref<1x1x128xi32, #tpu.memory_space<hbm>>
      %dma_wait3A_59 = tpu.memref_squeeze %dma_wait3A_58 : memref<1x1x128xi32, #tpu.memory_space<hbm>> -> memref<128xi32, #tpu.memory_space<hbm>>
      tpu.wait_dma2 semaphore(%run_scoped3A_48 : memref<!tpu.dma_semaphore, #tpu.memory_space<semaphore_mem>>) src(%dma_wait3A_59 : memref<128xi32, #tpu.memory_space<hbm>>) dst(%arg5 : memref<128xi32, #tpu.memory_space<vmem>>)
      tpu.yield
    }) : () -> ()
    %run_scoped3A_19 = arith.constant 0 : i32
    "tpu.region"() ({
      %run_scoped3A_48 = tpu.sem_alloc : memref<!tpu.dma_semaphore, #tpu.memory_space<semaphore_mem>>
      %dma_start3A_49 = arith.constant 0 : i32
      %dma_start3A_50 = tpu.memref_slice %arg3[%run_scoped3A_19, %min3A_18, %dma_start3A_49] : memref<2x2560x128xi32, #tpu.memory_space<hbm>> -> memref<1x1x128xi32, #tpu.memory_space<hbm>>
      %dma_start3A_51 = tpu.memref_squeeze %dma_start3A_50 : memref<1x1x128xi32, #tpu.memory_space<hbm>> -> memref<128xi32, #tpu.memory_space<hbm>>
      %dma_start3A_52 = arith.constant 0 : i32
      %dma_start3A_53 = tpu.memref_slice %arg3[%run_scoped3A_19, %min3A_18, %dma_start3A_52] : memref<2x2560x128xi32, #tpu.memory_space<hbm>> -> memref<1x1x128xi32, #tpu.memory_space<hbm>>
      %dma_start3A_54 = tpu.memref_squeeze %dma_start3A_53 : memref<1x1x128xi32, #tpu.memory_space<hbm>> -> memref<128xi32, #tpu.memory_space<hbm>>
      tpu.enqueue_dma source(%dma_start3A_54 : memref<128xi32, #tpu.memory_space<hbm>>) target(%arg6 : memref<128xi32, #tpu.memory_space<vmem>>) target_semaphore(%run_scoped3A_48 : memref<!tpu.dma_semaphore, #tpu.memory_space<semaphore_mem>>)
      %dma_wait3A = arith.constant 0 : i32
      %dma_wait3A_55 = tpu.memref_slice %arg3[%run_scoped3A_19, %min3A_18, %dma_wait3A] : memref<2x2560x128xi32, #tpu.memory_space<hbm>> -> memref<1x1x128xi32, #tpu.memory_space<hbm>>
      %dma_wait3A_56 = tpu.memref_squeeze %dma_wait3A_55 : memref<1x1x128xi32, #tpu.memory_space<hbm>> -> memref<128xi32, #tpu.memory_space<hbm>>
      %dma_wait3A_57 = arith.constant 0 : i32
      %dma_wait3A_58 = tpu.memref_slice %arg3[%run_scoped3A_19, %min3A_18, %dma_wait3A_57] : memref<2x2560x128xi32, #tpu.memory_space<hbm>> -> memref<1x1x128xi32, #tpu.memory_space<hbm>>
      %dma_wait3A_59 = tpu.memref_squeeze %dma_wait3A_58 : memref<1x1x128xi32, #tpu.memory_space<hbm>> -> memref<128xi32, #tpu.memory_space<hbm>>
      tpu.wait_dma2 semaphore(%run_scoped3A_48 : memref<!tpu.dma_semaphore, #tpu.memory_space<semaphore_mem>>) src(%dma_wait3A_59 : memref<128xi32, #tpu.memory_space<hbm>>) dst(%arg6 : memref<128xi32, #tpu.memory_space<vmem>>)
      tpu.yield
    }) : () -> ()
    %dma_start3A = arith.constant 0 : i32
    %dma_start3A_20 = arith.constant 0 : i32
    %dma_start3A_21 = tpu.memref_slice %arg2[%dma_start3A, %dma_start3A_20] : memref<10112x128xf32, #tpu.memory_space<hbm>> -> memref<10112x128xf32, #tpu.memory_space<hbm>>
    tpu.enqueue_indirect_dma source(%dma_start3A_21 : memref<10112x128xf32, #tpu.memory_space<hbm>>) target(%arg9 : memref<128x128xf32, #tpu.memory_space<vmem>>) offsets(%arg5 : memref<128xi32, #tpu.memory_space<vmem>>) semaphore(%arg12 : memref<!tpu.dma_semaphore, #tpu.memory_space<semaphore_mem>>)
    %mul3A_22 = arith.constant 80 : i32
    %mul3A_23 = arith.muli %add3A, %mul3A_22 : i32
    %add3A_24 = arith.constant 1 : i32
    %add3A_25 = arith.addi %mul3A_23, %add3A_24 : i32
    %min3A_26 = arith.constant 2559 : i32
    %min3A_27 = arith.minsi %add3A_25, %min3A_26 : i32
    %run_scoped3A_28 = arith.constant 1 : i32
    "tpu.region"() ({
      %run_scoped3A_48 = tpu.sem_alloc : memref<!tpu.dma_semaphore, #tpu.memory_space<semaphore_mem>>
      %dma_start3A_49 = arith.constant 0 : i32
      %dma_start3A_50 = tpu.memref_slice %arg3[%run_scoped3A_28, %min3A_27, %dma_start3A_49] : memref<2x2560x128xi32, #tpu.memory_space<hbm>> -> memref<1x1x128xi32, #tpu.memory_space<hbm>>
      %dma_start3A_51 = tpu.memref_squeeze %dma_start3A_50 : memref<1x1x128xi32, #tpu.memory_space<hbm>> -> memref<128xi32, #tpu.memory_space<hbm>>
      %dma_start3A_52 = arith.constant 0 : i32
      %dma_start3A_53 = tpu.memref_slice %arg3[%run_scoped3A_28, %min3A_27, %dma_start3A_52] : memref<2x2560x128xi32, #tpu.memory_space<hbm>> -> memref<1x1x128xi32, #tpu.memory_space<hbm>>
      %dma_start3A_54 = tpu.memref_squeeze %dma_start3A_53 : memref<1x1x128xi32, #tpu.memory_space<hbm>> -> memref<128xi32, #tpu.memory_space<hbm>>
      tpu.enqueue_dma source(%dma_start3A_54 : memref<128xi32, #tpu.memory_space<hbm>>) target(%arg7 : memref<128xi32, #tpu.memory_space<vmem>>) target_semaphore(%run_scoped3A_48 : memref<!tpu.dma_semaphore, #tpu.memory_space<semaphore_mem>>)
      %dma_wait3A = arith.constant 0 : i32
      %dma_wait3A_55 = tpu.memref_slice %arg3[%run_scoped3A_28, %min3A_27, %dma_wait3A] : memref<2x2560x128xi32, #tpu.memory_space<hbm>> -> memref<1x1x128xi32, #tpu.memory_space<hbm>>
      %dma_wait3A_56 = tpu.memref_squeeze %dma_wait3A_55 : memref<1x1x128xi32, #tpu.memory_space<hbm>> -> memref<128xi32, #tpu.memory_space<hbm>>
      %dma_wait3A_57 = arith.constant 0 : i32
      %dma_wait3A_58 = tpu.memref_slice %arg3[%run_scoped3A_28, %min3A_27, %dma_wait3A_57] : memref<2x2560x128xi32, #tpu.memory_space<hbm>> -> memref<1x1x128xi32, #tpu.memory_space<hbm>>
      %dma_wait3A_59 = tpu.memref_squeeze %dma_wait3A_58 : memref<1x1x128xi32, #tpu.memory_space<hbm>> -> memref<128xi32, #tpu.memory_space<hbm>>
      tpu.wait_dma2 semaphore(%run_scoped3A_48 : memref<!tpu.dma_semaphore, #tpu.memory_space<semaphore_mem>>) src(%dma_wait3A_59 : memref<128xi32, #tpu.memory_space<hbm>>) dst(%arg7 : memref<128xi32, #tpu.memory_space<vmem>>)
      tpu.yield
    }) : () -> ()
    %run_scoped3A_29 = arith.constant 0 : i32
    "tpu.region"() ({
      %run_scoped3A_48 = tpu.sem_alloc : memref<!tpu.dma_semaphore, #tpu.memory_space<semaphore_mem>>
      %dma_start3A_49 = arith.constant 0 : i32
      %dma_start3A_50 = tpu.memref_slice %arg3[%run_scoped3A_29, %min3A_27, %dma_start3A_49] : memref<2x2560x128xi32, #tpu.memory_space<hbm>> -> memref<1x1x128xi32, #tpu.memory_space<hbm>>
      %dma_start3A_51 = tpu.memref_squeeze %dma_start3A_50 : memref<1x1x128xi32, #tpu.memory_space<hbm>> -> memref<128xi32, #tpu.memory_space<hbm>>
      %dma_start3A_52 = arith.constant 0 : i32
      %dma_start3A_53 = tpu.memref_slice %arg3[%run_scoped3A_29, %min3A_27, %dma_start3A_52] : memref<2x2560x128xi32, #tpu.memory_space<hbm>> -> memref<1x1x128xi32, #tpu.memory_space<hbm>>
      %dma_start3A_54 = tpu.memref_squeeze %dma_start3A_53 : memref<1x1x128xi32, #tpu.memory_space<hbm>> -> memref<128xi32, #tpu.memory_space<hbm>>
      tpu.enqueue_dma source(%dma_start3A_54 : memref<128xi32, #tpu.memory_space<hbm>>) target(%arg8 : memref<128xi32, #tpu.memory_space<vmem>>) target_semaphore(%run_scoped3A_48 : memref<!tpu.dma_semaphore, #tpu.memory_space<semaphore_mem>>)
      %dma_wait3A = arith.constant 0 : i32
      %dma_wait3A_55 = tpu.memref_slice %arg3[%run_scoped3A_29, %min3A_27, %dma_wait3A] : memref<2x2560x128xi32, #tpu.memory_space<hbm>> -> memref<1x1x128xi32, #tpu.memory_space<hbm>>
      %dma_wait3A_56 = tpu.memref_squeeze %dma_wait3A_55 : memref<1x1x128xi32, #tpu.memory_space<hbm>> -> memref<128xi32, #tpu.memory_space<hbm>>
      %dma_wait3A_57 = arith.constant 0 : i32
      %dma_wait3A_58 = tpu.memref_slice %arg3[%run_scoped3A_29, %min3A_27, %dma_wait3A_57] : memref<2x2560x128xi32, #tpu.memory_space<hbm>> -> memref<1x1x128xi32, #tpu.memory_space<hbm>>
      %dma_wait3A_59 = tpu.memref_squeeze %dma_wait3A_58 : memref<1x1x128xi32, #tpu.memory_space<hbm>> -> memref<128xi32, #tpu.memory_space<hbm>>
      tpu.wait_dma2 semaphore(%run_scoped3A_48 : memref<!tpu.dma_semaphore, #tpu.memory_space<semaphore_mem>>) src(%dma_wait3A_59 : memref<128xi32, #tpu.memory_space<hbm>>) dst(%arg8 : memref<128xi32, #tpu.memory_space<vmem>>)
      tpu.yield
    }) : () -> ()
    %dma_start3A_30 = arith.constant 0 : i32
    %dma_start3A_31 = arith.constant 0 : i32
    %dma_start3A_32 = tpu.memref_slice %arg2[%dma_start3A_30, %dma_start3A_31] : memref<10112x128xf32, #tpu.memory_space<hbm>> -> memref<10112x128xf32, #tpu.memory_space<hbm>>
    tpu.enqueue_indirect_dma source(%dma_start3A_32 : memref<10112x128xf32, #tpu.memory_space<hbm>>) target(%arg10 : memref<128x128xf32, #tpu.memory_space<vmem>>) offsets(%arg7 : memref<128xi32, #tpu.memory_space<vmem>>) semaphore(%arg13 : memref<!tpu.dma_semaphore, #tpu.memory_space<semaphore_mem>>)
    %scan3A_33 = arith.constant 0 : i32
    %scan3A_34 = arith.constant 40 : i32
    %scan3A_35 = arith.addi %scan3A_33, %scan3A_34 : i32
    %scan3A_36 = arith.constant 1 : i32
    scf.for %scan3A_48 = %scan3A_33 to %scan3A_35 step %scan3A_36  : i32 {
      %mul3A_49 = arith.constant 1 : i32
      %mul3A_50 = arith.muli %scan3A_48, %mul3A_49 : i32
      %add3A_51 = arith.constant 0 : i32
      %add3A_52 = arith.addi %add3A_51, %mul3A_50 : i32
      %mul3A_53 = arith.constant 2 : i32
      %mul3A_54 = arith.muli %add3A_52, %mul3A_53 : i32
      %dma_wait3A = arith.constant 0 : i32
      %dma_wait3A_55 = arith.constant 0 : i32
      %dma_wait3A_56 = tpu.memref_slice %arg2[%dma_wait3A, %dma_wait3A_55] : memref<10112x128xf32, #tpu.memory_space<hbm>> -> memref<10112x128xf32, #tpu.memory_space<hbm>>
      tpu.wait_indirect_dma semaphore(%arg12 : memref<!tpu.dma_semaphore, #tpu.memory_space<semaphore_mem>>) src(%dma_wait3A_56 : memref<10112x128xf32, #tpu.memory_space<hbm>>) dst(%arg9 : memref<128x128xf32, #tpu.memory_space<vmem>>)
      "tpu.region"() ({
        %run_scoped3A_89 = tpu.sem_alloc : memref<!tpu.dma_semaphore, #tpu.memory_space<semaphore_mem>>
        %dma_start3A_90 = arith.constant 0 : i32
        %dma_start3A_91 = arith.constant 0 : i32
        %dma_start3A_92 = tpu.memref_slice %arg11[%dma_start3A_90, %dma_start3A_91] : memref<10112x128xf32, #tpu.memory_space<vmem_shared>> -> memref<10112x128xf32, #tpu.memory_space<vmem_shared>>
        tpu.enqueue_indirect_dma source(%arg9 : memref<128x128xf32, #tpu.memory_space<vmem>>) target(%dma_start3A_92 : memref<10112x128xf32, #tpu.memory_space<vmem_shared>>) offsets(%arg6 : memref<128xi32, #tpu.memory_space<vmem>>) semaphore(%run_scoped3A_89 : memref<!tpu.dma_semaphore, #tpu.memory_space<semaphore_mem>>) {add = true}
        %dma_wait3A_93 = arith.constant 0 : i32
        %dma_wait3A_94 = arith.constant 0 : i32
        %dma_wait3A_95 = tpu.memref_slice %arg11[%dma_wait3A_93, %dma_wait3A_94] : memref<10112x128xf32, #tpu.memory_space<vmem_shared>> -> memref<10112x128xf32, #tpu.memory_space<vmem_shared>>
        tpu.wait_indirect_dma semaphore(%run_scoped3A_89 : memref<!tpu.dma_semaphore, #tpu.memory_space<semaphore_mem>>) src(%arg9 : memref<128x128xf32, #tpu.memory_space<vmem>>) dst(%dma_wait3A_95 : memref<10112x128xf32, #tpu.memory_space<vmem_shared>>)
        tpu.yield
      }) : () -> ()
      %add3A_57 = arith.constant 2 : i32
      %add3A_58 = arith.addi %mul3A_54, %add3A_57 : i32
      %mul3A_59 = arith.constant 80 : i32
      %mul3A_60 = arith.muli %add3A, %mul3A_59 : i32
      %add3A_61 = arith.addi %mul3A_60, %add3A_58 : i32
      %min3A_62 = arith.constant 2559 : i32
      %min3A_63 = arith.minsi %add3A_61, %min3A_62 : i32
      %run_scoped3A_64 = arith.constant 1 : i32
      "tpu.region"() ({
        %run_scoped3A_89 = tpu.sem_alloc : memref<!tpu.dma_semaphore, #tpu.memory_space<semaphore_mem>>
        %dma_start3A_90 = arith.constant 0 : i32
        %dma_start3A_91 = tpu.memref_slice %arg3[%run_scoped3A_64, %min3A_63, %dma_start3A_90] : memref<2x2560x128xi32, #tpu.memory_space<hbm>> -> memref<1x1x128xi32, #tpu.memory_space<hbm>>
        %dma_start3A_92 = tpu.memref_squeeze %dma_start3A_91 : memref<1x1x128xi32, #tpu.memory_space<hbm>> -> memref<128xi32, #tpu.memory_space<hbm>>
        %dma_start3A_93 = arith.constant 0 : i32
        %dma_start3A_94 = tpu.memref_slice %arg3[%run_scoped3A_64, %min3A_63, %dma_start3A_93] : memref<2x2560x128xi32, #tpu.memory_space<hbm>> -> memref<1x1x128xi32, #tpu.memory_space<hbm>>
        %dma_start3A_95 = tpu.memref_squeeze %dma_start3A_94 : memref<1x1x128xi32, #tpu.memory_space<hbm>> -> memref<128xi32, #tpu.memory_space<hbm>>
        tpu.enqueue_dma source(%dma_start3A_95 : memref<128xi32, #tpu.memory_space<hbm>>) target(%arg5 : memref<128xi32, #tpu.memory_space<vmem>>) target_semaphore(%run_scoped3A_89 : memref<!tpu.dma_semaphore, #tpu.memory_space<semaphore_mem>>)
        %dma_wait3A_96 = arith.constant 0 : i32
        %dma_wait3A_97 = tpu.memref_slice %arg3[%run_scoped3A_64, %min3A_63, %dma_wait3A_96] : memref<2x2560x128xi32, #tpu.memory_space<hbm>> -> memref<1x1x128xi32, #tpu.memory_space<hbm>>
        %dma_wait3A_98 = tpu.memref_squeeze %dma_wait3A_97 : memref<1x1x128xi32, #tpu.memory_space<hbm>> -> memref<128xi32, #tpu.memory_space<hbm>>
        %dma_wait3A_99 = arith.constant 0 : i32
        %dma_wait3A_100 = tpu.memref_slice %arg3[%run_scoped3A_64, %min3A_63, %dma_wait3A_99] : memref<2x2560x128xi32, #tpu.memory_space<hbm>> -> memref<1x1x128xi32, #tpu.memory_space<hbm>>
        %dma_wait3A_101 = tpu.memref_squeeze %dma_wait3A_100 : memref<1x1x128xi32, #tpu.memory_space<hbm>> -> memref<128xi32, #tpu.memory_space<hbm>>
        tpu.wait_dma2 semaphore(%run_scoped3A_89 : memref<!tpu.dma_semaphore, #tpu.memory_space<semaphore_mem>>) src(%dma_wait3A_101 : memref<128xi32, #tpu.memory_space<hbm>>) dst(%arg5 : memref<128xi32, #tpu.memory_space<vmem>>)
        tpu.yield
      }) : () -> ()
      %run_scoped3A_65 = arith.constant 0 : i32
      "tpu.region"() ({
        %run_scoped3A_89 = tpu.sem_alloc : memref<!tpu.dma_semaphore, #tpu.memory_space<semaphore_mem>>
        %dma_start3A_90 = arith.constant 0 : i32
        %dma_start3A_91 = tpu.memref_slice %arg3[%run_scoped3A_65, %min3A_63, %dma_start3A_90] : memref<2x2560x128xi32, #tpu.memory_space<hbm>> -> memref<1x1x128xi32, #tpu.memory_space<hbm>>
        %dma_start3A_92 = tpu.memref_squeeze %dma_start3A_91 : memref<1x1x128xi32, #tpu.memory_space<hbm>> -> memref<128xi32, #tpu.memory_space<hbm>>
        %dma_start3A_93 = arith.constant 0 : i32
        %dma_start3A_94 = tpu.memref_slice %arg3[%run_scoped3A_65, %min3A_63, %dma_start3A_93] : memref<2x2560x128xi32, #tpu.memory_space<hbm>> -> memref<1x1x128xi32, #tpu.memory_space<hbm>>
        %dma_start3A_95 = tpu.memref_squeeze %dma_start3A_94 : memref<1x1x128xi32, #tpu.memory_space<hbm>> -> memref<128xi32, #tpu.memory_space<hbm>>
        tpu.enqueue_dma source(%dma_start3A_95 : memref<128xi32, #tpu.memory_space<hbm>>) target(%arg6 : memref<128xi32, #tpu.memory_space<vmem>>) target_semaphore(%run_scoped3A_89 : memref<!tpu.dma_semaphore, #tpu.memory_space<semaphore_mem>>)
        %dma_wait3A_96 = arith.constant 0 : i32
        %dma_wait3A_97 = tpu.memref_slice %arg3[%run_scoped3A_65, %min3A_63, %dma_wait3A_96] : memref<2x2560x128xi32, #tpu.memory_space<hbm>> -> memref<1x1x128xi32, #tpu.memory_space<hbm>>
        %dma_wait3A_98 = tpu.memref_squeeze %dma_wait3A_97 : memref<1x1x128xi32, #tpu.memory_space<hbm>> -> memref<128xi32, #tpu.memory_space<hbm>>
        %dma_wait3A_99 = arith.constant 0 : i32
        %dma_wait3A_100 = tpu.memref_slice %arg3[%run_scoped3A_65, %min3A_63, %dma_wait3A_99] : memref<2x2560x128xi32, #tpu.memory_space<hbm>> -> memref<1x1x128xi32, #tpu.memory_space<hbm>>
        %dma_wait3A_101 = tpu.memref_squeeze %dma_wait3A_100 : memref<1x1x128xi32, #tpu.memory_space<hbm>> -> memref<128xi32, #tpu.memory_space<hbm>>
        tpu.wait_dma2 semaphore(%run_scoped3A_89 : memref<!tpu.dma_semaphore, #tpu.memory_space<semaphore_mem>>) src(%dma_wait3A_101 : memref<128xi32, #tpu.memory_space<hbm>>) dst(%arg6 : memref<128xi32, #tpu.memory_space<vmem>>)
        tpu.yield
      }) : () -> ()
      %add3A_66 = arith.constant 2 : i32
      %add3A_67 = arith.addi %mul3A_54, %add3A_66 : i32
      %lt3A = arith.constant 80 : i32
      %lt3A_68 = arith.cmpi slt, %add3A_67, %lt3A : i32
      %convert_element_type3A = arith.extui %lt3A_68 : i1 to i32
      %cond3A = arith.constant 0 : i32
      %cond3A_69 = arith.cmpi ne, %convert_element_type3A, %cond3A : i32
      scf.if %cond3A_69 {
        %dma_start3A_89 = arith.constant 0 : i32
        %dma_start3A_90 = arith.constant 0 : i32
        %dma_start3A_91 = tpu.memref_slice %arg2[%dma_start3A_89, %dma_start3A_90] : memref<10112x128xf32, #tpu.memory_space<hbm>> -> memref<10112x128xf32, #tpu.memory_space<hbm>>
        tpu.enqueue_indirect_dma source(%dma_start3A_91 : memref<10112x128xf32, #tpu.memory_space<hbm>>) target(%arg9 : memref<128x128xf32, #tpu.memory_space<vmem>>) offsets(%arg5 : memref<128xi32, #tpu.memory_space<vmem>>) semaphore(%arg12 : memref<!tpu.dma_semaphore, #tpu.memory_space<semaphore_mem>>)
      } else {
      }
      %dma_wait3A_70 = arith.constant 0 : i32
      %dma_wait3A_71 = arith.constant 0 : i32
      %dma_wait3A_72 = tpu.memref_slice %arg2[%dma_wait3A_70, %dma_wait3A_71] : memref<10112x128xf32, #tpu.memory_space<hbm>> -> memref<10112x128xf32, #tpu.memory_space<hbm>>
      tpu.wait_indirect_dma semaphore(%arg13 : memref<!tpu.dma_semaphore, #tpu.memory_space<semaphore_mem>>) src(%dma_wait3A_72 : memref<10112x128xf32, #tpu.memory_space<hbm>>) dst(%arg10 : memref<128x128xf32, #tpu.memory_space<vmem>>)
      "tpu.region"() ({
        %run_scoped3A_89 = tpu.sem_alloc : memref<!tpu.dma_semaphore, #tpu.memory_space<semaphore_mem>>
        %dma_start3A_90 = arith.constant 0 : i32
        %dma_start3A_91 = arith.constant 0 : i32
        %dma_start3A_92 = tpu.memref_slice %arg11[%dma_start3A_90, %dma_start3A_91] : memref<10112x128xf32, #tpu.memory_space<vmem_shared>> -> memref<10112x128xf32, #tpu.memory_space<vmem_shared>>
        tpu.enqueue_indirect_dma source(%arg10 : memref<128x128xf32, #tpu.memory_space<vmem>>) target(%dma_start3A_92 : memref<10112x128xf32, #tpu.memory_space<vmem_shared>>) offsets(%arg8 : memref<128xi32, #tpu.memory_space<vmem>>) semaphore(%run_scoped3A_89 : memref<!tpu.dma_semaphore, #tpu.memory_space<semaphore_mem>>) {add = true}
        %dma_wait3A_93 = arith.constant 0 : i32
        %dma_wait3A_94 = arith.constant 0 : i32
        %dma_wait3A_95 = tpu.memref_slice %arg11[%dma_wait3A_93, %dma_wait3A_94] : memref<10112x128xf32, #tpu.memory_space<vmem_shared>> -> memref<10112x128xf32, #tpu.memory_space<vmem_shared>>
        tpu.wait_indirect_dma semaphore(%run_scoped3A_89 : memref<!tpu.dma_semaphore, #tpu.memory_space<semaphore_mem>>) src(%arg10 : memref<128x128xf32, #tpu.memory_space<vmem>>) dst(%dma_wait3A_95 : memref<10112x128xf32, #tpu.memory_space<vmem_shared>>)
        tpu.yield
      }) : () -> ()
      %add3A_73 = arith.constant 3 : i32
      %add3A_74 = arith.addi %mul3A_54, %add3A_73 : i32
      %mul3A_75 = arith.constant 80 : i32
      %mul3A_76 = arith.muli %add3A, %mul3A_75 : i32
      %add3A_77 = arith.addi %mul3A_76, %add3A_74 : i32
      %min3A_78 = arith.constant 2559 : i32
      %min3A_79 = arith.minsi %add3A_77, %min3A_78 : i32
      %run_scoped3A_80 = arith.constant 1 : i32
      "tpu.region"() ({
        %run_scoped3A_89 = tpu.sem_alloc : memref<!tpu.dma_semaphore, #tpu.memory_space<semaphore_mem>>
        %dma_start3A_90 = arith.constant 0 : i32
        %dma_start3A_91 = tpu.memref_slice %arg3[%run_scoped3A_80, %min3A_79, %dma_start3A_90] : memref<2x2560x128xi32, #tpu.memory_space<hbm>> -> memref<1x1x128xi32, #tpu.memory_space<hbm>>
        %dma_start3A_92 = tpu.memref_squeeze %dma_start3A_91 : memref<1x1x128xi32, #tpu.memory_space<hbm>> -> memref<128xi32, #tpu.memory_space<hbm>>
        %dma_start3A_93 = arith.constant 0 : i32
        %dma_start3A_94 = tpu.memref_slice %arg3[%run_scoped3A_80, %min3A_79, %dma_start3A_93] : memref<2x2560x128xi32, #tpu.memory_space<hbm>> -> memref<1x1x128xi32, #tpu.memory_space<hbm>>
        %dma_start3A_95 = tpu.memref_squeeze %dma_start3A_94 : memref<1x1x128xi32, #tpu.memory_space<hbm>> -> memref<128xi32, #tpu.memory_space<hbm>>
        tpu.enqueue_dma source(%dma_start3A_95 : memref<128xi32, #tpu.memory_space<hbm>>) target(%arg7 : memref<128xi32, #tpu.memory_space<vmem>>) target_semaphore(%run_scoped3A_89 : memref<!tpu.dma_semaphore, #tpu.memory_space<semaphore_mem>>)
        %dma_wait3A_96 = arith.constant 0 : i32
        %dma_wait3A_97 = tpu.memref_slice %arg3[%run_scoped3A_80, %min3A_79, %dma_wait3A_96] : memref<2x2560x128xi32, #tpu.memory_space<hbm>> -> memref<1x1x128xi32, #tpu.memory_space<hbm>>
        %dma_wait3A_98 = tpu.memref_squeeze %dma_wait3A_97 : memref<1x1x128xi32, #tpu.memory_space<hbm>> -> memref<128xi32, #tpu.memory_space<hbm>>
        %dma_wait3A_99 = arith.constant 0 : i32
        %dma_wait3A_100 = tpu.memref_slice %arg3[%run_scoped3A_80, %min3A_79, %dma_wait3A_99] : memref<2x2560x128xi32, #tpu.memory_space<hbm>> -> memref<1x1x128xi32, #tpu.memory_space<hbm>>
        %dma_wait3A_101 = tpu.memref_squeeze %dma_wait3A_100 : memref<1x1x128xi32, #tpu.memory_space<hbm>> -> memref<128xi32, #tpu.memory_space<hbm>>
        tpu.wait_dma2 semaphore(%run_scoped3A_89 : memref<!tpu.dma_semaphore, #tpu.memory_space<semaphore_mem>>) src(%dma_wait3A_101 : memref<128xi32, #tpu.memory_space<hbm>>) dst(%arg7 : memref<128xi32, #tpu.memory_space<vmem>>)
        tpu.yield
      }) : () -> ()
      %run_scoped3A_81 = arith.constant 0 : i32
      "tpu.region"() ({
        %run_scoped3A_89 = tpu.sem_alloc : memref<!tpu.dma_semaphore, #tpu.memory_space<semaphore_mem>>
        %dma_start3A_90 = arith.constant 0 : i32
        %dma_start3A_91 = tpu.memref_slice %arg3[%run_scoped3A_81, %min3A_79, %dma_start3A_90] : memref<2x2560x128xi32, #tpu.memory_space<hbm>> -> memref<1x1x128xi32, #tpu.memory_space<hbm>>
        %dma_start3A_92 = tpu.memref_squeeze %dma_start3A_91 : memref<1x1x128xi32, #tpu.memory_space<hbm>> -> memref<128xi32, #tpu.memory_space<hbm>>
        %dma_start3A_93 = arith.constant 0 : i32
        %dma_start3A_94 = tpu.memref_slice %arg3[%run_scoped3A_81, %min3A_79, %dma_start3A_93] : memref<2x2560x128xi32, #tpu.memory_space<hbm>> -> memref<1x1x128xi32, #tpu.memory_space<hbm>>
        %dma_start3A_95 = tpu.memref_squeeze %dma_start3A_94 : memref<1x1x128xi32, #tpu.memory_space<hbm>> -> memref<128xi32, #tpu.memory_space<hbm>>
        tpu.enqueue_dma source(%dma_start3A_95 : memref<128xi32, #tpu.memory_space<hbm>>) target(%arg8 : memref<128xi32, #tpu.memory_space<vmem>>) target_semaphore(%run_scoped3A_89 : memref<!tpu.dma_semaphore, #tpu.memory_space<semaphore_mem>>)
        %dma_wait3A_96 = arith.constant 0 : i32
        %dma_wait3A_97 = tpu.memref_slice %arg3[%run_scoped3A_81, %min3A_79, %dma_wait3A_96] : memref<2x2560x128xi32, #tpu.memory_space<hbm>> -> memref<1x1x128xi32, #tpu.memory_space<hbm>>
        %dma_wait3A_98 = tpu.memref_squeeze %dma_wait3A_97 : memref<1x1x128xi32, #tpu.memory_space<hbm>> -> memref<128xi32, #tpu.memory_space<hbm>>
        %dma_wait3A_99 = arith.constant 0 : i32
        %dma_wait3A_100 = tpu.memref_slice %arg3[%run_scoped3A_81, %min3A_79, %dma_wait3A_99] : memref<2x2560x128xi32, #tpu.memory_space<hbm>> -> memref<1x1x128xi32, #tpu.memory_space<hbm>>
        %dma_wait3A_101 = tpu.memref_squeeze %dma_wait3A_100 : memref<1x1x128xi32, #tpu.memory_space<hbm>> -> memref<128xi32, #tpu.memory_space<hbm>>
        tpu.wait_dma2 semaphore(%run_scoped3A_89 : memref<!tpu.dma_semaphore, #tpu.memory_space<semaphore_mem>>) src(%dma_wait3A_101 : memref<128xi32, #tpu.memory_space<hbm>>) dst(%arg8 : memref<128xi32, #tpu.memory_space<vmem>>)
        tpu.yield
      }) : () -> ()
      %add3A_82 = arith.constant 3 : i32
      %add3A_83 = arith.addi %mul3A_54, %add3A_82 : i32
      %lt3A_84 = arith.constant 80 : i32
      %lt3A_85 = arith.cmpi slt, %add3A_83, %lt3A_84 : i32
      %convert_element_type3A_86 = arith.extui %lt3A_85 : i1 to i32
      %cond3A_87 = arith.constant 0 : i32
      %cond3A_88 = arith.cmpi ne, %convert_element_type3A_86, %cond3A_87 : i32
      scf.if %cond3A_88 {
        %dma_start3A_89 = arith.constant 0 : i32
        %dma_start3A_90 = arith.constant 0 : i32
        %dma_start3A_91 = tpu.memref_slice %arg2[%dma_start3A_89, %dma_start3A_90] : memref<10112x128xf32, #tpu.memory_space<hbm>> -> memref<10112x128xf32, #tpu.memory_space<hbm>>
        tpu.enqueue_indirect_dma source(%dma_start3A_91 : memref<10112x128xf32, #tpu.memory_space<hbm>>) target(%arg10 : memref<128x128xf32, #tpu.memory_space<vmem>>) offsets(%arg7 : memref<128xi32, #tpu.memory_space<vmem>>) semaphore(%arg13 : memref<!tpu.dma_semaphore, #tpu.memory_space<semaphore_mem>>)
      } else {
      }
    }
    %scan3A_37 = arith.constant 40 : i32
    %barrier3A_38 = arith.constant 0 : index
    tpu.barrier barrier_id(%barrier3A_38)
    %scan3A_39 = arith.constant 0 : i32
    %scan3A_40 = arith.constant 4 : i32
    %scan3A_41 = arith.addi %scan3A_39, %scan3A_40 : i32
    %scan3A_42 = arith.constant 1 : i32
    scf.for %scan3A_48 = %scan3A_39 to %scan3A_41 step %scan3A_42  : i32 {
      %mul3A_49 = arith.constant 1 : i32
      %mul3A_50 = arith.muli %scan3A_48, %mul3A_49 : i32
      %add3A_51 = arith.constant 0 : i32
      %add3A_52 = arith.addi %add3A_51, %mul3A_50 : i32
      %mul3A_53 = arith.constant 128 : i32
      %mul3A_54 = arith.muli %add3A_52, %mul3A_53 : i32
      %add3A_55 = arith.addi %mul3A_6, %mul3A_54 : i32
      %mul3A_56 = arith.constant 128 : i32
      %mul3A_57 = arith.muli %add3A_52, %mul3A_56 : i32
      %add3A_58 = arith.addi %mul3A_6, %mul3A_57 : i32
      "tpu.region"() ({
        %run_scoped3A_59 = tpu.sem_alloc : memref<!tpu.dma_semaphore, #tpu.memory_space<semaphore_mem>>
        %dma_start3A_60 = arith.constant 0 : i32
        %dma_start3A_61 = tpu.memref_slice %arg4[%arg0, %add3A_58, %dma_start3A_60] : memref<2x10112x128xf32, #tpu.memory_space<hbm>> -> memref<1x128x128xf32, #tpu.memory_space<hbm>>
        %dma_start3A_62 = tpu.memref_squeeze %dma_start3A_61 : memref<1x128x128xf32, #tpu.memory_space<hbm>> -> memref<128x128xf32, #tpu.memory_space<hbm>>
        %dma_start3A_63 = arith.constant 0 : i32
        %dma_start3A_64 = tpu.memref_slice %arg11[%add3A_55, %dma_start3A_63] : memref<10112x128xf32, #tpu.memory_space<vmem_shared>> -> memref<128x128xf32, #tpu.memory_space<vmem_shared>>
        tpu.enqueue_dma source(%dma_start3A_64 : memref<128x128xf32, #tpu.memory_space<vmem_shared>>) target(%dma_start3A_62 : memref<128x128xf32, #tpu.memory_space<hbm>>) target_semaphore(%run_scoped3A_59 : memref<!tpu.dma_semaphore, #tpu.memory_space<semaphore_mem>>)
        %dma_wait3A = arith.constant 0 : i32
        %dma_wait3A_65 = tpu.memref_slice %arg4[%arg0, %add3A_58, %dma_wait3A] : memref<2x10112x128xf32, #tpu.memory_space<hbm>> -> memref<1x128x128xf32, #tpu.memory_space<hbm>>
        %dma_wait3A_66 = tpu.memref_squeeze %dma_wait3A_65 : memref<1x128x128xf32, #tpu.memory_space<hbm>> -> memref<128x128xf32, #tpu.memory_space<hbm>>
        %dma_wait3A_67 = arith.constant 0 : i32
        %dma_wait3A_68 = tpu.memref_slice %arg11[%add3A_55, %dma_wait3A_67] : memref<10112x128xf32, #tpu.memory_space<vmem_shared>> -> memref<128x128xf32, #tpu.memory_space<vmem_shared>>
        tpu.wait_dma2 semaphore(%run_scoped3A_59 : memref<!tpu.dma_semaphore, #tpu.memory_space<semaphore_mem>>) src(%dma_wait3A_68 : memref<128x128xf32, #tpu.memory_space<vmem_shared>>) dst(%dma_wait3A_66 : memref<128x128xf32, #tpu.memory_space<hbm>>)
        tpu.yield
      }) : () -> ()
    }
    %scan3A_43 = arith.constant 4 : i32
    %add3A_44 = arith.constant 512 : i32
    %add3A_45 = arith.addi %mul3A_6, %add3A_44 : i32
    %add3A_46 = arith.constant 512 : i32
    %add3A_47 = arith.addi %mul3A_6, %add3A_46 : i32
    "tpu.region"() ({
      %run_scoped3A_48 = tpu.sem_alloc : memref<!tpu.dma_semaphore, #tpu.memory_space<semaphore_mem>>
      %dma_start3A_49 = arith.constant 0 : i32
      %dma_start3A_50 = tpu.memref_slice %arg4[%arg0, %add3A_47, %dma_start3A_49] : memref<2x10112x128xf32, #tpu.memory_space<hbm>> -> memref<1x120x128xf32, #tpu.memory_space<hbm>>
      %dma_start3A_51 = tpu.memref_squeeze %dma_start3A_50 : memref<1x120x128xf32, #tpu.memory_space<hbm>> -> memref<120x128xf32, #tpu.memory_space<hbm>>
      %dma_start3A_52 = arith.constant 0 : i32
      %dma_start3A_53 = tpu.memref_slice %arg11[%add3A_45, %dma_start3A_52] : memref<10112x128xf32, #tpu.memory_space<vmem_shared>> -> memref<120x128xf32, #tpu.memory_space<vmem_shared>>
      tpu.enqueue_dma source(%dma_start3A_53 : memref<120x128xf32, #tpu.memory_space<vmem_shared>>) target(%dma_start3A_51 : memref<120x128xf32, #tpu.memory_space<hbm>>) target_semaphore(%run_scoped3A_48 : memref<!tpu.dma_semaphore, #tpu.memory_space<semaphore_mem>>)
      %dma_wait3A = arith.constant 0 : i32
      %dma_wait3A_54 = tpu.memref_slice %arg4[%arg0, %add3A_47, %dma_wait3A] : memref<2x10112x128xf32, #tpu.memory_space<hbm>> -> memref<1x120x128xf32, #tpu.memory_space<hbm>>
      %dma_wait3A_55 = tpu.memref_squeeze %dma_wait3A_54 : memref<1x120x128xf32, #tpu.memory_space<hbm>> -> memref<120x128xf32, #tpu.memory_space<hbm>>
      %dma_wait3A_56 = arith.constant 0 : i32
      %dma_wait3A_57 = tpu.memref_slice %arg11[%add3A_45, %dma_wait3A_56] : memref<10112x128xf32, #tpu.memory_space<vmem_shared>> -> memref<120x128xf32, #tpu.memory_space<vmem_shared>>
      tpu.wait_dma2 semaphore(%run_scoped3A_48 : memref<!tpu.dma_semaphore, #tpu.memory_space<semaphore_mem>>) src(%dma_wait3A_57 : memref<120x128xf32, #tpu.memory_space<vmem_shared>>) dst(%dma_wait3A_55 : memref<120x128xf32, #tpu.memory_space<hbm>>)
      tpu.yield
    }) : () -> ()
    return
  }
}

#map = affine_map<(d0, d1) -> (0, 0)>
#map1 = affine_map<(d0, d1) -> (0, 0, 0)>
module attributes {stable_mosaic.version = 14 : i64} {
  func.func @_sc_propagate_body(%arg0: i32, %arg1: i32, %arg2: memref<10112x128xf32, #tpu.memory_space<hbm>>, %arg3: memref<2x2560x128xi32, #tpu.memory_space<hbm>>, %arg4: memref<2x10112x128xf32, #tpu.memory_space<hbm>>, %arg5: memref<128xi32, #tpu.memory_space<vmem>>, %arg6: memref<128xi32, #tpu.memory_space<vmem>>, %arg7: memref<128xi32, #tpu.memory_space<vmem>>, %arg8: memref<128xi32, #tpu.memory_space<vmem>>, %arg9: memref<128x128xf32, #tpu.memory_space<vmem>>, %arg10: memref<128x128xf32, #tpu.memory_space<vmem>>, %arg11: memref<10112x128xf32, #tpu.memory_space<vmem_shared>>, %arg12: memref<!tpu.dma_semaphore, #tpu.memory_space<semaphore_mem>>, %arg13: memref<!tpu.dma_semaphore, #tpu.memory_space<semaphore_mem>>) attributes {dimension_semantics = [#tpu.dimension_semantics<core_parallel>, #tpu.dimension_semantics<subcore_parallel>], iteration_bounds = array<i64: 2, 16>, scalar_prefetch = 0 : i64, scratch_operands = 9 : i64, tpu.core_type = #tpu.core_type<sc_vector_subcore>, window_params = [{transform_indices = #map}, {transform_indices = #map1}, {transform_indices = #map1}]} {
    %mul3A = arith.constant 16 : i32
    %mul3A_0 = arith.muli %arg0, %mul3A : i32
    %add3A = arith.addi %mul3A_0, %arg1 : i32
    %scan3A = arith.constant 0 : i32
    %scan3A_1 = arith.constant 128 : i32
    %scan3A_2 = arith.addi %scan3A, %scan3A_1 : i32
    %scan3A_3 = arith.constant 1 : i32
    scf.for %scan3A_48 = %scan3A to %scan3A_2 step %scan3A_3  : i32 {
      %mul3A_49 = arith.constant 1 : i32
      %mul3A_50 = arith.muli %scan3A_48, %mul3A_49 : i32
      %add3A_51 = arith.constant 0 : i32
      %add3A_52 = arith.addi %add3A_51, %mul3A_50 : i32
      %scan3A_53 = arith.constant 0 : i32
      %scan3A_54 = arith.constant 8 : i32
      %scan3A_55 = arith.addi %scan3A_53, %scan3A_54 : i32
      %scan3A_56 = arith.constant 1 : i32
      scf.for %scan3A_58 = %scan3A_53 to %scan3A_55 step %scan3A_56  : i32 {
        %mul3A_59 = arith.constant 1 : i32
        %mul3A_60 = arith.muli %scan3A_58, %mul3A_59 : i32
        %add3A_61 = arith.constant 0 : i32
        %add3A_62 = arith.addi %add3A_61, %mul3A_60 : i32
        %broadcast_in_dim3A = arith.constant 0.000000e+00 : f32
        %broadcast_in_dim3A_63 = vector.broadcast %broadcast_in_dim3A : f32 to vector<16xf32>
        %mul3A_64 = arith.constant 16 : i32
        %mul3A_65 = arith.muli %add3A_62, %mul3A_64 : i32
        %swap3A = arith.index_cast %add3A_52 : i32 to index
        %swap3A_66 = arith.index_cast %mul3A_65 : i32 to index
        %swap3A_67 = tpu.vector_load %arg9[%swap3A, %swap3A_66] {strides = array<i32>} : memref<128x128xf32, #tpu.memory_space<vmem>>, vector<1x16xf32>,
        %swap3A_68 = vector.shape_cast %swap3A_67 : vector<1x16xf32> to vector<16xf32>
        %swap3A_69 = vector.shape_cast %broadcast_in_dim3A_63 : vector<16xf32> to vector<1x16xf32>
        tpu.vector_store %arg9[%swap3A, %swap3A_66], %swap3A_69 {strides = array<i32>} : memref<128x128xf32, #tpu.memory_space<vmem>>, vector<1x16xf32>,
      }
      %scan3A_57 = arith.constant 8 : i32
    }
    %scan3A_4 = arith.constant 128 : i32
    %mul3A_5 = arith.constant 632 : i32
    %mul3A_6 = arith.muli %arg1, %mul3A_5 : i32
    %scan3A_7 = arith.constant 0 : i32
    %scan3A_8 = arith.constant 4 : i32
    %scan3A_9 = arith.addi %scan3A_7, %scan3A_8 : i32
    %scan3A_10 = arith.constant 1 : i32
    scf.for %scan3A_48 = %scan3A_7 to %scan3A_9 step %scan3A_10  : i32 {
      %mul3A_49 = arith.constant 1 : i32
      %mul3A_50 = arith.muli %scan3A_48, %mul3A_49 : i32
      %add3A_51 = arith.constant 0 : i32
      %add3A_52 = arith.addi %add3A_51, %mul3A_50 : i32
      %mul3A_53 = arith.constant 128 : i32
      %mul3A_54 = arith.muli %add3A_52, %mul3A_53 : i32
      %add3A_55 = arith.addi %mul3A_6, %mul3A_54 : i32
      "tpu.region"() ({
        %run_scoped3A_56 = tpu.sem_alloc : memref<!tpu.dma_semaphore, #tpu.memory_space<semaphore_mem>>
        %dma_start3A_57 = arith.constant 0 : i32
        %dma_start3A_58 = tpu.memref_slice %arg11[%add3A_55, %dma_start3A_57] : memref<10112x128xf32, #tpu.memory_space<vmem_shared>> -> memref<128x128xf32, #tpu.memory_space<vmem_shared>>
        %dma_start3A_59 = arith.constant 0 : i32
        %dma_start3A_60 = tpu.memref_slice %arg11[%add3A_55, %dma_start3A_59] : memref<10112x128xf32, #tpu.memory_space<vmem_shared>> -> memref<128x128xf32, #tpu.memory_space<vmem_shared>>
        tpu.enqueue_dma source(%arg9 : memref<128x128xf32, #tpu.memory_space<vmem>>) target(%dma_start3A_60 : memref<128x128xf32, #tpu.memory_space<vmem_shared>>) target_semaphore(%run_scoped3A_56 : memref<!tpu.dma_semaphore, #tpu.memory_space<semaphore_mem>>)
        %dma_wait3A = arith.constant 0 : i32
        %dma_wait3A_61 = tpu.memref_slice %arg11[%add3A_55, %dma_wait3A] : memref<10112x128xf32, #tpu.memory_space<vmem_shared>> -> memref<128x128xf32, #tpu.memory_space<vmem_shared>>
        %dma_wait3A_62 = arith.constant 0 : i32
        %dma_wait3A_63 = tpu.memref_slice %arg11[%add3A_55, %dma_wait3A_62] : memref<10112x128xf32, #tpu.memory_space<vmem_shared>> -> memref<128x128xf32, #tpu.memory_space<vmem_shared>>
        tpu.wait_dma2 semaphore(%run_scoped3A_56 : memref<!tpu.dma_semaphore, #tpu.memory_space<semaphore_mem>>) src(%arg9 : memref<128x128xf32, #tpu.memory_space<vmem>>) dst(%dma_wait3A_63 : memref<128x128xf32, #tpu.memory_space<vmem_shared>>)
        tpu.yield
      }) : () -> ()
    }
    %scan3A_11 = arith.constant 4 : i32
    %add3A_12 = arith.constant 512 : i32
    %add3A_13 = arith.addi %mul3A_6, %add3A_12 : i32
    "tpu.region"() ({
      %run_scoped3A_48 = tpu.sem_alloc : memref<!tpu.dma_semaphore, #tpu.memory_space<semaphore_mem>>
      %dma_start3A_49 = arith.constant 0 : i32
      %dma_start3A_50 = arith.constant 0 : i32
      %dma_start3A_51 = tpu.memref_slice %arg9[%dma_start3A_49, %dma_start3A_50] : memref<128x128xf32, #tpu.memory_space<vmem>> -> memref<120x128xf32, #tpu.memory_space<vmem>>
      %dma_start3A_52 = arith.constant 0 : i32
      %dma_start3A_53 = tpu.memref_slice %arg11[%add3A_13, %dma_start3A_52] : memref<10112x128xf32, #tpu.memory_space<vmem_shared>> -> memref<120x128xf32, #tpu.memory_space<vmem_shared>>
      %dma_start3A_54 = arith.constant 0 : i32
      %dma_start3A_55 = tpu.memref_slice %arg11[%add3A_13, %dma_start3A_54] : memref<10112x128xf32, #tpu.memory_space<vmem_shared>> -> memref<120x128xf32, #tpu.memory_space<vmem_shared>>
      %dma_start3A_56 = arith.constant 0 : i32
      %dma_start3A_57 = arith.constant 0 : i32
      %dma_start3A_58 = tpu.memref_slice %arg9[%dma_start3A_56, %dma_start3A_57] : memref<128x128xf32, #tpu.memory_space<vmem>> -> memref<120x128xf32, #tpu.memory_space<vmem>>
      tpu.enqueue_dma source(%dma_start3A_58 : memref<120x128xf32, #tpu.memory_space<vmem>>) target(%dma_start3A_55 : memref<120x128xf32, #tpu.memory_space<vmem_shared>>) target_semaphore(%run_scoped3A_48 : memref<!tpu.dma_semaphore, #tpu.memory_space<semaphore_mem>>)
      %dma_wait3A = arith.constant 0 : i32
      %dma_wait3A_59 = arith.constant 0 : i32
      %dma_wait3A_60 = tpu.memref_slice %arg9[%dma_wait3A, %dma_wait3A_59] : memref<128x128xf32, #tpu.memory_space<vmem>> -> memref<120x128xf32, #tpu.memory_space<vmem>>
      %dma_wait3A_61 = arith.constant 0 : i32
      %dma_wait3A_62 = tpu.memref_slice %arg11[%add3A_13, %dma_wait3A_61] : memref<10112x128xf32, #tpu.memory_space<vmem_shared>> -> memref<120x128xf32, #tpu.memory_space<vmem_shared>>
      %dma_wait3A_63 = arith.constant 0 : i32
      %dma_wait3A_64 = tpu.memref_slice %arg11[%add3A_13, %dma_wait3A_63] : memref<10112x128xf32, #tpu.memory_space<vmem_shared>> -> memref<120x128xf32, #tpu.memory_space<vmem_shared>>
      %dma_wait3A_65 = arith.constant 0 : i32
      %dma_wait3A_66 = arith.constant 0 : i32
      %dma_wait3A_67 = tpu.memref_slice %arg9[%dma_wait3A_65, %dma_wait3A_66] : memref<128x128xf32, #tpu.memory_space<vmem>> -> memref<120x128xf32, #tpu.memory_space<vmem>>
      tpu.wait_dma2 semaphore(%run_scoped3A_48 : memref<!tpu.dma_semaphore, #tpu.memory_space<semaphore_mem>>) src(%dma_wait3A_67 : memref<120x128xf32, #tpu.memory_space<vmem>>) dst(%dma_wait3A_64 : memref<120x128xf32, #tpu.memory_space<vmem_shared>>)
      tpu.yield
    }) : () -> ()
    %barrier3A = arith.constant 0 : index
    tpu.barrier barrier_id(%barrier3A)
    %mul3A_14 = arith.constant 80 : i32
    %mul3A_15 = arith.muli %add3A, %mul3A_14 : i32
    %add3A_16 = arith.constant 0 : i32
    %add3A_17 = arith.addi %mul3A_15, %add3A_16 : i32
    %min3A = arith.constant 2559 : i32
    %min3A_18 = arith.minsi %add3A_17, %min3A : i32
    %run_scoped3A = arith.constant 0 : i32
    "tpu.region"() ({
      %run_scoped3A_48 = tpu.sem_alloc : memref<!tpu.dma_semaphore, #tpu.memory_space<semaphore_mem>>
      %dma_start3A_49 = arith.constant 0 : i32
      %dma_start3A_50 = tpu.memref_slice %arg3[%run_scoped3A, %min3A_18, %dma_start3A_49] : memref<2x2560x128xi32, #tpu.memory_space<hbm>> -> memref<1x1x128xi32, #tpu.memory_space<hbm>>
      %dma_start3A_51 = tpu.memref_squeeze %dma_start3A_50 : memref<1x1x128xi32, #tpu.memory_space<hbm>> -> memref<128xi32, #tpu.memory_space<hbm>>
      %dma_start3A_52 = arith.constant 0 : i32
      %dma_start3A_53 = tpu.memref_slice %arg3[%run_scoped3A, %min3A_18, %dma_start3A_52] : memref<2x2560x128xi32, #tpu.memory_space<hbm>> -> memref<1x1x128xi32, #tpu.memory_space<hbm>>
      %dma_start3A_54 = tpu.memref_squeeze %dma_start3A_53 : memref<1x1x128xi32, #tpu.memory_space<hbm>> -> memref<128xi32, #tpu.memory_space<hbm>>
      tpu.enqueue_dma source(%dma_start3A_54 : memref<128xi32, #tpu.memory_space<hbm>>) target(%arg5 : memref<128xi32, #tpu.memory_space<vmem>>) target_semaphore(%run_scoped3A_48 : memref<!tpu.dma_semaphore, #tpu.memory_space<semaphore_mem>>)
      %dma_wait3A = arith.constant 0 : i32
      %dma_wait3A_55 = tpu.memref_slice %arg3[%run_scoped3A, %min3A_18, %dma_wait3A] : memref<2x2560x128xi32, #tpu.memory_space<hbm>> -> memref<1x1x128xi32, #tpu.memory_space<hbm>>
      %dma_wait3A_56 = tpu.memref_squeeze %dma_wait3A_55 : memref<1x1x128xi32, #tpu.memory_space<hbm>> -> memref<128xi32, #tpu.memory_space<hbm>>
      %dma_wait3A_57 = arith.constant 0 : i32
      %dma_wait3A_58 = tpu.memref_slice %arg3[%run_scoped3A, %min3A_18, %dma_wait3A_57] : memref<2x2560x128xi32, #tpu.memory_space<hbm>> -> memref<1x1x128xi32, #tpu.memory_space<hbm>>
      %dma_wait3A_59 = tpu.memref_squeeze %dma_wait3A_58 : memref<1x1x128xi32, #tpu.memory_space<hbm>> -> memref<128xi32, #tpu.memory_space<hbm>>
      tpu.wait_dma2 semaphore(%run_scoped3A_48 : memref<!tpu.dma_semaphore, #tpu.memory_space<semaphore_mem>>) src(%dma_wait3A_59 : memref<128xi32, #tpu.memory_space<hbm>>) dst(%arg5 : memref<128xi32, #tpu.memory_space<vmem>>)
      tpu.yield
    }) : () -> ()
    %run_scoped3A_19 = arith.constant 1 : i32
    "tpu.region"() ({
      %run_scoped3A_48 = tpu.sem_alloc : memref<!tpu.dma_semaphore, #tpu.memory_space<semaphore_mem>>
      %dma_start3A_49 = arith.constant 0 : i32
      %dma_start3A_50 = tpu.memref_slice %arg3[%run_scoped3A_19, %min3A_18, %dma_start3A_49] : memref<2x2560x128xi32, #tpu.memory_space<hbm>> -> memref<1x1x128xi32, #tpu.memory_space<hbm>>
      %dma_start3A_51 = tpu.memref_squeeze %dma_start3A_50 : memref<1x1x128xi32, #tpu.memory_space<hbm>> -> memref<128xi32, #tpu.memory_space<hbm>>
      %dma_start3A_52 = arith.constant 0 : i32
      %dma_start3A_53 = tpu.memref_slice %arg3[%run_scoped3A_19, %min3A_18, %dma_start3A_52] : memref<2x2560x128xi32, #tpu.memory_space<hbm>> -> memref<1x1x128xi32, #tpu.memory_space<hbm>>
      %dma_start3A_54 = tpu.memref_squeeze %dma_start3A_53 : memref<1x1x128xi32, #tpu.memory_space<hbm>> -> memref<128xi32, #tpu.memory_space<hbm>>
      tpu.enqueue_dma source(%dma_start3A_54 : memref<128xi32, #tpu.memory_space<hbm>>) target(%arg6 : memref<128xi32, #tpu.memory_space<vmem>>) target_semaphore(%run_scoped3A_48 : memref<!tpu.dma_semaphore, #tpu.memory_space<semaphore_mem>>)
      %dma_wait3A = arith.constant 0 : i32
      %dma_wait3A_55 = tpu.memref_slice %arg3[%run_scoped3A_19, %min3A_18, %dma_wait3A] : memref<2x2560x128xi32, #tpu.memory_space<hbm>> -> memref<1x1x128xi32, #tpu.memory_space<hbm>>
      %dma_wait3A_56 = tpu.memref_squeeze %dma_wait3A_55 : memref<1x1x128xi32, #tpu.memory_space<hbm>> -> memref<128xi32, #tpu.memory_space<hbm>>
      %dma_wait3A_57 = arith.constant 0 : i32
      %dma_wait3A_58 = tpu.memref_slice %arg3[%run_scoped3A_19, %min3A_18, %dma_wait3A_57] : memref<2x2560x128xi32, #tpu.memory_space<hbm>> -> memref<1x1x128xi32, #tpu.memory_space<hbm>>
      %dma_wait3A_59 = tpu.memref_squeeze %dma_wait3A_58 : memref<1x1x128xi32, #tpu.memory_space<hbm>> -> memref<128xi32, #tpu.memory_space<hbm>>
      tpu.wait_dma2 semaphore(%run_scoped3A_48 : memref<!tpu.dma_semaphore, #tpu.memory_space<semaphore_mem>>) src(%dma_wait3A_59 : memref<128xi32, #tpu.memory_space<hbm>>) dst(%arg6 : memref<128xi32, #tpu.memory_space<vmem>>)
      tpu.yield
    }) : () -> ()
    %dma_start3A = arith.constant 0 : i32
    %dma_start3A_20 = arith.constant 0 : i32
    %dma_start3A_21 = tpu.memref_slice %arg2[%dma_start3A, %dma_start3A_20] : memref<10112x128xf32, #tpu.memory_space<hbm>> -> memref<10112x128xf32, #tpu.memory_space<hbm>>
    tpu.enqueue_indirect_dma source(%dma_start3A_21 : memref<10112x128xf32, #tpu.memory_space<hbm>>) target(%arg9 : memref<128x128xf32, #tpu.memory_space<vmem>>) offsets(%arg5 : memref<128xi32, #tpu.memory_space<vmem>>) semaphore(%arg12 : memref<!tpu.dma_semaphore, #tpu.memory_space<semaphore_mem>>)
    %mul3A_22 = arith.constant 80 : i32
    %mul3A_23 = arith.muli %add3A, %mul3A_22 : i32
    %add3A_24 = arith.constant 1 : i32
    %add3A_25 = arith.addi %mul3A_23, %add3A_24 : i32
    %min3A_26 = arith.constant 2559 : i32
    %min3A_27 = arith.minsi %add3A_25, %min3A_26 : i32
    %run_scoped3A_28 = arith.constant 0 : i32
    "tpu.region"() ({
      %run_scoped3A_48 = tpu.sem_alloc : memref<!tpu.dma_semaphore, #tpu.memory_space<semaphore_mem>>
      %dma_start3A_49 = arith.constant 0 : i32
      %dma_start3A_50 = tpu.memref_slice %arg3[%run_scoped3A_28, %min3A_27, %dma_start3A_49] : memref<2x2560x128xi32, #tpu.memory_space<hbm>> -> memref<1x1x128xi32, #tpu.memory_space<hbm>>
      %dma_start3A_51 = tpu.memref_squeeze %dma_start3A_50 : memref<1x1x128xi32, #tpu.memory_space<hbm>> -> memref<128xi32, #tpu.memory_space<hbm>>
      %dma_start3A_52 = arith.constant 0 : i32
      %dma_start3A_53 = tpu.memref_slice %arg3[%run_scoped3A_28, %min3A_27, %dma_start3A_52] : memref<2x2560x128xi32, #tpu.memory_space<hbm>> -> memref<1x1x128xi32, #tpu.memory_space<hbm>>
      %dma_start3A_54 = tpu.memref_squeeze %dma_start3A_53 : memref<1x1x128xi32, #tpu.memory_space<hbm>> -> memref<128xi32, #tpu.memory_space<hbm>>
      tpu.enqueue_dma source(%dma_start3A_54 : memref<128xi32, #tpu.memory_space<hbm>>) target(%arg7 : memref<128xi32, #tpu.memory_space<vmem>>) target_semaphore(%run_scoped3A_48 : memref<!tpu.dma_semaphore, #tpu.memory_space<semaphore_mem>>)
      %dma_wait3A = arith.constant 0 : i32
      %dma_wait3A_55 = tpu.memref_slice %arg3[%run_scoped3A_28, %min3A_27, %dma_wait3A] : memref<2x2560x128xi32, #tpu.memory_space<hbm>> -> memref<1x1x128xi32, #tpu.memory_space<hbm>>
      %dma_wait3A_56 = tpu.memref_squeeze %dma_wait3A_55 : memref<1x1x128xi32, #tpu.memory_space<hbm>> -> memref<128xi32, #tpu.memory_space<hbm>>
      %dma_wait3A_57 = arith.constant 0 : i32
      %dma_wait3A_58 = tpu.memref_slice %arg3[%run_scoped3A_28, %min3A_27, %dma_wait3A_57] : memref<2x2560x128xi32, #tpu.memory_space<hbm>> -> memref<1x1x128xi32, #tpu.memory_space<hbm>>
      %dma_wait3A_59 = tpu.memref_squeeze %dma_wait3A_58 : memref<1x1x128xi32, #tpu.memory_space<hbm>> -> memref<128xi32, #tpu.memory_space<hbm>>
      tpu.wait_dma2 semaphore(%run_scoped3A_48 : memref<!tpu.dma_semaphore, #tpu.memory_space<semaphore_mem>>) src(%dma_wait3A_59 : memref<128xi32, #tpu.memory_space<hbm>>) dst(%arg7 : memref<128xi32, #tpu.memory_space<vmem>>)
      tpu.yield
    }) : () -> ()
    %run_scoped3A_29 = arith.constant 1 : i32
    "tpu.region"() ({
      %run_scoped3A_48 = tpu.sem_alloc : memref<!tpu.dma_semaphore, #tpu.memory_space<semaphore_mem>>
      %dma_start3A_49 = arith.constant 0 : i32
      %dma_start3A_50 = tpu.memref_slice %arg3[%run_scoped3A_29, %min3A_27, %dma_start3A_49] : memref<2x2560x128xi32, #tpu.memory_space<hbm>> -> memref<1x1x128xi32, #tpu.memory_space<hbm>>
      %dma_start3A_51 = tpu.memref_squeeze %dma_start3A_50 : memref<1x1x128xi32, #tpu.memory_space<hbm>> -> memref<128xi32, #tpu.memory_space<hbm>>
      %dma_start3A_52 = arith.constant 0 : i32
      %dma_start3A_53 = tpu.memref_slice %arg3[%run_scoped3A_29, %min3A_27, %dma_start3A_52] : memref<2x2560x128xi32, #tpu.memory_space<hbm>> -> memref<1x1x128xi32, #tpu.memory_space<hbm>>
      %dma_start3A_54 = tpu.memref_squeeze %dma_start3A_53 : memref<1x1x128xi32, #tpu.memory_space<hbm>> -> memref<128xi32, #tpu.memory_space<hbm>>
      tpu.enqueue_dma source(%dma_start3A_54 : memref<128xi32, #tpu.memory_space<hbm>>) target(%arg8 : memref<128xi32, #tpu.memory_space<vmem>>) target_semaphore(%run_scoped3A_48 : memref<!tpu.dma_semaphore, #tpu.memory_space<semaphore_mem>>)
      %dma_wait3A = arith.constant 0 : i32
      %dma_wait3A_55 = tpu.memref_slice %arg3[%run_scoped3A_29, %min3A_27, %dma_wait3A] : memref<2x2560x128xi32, #tpu.memory_space<hbm>> -> memref<1x1x128xi32, #tpu.memory_space<hbm>>
      %dma_wait3A_56 = tpu.memref_squeeze %dma_wait3A_55 : memref<1x1x128xi32, #tpu.memory_space<hbm>> -> memref<128xi32, #tpu.memory_space<hbm>>
      %dma_wait3A_57 = arith.constant 0 : i32
      %dma_wait3A_58 = tpu.memref_slice %arg3[%run_scoped3A_29, %min3A_27, %dma_wait3A_57] : memref<2x2560x128xi32, #tpu.memory_space<hbm>> -> memref<1x1x128xi32, #tpu.memory_space<hbm>>
      %dma_wait3A_59 = tpu.memref_squeeze %dma_wait3A_58 : memref<1x1x128xi32, #tpu.memory_space<hbm>> -> memref<128xi32, #tpu.memory_space<hbm>>
      tpu.wait_dma2 semaphore(%run_scoped3A_48 : memref<!tpu.dma_semaphore, #tpu.memory_space<semaphore_mem>>) src(%dma_wait3A_59 : memref<128xi32, #tpu.memory_space<hbm>>) dst(%arg8 : memref<128xi32, #tpu.memory_space<vmem>>)
      tpu.yield
    }) : () -> ()
    %dma_start3A_30 = arith.constant 0 : i32
    %dma_start3A_31 = arith.constant 0 : i32
    %dma_start3A_32 = tpu.memref_slice %arg2[%dma_start3A_30, %dma_start3A_31] : memref<10112x128xf32, #tpu.memory_space<hbm>> -> memref<10112x128xf32, #tpu.memory_space<hbm>>
    tpu.enqueue_indirect_dma source(%dma_start3A_32 : memref<10112x128xf32, #tpu.memory_space<hbm>>) target(%arg10 : memref<128x128xf32, #tpu.memory_space<vmem>>) offsets(%arg7 : memref<128xi32, #tpu.memory_space<vmem>>) semaphore(%arg13 : memref<!tpu.dma_semaphore, #tpu.memory_space<semaphore_mem>>)
    %scan3A_33 = arith.constant 0 : i32
    %scan3A_34 = arith.constant 40 : i32
    %scan3A_35 = arith.addi %scan3A_33, %scan3A_34 : i32
    %scan3A_36 = arith.constant 1 : i32
    scf.for %scan3A_48 = %scan3A_33 to %scan3A_35 step %scan3A_36  : i32 {
      %mul3A_49 = arith.constant 1 : i32
      %mul3A_50 = arith.muli %scan3A_48, %mul3A_49 : i32
      %add3A_51 = arith.constant 0 : i32
      %add3A_52 = arith.addi %add3A_51, %mul3A_50 : i32
      %mul3A_53 = arith.constant 2 : i32
      %mul3A_54 = arith.muli %add3A_52, %mul3A_53 : i32
      %dma_wait3A = arith.constant 0 : i32
      %dma_wait3A_55 = arith.constant 0 : i32
      %dma_wait3A_56 = tpu.memref_slice %arg2[%dma_wait3A, %dma_wait3A_55] : memref<10112x128xf32, #tpu.memory_space<hbm>> -> memref<10112x128xf32, #tpu.memory_space<hbm>>
      tpu.wait_indirect_dma semaphore(%arg12 : memref<!tpu.dma_semaphore, #tpu.memory_space<semaphore_mem>>) src(%dma_wait3A_56 : memref<10112x128xf32, #tpu.memory_space<hbm>>) dst(%arg9 : memref<128x128xf32, #tpu.memory_space<vmem>>)
      "tpu.region"() ({
        %run_scoped3A_89 = tpu.sem_alloc : memref<!tpu.dma_semaphore, #tpu.memory_space<semaphore_mem>>
        %dma_start3A_90 = arith.constant 0 : i32
        %dma_start3A_91 = arith.constant 0 : i32
        %dma_start3A_92 = tpu.memref_slice %arg11[%dma_start3A_90, %dma_start3A_91] : memref<10112x128xf32, #tpu.memory_space<vmem_shared>> -> memref<10112x128xf32, #tpu.memory_space<vmem_shared>>
        tpu.enqueue_indirect_dma source(%arg9 : memref<128x128xf32, #tpu.memory_space<vmem>>) target(%dma_start3A_92 : memref<10112x128xf32, #tpu.memory_space<vmem_shared>>) offsets(%arg6 : memref<128xi32, #tpu.memory_space<vmem>>) semaphore(%run_scoped3A_89 : memref<!tpu.dma_semaphore, #tpu.memory_space<semaphore_mem>>) {add = true}
        %dma_wait3A_93 = arith.constant 0 : i32
        %dma_wait3A_94 = arith.constant 0 : i32
        %dma_wait3A_95 = tpu.memref_slice %arg11[%dma_wait3A_93, %dma_wait3A_94] : memref<10112x128xf32, #tpu.memory_space<vmem_shared>> -> memref<10112x128xf32, #tpu.memory_space<vmem_shared>>
        tpu.wait_indirect_dma semaphore(%run_scoped3A_89 : memref<!tpu.dma_semaphore, #tpu.memory_space<semaphore_mem>>) src(%arg9 : memref<128x128xf32, #tpu.memory_space<vmem>>) dst(%dma_wait3A_95 : memref<10112x128xf32, #tpu.memory_space<vmem_shared>>)
        tpu.yield
      }) : () -> ()
      %add3A_57 = arith.constant 2 : i32
      %add3A_58 = arith.addi %mul3A_54, %add3A_57 : i32
      %mul3A_59 = arith.constant 80 : i32
      %mul3A_60 = arith.muli %add3A, %mul3A_59 : i32
      %add3A_61 = arith.addi %mul3A_60, %add3A_58 : i32
      %min3A_62 = arith.constant 2559 : i32
      %min3A_63 = arith.minsi %add3A_61, %min3A_62 : i32
      %run_scoped3A_64 = arith.constant 0 : i32
      "tpu.region"() ({
        %run_scoped3A_89 = tpu.sem_alloc : memref<!tpu.dma_semaphore, #tpu.memory_space<semaphore_mem>>
        %dma_start3A_90 = arith.constant 0 : i32
        %dma_start3A_91 = tpu.memref_slice %arg3[%run_scoped3A_64, %min3A_63, %dma_start3A_90] : memref<2x2560x128xi32, #tpu.memory_space<hbm>> -> memref<1x1x128xi32, #tpu.memory_space<hbm>>
        %dma_start3A_92 = tpu.memref_squeeze %dma_start3A_91 : memref<1x1x128xi32, #tpu.memory_space<hbm>> -> memref<128xi32, #tpu.memory_space<hbm>>
        %dma_start3A_93 = arith.constant 0 : i32
        %dma_start3A_94 = tpu.memref_slice %arg3[%run_scoped3A_64, %min3A_63, %dma_start3A_93] : memref<2x2560x128xi32, #tpu.memory_space<hbm>> -> memref<1x1x128xi32, #tpu.memory_space<hbm>>
        %dma_start3A_95 = tpu.memref_squeeze %dma_start3A_94 : memref<1x1x128xi32, #tpu.memory_space<hbm>> -> memref<128xi32, #tpu.memory_space<hbm>>
        tpu.enqueue_dma source(%dma_start3A_95 : memref<128xi32, #tpu.memory_space<hbm>>) target(%arg5 : memref<128xi32, #tpu.memory_space<vmem>>) target_semaphore(%run_scoped3A_89 : memref<!tpu.dma_semaphore, #tpu.memory_space<semaphore_mem>>)
        %dma_wait3A_96 = arith.constant 0 : i32
        %dma_wait3A_97 = tpu.memref_slice %arg3[%run_scoped3A_64, %min3A_63, %dma_wait3A_96] : memref<2x2560x128xi32, #tpu.memory_space<hbm>> -> memref<1x1x128xi32, #tpu.memory_space<hbm>>
        %dma_wait3A_98 = tpu.memref_squeeze %dma_wait3A_97 : memref<1x1x128xi32, #tpu.memory_space<hbm>> -> memref<128xi32, #tpu.memory_space<hbm>>
        %dma_wait3A_99 = arith.constant 0 : i32
        %dma_wait3A_100 = tpu.memref_slice %arg3[%run_scoped3A_64, %min3A_63, %dma_wait3A_99] : memref<2x2560x128xi32, #tpu.memory_space<hbm>> -> memref<1x1x128xi32, #tpu.memory_space<hbm>>
        %dma_wait3A_101 = tpu.memref_squeeze %dma_wait3A_100 : memref<1x1x128xi32, #tpu.memory_space<hbm>> -> memref<128xi32, #tpu.memory_space<hbm>>
        tpu.wait_dma2 semaphore(%run_scoped3A_89 : memref<!tpu.dma_semaphore, #tpu.memory_space<semaphore_mem>>) src(%dma_wait3A_101 : memref<128xi32, #tpu.memory_space<hbm>>) dst(%arg5 : memref<128xi32, #tpu.memory_space<vmem>>)
        tpu.yield
      }) : () -> ()
      %run_scoped3A_65 = arith.constant 1 : i32
      "tpu.region"() ({
        %run_scoped3A_89 = tpu.sem_alloc : memref<!tpu.dma_semaphore, #tpu.memory_space<semaphore_mem>>
        %dma_start3A_90 = arith.constant 0 : i32
        %dma_start3A_91 = tpu.memref_slice %arg3[%run_scoped3A_65, %min3A_63, %dma_start3A_90] : memref<2x2560x128xi32, #tpu.memory_space<hbm>> -> memref<1x1x128xi32, #tpu.memory_space<hbm>>
        %dma_start3A_92 = tpu.memref_squeeze %dma_start3A_91 : memref<1x1x128xi32, #tpu.memory_space<hbm>> -> memref<128xi32, #tpu.memory_space<hbm>>
        %dma_start3A_93 = arith.constant 0 : i32
        %dma_start3A_94 = tpu.memref_slice %arg3[%run_scoped3A_65, %min3A_63, %dma_start3A_93] : memref<2x2560x128xi32, #tpu.memory_space<hbm>> -> memref<1x1x128xi32, #tpu.memory_space<hbm>>
        %dma_start3A_95 = tpu.memref_squeeze %dma_start3A_94 : memref<1x1x128xi32, #tpu.memory_space<hbm>> -> memref<128xi32, #tpu.memory_space<hbm>>
        tpu.enqueue_dma source(%dma_start3A_95 : memref<128xi32, #tpu.memory_space<hbm>>) target(%arg6 : memref<128xi32, #tpu.memory_space<vmem>>) target_semaphore(%run_scoped3A_89 : memref<!tpu.dma_semaphore, #tpu.memory_space<semaphore_mem>>)
        %dma_wait3A_96 = arith.constant 0 : i32
        %dma_wait3A_97 = tpu.memref_slice %arg3[%run_scoped3A_65, %min3A_63, %dma_wait3A_96] : memref<2x2560x128xi32, #tpu.memory_space<hbm>> -> memref<1x1x128xi32, #tpu.memory_space<hbm>>
        %dma_wait3A_98 = tpu.memref_squeeze %dma_wait3A_97 : memref<1x1x128xi32, #tpu.memory_space<hbm>> -> memref<128xi32, #tpu.memory_space<hbm>>
        %dma_wait3A_99 = arith.constant 0 : i32
        %dma_wait3A_100 = tpu.memref_slice %arg3[%run_scoped3A_65, %min3A_63, %dma_wait3A_99] : memref<2x2560x128xi32, #tpu.memory_space<hbm>> -> memref<1x1x128xi32, #tpu.memory_space<hbm>>
        %dma_wait3A_101 = tpu.memref_squeeze %dma_wait3A_100 : memref<1x1x128xi32, #tpu.memory_space<hbm>> -> memref<128xi32, #tpu.memory_space<hbm>>
        tpu.wait_dma2 semaphore(%run_scoped3A_89 : memref<!tpu.dma_semaphore, #tpu.memory_space<semaphore_mem>>) src(%dma_wait3A_101 : memref<128xi32, #tpu.memory_space<hbm>>) dst(%arg6 : memref<128xi32, #tpu.memory_space<vmem>>)
        tpu.yield
      }) : () -> ()
      %add3A_66 = arith.constant 2 : i32
      %add3A_67 = arith.addi %mul3A_54, %add3A_66 : i32
      %lt3A = arith.constant 80 : i32
      %lt3A_68 = arith.cmpi slt, %add3A_67, %lt3A : i32
      %convert_element_type3A = arith.extui %lt3A_68 : i1 to i32
      %cond3A = arith.constant 0 : i32
      %cond3A_69 = arith.cmpi ne, %convert_element_type3A, %cond3A : i32
      scf.if %cond3A_69 {
        %dma_start3A_89 = arith.constant 0 : i32
        %dma_start3A_90 = arith.constant 0 : i32
        %dma_start3A_91 = tpu.memref_slice %arg2[%dma_start3A_89, %dma_start3A_90] : memref<10112x128xf32, #tpu.memory_space<hbm>> -> memref<10112x128xf32, #tpu.memory_space<hbm>>
        tpu.enqueue_indirect_dma source(%dma_start3A_91 : memref<10112x128xf32, #tpu.memory_space<hbm>>) target(%arg9 : memref<128x128xf32, #tpu.memory_space<vmem>>) offsets(%arg5 : memref<128xi32, #tpu.memory_space<vmem>>) semaphore(%arg12 : memref<!tpu.dma_semaphore, #tpu.memory_space<semaphore_mem>>)
      } else {
      }
      %dma_wait3A_70 = arith.constant 0 : i32
      %dma_wait3A_71 = arith.constant 0 : i32
      %dma_wait3A_72 = tpu.memref_slice %arg2[%dma_wait3A_70, %dma_wait3A_71] : memref<10112x128xf32, #tpu.memory_space<hbm>> -> memref<10112x128xf32, #tpu.memory_space<hbm>>
      tpu.wait_indirect_dma semaphore(%arg13 : memref<!tpu.dma_semaphore, #tpu.memory_space<semaphore_mem>>) src(%dma_wait3A_72 : memref<10112x128xf32, #tpu.memory_space<hbm>>) dst(%arg10 : memref<128x128xf32, #tpu.memory_space<vmem>>)
      "tpu.region"() ({
        %run_scoped3A_89 = tpu.sem_alloc : memref<!tpu.dma_semaphore, #tpu.memory_space<semaphore_mem>>
        %dma_start3A_90 = arith.constant 0 : i32
        %dma_start3A_91 = arith.constant 0 : i32
        %dma_start3A_92 = tpu.memref_slice %arg11[%dma_start3A_90, %dma_start3A_91] : memref<10112x128xf32, #tpu.memory_space<vmem_shared>> -> memref<10112x128xf32, #tpu.memory_space<vmem_shared>>
        tpu.enqueue_indirect_dma source(%arg10 : memref<128x128xf32, #tpu.memory_space<vmem>>) target(%dma_start3A_92 : memref<10112x128xf32, #tpu.memory_space<vmem_shared>>) offsets(%arg8 : memref<128xi32, #tpu.memory_space<vmem>>) semaphore(%run_scoped3A_89 : memref<!tpu.dma_semaphore, #tpu.memory_space<semaphore_mem>>) {add = true}
        %dma_wait3A_93 = arith.constant 0 : i32
        %dma_wait3A_94 = arith.constant 0 : i32
        %dma_wait3A_95 = tpu.memref_slice %arg11[%dma_wait3A_93, %dma_wait3A_94] : memref<10112x128xf32, #tpu.memory_space<vmem_shared>> -> memref<10112x128xf32, #tpu.memory_space<vmem_shared>>
        tpu.wait_indirect_dma semaphore(%run_scoped3A_89 : memref<!tpu.dma_semaphore, #tpu.memory_space<semaphore_mem>>) src(%arg10 : memref<128x128xf32, #tpu.memory_space<vmem>>) dst(%dma_wait3A_95 : memref<10112x128xf32, #tpu.memory_space<vmem_shared>>)
        tpu.yield
      }) : () -> ()
      %add3A_73 = arith.constant 3 : i32
      %add3A_74 = arith.addi %mul3A_54, %add3A_73 : i32
      %mul3A_75 = arith.constant 80 : i32
      %mul3A_76 = arith.muli %add3A, %mul3A_75 : i32
      %add3A_77 = arith.addi %mul3A_76, %add3A_74 : i32
      %min3A_78 = arith.constant 2559 : i32
      %min3A_79 = arith.minsi %add3A_77, %min3A_78 : i32
      %run_scoped3A_80 = arith.constant 0 : i32
      "tpu.region"() ({
        %run_scoped3A_89 = tpu.sem_alloc : memref<!tpu.dma_semaphore, #tpu.memory_space<semaphore_mem>>
        %dma_start3A_90 = arith.constant 0 : i32
        %dma_start3A_91 = tpu.memref_slice %arg3[%run_scoped3A_80, %min3A_79, %dma_start3A_90] : memref<2x2560x128xi32, #tpu.memory_space<hbm>> -> memref<1x1x128xi32, #tpu.memory_space<hbm>>
        %dma_start3A_92 = tpu.memref_squeeze %dma_start3A_91 : memref<1x1x128xi32, #tpu.memory_space<hbm>> -> memref<128xi32, #tpu.memory_space<hbm>>
        %dma_start3A_93 = arith.constant 0 : i32
        %dma_start3A_94 = tpu.memref_slice %arg3[%run_scoped3A_80, %min3A_79, %dma_start3A_93] : memref<2x2560x128xi32, #tpu.memory_space<hbm>> -> memref<1x1x128xi32, #tpu.memory_space<hbm>>
        %dma_start3A_95 = tpu.memref_squeeze %dma_start3A_94 : memref<1x1x128xi32, #tpu.memory_space<hbm>> -> memref<128xi32, #tpu.memory_space<hbm>>
        tpu.enqueue_dma source(%dma_start3A_95 : memref<128xi32, #tpu.memory_space<hbm>>) target(%arg7 : memref<128xi32, #tpu.memory_space<vmem>>) target_semaphore(%run_scoped3A_89 : memref<!tpu.dma_semaphore, #tpu.memory_space<semaphore_mem>>)
        %dma_wait3A_96 = arith.constant 0 : i32
        %dma_wait3A_97 = tpu.memref_slice %arg3[%run_scoped3A_80, %min3A_79, %dma_wait3A_96] : memref<2x2560x128xi32, #tpu.memory_space<hbm>> -> memref<1x1x128xi32, #tpu.memory_space<hbm>>
        %dma_wait3A_98 = tpu.memref_squeeze %dma_wait3A_97 : memref<1x1x128xi32, #tpu.memory_space<hbm>> -> memref<128xi32, #tpu.memory_space<hbm>>
        %dma_wait3A_99 = arith.constant 0 : i32
        %dma_wait3A_100 = tpu.memref_slice %arg3[%run_scoped3A_80, %min3A_79, %dma_wait3A_99] : memref<2x2560x128xi32, #tpu.memory_space<hbm>> -> memref<1x1x128xi32, #tpu.memory_space<hbm>>
        %dma_wait3A_101 = tpu.memref_squeeze %dma_wait3A_100 : memref<1x1x128xi32, #tpu.memory_space<hbm>> -> memref<128xi32, #tpu.memory_space<hbm>>
        tpu.wait_dma2 semaphore(%run_scoped3A_89 : memref<!tpu.dma_semaphore, #tpu.memory_space<semaphore_mem>>) src(%dma_wait3A_101 : memref<128xi32, #tpu.memory_space<hbm>>) dst(%arg7 : memref<128xi32, #tpu.memory_space<vmem>>)
        tpu.yield
      }) : () -> ()
      %run_scoped3A_81 = arith.constant 1 : i32
      "tpu.region"() ({
        %run_scoped3A_89 = tpu.sem_alloc : memref<!tpu.dma_semaphore, #tpu.memory_space<semaphore_mem>>
        %dma_start3A_90 = arith.constant 0 : i32
        %dma_start3A_91 = tpu.memref_slice %arg3[%run_scoped3A_81, %min3A_79, %dma_start3A_90] : memref<2x2560x128xi32, #tpu.memory_space<hbm>> -> memref<1x1x128xi32, #tpu.memory_space<hbm>>
        %dma_start3A_92 = tpu.memref_squeeze %dma_start3A_91 : memref<1x1x128xi32, #tpu.memory_space<hbm>> -> memref<128xi32, #tpu.memory_space<hbm>>
        %dma_start3A_93 = arith.constant 0 : i32
        %dma_start3A_94 = tpu.memref_slice %arg3[%run_scoped3A_81, %min3A_79, %dma_start3A_93] : memref<2x2560x128xi32, #tpu.memory_space<hbm>> -> memref<1x1x128xi32, #tpu.memory_space<hbm>>
        %dma_start3A_95 = tpu.memref_squeeze %dma_start3A_94 : memref<1x1x128xi32, #tpu.memory_space<hbm>> -> memref<128xi32, #tpu.memory_space<hbm>>
        tpu.enqueue_dma source(%dma_start3A_95 : memref<128xi32, #tpu.memory_space<hbm>>) target(%arg8 : memref<128xi32, #tpu.memory_space<vmem>>) target_semaphore(%run_scoped3A_89 : memref<!tpu.dma_semaphore, #tpu.memory_space<semaphore_mem>>)
        %dma_wait3A_96 = arith.constant 0 : i32
        %dma_wait3A_97 = tpu.memref_slice %arg3[%run_scoped3A_81, %min3A_79, %dma_wait3A_96] : memref<2x2560x128xi32, #tpu.memory_space<hbm>> -> memref<1x1x128xi32, #tpu.memory_space<hbm>>
        %dma_wait3A_98 = tpu.memref_squeeze %dma_wait3A_97 : memref<1x1x128xi32, #tpu.memory_space<hbm>> -> memref<128xi32, #tpu.memory_space<hbm>>
        %dma_wait3A_99 = arith.constant 0 : i32
        %dma_wait3A_100 = tpu.memref_slice %arg3[%run_scoped3A_81, %min3A_79, %dma_wait3A_99] : memref<2x2560x128xi32, #tpu.memory_space<hbm>> -> memref<1x1x128xi32, #tpu.memory_space<hbm>>
        %dma_wait3A_101 = tpu.memref_squeeze %dma_wait3A_100 : memref<1x1x128xi32, #tpu.memory_space<hbm>> -> memref<128xi32, #tpu.memory_space<hbm>>
        tpu.wait_dma2 semaphore(%run_scoped3A_89 : memref<!tpu.dma_semaphore, #tpu.memory_space<semaphore_mem>>) src(%dma_wait3A_101 : memref<128xi32, #tpu.memory_space<hbm>>) dst(%arg8 : memref<128xi32, #tpu.memory_space<vmem>>)
        tpu.yield
      }) : () -> ()
      %add3A_82 = arith.constant 3 : i32
      %add3A_83 = arith.addi %mul3A_54, %add3A_82 : i32
      %lt3A_84 = arith.constant 80 : i32
      %lt3A_85 = arith.cmpi slt, %add3A_83, %lt3A_84 : i32
      %convert_element_type3A_86 = arith.extui %lt3A_85 : i1 to i32
      %cond3A_87 = arith.constant 0 : i32
      %cond3A_88 = arith.cmpi ne, %convert_element_type3A_86, %cond3A_87 : i32
      scf.if %cond3A_88 {
        %dma_start3A_89 = arith.constant 0 : i32
        %dma_start3A_90 = arith.constant 0 : i32
        %dma_start3A_91 = tpu.memref_slice %arg2[%dma_start3A_89, %dma_start3A_90] : memref<10112x128xf32, #tpu.memory_space<hbm>> -> memref<10112x128xf32, #tpu.memory_space<hbm>>
        tpu.enqueue_indirect_dma source(%dma_start3A_91 : memref<10112x128xf32, #tpu.memory_space<hbm>>) target(%arg10 : memref<128x128xf32, #tpu.memory_space<vmem>>) offsets(%arg7 : memref<128xi32, #tpu.memory_space<vmem>>) semaphore(%arg13 : memref<!tpu.dma_semaphore, #tpu.memory_space<semaphore_mem>>)
      } else {
      }
    }
    %scan3A_37 = arith.constant 40 : i32
    %barrier3A_38 = arith.constant 0 : index
    tpu.barrier barrier_id(%barrier3A_38)
    %scan3A_39 = arith.constant 0 : i32
    %scan3A_40 = arith.constant 4 : i32
    %scan3A_41 = arith.addi %scan3A_39, %scan3A_40 : i32
    %scan3A_42 = arith.constant 1 : i32
    scf.for %scan3A_48 = %scan3A_39 to %scan3A_41 step %scan3A_42  : i32 {
      %mul3A_49 = arith.constant 1 : i32
      %mul3A_50 = arith.muli %scan3A_48, %mul3A_49 : i32
      %add3A_51 = arith.constant 0 : i32
      %add3A_52 = arith.addi %add3A_51, %mul3A_50 : i32
      %mul3A_53 = arith.constant 128 : i32
      %mul3A_54 = arith.muli %add3A_52, %mul3A_53 : i32
      %add3A_55 = arith.addi %mul3A_6, %mul3A_54 : i32
      %mul3A_56 = arith.constant 128 : i32
      %mul3A_57 = arith.muli %add3A_52, %mul3A_56 : i32
      %add3A_58 = arith.addi %mul3A_6, %mul3A_57 : i32
      "tpu.region"() ({
        %run_scoped3A_59 = tpu.sem_alloc : memref<!tpu.dma_semaphore, #tpu.memory_space<semaphore_mem>>
        %dma_start3A_60 = arith.constant 0 : i32
        %dma_start3A_61 = tpu.memref_slice %arg4[%arg0, %add3A_58, %dma_start3A_60] : memref<2x10112x128xf32, #tpu.memory_space<hbm>> -> memref<1x128x128xf32, #tpu.memory_space<hbm>>
        %dma_start3A_62 = tpu.memref_squeeze %dma_start3A_61 : memref<1x128x128xf32, #tpu.memory_space<hbm>> -> memref<128x128xf32, #tpu.memory_space<hbm>>
        %dma_start3A_63 = arith.constant 0 : i32
        %dma_start3A_64 = tpu.memref_slice %arg11[%add3A_55, %dma_start3A_63] : memref<10112x128xf32, #tpu.memory_space<vmem_shared>> -> memref<128x128xf32, #tpu.memory_space<vmem_shared>>
        tpu.enqueue_dma source(%dma_start3A_64 : memref<128x128xf32, #tpu.memory_space<vmem_shared>>) target(%dma_start3A_62 : memref<128x128xf32, #tpu.memory_space<hbm>>) target_semaphore(%run_scoped3A_59 : memref<!tpu.dma_semaphore, #tpu.memory_space<semaphore_mem>>)
        %dma_wait3A = arith.constant 0 : i32
        %dma_wait3A_65 = tpu.memref_slice %arg4[%arg0, %add3A_58, %dma_wait3A] : memref<2x10112x128xf32, #tpu.memory_space<hbm>> -> memref<1x128x128xf32, #tpu.memory_space<hbm>>
        %dma_wait3A_66 = tpu.memref_squeeze %dma_wait3A_65 : memref<1x128x128xf32, #tpu.memory_space<hbm>> -> memref<128x128xf32, #tpu.memory_space<hbm>>
        %dma_wait3A_67 = arith.constant 0 : i32
        %dma_wait3A_68 = tpu.memref_slice %arg11[%add3A_55, %dma_wait3A_67] : memref<10112x128xf32, #tpu.memory_space<vmem_shared>> -> memref<128x128xf32, #tpu.memory_space<vmem_shared>>
        tpu.wait_dma2 semaphore(%run_scoped3A_59 : memref<!tpu.dma_semaphore, #tpu.memory_space<semaphore_mem>>) src(%dma_wait3A_68 : memref<128x128xf32, #tpu.memory_space<vmem_shared>>) dst(%dma_wait3A_66 : memref<128x128xf32, #tpu.memory_space<hbm>>)
        tpu.yield
      }) : () -> ()
    }
    %scan3A_43 = arith.constant 4 : i32
    %add3A_44 = arith.constant 512 : i32
    %add3A_45 = arith.addi %mul3A_6, %add3A_44 : i32
    %add3A_46 = arith.constant 512 : i32
    %add3A_47 = arith.addi %mul3A_6, %add3A_46 : i32
    "tpu.region"() ({
      %run_scoped3A_48 = tpu.sem_alloc : memref<!tpu.dma_semaphore, #tpu.memory_space<semaphore_mem>>
      %dma_start3A_49 = arith.constant 0 : i32
      %dma_start3A_50 = tpu.memref_slice %arg4[%arg0, %add3A_47, %dma_start3A_49] : memref<2x10112x128xf32, #tpu.memory_space<hbm>> -> memref<1x120x128xf32, #tpu.memory_space<hbm>>
      %dma_start3A_51 = tpu.memref_squeeze %dma_start3A_50 : memref<1x120x128xf32, #tpu.memory_space<hbm>> -> memref<120x128xf32, #tpu.memory_space<hbm>>
      %dma_start3A_52 = arith.constant 0 : i32
      %dma_start3A_53 = tpu.memref_slice %arg11[%add3A_45, %dma_start3A_52] : memref<10112x128xf32, #tpu.memory_space<vmem_shared>> -> memref<120x128xf32, #tpu.memory_space<vmem_shared>>
      tpu.enqueue_dma source(%dma_start3A_53 : memref<120x128xf32, #tpu.memory_space<vmem_shared>>) target(%dma_start3A_51 : memref<120x128xf32, #tpu.memory_space<hbm>>) target_semaphore(%run_scoped3A_48 : memref<!tpu.dma_semaphore, #tpu.memory_space<semaphore_mem>>)
      %dma_wait3A = arith.constant 0 : i32
      %dma_wait3A_54 = tpu.memref_slice %arg4[%arg0, %add3A_47, %dma_wait3A] : memref<2x10112x128xf32, #tpu.memory_space<hbm>> -> memref<1x120x128xf32, #tpu.memory_space<hbm>>
      %dma_wait3A_55 = tpu.memref_squeeze %dma_wait3A_54 : memref<1x120x128xf32, #tpu.memory_space<hbm>> -> memref<120x128xf32, #tpu.memory_space<hbm>>
      %dma_wait3A_56 = arith.constant 0 : i32
      %dma_wait3A_57 = tpu.memref_slice %arg11[%add3A_45, %dma_wait3A_56] : memref<10112x128xf32, #tpu.memory_space<vmem_shared>> -> memref<120x128xf32, #tpu.memory_space<vmem_shared>>
      tpu.wait_dma2 semaphore(%run_scoped3A_48 : memref<!tpu.dma_semaphore, #tpu.memory_space<semaphore_mem>>) src(%dma_wait3A_57 : memref<120x128xf32, #tpu.memory_space<vmem_shared>>) dst(%dma_wait3A_55 : memref<120x128xf32, #tpu.memory_space<hbm>>)
      tpu.yield
    }) : () -> ()
    return
  }
}

#map = affine_map<(d0, d1) -> (0, 0)>
#map1 = affine_map<(d0, d1) -> (0, 0, 0)>
module attributes {stable_mosaic.version = 14 : i64} {
  func.func @_sc_propagate_body(%arg0: i32, %arg1: i32, %arg2: memref<10112x128xf32, #tpu.memory_space<hbm>>, %arg3: memref<2x2560x128xi32, #tpu.memory_space<hbm>>, %arg4: memref<2x10112x128xf32, #tpu.memory_space<hbm>>, %arg5: memref<128xi32, #tpu.memory_space<vmem>>, %arg6: memref<128xi32, #tpu.memory_space<vmem>>, %arg7: memref<128xi32, #tpu.memory_space<vmem>>, %arg8: memref<128xi32, #tpu.memory_space<vmem>>, %arg9: memref<128x128xf32, #tpu.memory_space<vmem>>, %arg10: memref<128x128xf32, #tpu.memory_space<vmem>>, %arg11: memref<10112x128xf32, #tpu.memory_space<vmem_shared>>, %arg12: memref<!tpu.dma_semaphore, #tpu.memory_space<semaphore_mem>>, %arg13: memref<!tpu.dma_semaphore, #tpu.memory_space<semaphore_mem>>) attributes {dimension_semantics = [#tpu.dimension_semantics<core_parallel>, #tpu.dimension_semantics<subcore_parallel>], iteration_bounds = array<i64: 2, 16>, scalar_prefetch = 0 : i64, scratch_operands = 9 : i64, tpu.core_type = #tpu.core_type<sc_vector_subcore>, window_params = [{transform_indices = #map}, {transform_indices = #map1}, {transform_indices = #map1}]} {
    %mul3A = arith.constant 16 : i32
    %mul3A_0 = arith.muli %arg0, %mul3A : i32
    %add3A = arith.addi %mul3A_0, %arg1 : i32
    %scan3A = arith.constant 0 : i32
    %scan3A_1 = arith.constant 128 : i32
    %scan3A_2 = arith.addi %scan3A, %scan3A_1 : i32
    %scan3A_3 = arith.constant 1 : i32
    scf.for %scan3A_48 = %scan3A to %scan3A_2 step %scan3A_3  : i32 {
      %mul3A_49 = arith.constant 1 : i32
      %mul3A_50 = arith.muli %scan3A_48, %mul3A_49 : i32
      %add3A_51 = arith.constant 0 : i32
      %add3A_52 = arith.addi %add3A_51, %mul3A_50 : i32
      %scan3A_53 = arith.constant 0 : i32
      %scan3A_54 = arith.constant 8 : i32
      %scan3A_55 = arith.addi %scan3A_53, %scan3A_54 : i32
      %scan3A_56 = arith.constant 1 : i32
      scf.for %scan3A_58 = %scan3A_53 to %scan3A_55 step %scan3A_56  : i32 {
        %mul3A_59 = arith.constant 1 : i32
        %mul3A_60 = arith.muli %scan3A_58, %mul3A_59 : i32
        %add3A_61 = arith.constant 0 : i32
        %add3A_62 = arith.addi %add3A_61, %mul3A_60 : i32
        %broadcast_in_dim3A = arith.constant 0.000000e+00 : f32
        %broadcast_in_dim3A_63 = vector.broadcast %broadcast_in_dim3A : f32 to vector<16xf32>
        %mul3A_64 = arith.constant 16 : i32
        %mul3A_65 = arith.muli %add3A_62, %mul3A_64 : i32
        %swap3A = arith.index_cast %add3A_52 : i32 to index
        %swap3A_66 = arith.index_cast %mul3A_65 : i32 to index
        %swap3A_67 = tpu.vector_load %arg9[%swap3A, %swap3A_66] {strides = array<i32>} : memref<128x128xf32, #tpu.memory_space<vmem>>, vector<1x16xf32>,
        %swap3A_68 = vector.shape_cast %swap3A_67 : vector<1x16xf32> to vector<16xf32>
        %swap3A_69 = vector.shape_cast %broadcast_in_dim3A_63 : vector<16xf32> to vector<1x16xf32>
        tpu.vector_store %arg9[%swap3A, %swap3A_66], %swap3A_69 {strides = array<i32>} : memref<128x128xf32, #tpu.memory_space<vmem>>, vector<1x16xf32>,
      }
      %scan3A_57 = arith.constant 8 : i32
    }
    %scan3A_4 = arith.constant 128 : i32
    %mul3A_5 = arith.constant 632 : i32
    %mul3A_6 = arith.muli %arg1, %mul3A_5 : i32
    %scan3A_7 = arith.constant 0 : i32
    %scan3A_8 = arith.constant 4 : i32
    %scan3A_9 = arith.addi %scan3A_7, %scan3A_8 : i32
    %scan3A_10 = arith.constant 1 : i32
    scf.for %scan3A_48 = %scan3A_7 to %scan3A_9 step %scan3A_10  : i32 {
      %mul3A_49 = arith.constant 1 : i32
      %mul3A_50 = arith.muli %scan3A_48, %mul3A_49 : i32
      %add3A_51 = arith.constant 0 : i32
      %add3A_52 = arith.addi %add3A_51, %mul3A_50 : i32
      %mul3A_53 = arith.constant 128 : i32
      %mul3A_54 = arith.muli %add3A_52, %mul3A_53 : i32
      %add3A_55 = arith.addi %mul3A_6, %mul3A_54 : i32
      "tpu.region"() ({
        %run_scoped3A_56 = tpu.sem_alloc : memref<!tpu.dma_semaphore, #tpu.memory_space<semaphore_mem>>
        %dma_start3A_57 = arith.constant 0 : i32
        %dma_start3A_58 = tpu.memref_slice %arg11[%add3A_55, %dma_start3A_57] : memref<10112x128xf32, #tpu.memory_space<vmem_shared>> -> memref<128x128xf32, #tpu.memory_space<vmem_shared>>
        %dma_start3A_59 = arith.constant 0 : i32
        %dma_start3A_60 = tpu.memref_slice %arg11[%add3A_55, %dma_start3A_59] : memref<10112x128xf32, #tpu.memory_space<vmem_shared>> -> memref<128x128xf32, #tpu.memory_space<vmem_shared>>
        tpu.enqueue_dma source(%arg9 : memref<128x128xf32, #tpu.memory_space<vmem>>) target(%dma_start3A_60 : memref<128x128xf32, #tpu.memory_space<vmem_shared>>) target_semaphore(%run_scoped3A_56 : memref<!tpu.dma_semaphore, #tpu.memory_space<semaphore_mem>>)
        %dma_wait3A = arith.constant 0 : i32
        %dma_wait3A_61 = tpu.memref_slice %arg11[%add3A_55, %dma_wait3A] : memref<10112x128xf32, #tpu.memory_space<vmem_shared>> -> memref<128x128xf32, #tpu.memory_space<vmem_shared>>
        %dma_wait3A_62 = arith.constant 0 : i32
        %dma_wait3A_63 = tpu.memref_slice %arg11[%add3A_55, %dma_wait3A_62] : memref<10112x128xf32, #tpu.memory_space<vmem_shared>> -> memref<128x128xf32, #tpu.memory_space<vmem_shared>>
        tpu.wait_dma2 semaphore(%run_scoped3A_56 : memref<!tpu.dma_semaphore, #tpu.memory_space<semaphore_mem>>) src(%arg9 : memref<128x128xf32, #tpu.memory_space<vmem>>) dst(%dma_wait3A_63 : memref<128x128xf32, #tpu.memory_space<vmem_shared>>)
        tpu.yield
      }) : () -> ()
    }
    %scan3A_11 = arith.constant 4 : i32
    %add3A_12 = arith.constant 512 : i32
    %add3A_13 = arith.addi %mul3A_6, %add3A_12 : i32
    "tpu.region"() ({
      %run_scoped3A_48 = tpu.sem_alloc : memref<!tpu.dma_semaphore, #tpu.memory_space<semaphore_mem>>
      %dma_start3A_49 = arith.constant 0 : i32
      %dma_start3A_50 = arith.constant 0 : i32
      %dma_start3A_51 = tpu.memref_slice %arg9[%dma_start3A_49, %dma_start3A_50] : memref<128x128xf32, #tpu.memory_space<vmem>> -> memref<120x128xf32, #tpu.memory_space<vmem>>
      %dma_start3A_52 = arith.constant 0 : i32
      %dma_start3A_53 = tpu.memref_slice %arg11[%add3A_13, %dma_start3A_52] : memref<10112x128xf32, #tpu.memory_space<vmem_shared>> -> memref<120x128xf32, #tpu.memory_space<vmem_shared>>
      %dma_start3A_54 = arith.constant 0 : i32
      %dma_start3A_55 = tpu.memref_slice %arg11[%add3A_13, %dma_start3A_54] : memref<10112x128xf32, #tpu.memory_space<vmem_shared>> -> memref<120x128xf32, #tpu.memory_space<vmem_shared>>
      %dma_start3A_56 = arith.constant 0 : i32
      %dma_start3A_57 = arith.constant 0 : i32
      %dma_start3A_58 = tpu.memref_slice %arg9[%dma_start3A_56, %dma_start3A_57] : memref<128x128xf32, #tpu.memory_space<vmem>> -> memref<120x128xf32, #tpu.memory_space<vmem>>
      tpu.enqueue_dma source(%dma_start3A_58 : memref<120x128xf32, #tpu.memory_space<vmem>>) target(%dma_start3A_55 : memref<120x128xf32, #tpu.memory_space<vmem_shared>>) target_semaphore(%run_scoped3A_48 : memref<!tpu.dma_semaphore, #tpu.memory_space<semaphore_mem>>)
      %dma_wait3A = arith.constant 0 : i32
      %dma_wait3A_59 = arith.constant 0 : i32
      %dma_wait3A_60 = tpu.memref_slice %arg9[%dma_wait3A, %dma_wait3A_59] : memref<128x128xf32, #tpu.memory_space<vmem>> -> memref<120x128xf32, #tpu.memory_space<vmem>>
      %dma_wait3A_61 = arith.constant 0 : i32
      %dma_wait3A_62 = tpu.memref_slice %arg11[%add3A_13, %dma_wait3A_61] : memref<10112x128xf32, #tpu.memory_space<vmem_shared>> -> memref<120x128xf32, #tpu.memory_space<vmem_shared>>
      %dma_wait3A_63 = arith.constant 0 : i32
      %dma_wait3A_64 = tpu.memref_slice %arg11[%add3A_13, %dma_wait3A_63] : memref<10112x128xf32, #tpu.memory_space<vmem_shared>> -> memref<120x128xf32, #tpu.memory_space<vmem_shared>>
      %dma_wait3A_65 = arith.constant 0 : i32
      %dma_wait3A_66 = arith.constant 0 : i32
      %dma_wait3A_67 = tpu.memref_slice %arg9[%dma_wait3A_65, %dma_wait3A_66] : memref<128x128xf32, #tpu.memory_space<vmem>> -> memref<120x128xf32, #tpu.memory_space<vmem>>
      tpu.wait_dma2 semaphore(%run_scoped3A_48 : memref<!tpu.dma_semaphore, #tpu.memory_space<semaphore_mem>>) src(%dma_wait3A_67 : memref<120x128xf32, #tpu.memory_space<vmem>>) dst(%dma_wait3A_64 : memref<120x128xf32, #tpu.memory_space<vmem_shared>>)
      tpu.yield
    }) : () -> ()
    %barrier3A = arith.constant 0 : index
    tpu.barrier barrier_id(%barrier3A)
    %mul3A_14 = arith.constant 80 : i32
    %mul3A_15 = arith.muli %add3A, %mul3A_14 : i32
    %add3A_16 = arith.constant 0 : i32
    %add3A_17 = arith.addi %mul3A_15, %add3A_16 : i32
    %min3A = arith.constant 2559 : i32
    %min3A_18 = arith.minsi %add3A_17, %min3A : i32
    %run_scoped3A = arith.constant 1 : i32
    "tpu.region"() ({
      %run_scoped3A_48 = tpu.sem_alloc : memref<!tpu.dma_semaphore, #tpu.memory_space<semaphore_mem>>
      %dma_start3A_49 = arith.constant 0 : i32
      %dma_start3A_50 = tpu.memref_slice %arg3[%run_scoped3A, %min3A_18, %dma_start3A_49] : memref<2x2560x128xi32, #tpu.memory_space<hbm>> -> memref<1x1x128xi32, #tpu.memory_space<hbm>>
      %dma_start3A_51 = tpu.memref_squeeze %dma_start3A_50 : memref<1x1x128xi32, #tpu.memory_space<hbm>> -> memref<128xi32, #tpu.memory_space<hbm>>
      %dma_start3A_52 = arith.constant 0 : i32
      %dma_start3A_53 = tpu.memref_slice %arg3[%run_scoped3A, %min3A_18, %dma_start3A_52] : memref<2x2560x128xi32, #tpu.memory_space<hbm>> -> memref<1x1x128xi32, #tpu.memory_space<hbm>>
      %dma_start3A_54 = tpu.memref_squeeze %dma_start3A_53 : memref<1x1x128xi32, #tpu.memory_space<hbm>> -> memref<128xi32, #tpu.memory_space<hbm>>
      tpu.enqueue_dma source(%dma_start3A_54 : memref<128xi32, #tpu.memory_space<hbm>>) target(%arg5 : memref<128xi32, #tpu.memory_space<vmem>>) target_semaphore(%run_scoped3A_48 : memref<!tpu.dma_semaphore, #tpu.memory_space<semaphore_mem>>)
      %dma_wait3A = arith.constant 0 : i32
      %dma_wait3A_55 = tpu.memref_slice %arg3[%run_scoped3A, %min3A_18, %dma_wait3A] : memref<2x2560x128xi32, #tpu.memory_space<hbm>> -> memref<1x1x128xi32, #tpu.memory_space<hbm>>
      %dma_wait3A_56 = tpu.memref_squeeze %dma_wait3A_55 : memref<1x1x128xi32, #tpu.memory_space<hbm>> -> memref<128xi32, #tpu.memory_space<hbm>>
      %dma_wait3A_57 = arith.constant 0 : i32
      %dma_wait3A_58 = tpu.memref_slice %arg3[%run_scoped3A, %min3A_18, %dma_wait3A_57] : memref<2x2560x128xi32, #tpu.memory_space<hbm>> -> memref<1x1x128xi32, #tpu.memory_space<hbm>>
      %dma_wait3A_59 = tpu.memref_squeeze %dma_wait3A_58 : memref<1x1x128xi32, #tpu.memory_space<hbm>> -> memref<128xi32, #tpu.memory_space<hbm>>
      tpu.wait_dma2 semaphore(%run_scoped3A_48 : memref<!tpu.dma_semaphore, #tpu.memory_space<semaphore_mem>>) src(%dma_wait3A_59 : memref<128xi32, #tpu.memory_space<hbm>>) dst(%arg5 : memref<128xi32, #tpu.memory_space<vmem>>)
      tpu.yield
    }) : () -> ()
    %run_scoped3A_19 = arith.constant 0 : i32
    "tpu.region"() ({
      %run_scoped3A_48 = tpu.sem_alloc : memref<!tpu.dma_semaphore, #tpu.memory_space<semaphore_mem>>
      %dma_start3A_49 = arith.constant 0 : i32
      %dma_start3A_50 = tpu.memref_slice %arg3[%run_scoped3A_19, %min3A_18, %dma_start3A_49] : memref<2x2560x128xi32, #tpu.memory_space<hbm>> -> memref<1x1x128xi32, #tpu.memory_space<hbm>>
      %dma_start3A_51 = tpu.memref_squeeze %dma_start3A_50 : memref<1x1x128xi32, #tpu.memory_space<hbm>> -> memref<128xi32, #tpu.memory_space<hbm>>
      %dma_start3A_52 = arith.constant 0 : i32
      %dma_start3A_53 = tpu.memref_slice %arg3[%run_scoped3A_19, %min3A_18, %dma_start3A_52] : memref<2x2560x128xi32, #tpu.memory_space<hbm>> -> memref<1x1x128xi32, #tpu.memory_space<hbm>>
      %dma_start3A_54 = tpu.memref_squeeze %dma_start3A_53 : memref<1x1x128xi32, #tpu.memory_space<hbm>> -> memref<128xi32, #tpu.memory_space<hbm>>
      tpu.enqueue_dma source(%dma_start3A_54 : memref<128xi32, #tpu.memory_space<hbm>>) target(%arg6 : memref<128xi32, #tpu.memory_space<vmem>>) target_semaphore(%run_scoped3A_48 : memref<!tpu.dma_semaphore, #tpu.memory_space<semaphore_mem>>)
      %dma_wait3A = arith.constant 0 : i32
      %dma_wait3A_55 = tpu.memref_slice %arg3[%run_scoped3A_19, %min3A_18, %dma_wait3A] : memref<2x2560x128xi32, #tpu.memory_space<hbm>> -> memref<1x1x128xi32, #tpu.memory_space<hbm>>
      %dma_wait3A_56 = tpu.memref_squeeze %dma_wait3A_55 : memref<1x1x128xi32, #tpu.memory_space<hbm>> -> memref<128xi32, #tpu.memory_space<hbm>>
      %dma_wait3A_57 = arith.constant 0 : i32
      %dma_wait3A_58 = tpu.memref_slice %arg3[%run_scoped3A_19, %min3A_18, %dma_wait3A_57] : memref<2x2560x128xi32, #tpu.memory_space<hbm>> -> memref<1x1x128xi32, #tpu.memory_space<hbm>>
      %dma_wait3A_59 = tpu.memref_squeeze %dma_wait3A_58 : memref<1x1x128xi32, #tpu.memory_space<hbm>> -> memref<128xi32, #tpu.memory_space<hbm>>
      tpu.wait_dma2 semaphore(%run_scoped3A_48 : memref<!tpu.dma_semaphore, #tpu.memory_space<semaphore_mem>>) src(%dma_wait3A_59 : memref<128xi32, #tpu.memory_space<hbm>>) dst(%arg6 : memref<128xi32, #tpu.memory_space<vmem>>)
      tpu.yield
    }) : () -> ()
    %dma_start3A = arith.constant 0 : i32
    %dma_start3A_20 = arith.constant 0 : i32
    %dma_start3A_21 = tpu.memref_slice %arg2[%dma_start3A, %dma_start3A_20] : memref<10112x128xf32, #tpu.memory_space<hbm>> -> memref<10112x128xf32, #tpu.memory_space<hbm>>
    tpu.enqueue_indirect_dma source(%dma_start3A_21 : memref<10112x128xf32, #tpu.memory_space<hbm>>) target(%arg9 : memref<128x128xf32, #tpu.memory_space<vmem>>) offsets(%arg5 : memref<128xi32, #tpu.memory_space<vmem>>) semaphore(%arg12 : memref<!tpu.dma_semaphore, #tpu.memory_space<semaphore_mem>>)
    %mul3A_22 = arith.constant 80 : i32
    %mul3A_23 = arith.muli %add3A, %mul3A_22 : i32
    %add3A_24 = arith.constant 1 : i32
    %add3A_25 = arith.addi %mul3A_23, %add3A_24 : i32
    %min3A_26 = arith.constant 2559 : i32
    %min3A_27 = arith.minsi %add3A_25, %min3A_26 : i32
    %run_scoped3A_28 = arith.constant 1 : i32
    "tpu.region"() ({
      %run_scoped3A_48 = tpu.sem_alloc : memref<!tpu.dma_semaphore, #tpu.memory_space<semaphore_mem>>
      %dma_start3A_49 = arith.constant 0 : i32
      %dma_start3A_50 = tpu.memref_slice %arg3[%run_scoped3A_28, %min3A_27, %dma_start3A_49] : memref<2x2560x128xi32, #tpu.memory_space<hbm>> -> memref<1x1x128xi32, #tpu.memory_space<hbm>>
      %dma_start3A_51 = tpu.memref_squeeze %dma_start3A_50 : memref<1x1x128xi32, #tpu.memory_space<hbm>> -> memref<128xi32, #tpu.memory_space<hbm>>
      %dma_start3A_52 = arith.constant 0 : i32
      %dma_start3A_53 = tpu.memref_slice %arg3[%run_scoped3A_28, %min3A_27, %dma_start3A_52] : memref<2x2560x128xi32, #tpu.memory_space<hbm>> -> memref<1x1x128xi32, #tpu.memory_space<hbm>>
      %dma_start3A_54 = tpu.memref_squeeze %dma_start3A_53 : memref<1x1x128xi32, #tpu.memory_space<hbm>> -> memref<128xi32, #tpu.memory_space<hbm>>
      tpu.enqueue_dma source(%dma_start3A_54 : memref<128xi32, #tpu.memory_space<hbm>>) target(%arg7 : memref<128xi32, #tpu.memory_space<vmem>>) target_semaphore(%run_scoped3A_48 : memref<!tpu.dma_semaphore, #tpu.memory_space<semaphore_mem>>)
      %dma_wait3A = arith.constant 0 : i32
      %dma_wait3A_55 = tpu.memref_slice %arg3[%run_scoped3A_28, %min3A_27, %dma_wait3A] : memref<2x2560x128xi32, #tpu.memory_space<hbm>> -> memref<1x1x128xi32, #tpu.memory_space<hbm>>
      %dma_wait3A_56 = tpu.memref_squeeze %dma_wait3A_55 : memref<1x1x128xi32, #tpu.memory_space<hbm>> -> memref<128xi32, #tpu.memory_space<hbm>>
      %dma_wait3A_57 = arith.constant 0 : i32
      %dma_wait3A_58 = tpu.memref_slice %arg3[%run_scoped3A_28, %min3A_27, %dma_wait3A_57] : memref<2x2560x128xi32, #tpu.memory_space<hbm>> -> memref<1x1x128xi32, #tpu.memory_space<hbm>>
      %dma_wait3A_59 = tpu.memref_squeeze %dma_wait3A_58 : memref<1x1x128xi32, #tpu.memory_space<hbm>> -> memref<128xi32, #tpu.memory_space<hbm>>
      tpu.wait_dma2 semaphore(%run_scoped3A_48 : memref<!tpu.dma_semaphore, #tpu.memory_space<semaphore_mem>>) src(%dma_wait3A_59 : memref<128xi32, #tpu.memory_space<hbm>>) dst(%arg7 : memref<128xi32, #tpu.memory_space<vmem>>)
      tpu.yield
    }) : () -> ()
    %run_scoped3A_29 = arith.constant 0 : i32
    "tpu.region"() ({
      %run_scoped3A_48 = tpu.sem_alloc : memref<!tpu.dma_semaphore, #tpu.memory_space<semaphore_mem>>
      %dma_start3A_49 = arith.constant 0 : i32
      %dma_start3A_50 = tpu.memref_slice %arg3[%run_scoped3A_29, %min3A_27, %dma_start3A_49] : memref<2x2560x128xi32, #tpu.memory_space<hbm>> -> memref<1x1x128xi32, #tpu.memory_space<hbm>>
      %dma_start3A_51 = tpu.memref_squeeze %dma_start3A_50 : memref<1x1x128xi32, #tpu.memory_space<hbm>> -> memref<128xi32, #tpu.memory_space<hbm>>
      %dma_start3A_52 = arith.constant 0 : i32
      %dma_start3A_53 = tpu.memref_slice %arg3[%run_scoped3A_29, %min3A_27, %dma_start3A_52] : memref<2x2560x128xi32, #tpu.memory_space<hbm>> -> memref<1x1x128xi32, #tpu.memory_space<hbm>>
      %dma_start3A_54 = tpu.memref_squeeze %dma_start3A_53 : memref<1x1x128xi32, #tpu.memory_space<hbm>> -> memref<128xi32, #tpu.memory_space<hbm>>
      tpu.enqueue_dma source(%dma_start3A_54 : memref<128xi32, #tpu.memory_space<hbm>>) target(%arg8 : memref<128xi32, #tpu.memory_space<vmem>>) target_semaphore(%run_scoped3A_48 : memref<!tpu.dma_semaphore, #tpu.memory_space<semaphore_mem>>)
      %dma_wait3A = arith.constant 0 : i32
      %dma_wait3A_55 = tpu.memref_slice %arg3[%run_scoped3A_29, %min3A_27, %dma_wait3A] : memref<2x2560x128xi32, #tpu.memory_space<hbm>> -> memref<1x1x128xi32, #tpu.memory_space<hbm>>
      %dma_wait3A_56 = tpu.memref_squeeze %dma_wait3A_55 : memref<1x1x128xi32, #tpu.memory_space<hbm>> -> memref<128xi32, #tpu.memory_space<hbm>>
      %dma_wait3A_57 = arith.constant 0 : i32
      %dma_wait3A_58 = tpu.memref_slice %arg3[%run_scoped3A_29, %min3A_27, %dma_wait3A_57] : memref<2x2560x128xi32, #tpu.memory_space<hbm>> -> memref<1x1x128xi32, #tpu.memory_space<hbm>>
      %dma_wait3A_59 = tpu.memref_squeeze %dma_wait3A_58 : memref<1x1x128xi32, #tpu.memory_space<hbm>> -> memref<128xi32, #tpu.memory_space<hbm>>
      tpu.wait_dma2 semaphore(%run_scoped3A_48 : memref<!tpu.dma_semaphore, #tpu.memory_space<semaphore_mem>>) src(%dma_wait3A_59 : memref<128xi32, #tpu.memory_space<hbm>>) dst(%arg8 : memref<128xi32, #tpu.memory_space<vmem>>)
      tpu.yield
    }) : () -> ()
    %dma_start3A_30 = arith.constant 0 : i32
    %dma_start3A_31 = arith.constant 0 : i32
    %dma_start3A_32 = tpu.memref_slice %arg2[%dma_start3A_30, %dma_start3A_31] : memref<10112x128xf32, #tpu.memory_space<hbm>> -> memref<10112x128xf32, #tpu.memory_space<hbm>>
    tpu.enqueue_indirect_dma source(%dma_start3A_32 : memref<10112x128xf32, #tpu.memory_space<hbm>>) target(%arg10 : memref<128x128xf32, #tpu.memory_space<vmem>>) offsets(%arg7 : memref<128xi32, #tpu.memory_space<vmem>>) semaphore(%arg13 : memref<!tpu.dma_semaphore, #tpu.memory_space<semaphore_mem>>)
    %scan3A_33 = arith.constant 0 : i32
    %scan3A_34 = arith.constant 40 : i32
    %scan3A_35 = arith.addi %scan3A_33, %scan3A_34 : i32
    %scan3A_36 = arith.constant 1 : i32
    scf.for %scan3A_48 = %scan3A_33 to %scan3A_35 step %scan3A_36  : i32 {
      %mul3A_49 = arith.constant 1 : i32
      %mul3A_50 = arith.muli %scan3A_48, %mul3A_49 : i32
      %add3A_51 = arith.constant 0 : i32
      %add3A_52 = arith.addi %add3A_51, %mul3A_50 : i32
      %mul3A_53 = arith.constant 2 : i32
      %mul3A_54 = arith.muli %add3A_52, %mul3A_53 : i32
      %dma_wait3A = arith.constant 0 : i32
      %dma_wait3A_55 = arith.constant 0 : i32
      %dma_wait3A_56 = tpu.memref_slice %arg2[%dma_wait3A, %dma_wait3A_55] : memref<10112x128xf32, #tpu.memory_space<hbm>> -> memref<10112x128xf32, #tpu.memory_space<hbm>>
      tpu.wait_indirect_dma semaphore(%arg12 : memref<!tpu.dma_semaphore, #tpu.memory_space<semaphore_mem>>) src(%dma_wait3A_56 : memref<10112x128xf32, #tpu.memory_space<hbm>>) dst(%arg9 : memref<128x128xf32, #tpu.memory_space<vmem>>)
      "tpu.region"() ({
        %run_scoped3A_89 = tpu.sem_alloc : memref<!tpu.dma_semaphore, #tpu.memory_space<semaphore_mem>>
        %dma_start3A_90 = arith.constant 0 : i32
        %dma_start3A_91 = arith.constant 0 : i32
        %dma_start3A_92 = tpu.memref_slice %arg11[%dma_start3A_90, %dma_start3A_91] : memref<10112x128xf32, #tpu.memory_space<vmem_shared>> -> memref<10112x128xf32, #tpu.memory_space<vmem_shared>>
        tpu.enqueue_indirect_dma source(%arg9 : memref<128x128xf32, #tpu.memory_space<vmem>>) target(%dma_start3A_92 : memref<10112x128xf32, #tpu.memory_space<vmem_shared>>) offsets(%arg6 : memref<128xi32, #tpu.memory_space<vmem>>) semaphore(%run_scoped3A_89 : memref<!tpu.dma_semaphore, #tpu.memory_space<semaphore_mem>>) {add = true}
        %dma_wait3A_93 = arith.constant 0 : i32
        %dma_wait3A_94 = arith.constant 0 : i32
        %dma_wait3A_95 = tpu.memref_slice %arg11[%dma_wait3A_93, %dma_wait3A_94] : memref<10112x128xf32, #tpu.memory_space<vmem_shared>> -> memref<10112x128xf32, #tpu.memory_space<vmem_shared>>
        tpu.wait_indirect_dma semaphore(%run_scoped3A_89 : memref<!tpu.dma_semaphore, #tpu.memory_space<semaphore_mem>>) src(%arg9 : memref<128x128xf32, #tpu.memory_space<vmem>>) dst(%dma_wait3A_95 : memref<10112x128xf32, #tpu.memory_space<vmem_shared>>)
        tpu.yield
      }) : () -> ()
      %add3A_57 = arith.constant 2 : i32
      %add3A_58 = arith.addi %mul3A_54, %add3A_57 : i32
      %mul3A_59 = arith.constant 80 : i32
      %mul3A_60 = arith.muli %add3A, %mul3A_59 : i32
      %add3A_61 = arith.addi %mul3A_60, %add3A_58 : i32
      %min3A_62 = arith.constant 2559 : i32
      %min3A_63 = arith.minsi %add3A_61, %min3A_62 : i32
      %run_scoped3A_64 = arith.constant 1 : i32
      "tpu.region"() ({
        %run_scoped3A_89 = tpu.sem_alloc : memref<!tpu.dma_semaphore, #tpu.memory_space<semaphore_mem>>
        %dma_start3A_90 = arith.constant 0 : i32
        %dma_start3A_91 = tpu.memref_slice %arg3[%run_scoped3A_64, %min3A_63, %dma_start3A_90] : memref<2x2560x128xi32, #tpu.memory_space<hbm>> -> memref<1x1x128xi32, #tpu.memory_space<hbm>>
        %dma_start3A_92 = tpu.memref_squeeze %dma_start3A_91 : memref<1x1x128xi32, #tpu.memory_space<hbm>> -> memref<128xi32, #tpu.memory_space<hbm>>
        %dma_start3A_93 = arith.constant 0 : i32
        %dma_start3A_94 = tpu.memref_slice %arg3[%run_scoped3A_64, %min3A_63, %dma_start3A_93] : memref<2x2560x128xi32, #tpu.memory_space<hbm>> -> memref<1x1x128xi32, #tpu.memory_space<hbm>>
        %dma_start3A_95 = tpu.memref_squeeze %dma_start3A_94 : memref<1x1x128xi32, #tpu.memory_space<hbm>> -> memref<128xi32, #tpu.memory_space<hbm>>
        tpu.enqueue_dma source(%dma_start3A_95 : memref<128xi32, #tpu.memory_space<hbm>>) target(%arg5 : memref<128xi32, #tpu.memory_space<vmem>>) target_semaphore(%run_scoped3A_89 : memref<!tpu.dma_semaphore, #tpu.memory_space<semaphore_mem>>)
        %dma_wait3A_96 = arith.constant 0 : i32
        %dma_wait3A_97 = tpu.memref_slice %arg3[%run_scoped3A_64, %min3A_63, %dma_wait3A_96] : memref<2x2560x128xi32, #tpu.memory_space<hbm>> -> memref<1x1x128xi32, #tpu.memory_space<hbm>>
        %dma_wait3A_98 = tpu.memref_squeeze %dma_wait3A_97 : memref<1x1x128xi32, #tpu.memory_space<hbm>> -> memref<128xi32, #tpu.memory_space<hbm>>
        %dma_wait3A_99 = arith.constant 0 : i32
        %dma_wait3A_100 = tpu.memref_slice %arg3[%run_scoped3A_64, %min3A_63, %dma_wait3A_99] : memref<2x2560x128xi32, #tpu.memory_space<hbm>> -> memref<1x1x128xi32, #tpu.memory_space<hbm>>
        %dma_wait3A_101 = tpu.memref_squeeze %dma_wait3A_100 : memref<1x1x128xi32, #tpu.memory_space<hbm>> -> memref<128xi32, #tpu.memory_space<hbm>>
        tpu.wait_dma2 semaphore(%run_scoped3A_89 : memref<!tpu.dma_semaphore, #tpu.memory_space<semaphore_mem>>) src(%dma_wait3A_101 : memref<128xi32, #tpu.memory_space<hbm>>) dst(%arg5 : memref<128xi32, #tpu.memory_space<vmem>>)
        tpu.yield
      }) : () -> ()
      %run_scoped3A_65 = arith.constant 0 : i32
      "tpu.region"() ({
        %run_scoped3A_89 = tpu.sem_alloc : memref<!tpu.dma_semaphore, #tpu.memory_space<semaphore_mem>>
        %dma_start3A_90 = arith.constant 0 : i32
        %dma_start3A_91 = tpu.memref_slice %arg3[%run_scoped3A_65, %min3A_63, %dma_start3A_90] : memref<2x2560x128xi32, #tpu.memory_space<hbm>> -> memref<1x1x128xi32, #tpu.memory_space<hbm>>
        %dma_start3A_92 = tpu.memref_squeeze %dma_start3A_91 : memref<1x1x128xi32, #tpu.memory_space<hbm>> -> memref<128xi32, #tpu.memory_space<hbm>>
        %dma_start3A_93 = arith.constant 0 : i32
        %dma_start3A_94 = tpu.memref_slice %arg3[%run_scoped3A_65, %min3A_63, %dma_start3A_93] : memref<2x2560x128xi32, #tpu.memory_space<hbm>> -> memref<1x1x128xi32, #tpu.memory_space<hbm>>
        %dma_start3A_95 = tpu.memref_squeeze %dma_start3A_94 : memref<1x1x128xi32, #tpu.memory_space<hbm>> -> memref<128xi32, #tpu.memory_space<hbm>>
        tpu.enqueue_dma source(%dma_start3A_95 : memref<128xi32, #tpu.memory_space<hbm>>) target(%arg6 : memref<128xi32, #tpu.memory_space<vmem>>) target_semaphore(%run_scoped3A_89 : memref<!tpu.dma_semaphore, #tpu.memory_space<semaphore_mem>>)
        %dma_wait3A_96 = arith.constant 0 : i32
        %dma_wait3A_97 = tpu.memref_slice %arg3[%run_scoped3A_65, %min3A_63, %dma_wait3A_96] : memref<2x2560x128xi32, #tpu.memory_space<hbm>> -> memref<1x1x128xi32, #tpu.memory_space<hbm>>
        %dma_wait3A_98 = tpu.memref_squeeze %dma_wait3A_97 : memref<1x1x128xi32, #tpu.memory_space<hbm>> -> memref<128xi32, #tpu.memory_space<hbm>>
        %dma_wait3A_99 = arith.constant 0 : i32
        %dma_wait3A_100 = tpu.memref_slice %arg3[%run_scoped3A_65, %min3A_63, %dma_wait3A_99] : memref<2x2560x128xi32, #tpu.memory_space<hbm>> -> memref<1x1x128xi32, #tpu.memory_space<hbm>>
        %dma_wait3A_101 = tpu.memref_squeeze %dma_wait3A_100 : memref<1x1x128xi32, #tpu.memory_space<hbm>> -> memref<128xi32, #tpu.memory_space<hbm>>
        tpu.wait_dma2 semaphore(%run_scoped3A_89 : memref<!tpu.dma_semaphore, #tpu.memory_space<semaphore_mem>>) src(%dma_wait3A_101 : memref<128xi32, #tpu.memory_space<hbm>>) dst(%arg6 : memref<128xi32, #tpu.memory_space<vmem>>)
        tpu.yield
      }) : () -> ()
      %add3A_66 = arith.constant 2 : i32
      %add3A_67 = arith.addi %mul3A_54, %add3A_66 : i32
      %lt3A = arith.constant 80 : i32
      %lt3A_68 = arith.cmpi slt, %add3A_67, %lt3A : i32
      %convert_element_type3A = arith.extui %lt3A_68 : i1 to i32
      %cond3A = arith.constant 0 : i32
      %cond3A_69 = arith.cmpi ne, %convert_element_type3A, %cond3A : i32
      scf.if %cond3A_69 {
        %dma_start3A_89 = arith.constant 0 : i32
        %dma_start3A_90 = arith.constant 0 : i32
        %dma_start3A_91 = tpu.memref_slice %arg2[%dma_start3A_89, %dma_start3A_90] : memref<10112x128xf32, #tpu.memory_space<hbm>> -> memref<10112x128xf32, #tpu.memory_space<hbm>>
        tpu.enqueue_indirect_dma source(%dma_start3A_91 : memref<10112x128xf32, #tpu.memory_space<hbm>>) target(%arg9 : memref<128x128xf32, #tpu.memory_space<vmem>>) offsets(%arg5 : memref<128xi32, #tpu.memory_space<vmem>>) semaphore(%arg12 : memref<!tpu.dma_semaphore, #tpu.memory_space<semaphore_mem>>)
      } else {
      }
      %dma_wait3A_70 = arith.constant 0 : i32
      %dma_wait3A_71 = arith.constant 0 : i32
      %dma_wait3A_72 = tpu.memref_slice %arg2[%dma_wait3A_70, %dma_wait3A_71] : memref<10112x128xf32, #tpu.memory_space<hbm>> -> memref<10112x128xf32, #tpu.memory_space<hbm>>
      tpu.wait_indirect_dma semaphore(%arg13 : memref<!tpu.dma_semaphore, #tpu.memory_space<semaphore_mem>>) src(%dma_wait3A_72 : memref<10112x128xf32, #tpu.memory_space<hbm>>) dst(%arg10 : memref<128x128xf32, #tpu.memory_space<vmem>>)
      "tpu.region"() ({
        %run_scoped3A_89 = tpu.sem_alloc : memref<!tpu.dma_semaphore, #tpu.memory_space<semaphore_mem>>
        %dma_start3A_90 = arith.constant 0 : i32
        %dma_start3A_91 = arith.constant 0 : i32
        %dma_start3A_92 = tpu.memref_slice %arg11[%dma_start3A_90, %dma_start3A_91] : memref<10112x128xf32, #tpu.memory_space<vmem_shared>> -> memref<10112x128xf32, #tpu.memory_space<vmem_shared>>
        tpu.enqueue_indirect_dma source(%arg10 : memref<128x128xf32, #tpu.memory_space<vmem>>) target(%dma_start3A_92 : memref<10112x128xf32, #tpu.memory_space<vmem_shared>>) offsets(%arg8 : memref<128xi32, #tpu.memory_space<vmem>>) semaphore(%run_scoped3A_89 : memref<!tpu.dma_semaphore, #tpu.memory_space<semaphore_mem>>) {add = true}
        %dma_wait3A_93 = arith.constant 0 : i32
        %dma_wait3A_94 = arith.constant 0 : i32
        %dma_wait3A_95 = tpu.memref_slice %arg11[%dma_wait3A_93, %dma_wait3A_94] : memref<10112x128xf32, #tpu.memory_space<vmem_shared>> -> memref<10112x128xf32, #tpu.memory_space<vmem_shared>>
        tpu.wait_indirect_dma semaphore(%run_scoped3A_89 : memref<!tpu.dma_semaphore, #tpu.memory_space<semaphore_mem>>) src(%arg10 : memref<128x128xf32, #tpu.memory_space<vmem>>) dst(%dma_wait3A_95 : memref<10112x128xf32, #tpu.memory_space<vmem_shared>>)
        tpu.yield
      }) : () -> ()
      %add3A_73 = arith.constant 3 : i32
      %add3A_74 = arith.addi %mul3A_54, %add3A_73 : i32
      %mul3A_75 = arith.constant 80 : i32
      %mul3A_76 = arith.muli %add3A, %mul3A_75 : i32
      %add3A_77 = arith.addi %mul3A_76, %add3A_74 : i32
      %min3A_78 = arith.constant 2559 : i32
      %min3A_79 = arith.minsi %add3A_77, %min3A_78 : i32
      %run_scoped3A_80 = arith.constant 1 : i32
      "tpu.region"() ({
        %run_scoped3A_89 = tpu.sem_alloc : memref<!tpu.dma_semaphore, #tpu.memory_space<semaphore_mem>>
        %dma_start3A_90 = arith.constant 0 : i32
        %dma_start3A_91 = tpu.memref_slice %arg3[%run_scoped3A_80, %min3A_79, %dma_start3A_90] : memref<2x2560x128xi32, #tpu.memory_space<hbm>> -> memref<1x1x128xi32, #tpu.memory_space<hbm>>
        %dma_start3A_92 = tpu.memref_squeeze %dma_start3A_91 : memref<1x1x128xi32, #tpu.memory_space<hbm>> -> memref<128xi32, #tpu.memory_space<hbm>>
        %dma_start3A_93 = arith.constant 0 : i32
        %dma_start3A_94 = tpu.memref_slice %arg3[%run_scoped3A_80, %min3A_79, %dma_start3A_93] : memref<2x2560x128xi32, #tpu.memory_space<hbm>> -> memref<1x1x128xi32, #tpu.memory_space<hbm>>
        %dma_start3A_95 = tpu.memref_squeeze %dma_start3A_94 : memref<1x1x128xi32, #tpu.memory_space<hbm>> -> memref<128xi32, #tpu.memory_space<hbm>>
        tpu.enqueue_dma source(%dma_start3A_95 : memref<128xi32, #tpu.memory_space<hbm>>) target(%arg7 : memref<128xi32, #tpu.memory_space<vmem>>) target_semaphore(%run_scoped3A_89 : memref<!tpu.dma_semaphore, #tpu.memory_space<semaphore_mem>>)
        %dma_wait3A_96 = arith.constant 0 : i32
        %dma_wait3A_97 = tpu.memref_slice %arg3[%run_scoped3A_80, %min3A_79, %dma_wait3A_96] : memref<2x2560x128xi32, #tpu.memory_space<hbm>> -> memref<1x1x128xi32, #tpu.memory_space<hbm>>
        %dma_wait3A_98 = tpu.memref_squeeze %dma_wait3A_97 : memref<1x1x128xi32, #tpu.memory_space<hbm>> -> memref<128xi32, #tpu.memory_space<hbm>>
        %dma_wait3A_99 = arith.constant 0 : i32
        %dma_wait3A_100 = tpu.memref_slice %arg3[%run_scoped3A_80, %min3A_79, %dma_wait3A_99] : memref<2x2560x128xi32, #tpu.memory_space<hbm>> -> memref<1x1x128xi32, #tpu.memory_space<hbm>>
        %dma_wait3A_101 = tpu.memref_squeeze %dma_wait3A_100 : memref<1x1x128xi32, #tpu.memory_space<hbm>> -> memref<128xi32, #tpu.memory_space<hbm>>
        tpu.wait_dma2 semaphore(%run_scoped3A_89 : memref<!tpu.dma_semaphore, #tpu.memory_space<semaphore_mem>>) src(%dma_wait3A_101 : memref<128xi32, #tpu.memory_space<hbm>>) dst(%arg7 : memref<128xi32, #tpu.memory_space<vmem>>)
        tpu.yield
      }) : () -> ()
      %run_scoped3A_81 = arith.constant 0 : i32
      "tpu.region"() ({
        %run_scoped3A_89 = tpu.sem_alloc : memref<!tpu.dma_semaphore, #tpu.memory_space<semaphore_mem>>
        %dma_start3A_90 = arith.constant 0 : i32
        %dma_start3A_91 = tpu.memref_slice %arg3[%run_scoped3A_81, %min3A_79, %dma_start3A_90] : memref<2x2560x128xi32, #tpu.memory_space<hbm>> -> memref<1x1x128xi32, #tpu.memory_space<hbm>>
        %dma_start3A_92 = tpu.memref_squeeze %dma_start3A_91 : memref<1x1x128xi32, #tpu.memory_space<hbm>> -> memref<128xi32, #tpu.memory_space<hbm>>
        %dma_start3A_93 = arith.constant 0 : i32
        %dma_start3A_94 = tpu.memref_slice %arg3[%run_scoped3A_81, %min3A_79, %dma_start3A_93] : memref<2x2560x128xi32, #tpu.memory_space<hbm>> -> memref<1x1x128xi32, #tpu.memory_space<hbm>>
        %dma_start3A_95 = tpu.memref_squeeze %dma_start3A_94 : memref<1x1x128xi32, #tpu.memory_space<hbm>> -> memref<128xi32, #tpu.memory_space<hbm>>
        tpu.enqueue_dma source(%dma_start3A_95 : memref<128xi32, #tpu.memory_space<hbm>>) target(%arg8 : memref<128xi32, #tpu.memory_space<vmem>>) target_semaphore(%run_scoped3A_89 : memref<!tpu.dma_semaphore, #tpu.memory_space<semaphore_mem>>)
        %dma_wait3A_96 = arith.constant 0 : i32
        %dma_wait3A_97 = tpu.memref_slice %arg3[%run_scoped3A_81, %min3A_79, %dma_wait3A_96] : memref<2x2560x128xi32, #tpu.memory_space<hbm>> -> memref<1x1x128xi32, #tpu.memory_space<hbm>>
        %dma_wait3A_98 = tpu.memref_squeeze %dma_wait3A_97 : memref<1x1x128xi32, #tpu.memory_space<hbm>> -> memref<128xi32, #tpu.memory_space<hbm>>
        %dma_wait3A_99 = arith.constant 0 : i32
        %dma_wait3A_100 = tpu.memref_slice %arg3[%run_scoped3A_81, %min3A_79, %dma_wait3A_99] : memref<2x2560x128xi32, #tpu.memory_space<hbm>> -> memref<1x1x128xi32, #tpu.memory_space<hbm>>
        %dma_wait3A_101 = tpu.memref_squeeze %dma_wait3A_100 : memref<1x1x128xi32, #tpu.memory_space<hbm>> -> memref<128xi32, #tpu.memory_space<hbm>>
        tpu.wait_dma2 semaphore(%run_scoped3A_89 : memref<!tpu.dma_semaphore, #tpu.memory_space<semaphore_mem>>) src(%dma_wait3A_101 : memref<128xi32, #tpu.memory_space<hbm>>) dst(%arg8 : memref<128xi32, #tpu.memory_space<vmem>>)
        tpu.yield
      }) : () -> ()
      %add3A_82 = arith.constant 3 : i32
      %add3A_83 = arith.addi %mul3A_54, %add3A_82 : i32
      %lt3A_84 = arith.constant 80 : i32
      %lt3A_85 = arith.cmpi slt, %add3A_83, %lt3A_84 : i32
      %convert_element_type3A_86 = arith.extui %lt3A_85 : i1 to i32
      %cond3A_87 = arith.constant 0 : i32
      %cond3A_88 = arith.cmpi ne, %convert_element_type3A_86, %cond3A_87 : i32
      scf.if %cond3A_88 {
        %dma_start3A_89 = arith.constant 0 : i32
        %dma_start3A_90 = arith.constant 0 : i32
        %dma_start3A_91 = tpu.memref_slice %arg2[%dma_start3A_89, %dma_start3A_90] : memref<10112x128xf32, #tpu.memory_space<hbm>> -> memref<10112x128xf32, #tpu.memory_space<hbm>>
        tpu.enqueue_indirect_dma source(%dma_start3A_91 : memref<10112x128xf32, #tpu.memory_space<hbm>>) target(%arg10 : memref<128x128xf32, #tpu.memory_space<vmem>>) offsets(%arg7 : memref<128xi32, #tpu.memory_space<vmem>>) semaphore(%arg13 : memref<!tpu.dma_semaphore, #tpu.memory_space<semaphore_mem>>)
      } else {
      }
    }
    %scan3A_37 = arith.constant 40 : i32
    %barrier3A_38 = arith.constant 0 : index
    tpu.barrier barrier_id(%barrier3A_38)
    %scan3A_39 = arith.constant 0 : i32
    %scan3A_40 = arith.constant 4 : i32
    %scan3A_41 = arith.addi %scan3A_39, %scan3A_40 : i32
    %scan3A_42 = arith.constant 1 : i32
    scf.for %scan3A_48 = %scan3A_39 to %scan3A_41 step %scan3A_42  : i32 {
      %mul3A_49 = arith.constant 1 : i32
      %mul3A_50 = arith.muli %scan3A_48, %mul3A_49 : i32
      %add3A_51 = arith.constant 0 : i32
      %add3A_52 = arith.addi %add3A_51, %mul3A_50 : i32
      %mul3A_53 = arith.constant 128 : i32
      %mul3A_54 = arith.muli %add3A_52, %mul3A_53 : i32
      %add3A_55 = arith.addi %mul3A_6, %mul3A_54 : i32
      %mul3A_56 = arith.constant 128 : i32
      %mul3A_57 = arith.muli %add3A_52, %mul3A_56 : i32
      %add3A_58 = arith.addi %mul3A_6, %mul3A_57 : i32
      "tpu.region"() ({
        %run_scoped3A_59 = tpu.sem_alloc : memref<!tpu.dma_semaphore, #tpu.memory_space<semaphore_mem>>
        %dma_start3A_60 = arith.constant 0 : i32
        %dma_start3A_61 = tpu.memref_slice %arg4[%arg0, %add3A_58, %dma_start3A_60] : memref<2x10112x128xf32, #tpu.memory_space<hbm>> -> memref<1x128x128xf32, #tpu.memory_space<hbm>>
        %dma_start3A_62 = tpu.memref_squeeze %dma_start3A_61 : memref<1x128x128xf32, #tpu.memory_space<hbm>> -> memref<128x128xf32, #tpu.memory_space<hbm>>
        %dma_start3A_63 = arith.constant 0 : i32
        %dma_start3A_64 = tpu.memref_slice %arg11[%add3A_55, %dma_start3A_63] : memref<10112x128xf32, #tpu.memory_space<vmem_shared>> -> memref<128x128xf32, #tpu.memory_space<vmem_shared>>
        tpu.enqueue_dma source(%dma_start3A_64 : memref<128x128xf32, #tpu.memory_space<vmem_shared>>) target(%dma_start3A_62 : memref<128x128xf32, #tpu.memory_space<hbm>>) target_semaphore(%run_scoped3A_59 : memref<!tpu.dma_semaphore, #tpu.memory_space<semaphore_mem>>)
        %dma_wait3A = arith.constant 0 : i32
        %dma_wait3A_65 = tpu.memref_slice %arg4[%arg0, %add3A_58, %dma_wait3A] : memref<2x10112x128xf32, #tpu.memory_space<hbm>> -> memref<1x128x128xf32, #tpu.memory_space<hbm>>
        %dma_wait3A_66 = tpu.memref_squeeze %dma_wait3A_65 : memref<1x128x128xf32, #tpu.memory_space<hbm>> -> memref<128x128xf32, #tpu.memory_space<hbm>>
        %dma_wait3A_67 = arith.constant 0 : i32
        %dma_wait3A_68 = tpu.memref_slice %arg11[%add3A_55, %dma_wait3A_67] : memref<10112x128xf32, #tpu.memory_space<vmem_shared>> -> memref<128x128xf32, #tpu.memory_space<vmem_shared>>
        tpu.wait_dma2 semaphore(%run_scoped3A_59 : memref<!tpu.dma_semaphore, #tpu.memory_space<semaphore_mem>>) src(%dma_wait3A_68 : memref<128x128xf32, #tpu.memory_space<vmem_shared>>) dst(%dma_wait3A_66 : memref<128x128xf32, #tpu.memory_space<hbm>>)
        tpu.yield
      }) : () -> ()
    }
    %scan3A_43 = arith.constant 4 : i32
    %add3A_44 = arith.constant 512 : i32
    %add3A_45 = arith.addi %mul3A_6, %add3A_44 : i32
    %add3A_46 = arith.constant 512 : i32
    %add3A_47 = arith.addi %mul3A_6, %add3A_46 : i32
    "tpu.region"() ({
      %run_scoped3A_48 = tpu.sem_alloc : memref<!tpu.dma_semaphore, #tpu.memory_space<semaphore_mem>>
      %dma_start3A_49 = arith.constant 0 : i32
      %dma_start3A_50 = tpu.memref_slice %arg4[%arg0, %add3A_47, %dma_start3A_49] : memref<2x10112x128xf32, #tpu.memory_space<hbm>> -> memref<1x120x128xf32, #tpu.memory_space<hbm>>
      %dma_start3A_51 = tpu.memref_squeeze %dma_start3A_50 : memref<1x120x128xf32, #tpu.memory_space<hbm>> -> memref<120x128xf32, #tpu.memory_space<hbm>>
      %dma_start3A_52 = arith.constant 0 : i32
      %dma_start3A_53 = tpu.memref_slice %arg11[%add3A_45, %dma_start3A_52] : memref<10112x128xf32, #tpu.memory_space<vmem_shared>> -> memref<120x128xf32, #tpu.memory_space<vmem_shared>>
      tpu.enqueue_dma source(%dma_start3A_53 : memref<120x128xf32, #tpu.memory_space<vmem_shared>>) target(%dma_start3A_51 : memref<120x128xf32, #tpu.memory_space<hbm>>) target_semaphore(%run_scoped3A_48 : memref<!tpu.dma_semaphore, #tpu.memory_space<semaphore_mem>>)
      %dma_wait3A = arith.constant 0 : i32
      %dma_wait3A_54 = tpu.memref_slice %arg4[%arg0, %add3A_47, %dma_wait3A] : memref<2x10112x128xf32, #tpu.memory_space<hbm>> -> memref<1x120x128xf32, #tpu.memory_space<hbm>>
      %dma_wait3A_55 = tpu.memref_squeeze %dma_wait3A_54 : memref<1x120x128xf32, #tpu.memory_space<hbm>> -> memref<120x128xf32, #tpu.memory_space<hbm>>
      %dma_wait3A_56 = arith.constant 0 : i32
      %dma_wait3A_57 = tpu.memref_slice %arg11[%add3A_45, %dma_wait3A_56] : memref<10112x128xf32, #tpu.memory_space<vmem_shared>> -> memref<120x128xf32, #tpu.memory_space<vmem_shared>>
      tpu.wait_dma2 semaphore(%run_scoped3A_48 : memref<!tpu.dma_semaphore, #tpu.memory_space<semaphore_mem>>) src(%dma_wait3A_57 : memref<120x128xf32, #tpu.memory_space<vmem_shared>>) dst(%dma_wait3A_55 : memref<120x128xf32, #tpu.memory_space<hbm>>)
      tpu.yield
    }) : () -> ()
    return
  }
}

module attributes {stable_mosaic.version = 14 : i64} {
  func.func @_tc_xw_scale_body(%arg0: i32, %arg1: memref<1264x128xf32, #tpu.memory_space<vmem>>, %arg2: memref<128x128xf32, #tpu.memory_space<vmem>>, %arg3: memref<1x1264x128xf32, #tpu.memory_space<vmem>>, %arg4: memref<1264x128xf32, #tpu.memory_space<vmem>>) attributes {dimension_semantics = [#tpu.dimension_semantics<arbitrary>], iteration_bounds = array<i64: 8>, scalar_prefetch = 0 : i64, scratch_operands = 0 : i64, tpu.core_type = #tpu.core_type<tc>, window_params = [{transform_indices = @transform_0, window_bounds = array<i64: 1264, 128>}, {pipeline_mode = #tpu.pipeline_mode<synchronous>, transform_indices = @transform_1, window_bounds = array<i64: 128, 128>}, {transform_indices = @transform_2, window_bounds = array<i64: 1, 1264, 128>}, {transform_indices = @transform_3, window_bounds = array<i64: 1264, 128>}]} {
    %get3A = arith.constant 0 : index
    %get3A_0 = arith.constant 0 : index
    %get3A_1 = arith.constant 0 : index
    %get3A_2 = vector.load %arg3[%get3A, %get3A_0, %get3A_1] : memref<1x1264x128xf32, #tpu.memory_space<vmem>>, vector<1x1264x1xf32>
    %get3A_3 = vector.shape_cast %get3A_2 : vector<1x1264x1xf32> to vector<1264x1xf32>
    %gt3A = arith.constant 0.000000e+00 : f32
    %gt3A_4 = vector.broadcast %gt3A : f32 to vector<1264x1xf32>
    %gt3A_5 = arith.cmpf ogt, %get3A_3, %gt3A_4 : vector<1264x1xf32>
    %sqrt3A = math.sqrt %get3A_3 : vector<1264x1xf32>
    %div3A = arith.constant 1.000000e+00 : f32
    %div3A_6 = vector.broadcast %div3A : f32 to vector<1264x1xf32>
    %div3A_7 = arith.divf %div3A_6, %sqrt3A : vector<1264x1xf32>
    %jit3A = arith.constant 0.000000e+00 : f32
    %broadcast_in_dim3A = vector.broadcast %jit3A : f32 to vector<1264x1xf32>
    %select_n3A = arith.select %gt3A_5, %div3A_7, %broadcast_in_dim3A : vector<1264x1xi1>, vector<1264x1xf32>
    %get3A_8 = arith.constant 0 : index
    %get3A_9 = arith.constant 0 : index
    %get3A_10 = vector.load %arg1[%get3A_8, %get3A_9] : memref<1264x128xf32, #tpu.memory_space<vmem>>, vector<1264x128xf32>
    %mul3A = vector.broadcast %select_n3A : vector<1264x1xf32> to vector<1264x128xf32>
    %mul3A_11 = arith.mulf %get3A_10, %mul3A : vector<1264x128xf32>
    %get3A_12 = arith.constant 0 : index
    %get3A_13 = arith.constant 0 : index
    %get3A_14 = vector.load %arg2[%get3A_12, %get3A_13] : memref<128x128xf32, #tpu.memory_space<vmem>>, vector<128x128xf32>
    %dot_general3A = arith.constant dense<0.000000e+00> : vector<1264x128xf32>
    %dot_general3A_15 = tpu.matmul %mul3A_11, %get3A_14, %dot_general3A {dimension_numbers = #tpu.dot_dimension_numbers<[1], [0], [0], [1], [0, 0, 1, 1], [], []>, precision = #tpu.contract_precision<fp32>, transpose_lhs_hint = false} : vector<1264x128xf32>, vector<128x128xf32>, vector<1264x128xf32> -> vector<1264x128xf32>
    %swap3A = arith.constant 0 : index
    %swap3A_16 = arith.constant 0 : index
    %swap3A_17 = vector.load %arg4[%swap3A, %swap3A_16] : memref<1264x128xf32, #tpu.memory_space<vmem>>, vector<1264x128xf32>
    tpu.vector_store %arg4[%swap3A, %swap3A_16], %dot_general3A_15 {strides = array<i32>} : memref<1264x128xf32, #tpu.memory_space<vmem>>, vector<1264x128xf32>,
    return
  }
  func.func @transform_0(%arg0: i32) -> (i32, i32) {
    %c0_i32 = arith.constant 0 : i32
    %c0_i32_0 = arith.constant 0 : i32
    return %arg0, %c0_i32 : i32, i32
  }
  func.func @transform_1(%arg0: i32) -> (i32, i32) {
    %c0_i32 = arith.constant 0 : i32
    %c0_i32_0 = arith.constant 0 : i32
    %c0_i32_1 = arith.constant 0 : i32
    return %c0_i32, %c0_i32_0 : i32, i32
  }
  func.func @transform_2(%arg0: i32) -> (i32, i32, i32) {
    %c0_i32 = arith.constant 0 : i32
    %c0_i32_0 = arith.constant 0 : i32
    %c0_i32_1 = arith.constant 0 : i32
    return %c0_i32, %arg0, %c0_i32_0 : i32, i32, i32
  }
  func.func @transform_3(%arg0: i32) -> (i32, i32) {
    %c0_i32 = arith.constant 0 : i32
    %c0_i32_0 = arith.constant 0 : i32
    return %arg0, %c0_i32 : i32, i32
  }
}

module attributes {stable_mosaic.version = 14 : i64} {
  func.func @_tc_combine_binv_body(%arg0: i32, %arg1: memref<2x1264x128xf32, #tpu.memory_space<vmem>>, %arg2: memref<1x1264x128xf32, #tpu.memory_space<vmem>>, %arg3: memref<1264x128xf32, #tpu.memory_space<vmem>>) attributes {dimension_semantics = [#tpu.dimension_semantics<arbitrary>], iteration_bounds = array<i64: 8>, scalar_prefetch = 0 : i64, scratch_operands = 0 : i64, tpu.core_type = #tpu.core_type<tc>, window_params = [{transform_indices = @transform_0, window_bounds = array<i64: 2, 1264, 128>}, {transform_indices = @transform_1, window_bounds = array<i64: 1, 1264, 128>}, {transform_indices = @transform_2, window_bounds = array<i64: 1264, 128>}]} {
    %get3A = arith.constant 0 : index
    %get3A_0 = arith.constant 0 : index
    %get3A_1 = arith.constant 0 : index
    %get3A_2 = vector.load %arg2[%get3A, %get3A_0, %get3A_1] : memref<1x1264x128xf32, #tpu.memory_space<vmem>>, vector<1x1264x1xf32>
    %get3A_3 = vector.shape_cast %get3A_2 : vector<1x1264x1xf32> to vector<1264x1xf32>
    %gt3A = arith.constant 0.000000e+00 : f32
    %gt3A_4 = vector.broadcast %gt3A : f32 to vector<1264x1xf32>
    %gt3A_5 = arith.cmpf ogt, %get3A_3, %gt3A_4 : vector<1264x1xf32>
    %div3A = arith.constant 1.000000e+00 : f32
    %div3A_6 = vector.broadcast %div3A : f32 to vector<1264x1xf32>
    %div3A_7 = arith.divf %div3A_6, %get3A_3 : vector<1264x1xf32>
    %jit3A = arith.constant 0.000000e+00 : f32
    %broadcast_in_dim3A = vector.broadcast %jit3A : f32 to vector<1264x1xf32>
    %select_n3A = arith.select %gt3A_5, %div3A_7, %broadcast_in_dim3A : vector<1264x1xi1>, vector<1264x1xf32>
    %get3A_8 = arith.constant 0 : index
    %get3A_9 = arith.constant 0 : index
    %get3A_10 = arith.constant 0 : index
    %get3A_11 = vector.load %arg1[%get3A_8, %get3A_9, %get3A_10] : memref<2x1264x128xf32, #tpu.memory_space<vmem>>, vector<1x1264x128xf32>
    %get3A_12 = vector.shape_cast %get3A_11 : vector<1x1264x128xf32> to vector<1264x128xf32>
    %get3A_13 = arith.constant 1 : index
    %get3A_14 = arith.constant 0 : index
    %get3A_15 = arith.constant 0 : index
    %get3A_16 = vector.load %arg1[%get3A_13, %get3A_14, %get3A_15] : memref<2x1264x128xf32, #tpu.memory_space<vmem>>, vector<1x1264x128xf32>
    %get3A_17 = vector.shape_cast %get3A_16 : vector<1x1264x128xf32> to vector<1264x128xf32>
    %add3A = arith.addf %get3A_12, %get3A_17 : vector<1264x128xf32>
    %mul3A = vector.broadcast %select_n3A : vector<1264x1xf32> to vector<1264x128xf32>
    %mul3A_18 = arith.mulf %add3A, %mul3A : vector<1264x128xf32>
    %swap3A = arith.constant 0 : index
    %swap3A_19 = arith.constant 0 : index
    %swap3A_20 = vector.load %arg3[%swap3A, %swap3A_19] : memref<1264x128xf32, #tpu.memory_space<vmem>>, vector<1264x128xf32>
    tpu.vector_store %arg3[%swap3A, %swap3A_19], %mul3A_18 {strides = array<i32>} : memref<1264x128xf32, #tpu.memory_space<vmem>>, vector<1264x128xf32>,
    return
  }
  func.func @transform_0(%arg0: i32) -> (i32, i32, i32) {
    %c0_i32 = arith.constant 0 : i32
    %c0_i32_0 = arith.constant 0 : i32
    %c0_i32_1 = arith.constant 0 : i32
    return %c0_i32, %arg0, %c0_i32_0 : i32, i32, i32
  }
  func.func @transform_1(%arg0: i32) -> (i32, i32, i32) {
    %c1_i32 = arith.constant 1 : i32
    %c0_i32 = arith.constant 0 : i32
    %c0_i32_0 = arith.constant 0 : i32
    return %c1_i32, %arg0, %c0_i32 : i32, i32, i32
  }
  func.func @transform_2(%arg0: i32) -> (i32, i32) {
    %c0_i32 = arith.constant 0 : i32
    %c0_i32_0 = arith.constant 0 : i32
    return %arg0, %c0_i32 : i32, i32
  }
}

module attributes {stable_mosaic.version = 14 : i64} {
  func.func @_tc_layer2_head_body(%arg0: i32, %arg1: memref<2x1264x128xf32, #tpu.memory_space<vmem>>, %arg2: memref<1x1264x128xf32, #tpu.memory_space<vmem>>, %arg3: memref<1x128xf32, #tpu.memory_space<vmem>>, %arg4: memref<128x128xf32, #tpu.memory_space<vmem>>, %arg5: memref<1264x128xf32, #tpu.memory_space<vmem>>) attributes {dimension_semantics = [#tpu.dimension_semantics<arbitrary>], iteration_bounds = array<i64: 8>, scalar_prefetch = 0 : i64, scratch_operands = 0 : i64, tpu.core_type = #tpu.core_type<tc>, window_params = [{transform_indices = @transform_0, window_bounds = array<i64: 2, 1264, 128>}, {transform_indices = @transform_1, window_bounds = array<i64: 1, 1264, 128>}, {pipeline_mode = #tpu.pipeline_mode<synchronous>, transform_indices = @transform_2, window_bounds = array<i64: 1, 128>}, {pipeline_mode = #tpu.pipeline_mode<synchronous>, transform_indices = @transform_3, window_bounds = array<i64: 128, 128>}, {transform_indices = @transform_4, window_bounds = array<i64: 1264, 128>}]} {
    %get3A = arith.constant 0 : index
    %get3A_0 = arith.constant 0 : index
    %get3A_1 = arith.constant 0 : index
    %get3A_2 = vector.load %arg2[%get3A, %get3A_0, %get3A_1] : memref<1x1264x128xf32, #tpu.memory_space<vmem>>, vector<1x1264x1xf32>
    %get3A_3 = vector.shape_cast %get3A_2 : vector<1x1264x1xf32> to vector<1264x1xf32>
    %gt3A = arith.constant 0.000000e+00 : f32
    %gt3A_4 = vector.broadcast %gt3A : f32 to vector<1264x1xf32>
    %gt3A_5 = arith.cmpf ogt, %get3A_3, %gt3A_4 : vector<1264x1xf32>
    %sqrt3A = math.sqrt %get3A_3 : vector<1264x1xf32>
    %div3A = arith.constant 1.000000e+00 : f32
    %div3A_6 = vector.broadcast %div3A : f32 to vector<1264x1xf32>
    %div3A_7 = arith.divf %div3A_6, %sqrt3A : vector<1264x1xf32>
    %jit3A = arith.constant 0.000000e+00 : f32
    %broadcast_in_dim3A = vector.broadcast %jit3A : f32 to vector<1264x1xf32>
    %select_n3A = arith.select %gt3A_5, %div3A_7, %broadcast_in_dim3A : vector<1264x1xi1>, vector<1264x1xf32>
    %get3A_8 = arith.constant 0 : index
    %get3A_9 = arith.constant 0 : index
    %get3A_10 = arith.constant 0 : index
    %get3A_11 = vector.load %arg1[%get3A_8, %get3A_9, %get3A_10] : memref<2x1264x128xf32, #tpu.memory_space<vmem>>, vector<1x1264x128xf32>
    %get3A_12 = vector.shape_cast %get3A_11 : vector<1x1264x128xf32> to vector<1264x128xf32>
    %get3A_13 = arith.constant 1 : index
    %get3A_14 = arith.constant 0 : index
    %get3A_15 = arith.constant 0 : index
    %get3A_16 = vector.load %arg1[%get3A_13, %get3A_14, %get3A_15] : memref<2x1264x128xf32, #tpu.memory_space<vmem>>, vector<1x1264x128xf32>
    %get3A_17 = vector.shape_cast %get3A_16 : vector<1x1264x128xf32> to vector<1264x128xf32>
    %add3A = arith.addf %get3A_12, %get3A_17 : vector<1264x128xf32>
    %mul3A = vector.broadcast %select_n3A : vector<1264x1xf32> to vector<1264x128xf32>
    %mul3A_18 = arith.mulf %add3A, %mul3A : vector<1264x128xf32>
    %get3A_19 = arith.constant 0 : index
    %get3A_20 = arith.constant 0 : index
    %get3A_21 = vector.load %arg3[%get3A_19, %get3A_20] : memref<1x128xf32, #tpu.memory_space<vmem>>, vector<1x128xf32>
    %add3A_22 = vector.broadcast %get3A_21 : vector<1x128xf32> to vector<1264x128xf32>
    %add3A_23 = arith.addf %mul3A_18, %add3A_22 : vector<1264x128xf32>
    %max3A = arith.constant 0.000000e+00 : f32
    %max3A_24 = vector.broadcast %max3A : f32 to vector<1264x128xf32>
    %max3A_25 = arith.maximumf %add3A_23, %max3A_24 : vector<1264x128xf32>
    %mul3A_26 = vector.broadcast %select_n3A : vector<1264x1xf32> to vector<1264x128xf32>
    %mul3A_27 = arith.mulf %max3A_25, %mul3A_26 : vector<1264x128xf32>
    %get3A_28 = arith.constant 0 : index
    %get3A_29 = arith.constant 0 : index
    %get3A_30 = vector.load %arg4[%get3A_28, %get3A_29] : memref<128x128xf32, #tpu.memory_space<vmem>>, vector<128x128xf32>
    %dot_general3A = arith.constant dense<0.000000e+00> : vector<1264x128xf32>
    %dot_general3A_31 = tpu.matmul %mul3A_27, %get3A_30, %dot_general3A {dimension_numbers = #tpu.dot_dimension_numbers<[1], [0], [0], [1], [0, 0, 1, 1], [], []>, precision = #tpu.contract_precision<fp32>, transpose_lhs_hint = false} : vector<1264x128xf32>, vector<128x128xf32>, vector<1264x128xf32> -> vector<1264x128xf32>
    %swap3A = arith.constant 0 : index
    %swap3A_32 = arith.constant 0 : index
    %swap3A_33 = vector.load %arg5[%swap3A, %swap3A_32] : memref<1264x128xf32, #tpu.memory_space<vmem>>, vector<1264x128xf32>
    tpu.vector_store %arg5[%swap3A, %swap3A_32], %dot_general3A_31 {strides = array<i32>} : memref<1264x128xf32, #tpu.memory_space<vmem>>, vector<1264x128xf32>,
    return
  }
  func.func @transform_0(%arg0: i32) -> (i32, i32, i32) {
    %c0_i32 = arith.constant 0 : i32
    %c0_i32_0 = arith.constant 0 : i32
    %c0_i32_1 = arith.constant 0 : i32
    return %c0_i32, %arg0, %c0_i32_0 : i32, i32, i32
  }
  func.func @transform_1(%arg0: i32) -> (i32, i32, i32) {
    %c0_i32 = arith.constant 0 : i32
    %c0_i32_0 = arith.constant 0 : i32
    %c0_i32_1 = arith.constant 0 : i32
    return %c0_i32, %arg0, %c0_i32_0 : i32, i32, i32
  }
  func.func @transform_2(%arg0: i32) -> (i32, i32) {
    %c0_i32 = arith.constant 0 : i32
    %c0_i32_0 = arith.constant 0 : i32
    %c0_i32_1 = arith.constant 0 : i32
    return %c0_i32, %c0_i32_0 : i32, i32
  }
  func.func @transform_3(%arg0: i32) -> (i32, i32) {
    %c0_i32 = arith.constant 0 : i32
    %c0_i32_0 = arith.constant 0 : i32
    %c0_i32_1 = arith.constant 0 : i32
    return %c0_i32, %c0_i32_0 : i32, i32
  }
  func.func @transform_4(%arg0: i32) -> (i32, i32) {
    %c0_i32 = arith.constant 0 : i32
    %c0_i32_0 = arith.constant 0 : i32
    return %arg0, %c0_i32 : i32, i32
  }
}

module attributes {stable_mosaic.version = 14 : i64} {
  func.func @_tc_final_body(%arg0: i32, %arg1: memref<2x1264x128xf32, #tpu.memory_space<vmem>>, %arg2: memref<1x1264x128xf32, #tpu.memory_space<vmem>>, %arg3: memref<1x128xf32, #tpu.memory_space<vmem>>, %arg4: memref<1264x128xf32, #tpu.memory_space<vmem>>) attributes {dimension_semantics = [#tpu.dimension_semantics<arbitrary>], iteration_bounds = array<i64: 8>, scalar_prefetch = 0 : i64, scratch_operands = 0 : i64, tpu.core_type = #tpu.core_type<tc>, window_params = [{transform_indices = @transform_0, window_bounds = array<i64: 2, 1264, 128>}, {transform_indices = @transform_1, window_bounds = array<i64: 1, 1264, 128>}, {pipeline_mode = #tpu.pipeline_mode<synchronous>, transform_indices = @transform_2, window_bounds = array<i64: 1, 128>}, {transform_indices = @transform_3, window_bounds = array<i64: 1264, 128>}]} {
    %get3A = arith.constant 0 : index
    %get3A_0 = arith.constant 0 : index
    %get3A_1 = arith.constant 0 : index
    %get3A_2 = vector.load %arg2[%get3A, %get3A_0, %get3A_1] : memref<1x1264x128xf32, #tpu.memory_space<vmem>>, vector<1x1264x1xf32>
    %get3A_3 = vector.shape_cast %get3A_2 : vector<1x1264x1xf32> to vector<1264x1xf32>
    %gt3A = arith.constant 0.000000e+00 : f32
    %gt3A_4 = vector.broadcast %gt3A : f32 to vector<1264x1xf32>
    %gt3A_5 = arith.cmpf ogt, %get3A_3, %gt3A_4 : vector<1264x1xf32>
    %sqrt3A = math.sqrt %get3A_3 : vector<1264x1xf32>
    %div3A = arith.constant 1.000000e+00 : f32
    %div3A_6 = vector.broadcast %div3A : f32 to vector<1264x1xf32>
    %div3A_7 = arith.divf %div3A_6, %sqrt3A : vector<1264x1xf32>
    %jit3A = arith.constant 0.000000e+00 : f32
    %broadcast_in_dim3A = vector.broadcast %jit3A : f32 to vector<1264x1xf32>
    %select_n3A = arith.select %gt3A_5, %div3A_7, %broadcast_in_dim3A : vector<1264x1xi1>, vector<1264x1xf32>
    %get3A_8 = arith.constant 0 : index
    %get3A_9 = arith.constant 0 : index
    %get3A_10 = arith.constant 0 : index
    %get3A_11 = vector.load %arg1[%get3A_8, %get3A_9, %get3A_10] : memref<2x1264x128xf32, #tpu.memory_space<vmem>>, vector<1x1264x128xf32>
    %get3A_12 = vector.shape_cast %get3A_11 : vector<1x1264x128xf32> to vector<1264x128xf32>
    %get3A_13 = arith.constant 1 : index
    %get3A_14 = arith.constant 0 : index
    %get3A_15 = arith.constant 0 : index
    %get3A_16 = vector.load %arg1[%get3A_13, %get3A_14, %get3A_15] : memref<2x1264x128xf32, #tpu.memory_space<vmem>>, vector<1x1264x128xf32>
    %get3A_17 = vector.shape_cast %get3A_16 : vector<1x1264x128xf32> to vector<1264x128xf32>
    %add3A = arith.addf %get3A_12, %get3A_17 : vector<1264x128xf32>
    %mul3A = vector.broadcast %select_n3A : vector<1264x1xf32> to vector<1264x128xf32>
    %mul3A_18 = arith.mulf %add3A, %mul3A : vector<1264x128xf32>
    %get3A_19 = arith.constant 0 : index
    %get3A_20 = arith.constant 0 : index
    %get3A_21 = vector.load %arg3[%get3A_19, %get3A_20] : memref<1x128xf32, #tpu.memory_space<vmem>>, vector<1x128xf32>
    %add3A_22 = vector.broadcast %get3A_21 : vector<1x128xf32> to vector<1264x128xf32>
    %add3A_23 = arith.addf %mul3A_18, %add3A_22 : vector<1264x128xf32>
    %swap3A = arith.constant 0 : index
    %swap3A_24 = arith.constant 0 : index
    %swap3A_25 = vector.load %arg4[%swap3A, %swap3A_24] : memref<1264x128xf32, #tpu.memory_space<vmem>>, vector<1264x128xf32>
    tpu.vector_store %arg4[%swap3A, %swap3A_24], %add3A_23 {strides = array<i32>} : memref<1264x128xf32, #tpu.memory_space<vmem>>, vector<1264x128xf32>,
    return
  }
  func.func @transform_0(%arg0: i32) -> (i32, i32, i32) {
    %c0_i32 = arith.constant 0 : i32
    %c0_i32_0 = arith.constant 0 : i32
    %c0_i32_1 = arith.constant 0 : i32
    return %c0_i32, %arg0, %c0_i32_0 : i32, i32, i32
  }
  func.func @transform_1(%arg0: i32) -> (i32, i32, i32) {
    %c0_i32 = arith.constant 0 : i32
    %c0_i32_0 = arith.constant 0 : i32
    %c0_i32_1 = arith.constant 0 : i32
    return %c0_i32, %arg0, %c0_i32_0 : i32, i32, i32
  }
  func.func @transform_2(%arg0: i32) -> (i32, i32) {
    %c0_i32 = arith.constant 0 : i32
    %c0_i32_0 = arith.constant 0 : i32
    %c0_i32_1 = arith.constant 0 : i32
    return %c0_i32, %c0_i32_0 : i32, i32
  }
  func.func @transform_3(%arg0: i32) -> (i32, i32) {
    %c0_i32 = arith.constant 0 : i32
    %c0_i32_0 = arith.constant 0 : i32
    return %arg0, %c0_i32 : i32, i32
  }
}

</mosaic_0001>

<sc_bundles>
// kernel: kernel.12.cloned.1.call-start
scs
__scs_entry_jumppad:
0x0: {  	(pc) =	sbr.rel $0x88, $3  }
0x1: {  	(tag) =	ssettag $0x0;
	lr =	simm.s32 $0x1  }
0x2: {  	[smem:$0x3F9B] =	sst lr;
	_ =	strace $0xD0000000  }
0x3: {  	_ = 	snop  }
0x4: {  	_ = 	snop  }
0x5: {  	_ = 	snop  }
0x6: {  	_ = 	snop  }
0x7: {  	_ = 	snop  }
__scs_overlays_trampoline_lowered:
0x8: {  	[smem:$0x3FAA] =	sst s0  }
0x9: {  	[smem:$0x3FAB] =	sst s1  }
0xa: {  	[smem:$0x3FAC] =	sst s2  }
0xb: {  	[smem:$0x3FAD] =	sst s3  }
0xc: {  	[smem:$0x3FAE] =	sst s4  }
0xd: {  	[smem:$0x3FAF] =	sst s5  }
0xe: {  	[smem:$0x3FB0] =	sst s6  }
0xf: {  	[smem:$0x3FB1] =	sst s7  }
0x10: {  	[smem:$0x3FB2] =	sst s8  }
0x11: {  	[smem:$0x3FB3] =	sst s9;
	s0 =	simm.s32 @!p0 $0x0  }
0x12: {  	s1 =	sld [smem:$0x3F99];
	s0 =	simm.s32 @p0 $0x1  }
0x13: {  	[smem:$0x3FB4] =	sst s0;
	s0 =	simm.s32 @!p1 $0x0  }
0x14: {  	s2 =	sld [smem:$0x3F98];
	s0 =	simm.s32 @p1 $0x1  }
0x15: {  	[smem:$0x3FB5] =	sst s0;
	s0 =	simm.s32 @!p2 $0x0  }
0x16: {  	s3 =	sld [smem:$0x3FDB];
	s0 =	simm.s32 @p2 $0x1  }
0x17: {  	s4 =	simm.s32 $0x1BF5;
	[smem:$0x3FB7] =	sst s0  }
0x18: {  	s0 =	sld [smem:$0x3F9A];
	_ =	swait.ge [sflag:s4], $0x0  }
0x19: {  	s7 =	sld [smem:$0x3F9B]  }
0x1a: {  	s8 =	sadd.s32 $0xFFFFE003, lr  }
0x1b: {  	s9 =	sadd.s32 $0xFFFFFEF7, lr;
	s5 =	simm.s32 $0xFFFFFFFF;
	p2 =	slt.u32 s8, $0xFFFFF086  }
0x1c: {  	p1 =	slt.u32 s9, $0xF7A;
	s5 =	simm.s32 @!p2 $0x0  }
0x1d: {  	s5 =	simm.s32 @p1 $0x1;
	p0 =	seq.s32 s7, s2  }
0x1e: {  	s7 =	smul.u32 @!p0 $0xF7A, s2;
	p2 =	seq.s32 @!p0 s5, $0x0  }
0x1f: {  	s9 =	smul.u32 $0xF7A, s1;
	s8 =	simm.s32 @!p0 $0x1BF5;
	p2 =	por !p2, p0  }
0x20: {  	[sflag:s8] =	ssyncset.s32 @!p0 $0xFFFFF086;
	s6 =	sadd.s32 @!p0 s3, s7;
	s7 =	simm.s32 @!p0 $0x108  }
0x21: {  	s3 =	sadd.s32 s3, s9;
	s6 =	sadd.s32 @!p0 $0x88, s6;
	s7 =	simm.s32 @p2 $0x1082  }
0x22: {  	[simem:s7], [sflag:s8] =	dma.local @!p0 [hbm:s6], $0xF7A  }
0x23: {  	s9 =	sor.u32 $0xD0000000, s2;
	s6 =	simm.s32 $0x108;
	_ =	swait.ge @!p0 [sflag:s8], $0x0  }
0x24: {  	s3 =	sadd.s32 $0x88, s3;
	s6 =	simm.s32 @!p1 $0x1082;
	[sflag:s4] =	ssyncset.s32 $0xFFFFF086  }
0x25: {  	[simem:s6], [sflag:s4] =	dma.local [hbm:s3], $0xF7A  }
0x26: {  	[smem:$0x3F9B] =	sst s1;
	(tag) =	ssettag s2;
	_ =	strace s9  }
0x27: {  	s1 =	sld [smem:$0x3FAB]  }
0x28: {  	s2 =	sld [smem:$0x3FAC]  }
0x29: {  	s4 =	sld [smem:$0x3FAE]  }
0x2a: {  	p0 =	seq.s32 s5, $0x0;
	s5 =	sld [smem:$0x3FAF]  }
0x2b: {  	s6 =	sld [smem:$0x3FB0]  }
0x2c: {  	s7 =	sld [smem:$0x3FB1]  }
0x2d: {  	s3 =	simm.s32 $0x108;
	s8 =	sld [smem:$0x3FB2]  }
0x2e: {  	s3 =	simm.s32 @!p0 $0x1082;
	s9 =	sld [smem:$0x3FB3]  }
0x2f: {  	lr =	sadd.s32 s0, s3;
	s0 =	sld [smem:$0x3FAA]  }
0x30: {  	s3 =	sld [smem:$0x3FAD]  }
0x31: {  	[smem:$0x3FB6] =	sst s10  }
0x32: {  	s10 =	sld [smem:$0x3FB4];
	_ =	sdelay $0x3  }
0x33: {  	p0 =	seq.s32 s10, $0x1;
	s10 =	sld [smem:$0x3FB6];
	_ =	sdelay $0x3  }
0x34: {  	[smem:$0x3FB6] =	sst s10  }
0x35: {  	s10 =	sld [smem:$0x3FB5];
	_ =	sdelay $0x3  }
0x36: {  	p1 =	seq.s32 s10, $0x1;
	s10 =	sld [smem:$0x3FB6];
	_ =	sdelay $0x3  }
0x37: {  	[smem:$0x3FB6] =	sst s10  }
0x38: {  	s10 =	sld [smem:$0x3FB7]  }
0x39: {  	_ = 	snop;
	(pc) =	sbr.ind lr, $3  }
0x3a: {  	_ = 	snop  }
0x3b: {  	_ = 	snop  }
0x3c: {  	p2 =	seq.s32 s10, $0x1;
	s10 =	sld [smem:$0x3FB6]  }
0x3d: {  	_ =	shalt  }
0x3e: {  	_ =	shalt  }
0x3f: {  	_ =	shalt  }
0x40: {  	_ =	shalt  }
0x41: {  	_ =	shalt  }
0x42: {  	_ =	shalt  }
0x43: {  	_ =	shalt  }
0x44: {  	_ =	shalt  }
0x45: {  	_ =	shalt  }
0x46: {  	_ =	shalt  }
0x47: {  	_ =	shalt  }
0x48: {  	_ =	shalt  }
0x49: {  	_ =	shalt  }
0x4a: {  	_ =	shalt  }
0x4b: {  	_ =	shalt  }
0x4c: {  	_ =	shalt  }
0x4d: {  	_ =	shalt  }
0x4e: {  	_ =	shalt  }
0x4f: {  	_ =	shalt  }
0x50: {  	_ =	shalt  }
0x51: {  	_ =	shalt  }
0x52: {  	_ =	shalt  }
0x53: {  	_ =	shalt  }
0x54: {  	_ =	shalt  }
0x55: {  	_ =	shalt  }
0x56: {  	_ =	shalt  }
0x57: {  	_ =	shalt  }
0x58: {  	_ =	shalt  }
0x59: {  	_ =	shalt  }
0x5a: {  	_ =	shalt  }
0x5b: {  	_ =	shalt  }
0x5c: {  	_ =	shalt  }
0x5d: {  	_ =	shalt  }
0x5e: {  	_ =	shalt  }
0x5f: {  	_ =	shalt  }
0x60: {  	_ =	shalt  }
0x61: {  	_ =	shalt  }
0x62: {  	_ =	shalt  }
0x63: {  	_ =	shalt  }
0x64: {  	_ =	shalt  }
0x65: {  	_ =	shalt  }
0x66: {  	_ =	shalt  }
0x67: {  	_ =	shalt  }
0x68: {  	_ =	shalt  }
0x69: {  	_ =	shalt  }
0x6a: {  	_ =	shalt  }
0x6b: {  	_ =	shalt  }
0x6c: {  	_ =	shalt  }
0x6d: {  	_ =	shalt  }
0x6e: {  	_ =	shalt  }
0x6f: {  	_ =	shalt  }
0x70: {  	_ =	shalt  }
0x71: {  	_ =	shalt  }
0x72: {  	_ =	shalt  }
0x73: {  	_ =	shalt  }
0x74: {  	_ =	shalt  }
0x75: {  	_ =	shalt  }
0x76: {  	_ =	shalt  }
0x77: {  	_ =	shalt  }
0x78: {  	_ =	shalt  }
0x79: {  	_ =	shalt  }
0x7a: {  	_ =	shalt  }
0x7b: {  	_ =	shalt  }
0x7c: {  	_ =	shalt  }
0x7d: {  	_ =	shalt  }
0x7e: {  	_ =	shalt  }
0x7f: {  	_ =	shalt  }
0x80: {  	_ =	shalt  }
0x81: {  	_ =	shalt  }
0x82: {  	_ =	shalt  }
0x83: {  	_ =	shalt  }
0x84: {  	_ =	shalt  }
0x85: {  	_ =	shalt  }
0x86: {  	_ =	shalt  }
0x87: {  	_ =	shalt  }
.Lfunc_end0:
.L_simem_size_0:
called_computation_lowered:
.L_overlay_start_0:
0x88: {  	s2 =	sld [smem:$0x3FD9]  }
0x89: {  	s3 =	sld [smem:$0x3FFE];
	_ =	sdelay $0x1  }
0x8a: {  	s1 =	srdreg.scid  }
0x8b: {  	s0 =	sand.u32 $0x1, s1  }
0x8c: {  	s17 =	sshll.u32 s0, $0xA;
	s2 =	sadd.s32 s3, s2  }
0x8d: {  	s2 =	sadd.s32 s2, s17  }
0x8e: {  	[smem:$0x3FC2] =	sst s2  }
0x8f: {  	_ = 	snop  }
0x90: {  	s2 =	sld [smem:$0x3FD0];
	(tm) =	ssettm $0x1  }
0x91: {  	s18 =	sld [smem:$0x3FFB];
	_ =	sdelay $0x3  }
0x92: {  	_ =	strace s18  }
0x93: {  	s3 =	sld [smem:$0x3FFC];
	_ =	sdelay $0x3  }
0x94: {  	_ =	strace s3  }
0x95: {  	s3 =	sld [smem:$0x3FFD];
	_ =	sdelay $0x3  }
0x96: {  	_ =	strace s3  }
0x97: {  	_ =	strace $0x8FFFFFFF  }
0x98: {  	s19 =	sld [smem:$0x3FDB];
	_ =	sdelay $0x1  }
0x99: {  	s4 =	simm.s32 $_scs_section_size  }
0x9a: {  	s5 =	simm.s32 $_size__tile_overlayer_lowered;
	s6 =	simm.s32 $_tile_overlayer_lowered  }
0x9b: {  	s22 =	simm.s32 $0x1BFF;
	s21 =	sshll.u32 s6, $0x1;
	s3 =	sadd.s32 s4, s19  }
0x9c: {  	s7 =	simm.s32 $0x0;
	s20 =	sshll.u32 s5, $0x1;
	s5 =	sadd.s32 s21, s3  }
0x9d: {  	[timem:s7], [sflag:s22] =	dma.local [hbm:s5], s20  }
0x9e: {  	_ =	swait.ge [sflag:s22], s20  }
0x9f: {  	s4 =	ssub.s32 $0x0, s20;
	[sflag:s22] =	ssyncset.done $0x0  }
0xa0: {  	[sflag:s22] =	ssyncadd.s32 s4;
	_ =	sdelay $0x1  }
0xa1: {  	s23 =	simm.s32 $0x1B8B  }
0xa2: {  	_ =	swait.ge [sflag:s23], $0x1  }
0xa3: {  	[sflag:s23] =	ssyncset.done $0x0  }
0xa4: {  	s25 =	simm.s32 $0x1B8E;
	s24 =	sld [smem:$0x3FFE];
	[sflag:s23] =	ssyncadd.s32 $0xFFFFFFFF  }
0xa5: {  	s26 =	simm.s32 $execute0_lowered;
	[smem:$0x3FD2] =	sst s25  }
0xa6: {  	s5 =	sshll.u32 s26, $0x1;
	_ =	strace $0x80000046;
	[dreg:$0x1] =	wrdreg $0xFFFFFFFF  }
0xa7: {  	s28 =	simm.s32 $_size_execute0_lowered;
	s3 =	sadd.s32 s3, s5;
	[dreg:$0x0] =	wrdreg $0x0  }
0xa8: {  	s5 =	sshll.u32 s28, $0x1;
	[dreg:$0x2] =	wrdreg s3  }
0xa9: {  	[dreg:$0x3] =	wrdreg s5  }
0xaa: {  	[dreg:$0x4] =	wrdreg $0xC0  }
0xab: {  	_ =	task [dreg:s7], $0x5FFFF  }
0xac: {  	[dreg:$0x1] =	wrdreg $0xFFFFFFFF  }
0xad: {  	[dreg:$0x0] =	wrdreg $0x60  }
0xae: {  	[dreg:$0x2] =	wrdreg s2  }
0xaf: {  	[dreg:$0x3] =	wrdreg s24  }
0xb0: {  	[dreg:$0x4] =	wrdreg $0x41000  }
0xb1: {  	[dreg:$0x5] =	wrdreg $0x9  }
0xb2: {  	_ =	task.clear_ibuf [dreg:s7], $0x6FFFF;
	_ =	strace $0x90000046  }
0xb3: {  	s29 =	simm.s32 $0x9;
	_ =	strace $0x80000048  }
0xb4: {  	_ =	swait.ge [sflag:s29], $0x1  }
0xb5: {  	[sflag:s29] =	ssyncadd.s32 $0xFFFFFFFF  }
0xb6: {  	_ =	strace $0x90000048  }
0xb7: {  	_ =	sfence  }
0xb8: {  	s30 =	sld [smem:$0x0];
	_ =	sdelay $0x2  }
0xb9: {  	s31 =	sshll.u32 s1, $0xD;
	s1 =	sshrl.u32 s1, $0x2  }
0xba: {  	s3 =	sand.u32 $0x4000, s31;
	s1 =	sadd.s32 s1, s30  }
0xbb: {  	s0 =	sor.u32 s3, s0;
	s1 =	sshll.u32 s1, $0x11  }
0xbc: {  	s0 =	sor.u32 s1, s0  }
0xbd: {  	s0 =	sadd.s32 $0x8F2B, s0  }
0xbe: {  	[sflag:s0] =	ssyncadd.remote.s32 $0x1  }
0xbf: {  	_ =	sfence.sel $0xFFFF  }
0xc0: {  	[dreg:$0x0] =	wrdreg $0xFFFFFFFF;
	(pc) =	sbr.abs _section_cstart, $3  }
0xc1: {  	[dreg:$0x1] =	wrdreg $0xFFFFFFFF  }
0xc2: {  	_ =	task.clear_ibuf [dreg:s7], $0x2FFFF;
	_ =	strace $0x9FFFFFFF  }
0xc3: {  	(tm) =	ssettm $0x7FFFFFFF  }
tec
execute0_lowered:
.L_overlay_start_1:
0x0: {  	(tag) =	ssettag $0x1  }
0x1: {  	s1 =	rddreg [dreg:$0x0]  }
0x2: {  	s7 =	rddreg [dreg:$0x1]  }
0x3: {  	s3 =	rddreg [dreg:$0x2]  }
0x4: {  	s0 =	srdreg.scid;
	s2 =	rddreg [dreg:$0x3]  }
0x5: {  	s4 =	simm.s32 $0x0;
	s16 =	simm.s32 $0x100;
	s8 =	sand.u32 $0x1, s0  }
0x6: {  	s17 =	simm.s32 $0x2;
	s0 =	stileid.u32;
	s5 =	smul.u32 $0x13C000, s8  }
0x7: {  	s18 =	simm.s32 $0x1;
	s19 =	simm.s32 $0x80;
	s6 =	smul.u32 $0x13C00, s0  }
0x8: {  	s20 =	simm.s32 $0x0;
	[smem:$0x7FF] =	sst s4;
	s9 =	smul.u32 $0x4F000, s0  }
0x9: {  	_ =	strace $0x80000047;
	s6 =	sadd.s32 s6, s5;
	s5 =	smul.u32 $0x50000, s8  }
0xa: {  	s8 =	ssub.s32 $0x2, s8;
	s10 =	sshrl.u32 s6, $0x3;
	s6 =	smul.u32 $0x5000, s0  }
0xb: {  	s29 =	sshrl.u32 s9, $0x2;
	s30 =	sshrl.u32 s8, $0x1;
	s10 =	sadd.s32 s10, s7  }
0xc: {  	s7 =	sadd.s32 s29, s3;
	s12 =	ssub.s32 s8, s30;
	s11 =	sadd.s32 s6, s5  }
0xd: {  	s8 =	sadd.s32 $0x10000, s7;
	s10 =	sadd.s32 $0x3600, s10;
	s31 =	sshrl.u32 s11, $0x3  }
0xe: {  	s13 =	sadd.s32 $0x4000, s7;
	s14 =	sadd.s32 $0x8000, s7;
	s9 =	sadd.s32 s1, s31  }
0xf: {  	v0 =	vimm.f32 $0.0e+00;
	v1 =	vimm.f32 $1.000000000e+00;
	s15 =	sadd.s32 $0xC000, s7;
	s11 =	smax.u32 s12, $0x1;
	s12 =	sadd.s32 $0x9F0, s9  }
.LBB2_1:
0x10: {  	s21 =	simm.s32 $0x0;
	s22 =	simm.s32 $0x200  }
.LBB2_2:
0x11: {  	p0 =	sne.s32 s22, $0xFE00;
	[tilespmem:s21+$0x170] =	vst v0  }
0x12: {  	[tilespmem:s21+$0x100] =	vst v0  }
0x13: {  	[tilespmem:s21+$0x110] =	vst v0  }
.Ltmp0:
0x14: {  	[tilespmem:s21+$0x120] =	vst v0;
	(pc) =	sbr.rel @p0 .LBB2_2-.Ltmp0, $4  }
0x15: {  	[tilespmem:s21+$0x130] =	vst v0  }
0x16: {  	[tilespmem:s21+$0x140] =	vst v0  }
0x17: {  	[tilespmem:s21+$0x150] =	vst v0  }
0x18: {  	[tilespmem:s21+$0x160] =	vst v0;
	s21 =	sshra.s32 s22, $0x2;
	s22 =	sadd.s32 $0x200, s22  }
0x19: {  	[tilespmem:s21+$0x170] =	vst v0  }
0x1a: {  	[tilespmem:s21+$0x100] =	vst v0  }
0x1b: {  	[tilespmem:s21+$0x110] =	vst v0  }
0x1c: {  	[tilespmem:s21+$0x120] =	vst v0  }
0x1d: {  	[tilespmem:s21+$0x130] =	vst v0  }
0x1e: {  	[tilespmem:s21+$0x140] =	vst v0  }
0x1f: {  	[tilespmem:s21+$0x150] =	vst v0  }
0x20: {  	[tilespmem:s21+$0x160] =	vst v0  }
0x21: {  	[spmem:s7] =	stream.linear.scatter [tilespmem:s16], [sflag:$0x2], $0x4000, $0x38;
	[tilespmem:$0x17D00] =	vst v63  }
0x22: {  	_ =	swait.ge [sflag:s17], $0x4000  }
0x23: {  	[sflag:s17] =	ssyncset.done $0x0  }
0x24: {  	[sflag:s17] =	ssyncadd.s32 $0xFFFFC000  }
0x25: {  	[spmem:s13] =	stream.linear.scatter [tilespmem:s16], [sflag:$0x2], $0x4000, $0x38;
	[tilespmem:$0x17D00] =	vst v63  }
0x26: {  	_ =	swait.ge [sflag:s17], $0x4000  }
0x27: {  	[sflag:s17] =	ssyncset.done $0x0  }
0x28: {  	[sflag:s17] =	ssyncadd.s32 $0xFFFFC000  }
0x29: {  	[spmem:s14] =	stream.linear.scatter [tilespmem:s16], [sflag:$0x2], $0x4000, $0x38;
	[tilespmem:$0x17D00] =	vst v63  }
0x2a: {  	_ =	swait.ge [sflag:s17], $0x4000  }
0x2b: {  	[sflag:s17] =	ssyncset.done $0x0  }
0x2c: {  	[sflag:s17] =	ssyncadd.s32 $0xFFFFC000  }
0x2d: {  	[spmem:s15] =	stream.linear.scatter [tilespmem:s16], [sflag:$0x2], $0x4000, $0x38;
	[tilespmem:$0x17D00] =	vst v63  }
0x2e: {  	_ =	swait.ge [sflag:s17], $0x4000  }
0x2f: {  	[sflag:s17] =	ssyncset.done $0x0  }
0x30: {  	[sflag:s17] =	ssyncadd.s32 $0xFFFFC000  }
0x31: {  	[spmem:s8] =	stream.linear.scatter [tilespmem:s16], [sflag:$0x2], $0x3C00, $0x38;
	[tilespmem:$0x17D00] =	vst v63  }
0x32: {  	_ =	swait.ge [sflag:s17], $0x3C00  }
0x33: {  	[sflag:s17] =	ssyncset.done $0x0  }
0x34: {  	s21 =	simm.s32 $0x0;
	s22 =	simm.s32 $0x200;
	[sflag:s17] =	ssyncadd.s32 $0xFFFFC400  }
.LBB2_4:
0x35: {  	p0 =	sne.s32 s22, $0xFE00;
	[tilespmem:s21+$0x170] =	vst v1  }
0x36: {  	[tilespmem:s21+$0x100] =	vst v1  }
0x37: {  	[tilespmem:s21+$0x110] =	vst v1  }
.Ltmp1:
0x38: {  	[tilespmem:s21+$0x120] =	vst v1;
	(pc) =	sbr.rel @p0 .LBB2_4-.Ltmp1, $4  }
0x39: {  	[tilespmem:s21+$0x130] =	vst v1  }
0x3a: {  	[tilespmem:s21+$0x140] =	vst v1  }
0x3b: {  	[tilespmem:s21+$0x150] =	vst v1  }
0x3c: {  	[tilespmem:s21+$0x160] =	vst v1;
	s21 =	sshra.s32 s22, $0x2;
	s22 =	sadd.s32 $0x200, s22  }
0x3d: {  	[tilespmem:s21+$0x170] =	vst v1  }
0x3e: {  	[tilespmem:s21+$0x100] =	vst v1  }
0x3f: {  	[tilespmem:s21+$0x110] =	vst v1  }
0x40: {  	[tilespmem:s21+$0x120] =	vst v1  }
0x41: {  	[tilespmem:s21+$0x130] =	vst v1  }
0x42: {  	[tilespmem:s21+$0x140] =	vst v1  }
0x43: {  	[tilespmem:s21+$0x150] =	vst v1  }
0x44: {  	[tilespmem:s21+$0x160] =	vst v1;
	s22 =	sadd.s32 $0x0, s6  }
0x45: {  	s26 =	simm.s32 $0x0;
	[bflag:$0x0] =	sbarrier.arrive $0xFFFF;
	s23 =	sand.u32 $0xFFC00, s22  }
0x46: {  	[tilespmem:s26], [sflag:$0x1] =	stream.linear.gather [hbm4b:s9+s26], $0x80, $0x38;
	[tilespmem:$0x17D00] =	vst v63  }
0x47: {  	s21 =	sand.u32 $0x300, s26;
	s23 =	sadd.s32 s5, s23  }
0x48: {  	s21 =	sor.u32 s23, s21  }
0x49: {  	_ =	swait.ge [sflag:s18], $0x80;
	s21 =	sor.u32 $0x80, s21  }
0x4a: {  	[sflag:s18] =	ssyncset.done $0x0;
	s21 =	sshrl.u32 s21, $0x3  }
0x4b: {  	[sflag:s18] =	ssyncadd.s32 $0xFFFFFF80;
	s21 =	sadd.s32 s1, s21  }
0x4c: {  	[tilespmem:s19], [sflag:$0x1] =	stream.linear.gather [hbm4b:s21+s4], $0x80, $0x38;
	[tilespmem:$0x17D00] =	vst v63  }
0x4d: {  	_ = 	snop  }
0x4e: {  	[spmem:s3] =	stream.indirect.scatter.add.f32 [tilespmem:s16], [sflag:$0x2], $0x80, s4, s19, $0xb8;
	[tilespmem:$0x17D00] =	vst v63  }
0x4f: {  	s28 =	sadd.s32 $0x100, s22;
	_ =	swait.ge [sflag:s17], $0x4000  }
0x50: {  	s29 =	simm.s32 $0x100;
	s21 =	sand.u32 $0xFFC00, s28;
	[sflag:s17] =	ssyncset.done $0x0  }
0x51: {  	s30 =	sand.u32 $0x300, s29;
	s21 =	sadd.s32 s5, s21;
	[sflag:s17] =	ssyncadd.s32 $0xFFFFC000  }
0x52: {  	s21 =	sor.u32 s30, s21;
	_ =	swait.ge [sflag:s18], $0x80  }
0x53: {  	s21 =	sshrl.u32 s21, $0x3;
	[sflag:s18] =	ssyncset.done $0x0  }
0x54: {  	s31 =	sadd.s32 $0x100, s6;
	s21 =	sadd.s32 s1, s21;
	[sflag:s18] =	ssyncadd.s32 $0xFFFFFF80  }
0x55: {  	[tilespmem:s4], [sflag:$0x1] =	stream.linear.gather [hbm4b:s21+s4], $0x80, $0x38;
	[tilespmem:$0x17D00] =	vst v63  }
0x56: {  	s22 =	simm.s32 $0x200;
	s25 =	sand.u32 $0xFFC00, s31  }
0x57: {  	[spmem:s3] =	stream.indirect.scatter.add.f32 [tilespmem:s16], [sflag:$0x2], $0x80, s19, s19, $0xb8;
	[tilespmem:$0x17D00] =	vst v63  }
0x58: {  	s24 =	sand.u32 $0x300, s22;
	s25 =	sadd.s32 s5, s25;
	_ =	swait.ge [sflag:s17], $0x4000  }
0x59: {  	s23 =	sand.u32 $0x300, s29;
	s21 =	sadd.s32 $0x100, s31;
	[sflag:s17] =	ssyncset.done $0x0  }
0x5a: {  	s23 =	sor.u32 s25, s23;
	s21 =	sand.u32 $0xFFC00, s21;
	[sflag:s17] =	ssyncadd.s32 $0xFFFFC000  }
0x5b: {  	s23 =	sor.u32 $0x80, s23;
	s21 =	sadd.s32 s5, s21;
	_ =	swait.ge [sflag:s18], $0x80  }
0x5c: {  	s23 =	sshrl.u32 s23, $0x3;
	s21 =	sor.u32 s24, s21;
	[sflag:s18] =	ssyncset.done $0x0  }
.LBB2_6:
0x5d: {  	s23 =	sadd.s32 s1, s23  }
0x5e: {  	[sflag:s18] =	ssyncadd.s32 $0xFFFFFF80;
	s24 =	smov.u32 s22;
	s25 =	sadd.s32 $0x100, s22  }
0x5f: {  	[tilespmem:s19], [sflag:$0x1] =	stream.linear.gather [hbm4b:s23+s4], $0x80, $0x38;
	[tilespmem:$0x17D00] =	vst v63  }
0x60: {  	p0 =	sne.s32 s22, $0x4E00  }
0x61: {  	[spmem:s3] =	stream.indirect.scatter.add.f32 [tilespmem:s16], [sflag:$0x2], $0x80, s4, s19, $0xb8;
	[tilespmem:$0x17D00] =	vst v63  }
0x62: {  	_ =	swait.ge [sflag:s17], $0x4000  }
0x63: {  	[sflag:s17] =	ssyncset.done $0x0  }
0x64: {  	[sflag:s17] =	ssyncadd.s32 $0xFFFFC000  }
0x65: {  	_ =	swait.ge [sflag:s18], $0x80  }
0x66: {  	s21 =	sshrl.u32 s21, $0x3;
	[sflag:s18] =	ssyncset.done $0x0  }
0x67: {  	s21 =	sadd.s32 s1, s21;
	[sflag:s18] =	ssyncadd.s32 $0xFFFFFF80  }
0x68: {  	[tilespmem:s4], [sflag:$0x1] =	stream.linear.gather [hbm4b:s21+s4], $0x80, $0x38;
	[tilespmem:$0x17D00] =	vst v63  }
0x69: {  	s21 =	sadd.s32 s24, s6  }
0x6a: {  	s22 =	sand.u32 $0x300, s24;
	s24 =	sand.u32 $0x300, s25;
	s23 =	sand.u32 $0xFFC00, s21  }
0x6b: {  	[spmem:s3] =	stream.indirect.scatter.add.f32 [tilespmem:s16], [sflag:$0x2], $0x80, s19, s19, $0xb8;
	[tilespmem:$0x17D00] =	vst v63  }
.Ltmp2:
0x6c: {  	s21 =	sadd.s32 $0x100, s21;
	_ =	swait.ge [sflag:s17], $0x4000;
	(pc) =	sbr.rel @p0 .LBB2_6-.Ltmp2, $4  }
0x6d: {  	s23 =	sadd.s32 s5, s23;
	s21 =	sand.u32 $0xFFC00, s21;
	[sflag:s17] =	ssyncset.done $0x0  }
0x6e: {  	s22 =	sor.u32 s23, s22;
	s21 =	sadd.s32 s5, s21;
	[sflag:s17] =	ssyncadd.s32 $0xFFFFC000  }
0x6f: {  	s22 =	sor.u32 $0x80, s22;
	s21 =	sor.u32 s24, s21;
	_ =	swait.ge [sflag:s18], $0x80  }
0x70: {  	s23 =	sshrl.u32 s22, $0x3;
	s22 =	smov.u32 s25;
	[sflag:s18] =	ssyncset.done $0x0  }
0x71: {  	s22 =	sadd.s32 s1, s23;
	[sflag:s18] =	ssyncadd.s32 $0xFFFFFF80  }
0x72: {  	[tilespmem:s19], [sflag:$0x1] =	stream.linear.gather [hbm4b:s22+s4], $0x80, $0x38;
	[tilespmem:$0x17D00] =	vst v63  }
0x73: {  	_ = 	snop  }
0x74: {  	[spmem:s3] =	stream.indirect.scatter.add.f32 [tilespmem:s16], [sflag:$0x2], $0x80, s4, s19, $0xb8;
	[tilespmem:$0x17D00] =	vst v63  }
0x75: {  	_ =	swait.ge [sflag:s17], $0x4000  }
0x76: {  	[sflag:s17] =	ssyncset.done $0x0  }
0x77: {  	[sflag:s17] =	ssyncadd.s32 $0xFFFFC000  }
0x78: {  	_ =	swait.ge [sflag:s18], $0x80  }
0x79: {  	s21 =	sshrl.u32 s21, $0x3;
	[sflag:s18] =	ssyncset.done $0x0  }
0x7a: {  	s21 =	sadd.s32 s1, s21;
	[sflag:s18] =	ssyncadd.s32 $0xFFFFFF80  }
0x7b: {  	[tilespmem:s4], [sflag:$0x1] =	stream.linear.gather [hbm4b:s21+s4], $0x80, $0x38;
	[tilespmem:$0x17D00] =	vst v63  }
0x7c: {  	_ = 	snop  }
0x7d: {  	[spmem:s3] =	stream.indirect.scatter.add.f32 [tilespmem:s16], [sflag:$0x2], $0x80, s19, s19, $0xb8;
	[tilespmem:$0x17D00] =	vst v63  }
0x7e: {  	_ =	swait.ge [sflag:s17], $0x4000  }
0x7f: {  	[sflag:s17] =	ssyncset.done $0x0  }
0x80: {  	[sflag:s17] =	ssyncadd.s32 $0xFFFFC000  }
0x81: {  	_ =	swait.ge [sflag:s18], $0x80  }
0x82: {  	[sflag:s18] =	ssyncset.done $0x0  }
0x83: {  	[sflag:s18] =	ssyncadd.s32 $0xFFFFFF80  }
0x84: {  	[tilespmem:s19], [sflag:$0x1] =	stream.linear.gather [hbm4b:s12+s4], $0x80, $0x38;
	[tilespmem:$0x17D00] =	vst v63  }
0x85: {  	_ = 	snop  }
0x86: {  	[spmem:s3] =	stream.indirect.scatter.add.f32 [tilespmem:s16], [sflag:$0x2], $0x80, s4, s19, $0xb8;
	[tilespmem:$0x17D00] =	vst v63  }
0x87: {  	_ =	swait.ge [sflag:s17], $0x4000  }
0x88: {  	[sflag:s17] =	ssyncset.done $0x0  }
0x89: {  	[sflag:s17] =	ssyncadd.s32 $0xFFFFC000  }
0x8a: {  	_ =	swait.ge [sflag:s18], $0x80  }
0x8b: {  	[sflag:s18] =	ssyncset.done $0x0  }
0x8c: {  	[sflag:s18] =	ssyncadd.s32 $0xFFFFFF80  }
0x8d: {  	[spmem:s3] =	stream.indirect.scatter.add.f32 [tilespmem:s16], [sflag:$0x2], $0x80, s19, s19, $0xb8;
	[tilespmem:$0x17D00] =	vst v63  }
0x8e: {  	_ =	swait.ge [sflag:s17], $0x4000  }
0x8f: {  	s30 =	sshll.u32 s0, $0x6;
	s20 =	sadd.s32 $0x1, s20;
	[sflag:s17] =	ssyncset.done $0x0  }
0x90: {  	s31 =	sshrl.u32 s7, $0x3;
	p0 =	sne.s32 s20, s11;
	[sflag:s17] =	ssyncadd.s32 $0xFFFFC000  }
.Ltmp3:
0x91: {  	s21 =	sor.u32 $0x1C02, s30;
	[bflag:$0x0] =	sbarrier.arrive $0xFFFF;
	(pc) =	sbr.rel @p0 .LBB2_1-.Ltmp3, $4  }
0x92: {  	[hbm:s10], [sflag:s21] =	dma.local [spmem:s31], $0x2780  }
0x93: {  	_ =	swait.ge [sflag:s17], $0x2780  }
0x94: {  	[sflag:s17] =	ssyncset.done $0x0  }
0x95: {  	[sflag:s17] =	ssyncadd.s32 $0xFFFFD880  }
0x96: {  	_ =	sfence.sel $0x180000  }
0x97: {  	[bflag:$0x0] =	sbarrier.arrive $0xFFFF  }
0x98: {  	p0 =	sne.s32 s0, $0x0;
	_ =	strace $0x90000047  }
0x99: {  	s0 =	sadd.s32 @!p0 $0x100000, s2;
	[bflag:$0x2] =	sbarrier.arrive $0xFFFF  }
0x9a: {  	[sflag:s0] =	ssyncadd.tile.s32 @!p0 $0x1;
	_ =	shalt  }
.Lfunc_end2:
_tile_overlayer_lowered:
.L_overlay_start_2:
0x9b: {  	(tag) =	ssettag $0x2  }
0x9c: {  	s0 =	rddreg [dreg:$0x0];
	s2 =	stileid.u32  }
0x9d: {  	s1 =	rddreg [dreg:$0x1];
	p0 =	sne.s32 s2, $0x0  }
0x9e: {  	s3 =	rddreg [dreg:$0x2];
	[bflag:$0x3] =	sbarrier.arrive $0xFFFF;
	s2 =	simm.s32 @!p0 $0x1C02  }
0x9f: {  	[timem:s3], [sflag:s2] =	dma.local @!p0 [hbm:s0], s1  }
0xa0: {  	s0 =	simm.s32 @!p0 $0x2  }
0xa1: {  	_ =	swait.ge @!p0 [sflag:s0], s1  }
0xa2: {  	s1 =	ssub.s32 @!p0 $0x0, s1;
	[sflag:s0] =	ssyncset.done @!p0 $0x0  }
0xa3: {  	[sflag:s0] =	ssyncadd.s32 @!p0 s1  }
0xa4: {  	[bflag:$0x3] =	sbarrier.arrive $0xFFFF  }
0xa5: {  	_ =	shalt  }

// kernel: kernel.15.cloned.1.call-start
scs
__scs_entry_jumppad:
0x0: {  	(pc) =	sbr.rel $0x88, $3  }
0x1: {  	(tag) =	ssettag $0x0;
	lr =	simm.s32 $0x1  }
0x2: {  	[smem:$0x3F9B] =	sst lr;
	_ =	strace $0xD0000000  }
0x3: {  	_ = 	snop  }
0x4: {  	_ = 	snop  }
0x5: {  	_ = 	snop  }
0x6: {  	_ = 	snop  }
0x7: {  	_ = 	snop  }
__scs_overlays_trampoline_lowered:
0x8: {  	[smem:$0x3FAA] =	sst s0  }
0x9: {  	[smem:$0x3FAB] =	sst s1  }
0xa: {  	[smem:$0x3FAC] =	sst s2  }
0xb: {  	[smem:$0x3FAD] =	sst s3  }
0xc: {  	[smem:$0x3FAE] =	sst s4  }
0xd: {  	[smem:$0x3FAF] =	sst s5  }
0xe: {  	[smem:$0x3FB0] =	sst s6  }
0xf: {  	[smem:$0x3FB1] =	sst s7  }
0x10: {  	[smem:$0x3FB2] =	sst s8  }
0x11: {  	[smem:$0x3FB3] =	sst s9;
	s0 =	simm.s32 @!p0 $0x0  }
0x12: {  	s1 =	sld [smem:$0x3F99];
	s0 =	simm.s32 @p0 $0x1  }
0x13: {  	[smem:$0x3FB4] =	sst s0;
	s0 =	simm.s32 @!p1 $0x0  }
0x14: {  	s2 =	sld [smem:$0x3F98];
	s0 =	simm.s32 @p1 $0x1  }
0x15: {  	[smem:$0x3FB5] =	sst s0;
	s0 =	simm.s32 @!p2 $0x0  }
0x16: {  	s3 =	sld [smem:$0x3FDB];
	s0 =	simm.s32 @p2 $0x1  }
0x17: {  	s4 =	simm.s32 $0x1BF5;
	[smem:$0x3FB7] =	sst s0  }
0x18: {  	s0 =	sld [smem:$0x3F9A];
	_ =	swait.ge [sflag:s4], $0x0  }
0x19: {  	s7 =	sld [smem:$0x3F9B]  }
0x1a: {  	s8 =	sadd.s32 $0xFFFFE003, lr  }
0x1b: {  	s9 =	sadd.s32 $0xFFFFFEF7, lr;
	s5 =	simm.s32 $0xFFFFFFFF;
	p2 =	slt.u32 s8, $0xFFFFF086  }
0x1c: {  	p1 =	slt.u32 s9, $0xF7A;
	s5 =	simm.s32 @!p2 $0x0  }
0x1d: {  	s5 =	simm.s32 @p1 $0x1;
	p0 =	seq.s32 s7, s2  }
0x1e: {  	s7 =	smul.u32 @!p0 $0xF7A, s2;
	p2 =	seq.s32 @!p0 s5, $0x0  }
0x1f: {  	s9 =	smul.u32 $0xF7A, s1;
	s8 =	simm.s32 @!p0 $0x1BF5;
	p2 =	por !p2, p0  }
0x20: {  	[sflag:s8] =	ssyncset.s32 @!p0 $0xFFFFF086;
	s6 =	sadd.s32 @!p0 s3, s7;
	s7 =	simm.s32 @!p0 $0x108  }
0x21: {  	s3 =	sadd.s32 s3, s9;
	s6 =	sadd.s32 @!p0 $0x88, s6;
	s7 =	simm.s32 @p2 $0x1082  }
0x22: {  	[simem:s7], [sflag:s8] =	dma.local @!p0 [hbm:s6], $0xF7A  }
0x23: {  	s9 =	sor.u32 $0xD0000000, s2;
	s6 =	simm.s32 $0x108;
	_ =	swait.ge @!p0 [sflag:s8], $0x0  }
0x24: {  	s3 =	sadd.s32 $0x88, s3;
	s6 =	simm.s32 @!p1 $0x1082;
	[sflag:s4] =	ssyncset.s32 $0xFFFFF086  }
0x25: {  	[simem:s6], [sflag:s4] =	dma.local [hbm:s3], $0xF7A  }
0x26: {  	[smem:$0x3F9B] =	sst s1;
	(tag) =	ssettag s2;
	_ =	strace s9  }
0x27: {  	s1 =	sld [smem:$0x3FAB]  }
0x28: {  	s2 =	sld [smem:$0x3FAC]  }
0x29: {  	s4 =	sld [smem:$0x3FAE]  }
0x2a: {  	p0 =	seq.s32 s5, $0x0;
	s5 =	sld [smem:$0x3FAF]  }
0x2b: {  	s6 =	sld [smem:$0x3FB0]  }
0x2c: {  	s7 =	sld [smem:$0x3FB1]  }
0x2d: {  	s3 =	simm.s32 $0x108;
	s8 =	sld [smem:$0x3FB2]  }
0x2e: {  	s3 =	simm.s32 @!p0 $0x1082;
	s9 =	sld [smem:$0x3FB3]  }
0x2f: {  	lr =	sadd.s32 s0, s3;
	s0 =	sld [smem:$0x3FAA]  }
0x30: {  	s3 =	sld [smem:$0x3FAD]  }
0x31: {  	[smem:$0x3FB6] =	sst s10  }
0x32: {  	s10 =	sld [smem:$0x3FB4];
	_ =	sdelay $0x3  }
0x33: {  	p0 =	seq.s32 s10, $0x1;
	s10 =	sld [smem:$0x3FB6];
	_ =	sdelay $0x3  }
0x34: {  	[smem:$0x3FB6] =	sst s10  }
0x35: {  	s10 =	sld [smem:$0x3FB5];
	_ =	sdelay $0x3  }
0x36: {  	p1 =	seq.s32 s10, $0x1;
	s10 =	sld [smem:$0x3FB6];
	_ =	sdelay $0x3  }
0x37: {  	[smem:$0x3FB6] =	sst s10  }
0x38: {  	s10 =	sld [smem:$0x3FB7]  }
0x39: {  	_ = 	snop;
	(pc) =	sbr.ind lr, $3  }
0x3a: {  	_ = 	snop  }
0x3b: {  	_ = 	snop  }
0x3c: {  	p2 =	seq.s32 s10, $0x1;
	s10 =	sld [smem:$0x3FB6]  }
0x3d: {  	_ =	shalt  }
0x3e: {  	_ =	shalt  }
0x3f: {  	_ =	shalt  }
0x40: {  	_ =	shalt  }
0x41: {  	_ =	shalt  }
0x42: {  	_ =	shalt  }
0x43: {  	_ =	shalt  }
0x44: {  	_ =	shalt  }
0x45: {  	_ =	shalt  }
0x46: {  	_ =	shalt  }
0x47: {  	_ =	shalt  }
0x48: {  	_ =	shalt  }
0x49: {  	_ =	shalt  }
0x4a: {  	_ =	shalt  }
0x4b: {  	_ =	shalt  }
0x4c: {  	_ =	shalt  }
0x4d: {  	_ =	shalt  }
0x4e: {  	_ =	shalt  }
0x4f: {  	_ =	shalt  }
0x50: {  	_ =	shalt  }
0x51: {  	_ =	shalt  }
0x52: {  	_ =	shalt  }
0x53: {  	_ =	shalt  }
0x54: {  	_ =	shalt  }
0x55: {  	_ =	shalt  }
0x56: {  	_ =	shalt  }
0x57: {  	_ =	shalt  }
0x58: {  	_ =	shalt  }
0x59: {  	_ =	shalt  }
0x5a: {  	_ =	shalt  }
0x5b: {  	_ =	shalt  }
0x5c: {  	_ =	shalt  }
0x5d: {  	_ =	shalt  }
0x5e: {  	_ =	shalt  }
0x5f: {  	_ =	shalt  }
0x60: {  	_ =	shalt  }
0x61: {  	_ =	shalt  }
0x62: {  	_ =	shalt  }
0x63: {  	_ =	shalt  }
0x64: {  	_ =	shalt  }
0x65: {  	_ =	shalt  }
0x66: {  	_ =	shalt  }
0x67: {  	_ =	shalt  }
0x68: {  	_ =	shalt  }
0x69: {  	_ =	shalt  }
0x6a: {  	_ =	shalt  }
0x6b: {  	_ =	shalt  }
0x6c: {  	_ =	shalt  }
0x6d: {  	_ =	shalt  }
0x6e: {  	_ =	shalt  }
0x6f: {  	_ =	shalt  }
0x70: {  	_ =	shalt  }
0x71: {  	_ =	shalt  }
0x72: {  	_ =	shalt  }
0x73: {  	_ =	shalt  }
0x74: {  	_ =	shalt  }
0x75: {  	_ =	shalt  }
0x76: {  	_ =	shalt  }
0x77: {  	_ =	shalt  }
0x78: {  	_ =	shalt  }
0x79: {  	_ =	shalt  }
0x7a: {  	_ =	shalt  }
0x7b: {  	_ =	shalt  }
0x7c: {  	_ =	shalt  }
0x7d: {  	_ =	shalt  }
0x7e: {  	_ =	shalt  }
0x7f: {  	_ =	shalt  }
0x80: {  	_ =	shalt  }
0x81: {  	_ =	shalt  }
0x82: {  	_ =	shalt  }
0x83: {  	_ =	shalt  }
0x84: {  	_ =	shalt  }
0x85: {  	_ =	shalt  }
0x86: {  	_ =	shalt  }
0x87: {  	_ =	shalt  }
.Lfunc_end0:
.L_simem_size_0:
called_computation.1_lowered:
.L_overlay_start_0:
0x88: {  	s2 =	sld [smem:$0x3FD9]  }
0x89: {  	s3 =	sld [smem:$0x3FFE];
	_ =	sdelay $0x1  }
0x8a: {  	s1 =	srdreg.scid  }
0x8b: {  	s0 =	sand.u32 $0x1, s1  }
0x8c: {  	s17 =	sshll.u32 s0, $0xA;
	s2 =	sadd.s32 s3, s2  }
0x8d: {  	s2 =	sadd.s32 s2, s17  }
0x8e: {  	[smem:$0x3FC2] =	sst s2  }
0x8f: {  	_ = 	snop  }
0x90: {  	s2 =	sld [smem:$0x3FD0];
	(tm) =	ssettm $0x1  }
0x91: {  	s18 =	sld [smem:$0x3FFB];
	_ =	sdelay $0x3  }
0x92: {  	_ =	strace s18  }
0x93: {  	s3 =	sld [smem:$0x3FFC];
	_ =	sdelay $0x3  }
0x94: {  	_ =	strace s3  }
0x95: {  	s3 =	sld [smem:$0x3FFD];
	_ =	sdelay $0x3  }
0x96: {  	_ =	strace s3  }
0x97: {  	_ =	strace $0x8FFFFFFF  }
0x98: {  	s19 =	sld [smem:$0x3FDB];
	_ =	sdelay $0x1  }
0x99: {  	s4 =	simm.s32 $_scs_section_size  }
0x9a: {  	s5 =	simm.s32 $_size__tile_overlayer_lowered;
	s6 =	simm.s32 $_tile_overlayer_lowered  }
0x9b: {  	s22 =	simm.s32 $0x1BFF;
	s21 =	sshll.u32 s6, $0x1;
	s3 =	sadd.s32 s4, s19  }
0x9c: {  	s7 =	simm.s32 $0x0;
	s20 =	sshll.u32 s5, $0x1;
	s5 =	sadd.s32 s21, s3  }
0x9d: {  	[timem:s7], [sflag:s22] =	dma.local [hbm:s5], s20  }
0x9e: {  	_ =	swait.ge [sflag:s22], s20  }
0x9f: {  	s4 =	ssub.s32 $0x0, s20;
	[sflag:s22] =	ssyncset.done $0x0  }
0xa0: {  	[sflag:s22] =	ssyncadd.s32 s4;
	_ =	sdelay $0x1  }
0xa1: {  	s23 =	simm.s32 $0x1B8B  }
0xa2: {  	_ =	swait.ge [sflag:s23], $0x1  }
0xa3: {  	[sflag:s23] =	ssyncset.done $0x0  }
0xa4: {  	s25 =	simm.s32 $0x1B8E;
	s24 =	sld [smem:$0x3FFE];
	[sflag:s23] =	ssyncadd.s32 $0xFFFFFFFF  }
0xa5: {  	s26 =	simm.s32 $execute0_lowered;
	[smem:$0x3FD2] =	sst s25  }
0xa6: {  	s5 =	sshll.u32 s26, $0x1;
	_ =	strace $0x80000049;
	[dreg:$0x1] =	wrdreg $0xFFFFFFFF  }
0xa7: {  	s28 =	simm.s32 $_size_execute0_lowered;
	s3 =	sadd.s32 s3, s5;
	[dreg:$0x0] =	wrdreg $0x0  }
0xa8: {  	s5 =	sshll.u32 s28, $0x1;
	[dreg:$0x2] =	wrdreg s3  }
0xa9: {  	[dreg:$0x3] =	wrdreg s5  }
0xaa: {  	[dreg:$0x4] =	wrdreg $0xC0  }
0xab: {  	_ =	task [dreg:s7], $0x5FFFF  }
0xac: {  	[dreg:$0x1] =	wrdreg $0xFFFFFFFF  }
0xad: {  	[dreg:$0x0] =	wrdreg $0x60  }
0xae: {  	[dreg:$0x2] =	wrdreg s24  }
0xaf: {  	[dreg:$0x3] =	wrdreg s2  }
0xb0: {  	[dreg:$0x4] =	wrdreg $0x82000  }
0xb1: {  	[dreg:$0x5] =	wrdreg $0x9  }
0xb2: {  	_ =	task.clear_ibuf [dreg:s7], $0x6FFFF;
	_ =	strace $0x90000049  }
0xb3: {  	s29 =	simm.s32 $0x9;
	_ =	strace $0x8000004B  }
0xb4: {  	_ =	swait.ge [sflag:s29], $0x1  }
0xb5: {  	[sflag:s29] =	ssyncadd.s32 $0xFFFFFFFF  }
0xb6: {  	_ =	strace $0x9000004B  }
0xb7: {  	_ =	sfence  }
0xb8: {  	s30 =	sld [smem:$0x0];
	_ =	sdelay $0x2  }
0xb9: {  	s31 =	sshll.u32 s1, $0xD;
	s1 =	sshrl.u32 s1, $0x2  }
0xba: {  	s3 =	sand.u32 $0x4000, s31;
	s1 =	sadd.s32 s1, s30  }
0xbb: {  	s0 =	sor.u32 s3, s0;
	s1 =	sshll.u32 s1, $0x11  }
0xbc: {  	s0 =	sor.u32 s1, s0  }
0xbd: {  	s0 =	sadd.s32 $0x8F2B, s0  }
0xbe: {  	[sflag:s0] =	ssyncadd.remote.s32 $0x1  }
0xbf: {  	_ =	sfence.sel $0xFFFF  }
0xc0: {  	[dreg:$0x0] =	wrdreg $0xFFFFFFFF;
	(pc) =	sbr.abs _section_cstart, $3  }
0xc1: {  	[dreg:$0x1] =	wrdreg $0xFFFFFFFF  }
0xc2: {  	_ =	task.clear_ibuf [dreg:s7], $0x2FFFF;
	_ =	strace $0x9FFFFFFF  }
0xc3: {  	(tm) =	ssettm $0x7FFFFFFF  }
tec
execute0_lowered:
.L_overlay_start_1:
0x0: {  	(tag) =	ssettag $0x1  }
0x1: {  	s0 =	rddreg [dreg:$0x0]  }
0x2: {  	s1 =	rddreg [dreg:$0x1]  }
0x3: {  	s2 =	rddreg [dreg:$0x2]  }
0x4: {  	s3 =	simm.s32 $0x0;
	s4 =	srdreg.scid;
	s20 =	stileid.u32  }
0x5: {  	s28 =	simm.s32 $0x80;
	s29 =	simm.s32 $0x100;
	s30 =	simm.s32 $0x180  }
0x6: {  	s31 =	simm.s32 $0x4200;
	[smem:$0x7FF] =	sst s3;
	s22 =	smul.u32 $0x4F000, s20  }
0x7: {  	s4 =	sand.u32 $0x1, s4;
	s5 =	sadd.s32 $0x52600, s0;
	s11 =	smul.u32 $0x13C00, s20  }
0x8: {  	s0 =	sadd.s32 $0x79E00, s0;
	_ =	strace $0x8000004A;
	s18 =	smul.u32 $0x13C000, s4  }
0x9: {  	s6 =	sshll.u32 s4, $0x4;
	s7 =	ssub.s32 $0x2, s4;
	s4 =	smul.u32 $0x500, s4  }
0xa: {  	s8 =	sor.u32 s20, s6;
	s9 =	sshrl.u32 s7, $0x1;
	s6 =	sshrl.u32 s22, $0x2  }
0xb: {  	s24 =	sadd.s32 $0x10000, s11;
	s10 =	smul.u32 $0x2800, s8;
	s9 =	ssub.s32 s7, s9  }
0xc: {  	s6 =	sadd.s32 s6, s2;
	s8 =	smul.u32 $0x500, s8;
	s7 =	sadd.s32 s24, s2  }
0xd: {  	s25 =	sadd.s32 s18, s11;
	s14 =	smax.u32 s9, $0x1;
	s15 =	sadd.s32 $0x4000, s6  }
0xe: {  	s16 =	sadd.s32 $0x8000, s6;
	s23 =	sshrl.u32 s10, $0x3;
	s8 =	sadd.s32 s1, s8  }
0xf: {  	s12 =	sadd.s32 s1, s23;
	[dreg:$0x4] =	wrdreg s8;
	s8 =	sadd.s32 $0x10, s8  }
0x10: {  	s10 =	sadd.s32 s18, s24;
	s13 =	sadd.s32 $0xA000, s12;
	[dreg:$0x6] =	wrdreg s8  }
0x11: {  	s10 =	sshrl.u32 s10, $0x3;
	s26 =	sadd.s32 $0xA010, s12;
	[dreg:$0x5] =	wrdreg s13  }
0x12: {  	s10 =	sadd.s32 s0, s10;
	[dreg:$0x7] =	wrdreg s26;
	s13 =	sshrl.u32 s25, $0x3  }
0x13: {  	[dreg:$0x8] =	wrdreg s10;
	s12 =	sadd.s32 s0, s13;
	s13 =	sadd.s32 $0x4000, s11  }
0x14: {  	[dreg:$0x9] =	wrdreg s12;
	s21 =	sadd.s32 s18, s13;
	s24 =	sadd.s32 s13, s2  }
0x15: {  	s9 =	sshrl.u32 s21, $0x3;
	s21 =	sadd.s32 $0x8000, s11;
	s11 =	sadd.s32 $0xC000, s11  }
0x16: {  	s17 =	sadd.s32 s0, s9;
	s22 =	sadd.s32 s18, s21;
	s19 =	sadd.s32 s18, s11  }
0x17: {  	s25 =	sadd.s32 s21, s2;
	s9 =	sshrl.u32 s22, $0x3;
	s22 =	smul.u32 $0x50, s20  }
.Ltmp0:
0x18: {  	s26 =	sadd.s32 s11, s2;
	s23 =	sshrl.u32 s19, $0x3;
	(pc) =	sbr.rel .LBB2_1-.Ltmp0, $4  }
0x19: {  	s20 =	sadd.s32 $0xC000, s6;
	s18 =	sadd.s32 s0, s9;
	s19 =	sadd.s32 s0, s23  }
0x1a: {  	s23 =	sshrl.u32 s24, $0x3;
	s24 =	sshrl.u32 s25, $0x3;
	s25 =	sshrl.u32 s26, $0x3  }
0x1b: {  	s26 =	simm.s32 $0x3;
	s0 =	simm.s32 $0x1;
	s9 =	simm.s32 $0x0  }
0x1c: {  	v0 =	vimm.f32 $0.0e+00;
	s21 =	sadd.s32 s22, s4;
	s22 =	simm.s32 $0x200;
	s4 =	simm.s32 $0x2  }
.LBB2_6:
0x1d: {  	s8 =	stileid.u32  }
0x1e: {  	[bflag:$0x0] =	sbarrier.arrive $0xFFFF;
	s8 =	sshll.u32 s8, $0x6  }
0x1f: {  	s10 =	sshrl.u32 s6, $0x3;
	s11 =	rddreg [dreg:$0x9];
	s8 =	sor.u32 $0x1C03, s8  }
0x20: {  	[hbm:s11], [sflag:s8] =	dma.local [spmem:s10], $0x800  }
0x21: {  	_ =	swait.ge [sflag:s26], $0x800  }
0x22: {  	[sflag:s26] =	ssyncset.done $0x0  }
0x23: {  	[sflag:s26] =	ssyncadd.s32 $0xFFFFF800  }
0x24: {  	[hbm:s17], [sflag:s8] =	dma.local [spmem:s23], $0x800  }
0x25: {  	_ =	swait.ge [sflag:s26], $0x800  }
0x26: {  	[sflag:s26] =	ssyncset.done $0x0  }
0x27: {  	[sflag:s26] =	ssyncadd.s32 $0xFFFFF800  }
0x28: {  	[hbm:s18], [sflag:s8] =	dma.local [spmem:s24], $0x800  }
0x29: {  	_ =	swait.ge [sflag:s26], $0x800  }
0x2a: {  	[sflag:s26] =	ssyncset.done $0x0  }
0x2b: {  	[sflag:s26] =	ssyncadd.s32 $0xFFFFF800  }
0x2c: {  	[hbm:s19], [sflag:s8] =	dma.local [spmem:s25], $0x800  }
0x2d: {  	s9 =	sadd.s32 $0x1, s9;
	_ =	swait.ge [sflag:s26], $0x800  }
0x2e: {  	s12 =	sshrl.u32 s7, $0x3;
	p0 =	sne.s32 s9, s14;
	[sflag:s26] =	ssyncset.done $0x0  }
.Ltmp1:
0x2f: {  	s13 =	rddreg [dreg:$0x8];
	[sflag:s26] =	ssyncadd.s32 $0xFFFFF800;
	(pc) =	sbr.rel @!p0 .LBB2_7-.Ltmp1, $4  }
0x30: {  	[hbm:s13], [sflag:s8] =	dma.local [spmem:s12], $0x780  }
0x31: {  	_ =	swait.ge [sflag:s26], $0x780  }
0x32: {  	[sflag:s26] =	ssyncset.done $0x0  }
0x33: {  	[sflag:s26] =	ssyncadd.s32 $0xFFFFF880  }
.LBB2_1:
0x34: {  	s10 =	simm.s32 $0x0;
	s11 =	simm.s32 $0x200  }
.LBB2_2:
0x35: {  	p0 =	sne.s32 s11, $0xFE00;
	[tilespmem:s10+$0x270] =	vst v0  }
0x36: {  	[tilespmem:s10+$0x200] =	vst v0  }
0x37: {  	[tilespmem:s10+$0x210] =	vst v0  }
.Ltmp2:
0x38: {  	[tilespmem:s10+$0x220] =	vst v0;
	(pc) =	sbr.rel @p0 .LBB2_2-.Ltmp2, $4  }
0x39: {  	[tilespmem:s10+$0x230] =	vst v0  }
0x3a: {  	[tilespmem:s10+$0x240] =	vst v0  }
0x3b: {  	[tilespmem:s10+$0x250] =	vst v0  }
0x3c: {  	[tilespmem:s10+$0x260] =	vst v0;
	s10 =	sshra.s32 s11, $0x2;
	s11 =	sadd.s32 $0x200, s11  }
0x3d: {  	[tilespmem:s10+$0x270] =	vst v0  }
0x3e: {  	[tilespmem:s10+$0x200] =	vst v0  }
0x3f: {  	[tilespmem:s10+$0x210] =	vst v0  }
0x40: {  	[tilespmem:s10+$0x220] =	vst v0  }
0x41: {  	[tilespmem:s10+$0x230] =	vst v0  }
0x42: {  	[tilespmem:s10+$0x240] =	vst v0  }
0x43: {  	[tilespmem:s10+$0x250] =	vst v0  }
0x44: {  	[tilespmem:s10+$0x260] =	vst v0  }
0x45: {  	[spmem:s6] =	stream.linear.scatter [tilespmem:s22], [sflag:$0x3], $0x4000, $0x38;
	[tilespmem:$0x1BE00] =	vst v63  }
0x46: {  	_ =	swait.ge [sflag:s26], $0x4000  }
0x47: {  	[sflag:s26] =	ssyncset.done $0x0  }
0x48: {  	[sflag:s26] =	ssyncadd.s32 $0xFFFFC000  }
0x49: {  	[spmem:s15] =	stream.linear.scatter [tilespmem:s22], [sflag:$0x3], $0x4000, $0x38;
	[tilespmem:$0x1BE00] =	vst v63  }
0x4a: {  	_ =	swait.ge [sflag:s26], $0x4000  }
0x4b: {  	[sflag:s26] =	ssyncset.done $0x0  }
0x4c: {  	[sflag:s26] =	ssyncadd.s32 $0xFFFFC000  }
0x4d: {  	[spmem:s16] =	stream.linear.scatter [tilespmem:s22], [sflag:$0x3], $0x4000, $0x38;
	[tilespmem:$0x1BE00] =	vst v63  }
0x4e: {  	_ =	swait.ge [sflag:s26], $0x4000  }
0x4f: {  	[sflag:s26] =	ssyncset.done $0x0  }
0x50: {  	[sflag:s26] =	ssyncadd.s32 $0xFFFFC000  }
0x51: {  	[spmem:s20] =	stream.linear.scatter [tilespmem:s22], [sflag:$0x3], $0x4000, $0x38;
	[tilespmem:$0x1BE00] =	vst v63  }
0x52: {  	_ =	swait.ge [sflag:s26], $0x4000  }
0x53: {  	[sflag:s26] =	ssyncset.done $0x0  }
0x54: {  	[sflag:s26] =	ssyncadd.s32 $0xFFFFC000  }
0x55: {  	[spmem:s7] =	stream.linear.scatter [tilespmem:s22], [sflag:$0x3], $0x3C00, $0x38;
	[tilespmem:$0x1BE00] =	vst v63  }
0x56: {  	_ =	swait.ge [sflag:s26], $0x3C00  }
0x57: {  	[sflag:s26] =	ssyncset.done $0x0  }
0x58: {  	[sflag:s26] =	ssyncadd.s32 $0xFFFFC400  }
0x59: {  	[bflag:$0x0] =	sbarrier.arrive $0xFFFF  }
0x5a: {  	s8 =	rddreg [dreg:$0x4]  }
0x5b: {  	[tilespmem:s3], [sflag:$0x3] =	stream.linear.gather [hbm4b:s8+s3], $0x80, $0x38;
	[tilespmem:$0x1BE00] =	vst v63  }
0x5c: {  	_ =	swait.ge [sflag:s26], $0x80  }
0x5d: {  	[sflag:s26] =	ssyncset.done $0x0  }
0x5e: {  	s11 =	rddreg [dreg:$0x5];
	[sflag:s26] =	ssyncadd.s32 $0xFFFFFF80  }
0x5f: {  	[tilespmem:s28], [sflag:$0x3] =	stream.linear.gather [hbm4b:s11+s3], $0x80, $0x38;
	[tilespmem:$0x1BE00] =	vst v63  }
0x60: {  	_ =	swait.ge [sflag:s26], $0x80  }
0x61: {  	[sflag:s26] =	ssyncset.done $0x0  }
0x62: {  	[sflag:s26] =	ssyncadd.s32 $0xFFFFFF80  }
0x63: {  	[tilespmem:s22], [sflag:$0x1] =	stream.indirect.gather [hbm4b:s5+s28], $0x80, s3, s28, $0xb8;
	[tilespmem:$0x1BE00] =	vst v63  }
0x64: {  	s12 =	rddreg [dreg:$0x6]  }
0x65: {  	[tilespmem:s29], [sflag:$0x3] =	stream.linear.gather [hbm4b:s12+s3], $0x80, $0x38;
	[tilespmem:$0x1BE00] =	vst v63  }
0x66: {  	_ =	swait.ge [sflag:s26], $0x80  }
0x67: {  	[sflag:s26] =	ssyncset.done $0x0  }
0x68: {  	s13 =	rddreg [dreg:$0x7];
	[sflag:s26] =	ssyncadd.s32 $0xFFFFFF80  }
0x69: {  	[tilespmem:s30], [sflag:$0x3] =	stream.linear.gather [hbm4b:s13+s3], $0x80, $0x38;
	[tilespmem:$0x1BE00] =	vst v63  }
0x6a: {  	_ =	swait.ge [sflag:s26], $0x80  }
0x6b: {  	[sflag:s26] =	ssyncset.done $0x0  }
0x6c: {  	s10 =	simm.s32 $0xFFFFFFB2;
	[sflag:s26] =	ssyncadd.s32 $0xFFFFFF80  }
0x6d: {  	[tilespmem:s31], [sflag:$0x2] =	stream.indirect.gather [hbm4b:s5+s28], $0x80, s29, s28, $0xb8;
	[tilespmem:$0x1BE00] =	vst v63  }
.LBB2_4:
0x6e: {  	_ =	swait.ge [sflag:s0], $0x4000;
	s11 =	sadd.s32 s10, s21  }
0x6f: {  	[sflag:s0] =	ssyncset.done $0x0;
	s8 =	sadd.s32 $0x50, s11  }
0x70: {  	[sflag:s0] =	ssyncadd.s32 $0xFFFFC000;
	p0 =	slt.s32 s8, $0x9FF  }
0x71: {  	[spmem:s2] =	stream.indirect.scatter.add.f32 [tilespmem:s22], [sflag:$0x3], $0x80, s28, s28, $0xb8;
	[tilespmem:$0x1BE00] =	vst v63  }
0x72: {  	s8 =	simm.s32 @!p0 $0x9FF;
	_ =	swait.ge [sflag:s26], $0x4000  }
0x73: {  	s12 =	sshll.u32 s8, $0x4;
	s8 =	sshll.u32 s8, $0x7;
	[sflag:s26] =	ssyncset.done $0x0  }
0x74: {  	s12 =	sadd.s32 s1, s12;
	s8 =	sand.u32 $0x7FF80, s8;
	[sflag:s26] =	ssyncadd.s32 $0xFFFFC000  }
0x75: {  	[tilespmem:s3], [sflag:$0x3] =	stream.linear.gather [hbm4b:s12+s3], $0x80, $0x38;
	[tilespmem:$0x1BE00] =	vst v63  }
0x76: {  	s8 =	sadd.s32 $0x50000, s8;
	_ =	swait.ge [sflag:s26], $0x80  }
0x77: {  	s8 =	sshrl.u32 s8, $0x3;
	[sflag:s26] =	ssyncset.done $0x0  }
0x78: {  	s8 =	sadd.s32 s1, s8;
	[sflag:s26] =	ssyncadd.s32 $0xFFFFFF80  }
0x79: {  	[tilespmem:s28], [sflag:$0x3] =	stream.linear.gather [hbm4b:s8+s3], $0x80, $0x38;
	[tilespmem:$0x1BE00] =	vst v63  }
0x7a: {  	p0 =	seq.s32 s10, $0x0;
	_ =	swait.ge [sflag:s26], $0x80  }
0x7b: {  	s13 =	simm.s32 @!p0 $0x200;
	[sflag:s26] =	ssyncset.done $0x0  }
0x7c: {  	s12 =	simm.s32 @!p0 $0x0;
	s8 =	simm.s32 @!p0 $0x80;
	[sflag:s26] =	ssyncadd.s32 $0xFFFFFF80  }
0x7d: {  	[tilespmem:s13], [sflag:$0x1] =	stream.indirect.gather @!p0 [hbm4b:s5+s8], $0x80, s12, s8, $0xb8;
	[tilespmem:$0x1BE00] =	vst v63  }
0x7e: {  	_ =	swait.ge [sflag:s4], $0x4000  }
0x7f: {  	s8 =	sadd.s32 $0x51, s11;
	[sflag:s4] =	ssyncset.done $0x0  }
0x80: {  	p1 =	slt.s32 s8, $0x9FF;
	[sflag:s4] =	ssyncadd.s32 $0xFFFFC000  }
0x81: {  	[spmem:s2] =	stream.indirect.scatter.add.f32 [tilespmem:s31], [sflag:$0x3], $0x80, s30, s28, $0xb8;
	[tilespmem:$0x1BE00] =	vst v63  }
0x82: {  	s8 =	simm.s32 @!p1 $0x9FF;
	_ =	swait.ge [sflag:s26], $0x4000  }
0x83: {  	s13 =	sshll.u32 s8, $0x4;
	s8 =	sshll.u32 s8, $0x7;
	[sflag:s26] =	ssyncset.done $0x0  }
0x84: {  	s11 =	sadd.s32 s1, s13;
	s8 =	sand.u32 $0x7FF80, s8;
	[sflag:s26] =	ssyncadd.s32 $0xFFFFC000  }
0x85: {  	[tilespmem:s29], [sflag:$0x3] =	stream.linear.gather [hbm4b:s11+s3], $0x80, $0x38;
	[tilespmem:$0x1BE00] =	vst v63  }
0x86: {  	s8 =	sadd.s32 $0x50000, s8;
	_ =	swait.ge [sflag:s26], $0x80  }
0x87: {  	s8 =	sshrl.u32 s8, $0x3;
	[sflag:s26] =	ssyncset.done $0x0  }
.Ltmp3:
0x88: {  	s8 =	sadd.s32 s1, s8;
	[sflag:s26] =	ssyncadd.s32 $0xFFFFFF80;
	(pc) =	sbr.rel @p0 .LBB2_6-.Ltmp3, $4  }
0x89: {  	[tilespmem:s30], [sflag:$0x3] =	stream.linear.gather [hbm4b:s8+s3], $0x80, $0x38;
	[tilespmem:$0x1BE00] =	vst v63  }
0x8a: {  	_ =	swait.ge [sflag:s26], $0x80  }
0x8b: {  	[sflag:s26] =	ssyncset.done $0x0  }
0x8c: {  	[sflag:s26] =	ssyncadd.s32 $0xFFFFFF80  }
.Ltmp4:
0x8d: {  	(pc) =	sbr.rel .LBB2_4-.Ltmp4, $3  }
0x8e: {  	_ =	sdelay $0x1  }
0x8f: {  	[tilespmem:s31], [sflag:$0x2] =	stream.indirect.gather [hbm4b:s5+s28], $0x80, s29, s28, $0xb8;
	[tilespmem:$0x1BE00] =	vst v63  }
0x90: {  	s10 =	sadd.s32 $0x2, s10  }
.LBB2_7:
0x91: {  	_ =	sfence.sel $0x180000  }
0x92: {  	[bflag:$0x0] =	sbarrier.arrive $0xFFFF  }
0x93: {  	_ =	strace $0x9000004A  }
0x94: {  	s0 =	stileid.u32;
	[bflag:$0x2] =	sbarrier.arrive $0xFFFF  }
0x95: {  	p0 =	sne.s32 s0, $0x0;
	s0 =	rddreg [dreg:$0x3]  }
0x96: {  	s0 =	sadd.s32 @!p0 $0x100000, s0  }
0x97: {  	[sflag:s0] =	ssyncadd.tile.s32 @!p0 $0x1;
	_ =	shalt  }
.Lfunc_end2:
_tile_overlayer_lowered:
.L_overlay_start_2:
0x98: {  	(tag) =	ssettag $0x2  }
0x99: {  	s0 =	rddreg [dreg:$0x0];
	s2 =	stileid.u32  }
0x9a: {  	s1 =	rddreg [dreg:$0x1];
	p0 =	sne.s32 s2, $0x0  }
0x9b: {  	s3 =	rddreg [dreg:$0x2];
	[bflag:$0x3] =	sbarrier.arrive $0xFFFF;
	s2 =	simm.s32 @!p0 $0x1C03  }
0x9c: {  	[timem:s3], [sflag:s2] =	dma.local @!p0 [hbm:s0], s1  }
0x9d: {  	s0 =	simm.s32 @!p0 $0x3  }
0x9e: {  	_ =	swait.ge @!p0 [sflag:s0], s1  }
0x9f: {  	s1 =	ssub.s32 @!p0 $0x0, s1;
	[sflag:s0] =	ssyncset.done @!p0 $0x0  }
0xa0: {  	[sflag:s0] =	ssyncadd.s32 @!p0 s1  }
0xa1: {  	[bflag:$0x3] =	sbarrier.arrive $0xFFFF  }
0xa2: {  	_ =	shalt  }

// kernel: kernel.18.cloned.1.call-start
scs
__scs_entry_jumppad:
0x0: {  	(pc) =	sbr.rel $0x88, $3  }
0x1: {  	(tag) =	ssettag $0x0;
	lr =	simm.s32 $0x1  }
0x2: {  	[smem:$0x3F9B] =	sst lr;
	_ =	strace $0xD0000000  }
0x3: {  	_ = 	snop  }
0x4: {  	_ = 	snop  }
0x5: {  	_ = 	snop  }
0x6: {  	_ = 	snop  }
0x7: {  	_ = 	snop  }
__scs_overlays_trampoline_lowered:
0x8: {  	[smem:$0x3FAA] =	sst s0  }
0x9: {  	[smem:$0x3FAB] =	sst s1  }
0xa: {  	[smem:$0x3FAC] =	sst s2  }
0xb: {  	[smem:$0x3FAD] =	sst s3  }
0xc: {  	[smem:$0x3FAE] =	sst s4  }
0xd: {  	[smem:$0x3FAF] =	sst s5  }
0xe: {  	[smem:$0x3FB0] =	sst s6  }
0xf: {  	[smem:$0x3FB1] =	sst s7  }
0x10: {  	[smem:$0x3FB2] =	sst s8  }
0x11: {  	[smem:$0x3FB3] =	sst s9;
	s0 =	simm.s32 @!p0 $0x0  }
0x12: {  	s1 =	sld [smem:$0x3F99];
	s0 =	simm.s32 @p0 $0x1  }
0x13: {  	[smem:$0x3FB4] =	sst s0;
	s0 =	simm.s32 @!p1 $0x0  }
0x14: {  	s2 =	sld [smem:$0x3F98];
	s0 =	simm.s32 @p1 $0x1  }
0x15: {  	[smem:$0x3FB5] =	sst s0;
	s0 =	simm.s32 @!p2 $0x0  }
0x16: {  	s3 =	sld [smem:$0x3FDB];
	s0 =	simm.s32 @p2 $0x1  }
0x17: {  	s4 =	simm.s32 $0x1BF5;
	[smem:$0x3FB7] =	sst s0  }
0x18: {  	s0 =	sld [smem:$0x3F9A];
	_ =	swait.ge [sflag:s4], $0x0  }
0x19: {  	s7 =	sld [smem:$0x3F9B]  }
0x1a: {  	s8 =	sadd.s32 $0xFFFFE003, lr  }
0x1b: {  	s9 =	sadd.s32 $0xFFFFFEF7, lr;
	s5 =	simm.s32 $0xFFFFFFFF;
	p2 =	slt.u32 s8, $0xFFFFF086  }
0x1c: {  	p1 =	slt.u32 s9, $0xF7A;
	s5 =	simm.s32 @!p2 $0x0  }
0x1d: {  	s5 =	simm.s32 @p1 $0x1;
	p0 =	seq.s32 s7, s2  }
0x1e: {  	s7 =	smul.u32 @!p0 $0xF7A, s2;
	p2 =	seq.s32 @!p0 s5, $0x0  }
0x1f: {  	s9 =	smul.u32 $0xF7A, s1;
	s8 =	simm.s32 @!p0 $0x1BF5;
	p2 =	por !p2, p0  }
0x20: {  	[sflag:s8] =	ssyncset.s32 @!p0 $0xFFFFF086;
	s6 =	sadd.s32 @!p0 s3, s7;
	s7 =	simm.s32 @!p0 $0x108  }
0x21: {  	s3 =	sadd.s32 s3, s9;
	s6 =	sadd.s32 @!p0 $0x88, s6;
	s7 =	simm.s32 @p2 $0x1082  }
0x22: {  	[simem:s7], [sflag:s8] =	dma.local @!p0 [hbm:s6], $0xF7A  }
0x23: {  	s9 =	sor.u32 $0xD0000000, s2;
	s6 =	simm.s32 $0x108;
	_ =	swait.ge @!p0 [sflag:s8], $0x0  }
0x24: {  	s3 =	sadd.s32 $0x88, s3;
	s6 =	simm.s32 @!p1 $0x1082;
	[sflag:s4] =	ssyncset.s32 $0xFFFFF086  }
0x25: {  	[simem:s6], [sflag:s4] =	dma.local [hbm:s3], $0xF7A  }
0x26: {  	[smem:$0x3F9B] =	sst s1;
	(tag) =	ssettag s2;
	_ =	strace s9  }
0x27: {  	s1 =	sld [smem:$0x3FAB]  }
0x28: {  	s2 =	sld [smem:$0x3FAC]  }
0x29: {  	s4 =	sld [smem:$0x3FAE]  }
0x2a: {  	p0 =	seq.s32 s5, $0x0;
	s5 =	sld [smem:$0x3FAF]  }
0x2b: {  	s6 =	sld [smem:$0x3FB0]  }
0x2c: {  	s7 =	sld [smem:$0x3FB1]  }
0x2d: {  	s3 =	simm.s32 $0x108;
	s8 =	sld [smem:$0x3FB2]  }
0x2e: {  	s3 =	simm.s32 @!p0 $0x1082;
	s9 =	sld [smem:$0x3FB3]  }
0x2f: {  	lr =	sadd.s32 s0, s3;
	s0 =	sld [smem:$0x3FAA]  }
0x30: {  	s3 =	sld [smem:$0x3FAD]  }
0x31: {  	[smem:$0x3FB6] =	sst s10  }
0x32: {  	s10 =	sld [smem:$0x3FB4];
	_ =	sdelay $0x3  }
0x33: {  	p0 =	seq.s32 s10, $0x1;
	s10 =	sld [smem:$0x3FB6];
	_ =	sdelay $0x3  }
0x34: {  	[smem:$0x3FB6] =	sst s10  }
0x35: {  	s10 =	sld [smem:$0x3FB5];
	_ =	sdelay $0x3  }
0x36: {  	p1 =	seq.s32 s10, $0x1;
	s10 =	sld [smem:$0x3FB6];
	_ =	sdelay $0x3  }
0x37: {  	[smem:$0x3FB6] =	sst s10  }
0x38: {  	s10 =	sld [smem:$0x3FB7]  }
0x39: {  	_ = 	snop;
	(pc) =	sbr.ind lr, $3  }
0x3a: {  	_ = 	snop  }
0x3b: {  	_ = 	snop  }
0x3c: {  	p2 =	seq.s32 s10, $0x1;
	s10 =	sld [smem:$0x3FB6]  }
0x3d: {  	_ =	shalt  }
0x3e: {  	_ =	shalt  }
0x3f: {  	_ =	shalt  }
0x40: {  	_ =	shalt  }
0x41: {  	_ =	shalt  }
0x42: {  	_ =	shalt  }
0x43: {  	_ =	shalt  }
0x44: {  	_ =	shalt  }
0x45: {  	_ =	shalt  }
0x46: {  	_ =	shalt  }
0x47: {  	_ =	shalt  }
0x48: {  	_ =	shalt  }
0x49: {  	_ =	shalt  }
0x4a: {  	_ =	shalt  }
0x4b: {  	_ =	shalt  }
0x4c: {  	_ =	shalt  }
0x4d: {  	_ =	shalt  }
0x4e: {  	_ =	shalt  }
0x4f: {  	_ =	shalt  }
0x50: {  	_ =	shalt  }
0x51: {  	_ =	shalt  }
0x52: {  	_ =	shalt  }
0x53: {  	_ =	shalt  }
0x54: {  	_ =	shalt  }
0x55: {  	_ =	shalt  }
0x56: {  	_ =	shalt  }
0x57: {  	_ =	shalt  }
0x58: {  	_ =	shalt  }
0x59: {  	_ =	shalt  }
0x5a: {  	_ =	shalt  }
0x5b: {  	_ =	shalt  }
0x5c: {  	_ =	shalt  }
0x5d: {  	_ =	shalt  }
0x5e: {  	_ =	shalt  }
0x5f: {  	_ =	shalt  }
0x60: {  	_ =	shalt  }
0x61: {  	_ =	shalt  }
0x62: {  	_ =	shalt  }
0x63: {  	_ =	shalt  }
0x64: {  	_ =	shalt  }
0x65: {  	_ =	shalt  }
0x66: {  	_ =	shalt  }
0x67: {  	_ =	shalt  }
0x68: {  	_ =	shalt  }
0x69: {  	_ =	shalt  }
0x6a: {  	_ =	shalt  }
0x6b: {  	_ =	shalt  }
0x6c: {  	_ =	shalt  }
0x6d: {  	_ =	shalt  }
0x6e: {  	_ =	shalt  }
0x6f: {  	_ =	shalt  }
0x70: {  	_ =	shalt  }
0x71: {  	_ =	shalt  }
0x72: {  	_ =	shalt  }
0x73: {  	_ =	shalt  }
0x74: {  	_ =	shalt  }
0x75: {  	_ =	shalt  }
0x76: {  	_ =	shalt  }
0x77: {  	_ =	shalt  }
0x78: {  	_ =	shalt  }
0x79: {  	_ =	shalt  }
0x7a: {  	_ =	shalt  }
0x7b: {  	_ =	shalt  }
0x7c: {  	_ =	shalt  }
0x7d: {  	_ =	shalt  }
0x7e: {  	_ =	shalt  }
0x7f: {  	_ =	shalt  }
0x80: {  	_ =	shalt  }
0x81: {  	_ =	shalt  }
0x82: {  	_ =	shalt  }
0x83: {  	_ =	shalt  }
0x84: {  	_ =	shalt  }
0x85: {  	_ =	shalt  }
0x86: {  	_ =	shalt  }
0x87: {  	_ =	shalt  }
.Lfunc_end0:
.L_simem_size_0:
called_computation.2_lowered:
.L_overlay_start_0:
0x88: {  	s2 =	sld [smem:$0x3FD9]  }
0x89: {  	s3 =	sld [smem:$0x3FFE];
	_ =	sdelay $0x1  }
0x8a: {  	s1 =	srdreg.scid  }
0x8b: {  	s0 =	sand.u32 $0x1, s1  }
0x8c: {  	s17 =	sshll.u32 s0, $0xA;
	s2 =	sadd.s32 s3, s2  }
0x8d: {  	s2 =	sadd.s32 s2, s17  }
0x8e: {  	[smem:$0x3FC2] =	sst s2  }
0x8f: {  	_ = 	snop  }
0x90: {  	s2 =	sld [smem:$0x3FD0];
	(tm) =	ssettm $0x1  }
0x91: {  	s18 =	sld [smem:$0x3FFB];
	_ =	sdelay $0x3  }
0x92: {  	_ =	strace s18  }
0x93: {  	s3 =	sld [smem:$0x3FFC];
	_ =	sdelay $0x3  }
0x94: {  	_ =	strace s3  }
0x95: {  	s3 =	sld [smem:$0x3FFD];
	_ =	sdelay $0x3  }
0x96: {  	_ =	strace s3  }
0x97: {  	_ =	strace $0x8FFFFFFF  }
0x98: {  	s19 =	sld [smem:$0x3FDB];
	_ =	sdelay $0x1  }
0x99: {  	s4 =	simm.s32 $_scs_section_size  }
0x9a: {  	s5 =	simm.s32 $_size__tile_overlayer_lowered;
	s6 =	simm.s32 $_tile_overlayer_lowered  }
0x9b: {  	s22 =	simm.s32 $0x1BFF;
	s21 =	sshll.u32 s6, $0x1;
	s3 =	sadd.s32 s4, s19  }
0x9c: {  	s7 =	simm.s32 $0x0;
	s20 =	sshll.u32 s5, $0x1;
	s5 =	sadd.s32 s21, s3  }
0x9d: {  	[timem:s7], [sflag:s22] =	dma.local [hbm:s5], s20  }
0x9e: {  	_ =	swait.ge [sflag:s22], s20  }
0x9f: {  	s4 =	ssub.s32 $0x0, s20;
	[sflag:s22] =	ssyncset.done $0x0  }
0xa0: {  	[sflag:s22] =	ssyncadd.s32 s4;
	_ =	sdelay $0x1  }
0xa1: {  	s23 =	simm.s32 $0x1B8B  }
0xa2: {  	_ =	swait.ge [sflag:s23], $0x1  }
0xa3: {  	[sflag:s23] =	ssyncset.done $0x0  }
0xa4: {  	s25 =	simm.s32 $0x1B8E;
	s24 =	sld [smem:$0x3FFE];
	[sflag:s23] =	ssyncadd.s32 $0xFFFFFFFF  }
0xa5: {  	s26 =	simm.s32 $execute0_lowered;
	[smem:$0x3FD2] =	sst s25  }
0xa6: {  	s5 =	sshll.u32 s26, $0x1;
	_ =	strace $0x8000004C;
	[dreg:$0x1] =	wrdreg $0xFFFFFFFF  }
0xa7: {  	s28 =	simm.s32 $_size_execute0_lowered;
	s3 =	sadd.s32 s3, s5;
	[dreg:$0x0] =	wrdreg $0x0  }
0xa8: {  	s5 =	sshll.u32 s28, $0x1;
	[dreg:$0x2] =	wrdreg s3  }
0xa9: {  	[dreg:$0x3] =	wrdreg s5  }
0xaa: {  	[dreg:$0x4] =	wrdreg $0xC0  }
0xab: {  	_ =	task [dreg:s7], $0x5FFFF  }
0xac: {  	[dreg:$0x1] =	wrdreg $0xFFFFFFFF  }
0xad: {  	[dreg:$0x0] =	wrdreg $0x60  }
0xae: {  	[dreg:$0x2] =	wrdreg s24  }
0xaf: {  	[dreg:$0x3] =	wrdreg s2  }
0xb0: {  	[dreg:$0x4] =	wrdreg $0x82000  }
0xb1: {  	[dreg:$0x5] =	wrdreg $0x9  }
0xb2: {  	_ =	task.clear_ibuf [dreg:s7], $0x6FFFF;
	_ =	strace $0x9000004C  }
0xb3: {  	s29 =	simm.s32 $0x9;
	_ =	strace $0x8000004E  }
0xb4: {  	_ =	swait.ge [sflag:s29], $0x1  }
0xb5: {  	[sflag:s29] =	ssyncadd.s32 $0xFFFFFFFF  }
0xb6: {  	_ =	strace $0x9000004E  }
0xb7: {  	_ =	sfence  }
0xb8: {  	s30 =	sld [smem:$0x0];
	_ =	sdelay $0x2  }
0xb9: {  	s31 =	sshll.u32 s1, $0xD;
	s1 =	sshrl.u32 s1, $0x2  }
0xba: {  	s3 =	sand.u32 $0x4000, s31;
	s1 =	sadd.s32 s1, s30  }
0xbb: {  	s0 =	sor.u32 s3, s0;
	s1 =	sshll.u32 s1, $0x11  }
0xbc: {  	s0 =	sor.u32 s1, s0  }
0xbd: {  	s0 =	sadd.s32 $0x8F2B, s0  }
0xbe: {  	[sflag:s0] =	ssyncadd.remote.s32 $0x1  }
0xbf: {  	_ =	sfence.sel $0xFFFF  }
0xc0: {  	[dreg:$0x0] =	wrdreg $0xFFFFFFFF;
	(pc) =	sbr.abs _section_cstart, $3  }
0xc1: {  	[dreg:$0x1] =	wrdreg $0xFFFFFFFF  }
0xc2: {  	_ =	task.clear_ibuf [dreg:s7], $0x2FFFF;
	_ =	strace $0x9FFFFFFF  }
0xc3: {  	(tm) =	ssettm $0x7FFFFFFF  }
tec
execute0_lowered:
.L_overlay_start_1:
0x0: {  	(tag) =	ssettag $0x1  }
0x1: {  	s0 =	rddreg [dreg:$0x0]  }
0x2: {  	s1 =	rddreg [dreg:$0x1]  }
0x3: {  	s2 =	rddreg [dreg:$0x2]  }
0x4: {  	s3 =	simm.s32 $0x0;
	s4 =	srdreg.scid;
	s13 =	stileid.u32  }
0x5: {  	s28 =	simm.s32 $0x80;
	s29 =	simm.s32 $0x100;
	s30 =	simm.s32 $0x180  }
0x6: {  	s31 =	simm.s32 $0x4200;
	[smem:$0x7FF] =	sst s3;
	s4 =	sand.u32 $0x1, s4  }
0x7: {  	s5 =	sadd.s32 $0x52600, s0;
	s18 =	smul.u32 $0x4F000, s13;
	s6 =	sshll.u32 s4, $0x4  }
0x8: {  	s0 =	sadd.s32 $0x79E00, s0;
	s7 =	ssub.s32 $0x2, s4;
	s8 =	sor.u32 s13, s6  }
0x9: {  	s9 =	sshrl.u32 s7, $0x1;
	s6 =	sshrl.u32 s18, $0x2;
	s18 =	smul.u32 $0x13C00, s13  }
0xa: {  	_ =	strace $0x8000004D;
	s10 =	smul.u32 $0x2800, s8;
	s11 =	ssub.s32 s7, s9  }
0xb: {  	s6 =	sadd.s32 s6, s2;
	s8 =	smul.u32 $0x500, s8;
	s20 =	sadd.s32 $0x10000, s18  }
0xc: {  	s14 =	smax.u32 s11, $0x1;
	s15 =	sadd.s32 $0x4000, s6;
	s16 =	sadd.s32 $0x8000, s6  }
0xd: {  	s19 =	sshrl.u32 s10, $0x3;
	s7 =	sadd.s32 s20, s2;
	s22 =	sadd.s32 s1, s8  }
0xe: {  	s12 =	sadd.s32 s1, s19;
	[dreg:$0x5] =	wrdreg s22;
	s9 =	sadd.s32 $0x10, s22  }
0xf: {  	s19 =	smul.u32 $0x13C000, s4;
	s21 =	sadd.s32 $0xA000, s12;
	[dreg:$0x7] =	wrdreg s9  }
0x10: {  	s4 =	smul.u32 $0x500, s4;
	s23 =	sadd.s32 $0xA010, s12;
	[dreg:$0x4] =	wrdreg s21  }
0x11: {  	s9 =	sadd.s32 $0x4000, s18;
	s12 =	sadd.s32 $0x8000, s18;
	[dreg:$0x6] =	wrdreg s23  }
0x12: {  	s24 =	sadd.s32 s19, s20;
	s25 =	sadd.s32 s19, s18;
	s11 =	sadd.s32 s19, s9  }
0x13: {  	s22 =	sadd.s32 s19, s12;
	s21 =	sadd.s32 $0xC000, s18;
	s20 =	sadd.s32 $0xC000, s6  }
0x14: {  	s8 =	sshrl.u32 s24, $0x3;
	s10 =	sshrl.u32 s25, $0x3;
	s19 =	sadd.s32 s19, s21  }
0x15: {  	s24 =	sadd.s32 s9, s2;
	s25 =	sadd.s32 s12, s2;
	s8 =	sadd.s32 s0, s8  }
0x16: {  	s26 =	sadd.s32 s0, s10;
	s10 =	sshrl.u32 s11, $0x3;
	[dreg:$0x8] =	wrdreg s8  }
0x17: {  	s17 =	sadd.s32 s0, s10;
	s10 =	sshrl.u32 s22, $0x3;
	s22 =	smul.u32 $0x50, s13  }
.Ltmp0:
0x18: {  	s23 =	sshrl.u32 s19, $0x3;
	[dreg:$0x9] =	wrdreg s26;
	(pc) =	sbr.rel .LBB2_1-.Ltmp0, $4  }
0x19: {  	s19 =	sadd.s32 s0, s23;
	s26 =	sadd.s32 s21, s2;
	s23 =	sshrl.u32 s24, $0x3  }
0x1a: {  	s24 =	sshrl.u32 s25, $0x3;
	s8 =	simm.s32 $0x0;
	s18 =	sadd.s32 s0, s10  }
0x1b: {  	s25 =	sshrl.u32 s26, $0x3;
	s26 =	simm.s32 $0x3;
	s0 =	simm.s32 $0x1  }
0x1c: {  	v0 =	vimm.f32 $0.0e+00;
	s21 =	sadd.s32 s22, s4;
	s22 =	simm.s32 $0x200;
	s4 =	simm.s32 $0x2  }
.LBB2_6:
0x1d: {  	s9 =	stileid.u32  }
0x1e: {  	[bflag:$0x0] =	sbarrier.arrive $0xFFFF;
	s9 =	sshll.u32 s9, $0x6  }
0x1f: {  	s10 =	sshrl.u32 s6, $0x3;
	s11 =	rddreg [dreg:$0x9];
	s9 =	sor.u32 $0x1C03, s9  }
0x20: {  	[hbm:s11], [sflag:s9] =	dma.local [spmem:s10], $0x800  }
0x21: {  	_ =	swait.ge [sflag:s26], $0x800  }
0x22: {  	[sflag:s26] =	ssyncset.done $0x0  }
0x23: {  	[sflag:s26] =	ssyncadd.s32 $0xFFFFF800  }
0x24: {  	[hbm:s17], [sflag:s9] =	dma.local [spmem:s23], $0x800  }
0x25: {  	_ =	swait.ge [sflag:s26], $0x800  }
0x26: {  	[sflag:s26] =	ssyncset.done $0x0  }
0x27: {  	[sflag:s26] =	ssyncadd.s32 $0xFFFFF800  }
0x28: {  	[hbm:s18], [sflag:s9] =	dma.local [spmem:s24], $0x800  }
0x29: {  	_ =	swait.ge [sflag:s26], $0x800  }
0x2a: {  	[sflag:s26] =	ssyncset.done $0x0  }
0x2b: {  	[sflag:s26] =	ssyncadd.s32 $0xFFFFF800  }
0x2c: {  	[hbm:s19], [sflag:s9] =	dma.local [spmem:s25], $0x800  }
0x2d: {  	s8 =	sadd.s32 $0x1, s8;
	_ =	swait.ge [sflag:s26], $0x800  }
0x2e: {  	s12 =	sshrl.u32 s7, $0x3;
	p0 =	sne.s32 s8, s14;
	[sflag:s26] =	ssyncset.done $0x0  }
.Ltmp1:
0x2f: {  	s13 =	rddreg [dreg:$0x8];
	[sflag:s26] =	ssyncadd.s32 $0xFFFFF800;
	(pc) =	sbr.rel @!p0 .LBB2_7-.Ltmp1, $4  }
0x30: {  	[hbm:s13], [sflag:s9] =	dma.local [spmem:s12], $0x780  }
0x31: {  	_ =	swait.ge [sflag:s26], $0x780  }
0x32: {  	[sflag:s26] =	ssyncset.done $0x0  }
0x33: {  	[sflag:s26] =	ssyncadd.s32 $0xFFFFF880  }
.LBB2_1:
0x34: {  	s10 =	simm.s32 $0x0;
	s11 =	simm.s32 $0x200  }
.LBB2_2:
0x35: {  	p0 =	sne.s32 s11, $0xFE00;
	[tilespmem:s10+$0x270] =	vst v0  }
0x36: {  	[tilespmem:s10+$0x200] =	vst v0  }
0x37: {  	[tilespmem:s10+$0x210] =	vst v0  }
.Ltmp2:
0x38: {  	[tilespmem:s10+$0x220] =	vst v0;
	(pc) =	sbr.rel @p0 .LBB2_2-.Ltmp2, $4  }
0x39: {  	[tilespmem:s10+$0x230] =	vst v0  }
0x3a: {  	[tilespmem:s10+$0x240] =	vst v0  }
0x3b: {  	[tilespmem:s10+$0x250] =	vst v0  }
0x3c: {  	[tilespmem:s10+$0x260] =	vst v0;
	s10 =	sshra.s32 s11, $0x2;
	s11 =	sadd.s32 $0x200, s11  }
0x3d: {  	[tilespmem:s10+$0x270] =	vst v0  }
0x3e: {  	[tilespmem:s10+$0x200] =	vst v0  }
0x3f: {  	[tilespmem:s10+$0x210] =	vst v0  }
0x40: {  	[tilespmem:s10+$0x220] =	vst v0  }
0x41: {  	[tilespmem:s10+$0x230] =	vst v0  }
0x42: {  	[tilespmem:s10+$0x240] =	vst v0  }
0x43: {  	[tilespmem:s10+$0x250] =	vst v0  }
0x44: {  	[tilespmem:s10+$0x260] =	vst v0  }
0x45: {  	[spmem:s6] =	stream.linear.scatter [tilespmem:s22], [sflag:$0x3], $0x4000, $0x38;
	[tilespmem:$0x1BE00] =	vst v63  }
0x46: {  	_ =	swait.ge [sflag:s26], $0x4000  }
0x47: {  	[sflag:s26] =	ssyncset.done $0x0  }
0x48: {  	[sflag:s26] =	ssyncadd.s32 $0xFFFFC000  }
0x49: {  	[spmem:s15] =	stream.linear.scatter [tilespmem:s22], [sflag:$0x3], $0x4000, $0x38;
	[tilespmem:$0x1BE00] =	vst v63  }
0x4a: {  	_ =	swait.ge [sflag:s26], $0x4000  }
0x4b: {  	[sflag:s26] =	ssyncset.done $0x0  }
0x4c: {  	[sflag:s26] =	ssyncadd.s32 $0xFFFFC000  }
0x4d: {  	[spmem:s16] =	stream.linear.scatter [tilespmem:s22], [sflag:$0x3], $0x4000, $0x38;
	[tilespmem:$0x1BE00] =	vst v63  }
0x4e: {  	_ =	swait.ge [sflag:s26], $0x4000  }
0x4f: {  	[sflag:s26] =	ssyncset.done $0x0  }
0x50: {  	[sflag:s26] =	ssyncadd.s32 $0xFFFFC000  }
0x51: {  	[spmem:s20] =	stream.linear.scatter [tilespmem:s22], [sflag:$0x3], $0x4000, $0x38;
	[tilespmem:$0x1BE00] =	vst v63  }
0x52: {  	_ =	swait.ge [sflag:s26], $0x4000  }
0x53: {  	[sflag:s26] =	ssyncset.done $0x0  }
0x54: {  	[sflag:s26] =	ssyncadd.s32 $0xFFFFC000  }
0x55: {  	[spmem:s7] =	stream.linear.scatter [tilespmem:s22], [sflag:$0x3], $0x3C00, $0x38;
	[tilespmem:$0x1BE00] =	vst v63  }
0x56: {  	_ =	swait.ge [sflag:s26], $0x3C00  }
0x57: {  	[sflag:s26] =	ssyncset.done $0x0  }
0x58: {  	[sflag:s26] =	ssyncadd.s32 $0xFFFFC400  }
0x59: {  	[bflag:$0x0] =	sbarrier.arrive $0xFFFF  }
0x5a: {  	s9 =	rddreg [dreg:$0x4]  }
0x5b: {  	[tilespmem:s3], [sflag:$0x3] =	stream.linear.gather [hbm4b:s9+s3], $0x80, $0x38;
	[tilespmem:$0x1BE00] =	vst v63  }
0x5c: {  	_ =	swait.ge [sflag:s26], $0x80  }
0x5d: {  	[sflag:s26] =	ssyncset.done $0x0  }
0x5e: {  	s11 =	rddreg [dreg:$0x5];
	[sflag:s26] =	ssyncadd.s32 $0xFFFFFF80  }
0x5f: {  	[tilespmem:s28], [sflag:$0x3] =	stream.linear.gather [hbm4b:s11+s3], $0x80, $0x38;
	[tilespmem:$0x1BE00] =	vst v63  }
0x60: {  	_ =	swait.ge [sflag:s26], $0x80  }
0x61: {  	[sflag:s26] =	ssyncset.done $0x0  }
0x62: {  	[sflag:s26] =	ssyncadd.s32 $0xFFFFFF80  }
0x63: {  	[tilespmem:s22], [sflag:$0x1] =	stream.indirect.gather [hbm4b:s5+s28], $0x80, s3, s28, $0xb8;
	[tilespmem:$0x1BE00] =	vst v63  }
0x64: {  	s12 =	rddreg [dreg:$0x6]  }
0x65: {  	[tilespmem:s29], [sflag:$0x3] =	stream.linear.gather [hbm4b:s12+s3], $0x80, $0x38;
	[tilespmem:$0x1BE00] =	vst v63  }
0x66: {  	_ =	swait.ge [sflag:s26], $0x80  }
0x67: {  	[sflag:s26] =	ssyncset.done $0x0  }
0x68: {  	s13 =	rddreg [dreg:$0x7];
	[sflag:s26] =	ssyncadd.s32 $0xFFFFFF80  }
0x69: {  	[tilespmem:s30], [sflag:$0x3] =	stream.linear.gather [hbm4b:s13+s3], $0x80, $0x38;
	[tilespmem:$0x1BE00] =	vst v63  }
0x6a: {  	_ =	swait.ge [sflag:s26], $0x80  }
0x6b: {  	[sflag:s26] =	ssyncset.done $0x0  }
0x6c: {  	s10 =	simm.s32 $0xFFFFFFB2;
	[sflag:s26] =	ssyncadd.s32 $0xFFFFFF80  }
0x6d: {  	[tilespmem:s31], [sflag:$0x2] =	stream.indirect.gather [hbm4b:s5+s28], $0x80, s29, s28, $0xb8;
	[tilespmem:$0x1BE00] =	vst v63  }
.LBB2_4:
0x6e: {  	_ =	swait.ge [sflag:s0], $0x4000;
	s11 =	sadd.s32 s10, s21  }
0x6f: {  	[sflag:s0] =	ssyncset.done $0x0;
	s9 =	sadd.s32 $0x50, s11  }
0x70: {  	[sflag:s0] =	ssyncadd.s32 $0xFFFFC000;
	p0 =	slt.s32 s9, $0x9FF  }
0x71: {  	[spmem:s2] =	stream.indirect.scatter.add.f32 [tilespmem:s22], [sflag:$0x3], $0x80, s28, s28, $0xb8;
	[tilespmem:$0x1BE00] =	vst v63  }
0x72: {  	s9 =	simm.s32 @!p0 $0x9FF  }
0x73: {  	s12 =	sshll.u32 s9, $0x7  }
0x74: {  	s12 =	sand.u32 $0x7FF80, s12  }
0x75: {  	_ =	swait.ge [sflag:s26], $0x4000;
	s12 =	sadd.s32 $0x50000, s12  }
0x76: {  	[sflag:s26] =	ssyncset.done $0x0;
	s12 =	sshrl.u32 s12, $0x3  }
0x77: {  	[sflag:s26] =	ssyncadd.s32 $0xFFFFC000;
	s12 =	sadd.s32 s1, s12  }
0x78: {  	[tilespmem:s3], [sflag:$0x3] =	stream.linear.gather [hbm4b:s12+s3], $0x80, $0x38;
	[tilespmem:$0x1BE00] =	vst v63  }
0x79: {  	_ =	swait.ge [sflag:s26], $0x80  }
0x7a: {  	s9 =	sshll.u32 s9, $0x4;
	[sflag:s26] =	ssyncset.done $0x0  }
0x7b: {  	s9 =	sadd.s32 s1, s9;
	[sflag:s26] =	ssyncadd.s32 $0xFFFFFF80  }
0x7c: {  	[tilespmem:s28], [sflag:$0x3] =	stream.linear.gather [hbm4b:s9+s3], $0x80, $0x38;
	[tilespmem:$0x1BE00] =	vst v63  }
0x7d: {  	p0 =	seq.s32 s10, $0x0;
	_ =	swait.ge [sflag:s26], $0x80  }
0x7e: {  	s13 =	simm.s32 @!p0 $0x200;
	[sflag:s26] =	ssyncset.done $0x0  }
0x7f: {  	s12 =	simm.s32 @!p0 $0x0;
	s9 =	simm.s32 @!p0 $0x80;
	[sflag:s26] =	ssyncadd.s32 $0xFFFFFF80  }
0x80: {  	[tilespmem:s13], [sflag:$0x1] =	stream.indirect.gather @!p0 [hbm4b:s5+s9], $0x80, s12, s9, $0xb8;
	[tilespmem:$0x1BE00] =	vst v63  }
0x81: {  	s9 =	sadd.s32 $0x51, s11  }
0x82: {  	_ =	swait.ge [sflag:s4], $0x4000;
	p1 =	slt.s32 s9, $0x9FF  }
0x83: {  	[sflag:s4] =	ssyncset.done $0x0;
	s9 =	simm.s32 @!p1 $0x9FF  }
0x84: {  	[sflag:s4] =	ssyncadd.s32 $0xFFFFC000;
	s13 =	sshll.u32 s9, $0x7  }
0x85: {  	[spmem:s2] =	stream.indirect.scatter.add.f32 [tilespmem:s31], [sflag:$0x3], $0x80, s30, s28, $0xb8;
	[tilespmem:$0x1BE00] =	vst v63  }
0x86: {  	s11 =	sand.u32 $0x7FF80, s13  }
0x87: {  	_ =	swait.ge [sflag:s26], $0x4000;
	s11 =	sadd.s32 $0x50000, s11  }
0x88: {  	[sflag:s26] =	ssyncset.done $0x0;
	s11 =	sshrl.u32 s11, $0x3  }
0x89: {  	[sflag:s26] =	ssyncadd.s32 $0xFFFFC000;
	s11 =	sadd.s32 s1, s11  }
0x8a: {  	[tilespmem:s29], [sflag:$0x3] =	stream.linear.gather [hbm4b:s11+s3], $0x80, $0x38;
	[tilespmem:$0x1BE00] =	vst v63  }
0x8b: {  	_ =	swait.ge [sflag:s26], $0x80  }
0x8c: {  	s9 =	sshll.u32 s9, $0x4;
	[sflag:s26] =	ssyncset.done $0x0  }
.Ltmp3:
0x8d: {  	s9 =	sadd.s32 s1, s9;
	[sflag:s26] =	ssyncadd.s32 $0xFFFFFF80;
	(pc) =	sbr.rel @p0 .LBB2_6-.Ltmp3, $4  }
0x8e: {  	[tilespmem:s30], [sflag:$0x3] =	stream.linear.gather [hbm4b:s9+s3], $0x80, $0x38;
	[tilespmem:$0x1BE00] =	vst v63  }
0x8f: {  	_ =	swait.ge [sflag:s26], $0x80  }
0x90: {  	[sflag:s26] =	ssyncset.done $0x0  }
0x91: {  	[sflag:s26] =	ssyncadd.s32 $0xFFFFFF80  }
.Ltmp4:
0x92: {  	(pc) =	sbr.rel .LBB2_4-.Ltmp4, $3  }
0x93: {  	_ =	sdelay $0x1  }
0x94: {  	[tilespmem:s31], [sflag:$0x2] =	stream.indirect.gather [hbm4b:s5+s28], $0x80, s29, s28, $0xb8;
	[tilespmem:$0x1BE00] =	vst v63  }
0x95: {  	s10 =	sadd.s32 $0x2, s10  }
.LBB2_7:
0x96: {  	_ =	sfence.sel $0x180000  }
0x97: {  	[bflag:$0x0] =	sbarrier.arrive $0xFFFF  }
0x98: {  	_ =	strace $0x9000004D  }
0x99: {  	s0 =	stileid.u32;
	[bflag:$0x2] =	sbarrier.arrive $0xFFFF  }
0x9a: {  	p0 =	sne.s32 s0, $0x0;
	s0 =	rddreg [dreg:$0x3]  }
0x9b: {  	s0 =	sadd.s32 @!p0 $0x100000, s0  }
0x9c: {  	[sflag:s0] =	ssyncadd.tile.s32 @!p0 $0x1;
	_ =	shalt  }
.Lfunc_end2:
_tile_overlayer_lowered:
.L_overlay_start_2:
0x9d: {  	(tag) =	ssettag $0x2  }
0x9e: {  	s0 =	rddreg [dreg:$0x0];
	s2 =	stileid.u32  }
0x9f: {  	s1 =	rddreg [dreg:$0x1];
	p0 =	sne.s32 s2, $0x0  }
0xa0: {  	s3 =	rddreg [dreg:$0x2];
	[bflag:$0x3] =	sbarrier.arrive $0xFFFF;
	s2 =	simm.s32 @!p0 $0x1C03  }
0xa1: {  	[timem:s3], [sflag:s2] =	dma.local @!p0 [hbm:s0], s1  }
0xa2: {  	s0 =	simm.s32 @!p0 $0x3  }
0xa3: {  	_ =	swait.ge @!p0 [sflag:s0], s1  }
0xa4: {  	s1 =	ssub.s32 @!p0 $0x0, s1;
	[sflag:s0] =	ssyncset.done @!p0 $0x0  }
0xa5: {  	[sflag:s0] =	ssyncadd.s32 @!p0 s1  }
0xa6: {  	[bflag:$0x3] =	sbarrier.arrive $0xFFFF  }
0xa7: {  	_ =	shalt  }

// kernel: kernel.21.cloned.1.call-start
scs
__scs_entry_jumppad:
0x0: {  	(pc) =	sbr.rel $0x88, $3  }
0x1: {  	(tag) =	ssettag $0x0;
	lr =	simm.s32 $0x1  }
0x2: {  	[smem:$0x3F9B] =	sst lr;
	_ =	strace $0xD0000000  }
0x3: {  	_ = 	snop  }
0x4: {  	_ = 	snop  }
0x5: {  	_ = 	snop  }
0x6: {  	_ = 	snop  }
0x7: {  	_ = 	snop  }
__scs_overlays_trampoline_lowered:
0x8: {  	[smem:$0x3FAA] =	sst s0  }
0x9: {  	[smem:$0x3FAB] =	sst s1  }
0xa: {  	[smem:$0x3FAC] =	sst s2  }
0xb: {  	[smem:$0x3FAD] =	sst s3  }
0xc: {  	[smem:$0x3FAE] =	sst s4  }
0xd: {  	[smem:$0x3FAF] =	sst s5  }
0xe: {  	[smem:$0x3FB0] =	sst s6  }
0xf: {  	[smem:$0x3FB1] =	sst s7  }
0x10: {  	[smem:$0x3FB2] =	sst s8  }
0x11: {  	[smem:$0x3FB3] =	sst s9;
	s0 =	simm.s32 @!p0 $0x0  }
0x12: {  	s1 =	sld [smem:$0x3F99];
	s0 =	simm.s32 @p0 $0x1  }
0x13: {  	[smem:$0x3FB4] =	sst s0;
	s0 =	simm.s32 @!p1 $0x0  }
0x14: {  	s2 =	sld [smem:$0x3F98];
	s0 =	simm.s32 @p1 $0x1  }
0x15: {  	[smem:$0x3FB5] =	sst s0;
	s0 =	simm.s32 @!p2 $0x0  }
0x16: {  	s3 =	sld [smem:$0x3FDB];
	s0 =	simm.s32 @p2 $0x1  }
0x17: {  	s4 =	simm.s32 $0x1BF5;
	[smem:$0x3FB7] =	sst s0  }
0x18: {  	s0 =	sld [smem:$0x3F9A];
	_ =	swait.ge [sflag:s4], $0x0  }
0x19: {  	s7 =	sld [smem:$0x3F9B]  }
0x1a: {  	s8 =	sadd.s32 $0xFFFFE003, lr  }
0x1b: {  	s9 =	sadd.s32 $0xFFFFFEF7, lr;
	s5 =	simm.s32 $0xFFFFFFFF;
	p2 =	slt.u32 s8, $0xFFFFF086  }
0x1c: {  	p1 =	slt.u32 s9, $0xF7A;
	s5 =	simm.s32 @!p2 $0x0  }
0x1d: {  	s5 =	simm.s32 @p1 $0x1;
	p0 =	seq.s32 s7, s2  }
0x1e: {  	s7 =	smul.u32 @!p0 $0xF7A, s2;
	p2 =	seq.s32 @!p0 s5, $0x0  }
0x1f: {  	s9 =	smul.u32 $0xF7A, s1;
	s8 =	simm.s32 @!p0 $0x1BF5;
	p2 =	por !p2, p0  }
0x20: {  	[sflag:s8] =	ssyncset.s32 @!p0 $0xFFFFF086;
	s6 =	sadd.s32 @!p0 s3, s7;
	s7 =	simm.s32 @!p0 $0x108  }
0x21: {  	s3 =	sadd.s32 s3, s9;
	s6 =	sadd.s32 @!p0 $0x88, s6;
	s7 =	simm.s32 @p2 $0x1082  }
0x22: {  	[simem:s7], [sflag:s8] =	dma.local @!p0 [hbm:s6], $0xF7A  }
0x23: {  	s9 =	sor.u32 $0xD0000000, s2;
	s6 =	simm.s32 $0x108;
	_ =	swait.ge @!p0 [sflag:s8], $0x0  }
0x24: {  	s3 =	sadd.s32 $0x88, s3;
	s6 =	simm.s32 @!p1 $0x1082;
	[sflag:s4] =	ssyncset.s32 $0xFFFFF086  }
0x25: {  	[simem:s6], [sflag:s4] =	dma.local [hbm:s3], $0xF7A  }
0x26: {  	[smem:$0x3F9B] =	sst s1;
	(tag) =	ssettag s2;
	_ =	strace s9  }
0x27: {  	s1 =	sld [smem:$0x3FAB]  }
0x28: {  	s2 =	sld [smem:$0x3FAC]  }
0x29: {  	s4 =	sld [smem:$0x3FAE]  }
0x2a: {  	p0 =	seq.s32 s5, $0x0;
	s5 =	sld [smem:$0x3FAF]  }
0x2b: {  	s6 =	sld [smem:$0x3FB0]  }
0x2c: {  	s7 =	sld [smem:$0x3FB1]  }
0x2d: {  	s3 =	simm.s32 $0x108;
	s8 =	sld [smem:$0x3FB2]  }
0x2e: {  	s3 =	simm.s32 @!p0 $0x1082;
	s9 =	sld [smem:$0x3FB3]  }
0x2f: {  	lr =	sadd.s32 s0, s3;
	s0 =	sld [smem:$0x3FAA]  }
0x30: {  	s3 =	sld [smem:$0x3FAD]  }
0x31: {  	[smem:$0x3FB6] =	sst s10  }
0x32: {  	s10 =	sld [smem:$0x3FB4];
	_ =	sdelay $0x3  }
0x33: {  	p0 =	seq.s32 s10, $0x1;
	s10 =	sld [smem:$0x3FB6];
	_ =	sdelay $0x3  }
0x34: {  	[smem:$0x3FB6] =	sst s10  }
0x35: {  	s10 =	sld [smem:$0x3FB5];
	_ =	sdelay $0x3  }
0x36: {  	p1 =	seq.s32 s10, $0x1;
	s10 =	sld [smem:$0x3FB6];
	_ =	sdelay $0x3  }
0x37: {  	[smem:$0x3FB6] =	sst s10  }
0x38: {  	s10 =	sld [smem:$0x3FB7]  }
0x39: {  	_ = 	snop;
	(pc) =	sbr.ind lr, $3  }
0x3a: {  	_ = 	snop  }
0x3b: {  	_ = 	snop  }
0x3c: {  	p2 =	seq.s32 s10, $0x1;
	s10 =	sld [smem:$0x3FB6]  }
0x3d: {  	_ =	shalt  }
0x3e: {  	_ =	shalt  }
0x3f: {  	_ =	shalt  }
0x40: {  	_ =	shalt  }
0x41: {  	_ =	shalt  }
0x42: {  	_ =	shalt  }
0x43: {  	_ =	shalt  }
0x44: {  	_ =	shalt  }
0x45: {  	_ =	shalt  }
0x46: {  	_ =	shalt  }
0x47: {  	_ =	shalt  }
0x48: {  	_ =	shalt  }
0x49: {  	_ =	shalt  }
0x4a: {  	_ =	shalt  }
0x4b: {  	_ =	shalt  }
0x4c: {  	_ =	shalt  }
0x4d: {  	_ =	shalt  }
0x4e: {  	_ =	shalt  }
0x4f: {  	_ =	shalt  }
0x50: {  	_ =	shalt  }
0x51: {  	_ =	shalt  }
0x52: {  	_ =	shalt  }
0x53: {  	_ =	shalt  }
0x54: {  	_ =	shalt  }
0x55: {  	_ =	shalt  }
0x56: {  	_ =	shalt  }
0x57: {  	_ =	shalt  }
0x58: {  	_ =	shalt  }
0x59: {  	_ =	shalt  }
0x5a: {  	_ =	shalt  }
0x5b: {  	_ =	shalt  }
0x5c: {  	_ =	shalt  }
0x5d: {  	_ =	shalt  }
0x5e: {  	_ =	shalt  }
0x5f: {  	_ =	shalt  }
0x60: {  	_ =	shalt  }
0x61: {  	_ =	shalt  }
0x62: {  	_ =	shalt  }
0x63: {  	_ =	shalt  }
0x64: {  	_ =	shalt  }
0x65: {  	_ =	shalt  }
0x66: {  	_ =	shalt  }
0x67: {  	_ =	shalt  }
0x68: {  	_ =	shalt  }
0x69: {  	_ =	shalt  }
0x6a: {  	_ =	shalt  }
0x6b: {  	_ =	shalt  }
0x6c: {  	_ =	shalt  }
0x6d: {  	_ =	shalt  }
0x6e: {  	_ =	shalt  }
0x6f: {  	_ =	shalt  }
0x70: {  	_ =	shalt  }
0x71: {  	_ =	shalt  }
0x72: {  	_ =	shalt  }
0x73: {  	_ =	shalt  }
0x74: {  	_ =	shalt  }
0x75: {  	_ =	shalt  }
0x76: {  	_ =	shalt  }
0x77: {  	_ =	shalt  }
0x78: {  	_ =	shalt  }
0x79: {  	_ =	shalt  }
0x7a: {  	_ =	shalt  }
0x7b: {  	_ =	shalt  }
0x7c: {  	_ =	shalt  }
0x7d: {  	_ =	shalt  }
0x7e: {  	_ =	shalt  }
0x7f: {  	_ =	shalt  }
0x80: {  	_ =	shalt  }
0x81: {  	_ =	shalt  }
0x82: {  	_ =	shalt  }
0x83: {  	_ =	shalt  }
0x84: {  	_ =	shalt  }
0x85: {  	_ =	shalt  }
0x86: {  	_ =	shalt  }
0x87: {  	_ =	shalt  }
.Lfunc_end0:
.L_simem_size_0:
called_computation.3_lowered:
.L_overlay_start_0:
0x88: {  	s2 =	sld [smem:$0x3FD9]  }
0x89: {  	s3 =	sld [smem:$0x3FFE];
	_ =	sdelay $0x1  }
0x8a: {  	s1 =	srdreg.scid  }
0x8b: {  	s0 =	sand.u32 $0x1, s1  }
0x8c: {  	s17 =	sshll.u32 s0, $0xA;
	s2 =	sadd.s32 s3, s2  }
0x8d: {  	s2 =	sadd.s32 s2, s17  }
0x8e: {  	[smem:$0x3FC2] =	sst s2  }
0x8f: {  	_ = 	snop  }
0x90: {  	s2 =	sld [smem:$0x3FD0];
	(tm) =	ssettm $0x1  }
0x91: {  	s18 =	sld [smem:$0x3FFB];
	_ =	sdelay $0x3  }
0x92: {  	_ =	strace s18  }
0x93: {  	s3 =	sld [smem:$0x3FFC];
	_ =	sdelay $0x3  }
0x94: {  	_ =	strace s3  }
0x95: {  	s3 =	sld [smem:$0x3FFD];
	_ =	sdelay $0x3  }
0x96: {  	_ =	strace s3  }
0x97: {  	_ =	strace $0x8FFFFFFF  }
0x98: {  	s19 =	sld [smem:$0x3FDB];
	_ =	sdelay $0x1  }
0x99: {  	s4 =	simm.s32 $_scs_section_size  }
0x9a: {  	s5 =	simm.s32 $_size__tile_overlayer_lowered;
	s6 =	simm.s32 $_tile_overlayer_lowered  }
0x9b: {  	s22 =	simm.s32 $0x1BFF;
	s21 =	sshll.u32 s6, $0x1;
	s3 =	sadd.s32 s4, s19  }
0x9c: {  	s7 =	simm.s32 $0x0;
	s20 =	sshll.u32 s5, $0x1;
	s5 =	sadd.s32 s21, s3  }
0x9d: {  	[timem:s7], [sflag:s22] =	dma.local [hbm:s5], s20  }
0x9e: {  	_ =	swait.ge [sflag:s22], s20  }
0x9f: {  	s4 =	ssub.s32 $0x0, s20;
	[sflag:s22] =	ssyncset.done $0x0  }
0xa0: {  	[sflag:s22] =	ssyncadd.s32 s4;
	_ =	sdelay $0x1  }
0xa1: {  	s23 =	simm.s32 $0x1B8B  }
0xa2: {  	_ =	swait.ge [sflag:s23], $0x1  }
0xa3: {  	[sflag:s23] =	ssyncset.done $0x0  }
0xa4: {  	s25 =	simm.s32 $0x1B8E;
	s24 =	sld [smem:$0x3FFE];
	[sflag:s23] =	ssyncadd.s32 $0xFFFFFFFF  }
0xa5: {  	s26 =	simm.s32 $execute0_lowered;
	[smem:$0x3FD2] =	sst s25  }
0xa6: {  	s5 =	sshll.u32 s26, $0x1;
	_ =	strace $0x8000004F;
	[dreg:$0x1] =	wrdreg $0xFFFFFFFF  }
0xa7: {  	s28 =	simm.s32 $_size_execute0_lowered;
	s3 =	sadd.s32 s3, s5;
	[dreg:$0x0] =	wrdreg $0x0  }
0xa8: {  	s5 =	sshll.u32 s28, $0x1;
	[dreg:$0x2] =	wrdreg s3  }
0xa9: {  	[dreg:$0x3] =	wrdreg s5  }
0xaa: {  	[dreg:$0x4] =	wrdreg $0xC0  }
0xab: {  	_ =	task [dreg:s7], $0x5FFFF  }
0xac: {  	[dreg:$0x1] =	wrdreg $0xFFFFFFFF  }
0xad: {  	[dreg:$0x0] =	wrdreg $0x60  }
0xae: {  	[dreg:$0x2] =	wrdreg s24  }
0xaf: {  	[dreg:$0x3] =	wrdreg s2  }
0xb0: {  	[dreg:$0x4] =	wrdreg $0x82000  }
0xb1: {  	[dreg:$0x5] =	wrdreg $0x9  }
0xb2: {  	_ =	task.clear_ibuf [dreg:s7], $0x6FFFF;
	_ =	strace $0x9000004F  }
0xb3: {  	s29 =	simm.s32 $0x9;
	_ =	strace $0x80000051  }
0xb4: {  	_ =	swait.ge [sflag:s29], $0x1  }
0xb5: {  	[sflag:s29] =	ssyncadd.s32 $0xFFFFFFFF  }
0xb6: {  	_ =	strace $0x90000051  }
0xb7: {  	_ =	sfence  }
0xb8: {  	s30 =	sld [smem:$0x0];
	_ =	sdelay $0x2  }
0xb9: {  	s31 =	sshll.u32 s1, $0xD;
	s1 =	sshrl.u32 s1, $0x2  }
0xba: {  	s3 =	sand.u32 $0x4000, s31;
	s1 =	sadd.s32 s1, s30  }
0xbb: {  	s0 =	sor.u32 s3, s0;
	s1 =	sshll.u32 s1, $0x11  }
0xbc: {  	s0 =	sor.u32 s1, s0  }
0xbd: {  	s0 =	sadd.s32 $0x8F2B, s0  }
0xbe: {  	[sflag:s0] =	ssyncadd.remote.s32 $0x1  }
0xbf: {  	_ =	sfence.sel $0xFFFF  }
0xc0: {  	[dreg:$0x0] =	wrdreg $0xFFFFFFFF;
	(pc) =	sbr.abs _section_cstart, $3  }
0xc1: {  	[dreg:$0x1] =	wrdreg $0xFFFFFFFF  }
0xc2: {  	_ =	task.clear_ibuf [dreg:s7], $0x2FFFF;
	_ =	strace $0x9FFFFFFF  }
0xc3: {  	(tm) =	ssettm $0x7FFFFFFF  }
tec
execute0_lowered:
.L_overlay_start_1:
0x0: {  	(tag) =	ssettag $0x1  }
0x1: {  	s0 =	rddreg [dreg:$0x0]  }
0x2: {  	s1 =	rddreg [dreg:$0x1]  }
0x3: {  	s2 =	rddreg [dreg:$0x2]  }
0x4: {  	s3 =	simm.s32 $0x0;
	s4 =	srdreg.scid;
	s20 =	stileid.u32  }
0x5: {  	s28 =	simm.s32 $0x80;
	s29 =	simm.s32 $0x100;
	s30 =	simm.s32 $0x180  }
0x6: {  	s31 =	simm.s32 $0x4200;
	[smem:$0x7FF] =	sst s3;
	s22 =	smul.u32 $0x4F000, s20  }
0x7: {  	s4 =	sand.u32 $0x1, s4;
	s5 =	sadd.s32 $0x52600, s0;
	s11 =	smul.u32 $0x13C00, s20  }
0x8: {  	s0 =	sadd.s32 $0x79E00, s0;
	_ =	strace $0x80000050;
	s18 =	smul.u32 $0x13C000, s4  }
0x9: {  	s6 =	sshll.u32 s4, $0x4;
	s7 =	ssub.s32 $0x2, s4;
	s4 =	smul.u32 $0x500, s4  }
0xa: {  	s8 =	sor.u32 s20, s6;
	s9 =	sshrl.u32 s7, $0x1;
	s6 =	sshrl.u32 s22, $0x2  }
0xb: {  	s24 =	sadd.s32 $0x10000, s11;
	s10 =	smul.u32 $0x2800, s8;
	s9 =	ssub.s32 s7, s9  }
0xc: {  	s6 =	sadd.s32 s6, s2;
	s8 =	smul.u32 $0x500, s8;
	s7 =	sadd.s32 s24, s2  }
0xd: {  	s25 =	sadd.s32 s18, s11;
	s14 =	smax.u32 s9, $0x1;
	s15 =	sadd.s32 $0x4000, s6  }
0xe: {  	s16 =	sadd.s32 $0x8000, s6;
	s23 =	sshrl.u32 s10, $0x3;
	s8 =	sadd.s32 s1, s8  }
0xf: {  	s12 =	sadd.s32 s1, s23;
	[dreg:$0x4] =	wrdreg s8;
	s8 =	sadd.s32 $0x10, s8  }
0x10: {  	s10 =	sadd.s32 s18, s24;
	s13 =	sadd.s32 $0xA000, s12;
	[dreg:$0x6] =	wrdreg s8  }
0x11: {  	s10 =	sshrl.u32 s10, $0x3;
	s26 =	sadd.s32 $0xA010, s12;
	[dreg:$0x5] =	wrdreg s13  }
0x12: {  	s10 =	sadd.s32 s0, s10;
	[dreg:$0x7] =	wrdreg s26;
	s13 =	sshrl.u32 s25, $0x3  }
0x13: {  	[dreg:$0x8] =	wrdreg s10;
	s12 =	sadd.s32 s0, s13;
	s13 =	sadd.s32 $0x4000, s11  }
0x14: {  	[dreg:$0x9] =	wrdreg s12;
	s21 =	sadd.s32 s18, s13;
	s24 =	sadd.s32 s13, s2  }
0x15: {  	s9 =	sshrl.u32 s21, $0x3;
	s21 =	sadd.s32 $0x8000, s11;
	s11 =	sadd.s32 $0xC000, s11  }
0x16: {  	s17 =	sadd.s32 s0, s9;
	s22 =	sadd.s32 s18, s21;
	s19 =	sadd.s32 s18, s11  }
0x17: {  	s25 =	sadd.s32 s21, s2;
	s9 =	sshrl.u32 s22, $0x3;
	s22 =	smul.u32 $0x50, s20  }
.Ltmp0:
0x18: {  	s26 =	sadd.s32 s11, s2;
	s23 =	sshrl.u32 s19, $0x3;
	(pc) =	sbr.rel .LBB2_1-.Ltmp0, $4  }
0x19: {  	s20 =	sadd.s32 $0xC000, s6;
	s18 =	sadd.s32 s0, s9;
	s19 =	sadd.s32 s0, s23  }
0x1a: {  	s23 =	sshrl.u32 s24, $0x3;
	s24 =	sshrl.u32 s25, $0x3;
	s25 =	sshrl.u32 s26, $0x3  }
0x1b: {  	s26 =	simm.s32 $0x3;
	s0 =	simm.s32 $0x1;
	s9 =	simm.s32 $0x0  }
0x1c: {  	v0 =	vimm.f32 $0.0e+00;
	s21 =	sadd.s32 s22, s4;
	s22 =	simm.s32 $0x200;
	s4 =	simm.s32 $0x2  }
.LBB2_6:
0x1d: {  	s8 =	stileid.u32  }
0x1e: {  	[bflag:$0x0] =	sbarrier.arrive $0xFFFF;
	s8 =	sshll.u32 s8, $0x6  }
0x1f: {  	s10 =	sshrl.u32 s6, $0x3;
	s11 =	rddreg [dreg:$0x9];
	s8 =	sor.u32 $0x1C03, s8  }
0x20: {  	[hbm:s11], [sflag:s8] =	dma.local [spmem:s10], $0x800  }
0x21: {  	_ =	swait.ge [sflag:s26], $0x800  }
0x22: {  	[sflag:s26] =	ssyncset.done $0x0  }
0x23: {  	[sflag:s26] =	ssyncadd.s32 $0xFFFFF800  }
0x24: {  	[hbm:s17], [sflag:s8] =	dma.local [spmem:s23], $0x800  }
0x25: {  	_ =	swait.ge [sflag:s26], $0x800  }
0x26: {  	[sflag:s26] =	ssyncset.done $0x0  }
0x27: {  	[sflag:s26] =	ssyncadd.s32 $0xFFFFF800  }
0x28: {  	[hbm:s18], [sflag:s8] =	dma.local [spmem:s24], $0x800  }
0x29: {  	_ =	swait.ge [sflag:s26], $0x800  }
0x2a: {  	[sflag:s26] =	ssyncset.done $0x0  }
0x2b: {  	[sflag:s26] =	ssyncadd.s32 $0xFFFFF800  }
0x2c: {  	[hbm:s19], [sflag:s8] =	dma.local [spmem:s25], $0x800  }
0x2d: {  	s9 =	sadd.s32 $0x1, s9;
	_ =	swait.ge [sflag:s26], $0x800  }
0x2e: {  	s12 =	sshrl.u32 s7, $0x3;
	p0 =	sne.s32 s9, s14;
	[sflag:s26] =	ssyncset.done $0x0  }
.Ltmp1:
0x2f: {  	s13 =	rddreg [dreg:$0x8];
	[sflag:s26] =	ssyncadd.s32 $0xFFFFF800;
	(pc) =	sbr.rel @!p0 .LBB2_7-.Ltmp1, $4  }
0x30: {  	[hbm:s13], [sflag:s8] =	dma.local [spmem:s12], $0x780  }
0x31: {  	_ =	swait.ge [sflag:s26], $0x780  }
0x32: {  	[sflag:s26] =	ssyncset.done $0x0  }
0x33: {  	[sflag:s26] =	ssyncadd.s32 $0xFFFFF880  }
.LBB2_1:
0x34: {  	s10 =	simm.s32 $0x0;
	s11 =	simm.s32 $0x200  }
.LBB2_2:
0x35: {  	p0 =	sne.s32 s11, $0xFE00;
	[tilespmem:s10+$0x270] =	vst v0  }
0x36: {  	[tilespmem:s10+$0x200] =	vst v0  }
0x37: {  	[tilespmem:s10+$0x210] =	vst v0  }
.Ltmp2:
0x38: {  	[tilespmem:s10+$0x220] =	vst v0;
	(pc) =	sbr.rel @p0 .LBB2_2-.Ltmp2, $4  }
0x39: {  	[tilespmem:s10+$0x230] =	vst v0  }
0x3a: {  	[tilespmem:s10+$0x240] =	vst v0  }
0x3b: {  	[tilespmem:s10+$0x250] =	vst v0  }
0x3c: {  	[tilespmem:s10+$0x260] =	vst v0;
	s10 =	sshra.s32 s11, $0x2;
	s11 =	sadd.s32 $0x200, s11  }
0x3d: {  	[tilespmem:s10+$0x270] =	vst v0  }
0x3e: {  	[tilespmem:s10+$0x200] =	vst v0  }
0x3f: {  	[tilespmem:s10+$0x210] =	vst v0  }
0x40: {  	[tilespmem:s10+$0x220] =	vst v0  }
0x41: {  	[tilespmem:s10+$0x230] =	vst v0  }
0x42: {  	[tilespmem:s10+$0x240] =	vst v0  }
0x43: {  	[tilespmem:s10+$0x250] =	vst v0  }
0x44: {  	[tilespmem:s10+$0x260] =	vst v0  }
0x45: {  	[spmem:s6] =	stream.linear.scatter [tilespmem:s22], [sflag:$0x3], $0x4000, $0x38;
	[tilespmem:$0x1BE00] =	vst v63  }
0x46: {  	_ =	swait.ge [sflag:s26], $0x4000  }
0x47: {  	[sflag:s26] =	ssyncset.done $0x0  }
0x48: {  	[sflag:s26] =	ssyncadd.s32 $0xFFFFC000  }
0x49: {  	[spmem:s15] =	stream.linear.scatter [tilespmem:s22], [sflag:$0x3], $0x4000, $0x38;
	[tilespmem:$0x1BE00] =	vst v63  }
0x4a: {  	_ =	swait.ge [sflag:s26], $0x4000  }
0x4b: {  	[sflag:s26] =	ssyncset.done $0x0  }
0x4c: {  	[sflag:s26] =	ssyncadd.s32 $0xFFFFC000  }
0x4d: {  	[spmem:s16] =	stream.linear.scatter [tilespmem:s22], [sflag:$0x3], $0x4000, $0x38;
	[tilespmem:$0x1BE00] =	vst v63  }
0x4e: {  	_ =	swait.ge [sflag:s26], $0x4000  }
0x4f: {  	[sflag:s26] =	ssyncset.done $0x0  }
0x50: {  	[sflag:s26] =	ssyncadd.s32 $0xFFFFC000  }
0x51: {  	[spmem:s20] =	stream.linear.scatter [tilespmem:s22], [sflag:$0x3], $0x4000, $0x38;
	[tilespmem:$0x1BE00] =	vst v63  }
0x52: {  	_ =	swait.ge [sflag:s26], $0x4000  }
0x53: {  	[sflag:s26] =	ssyncset.done $0x0  }
0x54: {  	[sflag:s26] =	ssyncadd.s32 $0xFFFFC000  }
0x55: {  	[spmem:s7] =	stream.linear.scatter [tilespmem:s22], [sflag:$0x3], $0x3C00, $0x38;
	[tilespmem:$0x1BE00] =	vst v63  }
0x56: {  	_ =	swait.ge [sflag:s26], $0x3C00  }
0x57: {  	[sflag:s26] =	ssyncset.done $0x0  }
0x58: {  	[sflag:s26] =	ssyncadd.s32 $0xFFFFC400  }
0x59: {  	[bflag:$0x0] =	sbarrier.arrive $0xFFFF  }
0x5a: {  	s8 =	rddreg [dreg:$0x4]  }
0x5b: {  	[tilespmem:s3], [sflag:$0x3] =	stream.linear.gather [hbm4b:s8+s3], $0x80, $0x38;
	[tilespmem:$0x1BE00] =	vst v63  }
0x5c: {  	_ =	swait.ge [sflag:s26], $0x80  }
0x5d: {  	[sflag:s26] =	ssyncset.done $0x0  }
0x5e: {  	s11 =	rddreg [dreg:$0x5];
	[sflag:s26] =	ssyncadd.s32 $0xFFFFFF80  }
0x5f: {  	[tilespmem:s28], [sflag:$0x3] =	stream.linear.gather [hbm4b:s11+s3], $0x80, $0x38;
	[tilespmem:$0x1BE00] =	vst v63  }
0x60: {  	_ =	swait.ge [sflag:s26], $0x80  }
0x61: {  	[sflag:s26] =	ssyncset.done $0x0  }
0x62: {  	[sflag:s26] =	ssyncadd.s32 $0xFFFFFF80  }
0x63: {  	[tilespmem:s22], [sflag:$0x1] =	stream.indirect.gather [hbm4b:s5+s28], $0x80, s3, s28, $0xb8;
	[tilespmem:$0x1BE00] =	vst v63  }
0x64: {  	s12 =	rddreg [dreg:$0x6]  }
0x65: {  	[tilespmem:s29], [sflag:$0x3] =	stream.linear.gather [hbm4b:s12+s3], $0x80, $0x38;
	[tilespmem:$0x1BE00] =	vst v63  }
0x66: {  	_ =	swait.ge [sflag:s26], $0x80  }
0x67: {  	[sflag:s26] =	ssyncset.done $0x0  }
0x68: {  	s13 =	rddreg [dreg:$0x7];
	[sflag:s26] =	ssyncadd.s32 $0xFFFFFF80  }
0x69: {  	[tilespmem:s30], [sflag:$0x3] =	stream.linear.gather [hbm4b:s13+s3], $0x80, $0x38;
	[tilespmem:$0x1BE00] =	vst v63  }
0x6a: {  	_ =	swait.ge [sflag:s26], $0x80  }
0x6b: {  	[sflag:s26] =	ssyncset.done $0x0  }
0x6c: {  	s10 =	simm.s32 $0xFFFFFFB2;
	[sflag:s26] =	ssyncadd.s32 $0xFFFFFF80  }
0x6d: {  	[tilespmem:s31], [sflag:$0x2] =	stream.indirect.gather [hbm4b:s5+s28], $0x80, s29, s28, $0xb8;
	[tilespmem:$0x1BE00] =	vst v63  }
.LBB2_4:
0x6e: {  	_ =	swait.ge [sflag:s0], $0x4000;
	s11 =	sadd.s32 s10, s21  }
0x6f: {  	[sflag:s0] =	ssyncset.done $0x0;
	s8 =	sadd.s32 $0x50, s11  }
0x70: {  	[sflag:s0] =	ssyncadd.s32 $0xFFFFC000;
	p0 =	slt.s32 s8, $0x9FF  }
0x71: {  	[spmem:s2] =	stream.indirect.scatter.add.f32 [tilespmem:s22], [sflag:$0x3], $0x80, s28, s28, $0xb8;
	[tilespmem:$0x1BE00] =	vst v63  }
0x72: {  	s8 =	simm.s32 @!p0 $0x9FF;
	_ =	swait.ge [sflag:s26], $0x4000  }
0x73: {  	s12 =	sshll.u32 s8, $0x4;
	s8 =	sshll.u32 s8, $0x7;
	[sflag:s26] =	ssyncset.done $0x0  }
0x74: {  	s12 =	sadd.s32 s1, s12;
	s8 =	sand.u32 $0x7FF80, s8;
	[sflag:s26] =	ssyncadd.s32 $0xFFFFC000  }
0x75: {  	[tilespmem:s3], [sflag:$0x3] =	stream.linear.gather [hbm4b:s12+s3], $0x80, $0x38;
	[tilespmem:$0x1BE00] =	vst v63  }
0x76: {  	s8 =	sadd.s32 $0x50000, s8;
	_ =	swait.ge [sflag:s26], $0x80  }
0x77: {  	s8 =	sshrl.u32 s8, $0x3;
	[sflag:s26] =	ssyncset.done $0x0  }
0x78: {  	s8 =	sadd.s32 s1, s8;
	[sflag:s26] =	ssyncadd.s32 $0xFFFFFF80  }
0x79: {  	[tilespmem:s28], [sflag:$0x3] =	stream.linear.gather [hbm4b:s8+s3], $0x80, $0x38;
	[tilespmem:$0x1BE00] =	vst v63  }
0x7a: {  	p0 =	seq.s32 s10, $0x0;
	_ =	swait.ge [sflag:s26], $0x80  }
0x7b: {  	s13 =	simm.s32 @!p0 $0x200;
	[sflag:s26] =	ssyncset.done $0x0  }
0x7c: {  	s12 =	simm.s32 @!p0 $0x0;
	s8 =	simm.s32 @!p0 $0x80;
	[sflag:s26] =	ssyncadd.s32 $0xFFFFFF80  }
0x7d: {  	[tilespmem:s13], [sflag:$0x1] =	stream.indirect.gather @!p0 [hbm4b:s5+s8], $0x80, s12, s8, $0xb8;
	[tilespmem:$0x1BE00] =	vst v63  }
0x7e: {  	_ =	swait.ge [sflag:s4], $0x4000  }
0x7f: {  	s8 =	sadd.s32 $0x51, s11;
	[sflag:s4] =	ssyncset.done $0x0  }
0x80: {  	p1 =	slt.s32 s8, $0x9FF;
	[sflag:s4] =	ssyncadd.s32 $0xFFFFC000  }
0x81: {  	[spmem:s2] =	stream.indirect.scatter.add.f32 [tilespmem:s31], [sflag:$0x3], $0x80, s30, s28, $0xb8;
	[tilespmem:$0x1BE00] =	vst v63  }
0x82: {  	s8 =	simm.s32 @!p1 $0x9FF;
	_ =	swait.ge [sflag:s26], $0x4000  }
0x83: {  	s13 =	sshll.u32 s8, $0x4;
	s8 =	sshll.u32 s8, $0x7;
	[sflag:s26] =	ssyncset.done $0x0  }
0x84: {  	s11 =	sadd.s32 s1, s13;
	s8 =	sand.u32 $0x7FF80, s8;
	[sflag:s26] =	ssyncadd.s32 $0xFFFFC000  }
0x85: {  	[tilespmem:s29], [sflag:$0x3] =	stream.linear.gather [hbm4b:s11+s3], $0x80, $0x38;
	[tilespmem:$0x1BE00] =	vst v63  }
0x86: {  	s8 =	sadd.s32 $0x50000, s8;
	_ =	swait.ge [sflag:s26], $0x80  }
0x87: {  	s8 =	sshrl.u32 s8, $0x3;
	[sflag:s26] =	ssyncset.done $0x0  }
.Ltmp3:
0x88: {  	s8 =	sadd.s32 s1, s8;
	[sflag:s26] =	ssyncadd.s32 $0xFFFFFF80;
	(pc) =	sbr.rel @p0 .LBB2_6-.Ltmp3, $4  }
0x89: {  	[tilespmem:s30], [sflag:$0x3] =	stream.linear.gather [hbm4b:s8+s3], $0x80, $0x38;
	[tilespmem:$0x1BE00] =	vst v63  }
0x8a: {  	_ =	swait.ge [sflag:s26], $0x80  }
0x8b: {  	[sflag:s26] =	ssyncset.done $0x0  }
0x8c: {  	[sflag:s26] =	ssyncadd.s32 $0xFFFFFF80  }
.Ltmp4:
0x8d: {  	(pc) =	sbr.rel .LBB2_4-.Ltmp4, $3  }
0x8e: {  	_ =	sdelay $0x1  }
0x8f: {  	[tilespmem:s31], [sflag:$0x2] =	stream.indirect.gather [hbm4b:s5+s28], $0x80, s29, s28, $0xb8;
	[tilespmem:$0x1BE00] =	vst v63  }
0x90: {  	s10 =	sadd.s32 $0x2, s10  }
.LBB2_7:
0x91: {  	_ =	sfence.sel $0x180000  }
0x92: {  	[bflag:$0x0] =	sbarrier.arrive $0xFFFF  }
0x93: {  	_ =	strace $0x90000050  }
0x94: {  	s0 =	stileid.u32;
	[bflag:$0x2] =	sbarrier.arrive $0xFFFF  }
0x95: {  	p0 =	sne.s32 s0, $0x0;
	s0 =	rddreg [dreg:$0x3]  }
0x96: {  	s0 =	sadd.s32 @!p0 $0x100000, s0  }
0x97: {  	[sflag:s0] =	ssyncadd.tile.s32 @!p0 $0x1;
	_ =	shalt  }
.Lfunc_end2:
_tile_overlayer_lowered:
.L_overlay_start_2:
0x98: {  	(tag) =	ssettag $0x2  }
0x99: {  	s0 =	rddreg [dreg:$0x0];
	s2 =	stileid.u32  }
0x9a: {  	s1 =	rddreg [dreg:$0x1];
	p0 =	sne.s32 s2, $0x0  }
0x9b: {  	s3 =	rddreg [dreg:$0x2];
	[bflag:$0x3] =	sbarrier.arrive $0xFFFF;
	s2 =	simm.s32 @!p0 $0x1C03  }
0x9c: {  	[timem:s3], [sflag:s2] =	dma.local @!p0 [hbm:s0], s1  }
0x9d: {  	s0 =	simm.s32 @!p0 $0x3  }
0x9e: {  	_ =	swait.ge @!p0 [sflag:s0], s1  }
0x9f: {  	s1 =	ssub.s32 @!p0 $0x0, s1;
	[sflag:s0] =	ssyncset.done @!p0 $0x0  }
0xa0: {  	[sflag:s0] =	ssyncadd.s32 @!p0 s1  }
0xa1: {  	[bflag:$0x3] =	sbarrier.arrive $0xFFFF  }
0xa2: {  	_ =	shalt  }

// kernel: kernel.24.cloned.1.call-start
scs
__scs_entry_jumppad:
0x0: {  	(pc) =	sbr.rel $0x88, $3  }
0x1: {  	(tag) =	ssettag $0x0;
	lr =	simm.s32 $0x1  }
0x2: {  	[smem:$0x3F9B] =	sst lr;
	_ =	strace $0xD0000000  }
0x3: {  	_ = 	snop  }
0x4: {  	_ = 	snop  }
0x5: {  	_ = 	snop  }
0x6: {  	_ = 	snop  }
0x7: {  	_ = 	snop  }
__scs_overlays_trampoline_lowered:
0x8: {  	[smem:$0x3FAA] =	sst s0  }
0x9: {  	[smem:$0x3FAB] =	sst s1  }
0xa: {  	[smem:$0x3FAC] =	sst s2  }
0xb: {  	[smem:$0x3FAD] =	sst s3  }
0xc: {  	[smem:$0x3FAE] =	sst s4  }
0xd: {  	[smem:$0x3FAF] =	sst s5  }
0xe: {  	[smem:$0x3FB0] =	sst s6  }
0xf: {  	[smem:$0x3FB1] =	sst s7  }
0x10: {  	[smem:$0x3FB2] =	sst s8  }
0x11: {  	[smem:$0x3FB3] =	sst s9;
	s0 =	simm.s32 @!p0 $0x0  }
0x12: {  	s1 =	sld [smem:$0x3F99];
	s0 =	simm.s32 @p0 $0x1  }
0x13: {  	[smem:$0x3FB4] =	sst s0;
	s0 =	simm.s32 @!p1 $0x0  }
0x14: {  	s2 =	sld [smem:$0x3F98];
	s0 =	simm.s32 @p1 $0x1  }
0x15: {  	[smem:$0x3FB5] =	sst s0;
	s0 =	simm.s32 @!p2 $0x0  }
0x16: {  	s3 =	sld [smem:$0x3FDB];
	s0 =	simm.s32 @p2 $0x1  }
0x17: {  	s4 =	simm.s32 $0x1BF5;
	[smem:$0x3FB7] =	sst s0  }
0x18: {  	s0 =	sld [smem:$0x3F9A];
	_ =	swait.ge [sflag:s4], $0x0  }
0x19: {  	s7 =	sld [smem:$0x3F9B]  }
0x1a: {  	s8 =	sadd.s32 $0xFFFFE003, lr  }
0x1b: {  	s9 =	sadd.s32 $0xFFFFFEF7, lr;
	s5 =	simm.s32 $0xFFFFFFFF;
	p2 =	slt.u32 s8, $0xFFFFF086  }
0x1c: {  	p1 =	slt.u32 s9, $0xF7A;
	s5 =	simm.s32 @!p2 $0x0  }
0x1d: {  	s5 =	simm.s32 @p1 $0x1;
	p0 =	seq.s32 s7, s2  }
0x1e: {  	s7 =	smul.u32 @!p0 $0xF7A, s2;
	p2 =	seq.s32 @!p0 s5, $0x0  }
0x1f: {  	s9 =	smul.u32 $0xF7A, s1;
	s8 =	simm.s32 @!p0 $0x1BF5;
	p2 =	por !p2, p0  }
0x20: {  	[sflag:s8] =	ssyncset.s32 @!p0 $0xFFFFF086;
	s6 =	sadd.s32 @!p0 s3, s7;
	s7 =	simm.s32 @!p0 $0x108  }
0x21: {  	s3 =	sadd.s32 s3, s9;
	s6 =	sadd.s32 @!p0 $0x88, s6;
	s7 =	simm.s32 @p2 $0x1082  }
0x22: {  	[simem:s7], [sflag:s8] =	dma.local @!p0 [hbm:s6], $0xF7A  }
0x23: {  	s9 =	sor.u32 $0xD0000000, s2;
	s6 =	simm.s32 $0x108;
	_ =	swait.ge @!p0 [sflag:s8], $0x0  }
0x24: {  	s3 =	sadd.s32 $0x88, s3;
	s6 =	simm.s32 @!p1 $0x1082;
	[sflag:s4] =	ssyncset.s32 $0xFFFFF086  }
0x25: {  	[simem:s6], [sflag:s4] =	dma.local [hbm:s3], $0xF7A  }
0x26: {  	[smem:$0x3F9B] =	sst s1;
	(tag) =	ssettag s2;
	_ =	strace s9  }
0x27: {  	s1 =	sld [smem:$0x3FAB]  }
0x28: {  	s2 =	sld [smem:$0x3FAC]  }
0x29: {  	s4 =	sld [smem:$0x3FAE]  }
0x2a: {  	p0 =	seq.s32 s5, $0x0;
	s5 =	sld [smem:$0x3FAF]  }
0x2b: {  	s6 =	sld [smem:$0x3FB0]  }
0x2c: {  	s7 =	sld [smem:$0x3FB1]  }
0x2d: {  	s3 =	simm.s32 $0x108;
	s8 =	sld [smem:$0x3FB2]  }
0x2e: {  	s3 =	simm.s32 @!p0 $0x1082;
	s9 =	sld [smem:$0x3FB3]  }
0x2f: {  	lr =	sadd.s32 s0, s3;
	s0 =	sld [smem:$0x3FAA]  }
0x30: {  	s3 =	sld [smem:$0x3FAD]  }
0x31: {  	[smem:$0x3FB6] =	sst s10  }
0x32: {  	s10 =	sld [smem:$0x3FB4];
	_ =	sdelay $0x3  }
0x33: {  	p0 =	seq.s32 s10, $0x1;
	s10 =	sld [smem:$0x3FB6];
	_ =	sdelay $0x3  }
0x34: {  	[smem:$0x3FB6] =	sst s10  }
0x35: {  	s10 =	sld [smem:$0x3FB5];
	_ =	sdelay $0x3  }
0x36: {  	p1 =	seq.s32 s10, $0x1;
	s10 =	sld [smem:$0x3FB6];
	_ =	sdelay $0x3  }
0x37: {  	[smem:$0x3FB6] =	sst s10  }
0x38: {  	s10 =	sld [smem:$0x3FB7]  }
0x39: {  	_ = 	snop;
	(pc) =	sbr.ind lr, $3  }
0x3a: {  	_ = 	snop  }
0x3b: {  	_ = 	snop  }
0x3c: {  	p2 =	seq.s32 s10, $0x1;
	s10 =	sld [smem:$0x3FB6]  }
0x3d: {  	_ =	shalt  }
0x3e: {  	_ =	shalt  }
0x3f: {  	_ =	shalt  }
0x40: {  	_ =	shalt  }
0x41: {  	_ =	shalt  }
0x42: {  	_ =	shalt  }
0x43: {  	_ =	shalt  }
0x44: {  	_ =	shalt  }
0x45: {  	_ =	shalt  }
0x46: {  	_ =	shalt  }
0x47: {  	_ =	shalt  }
0x48: {  	_ =	shalt  }
0x49: {  	_ =	shalt  }
0x4a: {  	_ =	shalt  }
0x4b: {  	_ =	shalt  }
0x4c: {  	_ =	shalt  }
0x4d: {  	_ =	shalt  }
0x4e: {  	_ =	shalt  }
0x4f: {  	_ =	shalt  }
0x50: {  	_ =	shalt  }
0x51: {  	_ =	shalt  }
0x52: {  	_ =	shalt  }
0x53: {  	_ =	shalt  }
0x54: {  	_ =	shalt  }
0x55: {  	_ =	shalt  }
0x56: {  	_ =	shalt  }
0x57: {  	_ =	shalt  }
0x58: {  	_ =	shalt  }
0x59: {  	_ =	shalt  }
0x5a: {  	_ =	shalt  }
0x5b: {  	_ =	shalt  }
0x5c: {  	_ =	shalt  }
0x5d: {  	_ =	shalt  }
0x5e: {  	_ =	shalt  }
0x5f: {  	_ =	shalt  }
0x60: {  	_ =	shalt  }
0x61: {  	_ =	shalt  }
0x62: {  	_ =	shalt  }
0x63: {  	_ =	shalt  }
0x64: {  	_ =	shalt  }
0x65: {  	_ =	shalt  }
0x66: {  	_ =	shalt  }
0x67: {  	_ =	shalt  }
0x68: {  	_ =	shalt  }
0x69: {  	_ =	shalt  }
0x6a: {  	_ =	shalt  }
0x6b: {  	_ =	shalt  }
0x6c: {  	_ =	shalt  }
0x6d: {  	_ =	shalt  }
0x6e: {  	_ =	shalt  }
0x6f: {  	_ =	shalt  }
0x70: {  	_ =	shalt  }
0x71: {  	_ =	shalt  }
0x72: {  	_ =	shalt  }
0x73: {  	_ =	shalt  }
0x74: {  	_ =	shalt  }
0x75: {  	_ =	shalt  }
0x76: {  	_ =	shalt  }
0x77: {  	_ =	shalt  }
0x78: {  	_ =	shalt  }
0x79: {  	_ =	shalt  }
0x7a: {  	_ =	shalt  }
0x7b: {  	_ =	shalt  }
0x7c: {  	_ =	shalt  }
0x7d: {  	_ =	shalt  }
0x7e: {  	_ =	shalt  }
0x7f: {  	_ =	shalt  }
0x80: {  	_ =	shalt  }
0x81: {  	_ =	shalt  }
0x82: {  	_ =	shalt  }
0x83: {  	_ =	shalt  }
0x84: {  	_ =	shalt  }
0x85: {  	_ =	shalt  }
0x86: {  	_ =	shalt  }
0x87: {  	_ =	shalt  }
.Lfunc_end0:
.L_simem_size_0:
called_computation.4_lowered:
.L_overlay_start_0:
0x88: {  	s2 =	sld [smem:$0x3FD9]  }
0x89: {  	s3 =	sld [smem:$0x3FFE];
	_ =	sdelay $0x1  }
0x8a: {  	s1 =	srdreg.scid  }
0x8b: {  	s0 =	sand.u32 $0x1, s1  }
0x8c: {  	s17 =	sshll.u32 s0, $0xA;
	s2 =	sadd.s32 s3, s2  }
0x8d: {  	s2 =	sadd.s32 s2, s17  }
0x8e: {  	[smem:$0x3FC2] =	sst s2  }
0x8f: {  	_ = 	snop  }
0x90: {  	s2 =	sld [smem:$0x3FD0];
	(tm) =	ssettm $0x1  }
0x91: {  	s18 =	sld [smem:$0x3FFB];
	_ =	sdelay $0x3  }
0x92: {  	_ =	strace s18  }
0x93: {  	s3 =	sld [smem:$0x3FFC];
	_ =	sdelay $0x3  }
0x94: {  	_ =	strace s3  }
0x95: {  	s3 =	sld [smem:$0x3FFD];
	_ =	sdelay $0x3  }
0x96: {  	_ =	strace s3  }
0x97: {  	_ =	strace $0x8FFFFFFF  }
0x98: {  	s19 =	sld [smem:$0x3FDB];
	_ =	sdelay $0x1  }
0x99: {  	s4 =	simm.s32 $_scs_section_size  }
0x9a: {  	s5 =	simm.s32 $_size__tile_overlayer_lowered;
	s6 =	simm.s32 $_tile_overlayer_lowered  }
0x9b: {  	s22 =	simm.s32 $0x1BFF;
	s21 =	sshll.u32 s6, $0x1;
	s3 =	sadd.s32 s4, s19  }
0x9c: {  	s7 =	simm.s32 $0x0;
	s20 =	sshll.u32 s5, $0x1;
	s5 =	sadd.s32 s21, s3  }
0x9d: {  	[timem:s7], [sflag:s22] =	dma.local [hbm:s5], s20  }
0x9e: {  	_ =	swait.ge [sflag:s22], s20  }
0x9f: {  	s4 =	ssub.s32 $0x0, s20;
	[sflag:s22] =	ssyncset.done $0x0  }
0xa0: {  	[sflag:s22] =	ssyncadd.s32 s4;
	_ =	sdelay $0x1  }
0xa1: {  	s23 =	simm.s32 $0x1B8B  }
0xa2: {  	_ =	swait.ge [sflag:s23], $0x1  }
0xa3: {  	[sflag:s23] =	ssyncset.done $0x0  }
0xa4: {  	s25 =	simm.s32 $0x1B8E;
	s24 =	sld [smem:$0x3FFE];
	[sflag:s23] =	ssyncadd.s32 $0xFFFFFFFF  }
0xa5: {  	s26 =	simm.s32 $execute0_lowered;
	[smem:$0x3FD2] =	sst s25  }
0xa6: {  	s5 =	sshll.u32 s26, $0x1;
	_ =	strace $0x80000052;
	[dreg:$0x1] =	wrdreg $0xFFFFFFFF  }
0xa7: {  	s28 =	simm.s32 $_size_execute0_lowered;
	s3 =	sadd.s32 s3, s5;
	[dreg:$0x0] =	wrdreg $0x0  }
0xa8: {  	s5 =	sshll.u32 s28, $0x1;
	[dreg:$0x2] =	wrdreg s3  }
0xa9: {  	[dreg:$0x3] =	wrdreg s5  }
0xaa: {  	[dreg:$0x4] =	wrdreg $0xC0  }
0xab: {  	_ =	task [dreg:s7], $0x5FFFF  }
0xac: {  	[dreg:$0x1] =	wrdreg $0xFFFFFFFF  }
0xad: {  	[dreg:$0x0] =	wrdreg $0x60  }
0xae: {  	[dreg:$0x2] =	wrdreg s24  }
0xaf: {  	[dreg:$0x3] =	wrdreg s2  }
0xb0: {  	[dreg:$0x4] =	wrdreg $0x82000  }
0xb1: {  	[dreg:$0x5] =	wrdreg $0x9  }
0xb2: {  	_ =	task.clear_ibuf [dreg:s7], $0x6FFFF;
	_ =	strace $0x90000052  }
0xb3: {  	s29 =	simm.s32 $0x9;
	_ =	strace $0x80000054  }
0xb4: {  	_ =	swait.ge [sflag:s29], $0x1  }
0xb5: {  	[sflag:s29] =	ssyncadd.s32 $0xFFFFFFFF  }
0xb6: {  	_ =	strace $0x90000054  }
0xb7: {  	_ =	sfence  }
0xb8: {  	s30 =	sld [smem:$0x0];
	_ =	sdelay $0x2  }
0xb9: {  	s31 =	sshll.u32 s1, $0xD;
	s1 =	sshrl.u32 s1, $0x2  }
0xba: {  	s3 =	sand.u32 $0x4000, s31;
	s1 =	sadd.s32 s1, s30  }
0xbb: {  	s0 =	sor.u32 s3, s0;
	s1 =	sshll.u32 s1, $0x11  }
0xbc: {  	s0 =	sor.u32 s1, s0  }
0xbd: {  	s0 =	sadd.s32 $0x8F2B, s0  }
0xbe: {  	[sflag:s0] =	ssyncadd.remote.s32 $0x1  }
0xbf: {  	_ =	sfence.sel $0xFFFF  }
0xc0: {  	[dreg:$0x0] =	wrdreg $0xFFFFFFFF;
	(pc) =	sbr.abs _section_cstart, $3  }
0xc1: {  	[dreg:$0x1] =	wrdreg $0xFFFFFFFF  }
0xc2: {  	_ =	task.clear_ibuf [dreg:s7], $0x2FFFF;
	_ =	strace $0x9FFFFFFF  }
0xc3: {  	(tm) =	ssettm $0x7FFFFFFF  }
tec
execute0_lowered:
.L_overlay_start_1:
0x0: {  	(tag) =	ssettag $0x1  }
0x1: {  	s0 =	rddreg [dreg:$0x0]  }
0x2: {  	s1 =	rddreg [dreg:$0x1]  }
0x3: {  	s2 =	rddreg [dreg:$0x2]  }
0x4: {  	s3 =	simm.s32 $0x0;
	s4 =	srdreg.scid;
	s13 =	stileid.u32  }
0x5: {  	s28 =	simm.s32 $0x80;
	s29 =	simm.s32 $0x100;
	s30 =	simm.s32 $0x180  }
0x6: {  	s31 =	simm.s32 $0x4200;
	[smem:$0x7FF] =	sst s3;
	s4 =	sand.u32 $0x1, s4  }
0x7: {  	s5 =	sadd.s32 $0x52600, s0;
	s18 =	smul.u32 $0x4F000, s13;
	s6 =	sshll.u32 s4, $0x4  }
0x8: {  	s0 =	sadd.s32 $0x79E00, s0;
	s7 =	ssub.s32 $0x2, s4;
	s8 =	sor.u32 s13, s6  }
0x9: {  	s9 =	sshrl.u32 s7, $0x1;
	s6 =	sshrl.u32 s18, $0x2;
	s18 =	smul.u32 $0x13C00, s13  }
0xa: {  	_ =	strace $0x80000053;
	s10 =	smul.u32 $0x2800, s8;
	s11 =	ssub.s32 s7, s9  }
0xb: {  	s6 =	sadd.s32 s6, s2;
	s8 =	smul.u32 $0x500, s8;
	s20 =	sadd.s32 $0x10000, s18  }
0xc: {  	s14 =	smax.u32 s11, $0x1;
	s15 =	sadd.s32 $0x4000, s6;
	s16 =	sadd.s32 $0x8000, s6  }
0xd: {  	s19 =	sshrl.u32 s10, $0x3;
	s7 =	sadd.s32 s20, s2;
	s22 =	sadd.s32 s1, s8  }
0xe: {  	s12 =	sadd.s32 s1, s19;
	[dreg:$0x5] =	wrdreg s22;
	s9 =	sadd.s32 $0x10, s22  }
0xf: {  	s19 =	smul.u32 $0x13C000, s4;
	s21 =	sadd.s32 $0xA000, s12;
	[dreg:$0x7] =	wrdreg s9  }
0x10: {  	s4 =	smul.u32 $0x500, s4;
	s23 =	sadd.s32 $0xA010, s12;
	[dreg:$0x4] =	wrdreg s21  }
0x11: {  	s9 =	sadd.s32 $0x4000, s18;
	s12 =	sadd.s32 $0x8000, s18;
	[dreg:$0x6] =	wrdreg s23  }
0x12: {  	s24 =	sadd.s32 s19, s20;
	s25 =	sadd.s32 s19, s18;
	s11 =	sadd.s32 s19, s9  }
0x13: {  	s22 =	sadd.s32 s19, s12;
	s21 =	sadd.s32 $0xC000, s18;
	s20 =	sadd.s32 $0xC000, s6  }
0x14: {  	s8 =	sshrl.u32 s24, $0x3;
	s10 =	sshrl.u32 s25, $0x3;
	s19 =	sadd.s32 s19, s21  }
0x15: {  	s24 =	sadd.s32 s9, s2;
	s25 =	sadd.s32 s12, s2;
	s8 =	sadd.s32 s0, s8  }
0x16: {  	s26 =	sadd.s32 s0, s10;
	s10 =	sshrl.u32 s11, $0x3;
	[dreg:$0x8] =	wrdreg s8  }
0x17: {  	s17 =	sadd.s32 s0, s10;
	s10 =	sshrl.u32 s22, $0x3;
	s22 =	smul.u32 $0x50, s13  }
.Ltmp0:
0x18: {  	s23 =	sshrl.u32 s19, $0x3;
	[dreg:$0x9] =	wrdreg s26;
	(pc) =	sbr.rel .LBB2_1-.Ltmp0, $4  }
0x19: {  	s19 =	sadd.s32 s0, s23;
	s26 =	sadd.s32 s21, s2;
	s23 =	sshrl.u32 s24, $0x3  }
0x1a: {  	s24 =	sshrl.u32 s25, $0x3;
	s8 =	simm.s32 $0x0;
	s18 =	sadd.s32 s0, s10  }
0x1b: {  	s25 =	sshrl.u32 s26, $0x3;
	s26 =	simm.s32 $0x3;
	s0 =	simm.s32 $0x1  }
0x1c: {  	v0 =	vimm.f32 $0.0e+00;
	s21 =	sadd.s32 s22, s4;
	s22 =	simm.s32 $0x200;
	s4 =	simm.s32 $0x2  }
.LBB2_6:
0x1d: {  	s9 =	stileid.u32  }
0x1e: {  	[bflag:$0x0] =	sbarrier.arrive $0xFFFF;
	s9 =	sshll.u32 s9, $0x6  }
0x1f: {  	s10 =	sshrl.u32 s6, $0x3;
	s11 =	rddreg [dreg:$0x9];
	s9 =	sor.u32 $0x1C03, s9  }
0x20: {  	[hbm:s11], [sflag:s9] =	dma.local [spmem:s10], $0x800  }
0x21: {  	_ =	swait.ge [sflag:s26], $0x800  }
0x22: {  	[sflag:s26] =	ssyncset.done $0x0  }
0x23: {  	[sflag:s26] =	ssyncadd.s32 $0xFFFFF800  }
0x24: {  	[hbm:s17], [sflag:s9] =	dma.local [spmem:s23], $0x800  }
0x25: {  	_ =	swait.ge [sflag:s26], $0x800  }
0x26: {  	[sflag:s26] =	ssyncset.done $0x0  }
0x27: {  	[sflag:s26] =	ssyncadd.s32 $0xFFFFF800  }
0x28: {  	[hbm:s18], [sflag:s9] =	dma.local [spmem:s24], $0x800  }
0x29: {  	_ =	swait.ge [sflag:s26], $0x800  }
0x2a: {  	[sflag:s26] =	ssyncset.done $0x0  }
0x2b: {  	[sflag:s26] =	ssyncadd.s32 $0xFFFFF800  }
0x2c: {  	[hbm:s19], [sflag:s9] =	dma.local [spmem:s25], $0x800  }
0x2d: {  	s8 =	sadd.s32 $0x1, s8;
	_ =	swait.ge [sflag:s26], $0x800  }
0x2e: {  	s12 =	sshrl.u32 s7, $0x3;
	p0 =	sne.s32 s8, s14;
	[sflag:s26] =	ssyncset.done $0x0  }
.Ltmp1:
0x2f: {  	s13 =	rddreg [dreg:$0x8];
	[sflag:s26] =	ssyncadd.s32 $0xFFFFF800;
	(pc) =	sbr.rel @!p0 .LBB2_7-.Ltmp1, $4  }
0x30: {  	[hbm:s13], [sflag:s9] =	dma.local [spmem:s12], $0x780  }
0x31: {  	_ =	swait.ge [sflag:s26], $0x780  }
0x32: {  	[sflag:s26] =	ssyncset.done $0x0  }
0x33: {  	[sflag:s26] =	ssyncadd.s32 $0xFFFFF880  }
.LBB2_1:
0x34: {  	s10 =	simm.s32 $0x0;
	s11 =	simm.s32 $0x200  }
.LBB2_2:
0x35: {  	p0 =	sne.s32 s11, $0xFE00;
	[tilespmem:s10+$0x270] =	vst v0  }
0x36: {  	[tilespmem:s10+$0x200] =	vst v0  }
0x37: {  	[tilespmem:s10+$0x210] =	vst v0  }
.Ltmp2:
0x38: {  	[tilespmem:s10+$0x220] =	vst v0;
	(pc) =	sbr.rel @p0 .LBB2_2-.Ltmp2, $4  }
0x39: {  	[tilespmem:s10+$0x230] =	vst v0  }
0x3a: {  	[tilespmem:s10+$0x240] =	vst v0  }
0x3b: {  	[tilespmem:s10+$0x250] =	vst v0  }
0x3c: {  	[tilespmem:s10+$0x260] =	vst v0;
	s10 =	sshra.s32 s11, $0x2;
	s11 =	sadd.s32 $0x200, s11  }
0x3d: {  	[tilespmem:s10+$0x270] =	vst v0  }
0x3e: {  	[tilespmem:s10+$0x200] =	vst v0  }
0x3f: {  	[tilespmem:s10+$0x210] =	vst v0  }
0x40: {  	[tilespmem:s10+$0x220] =	vst v0  }
0x41: {  	[tilespmem:s10+$0x230] =	vst v0  }
0x42: {  	[tilespmem:s10+$0x240] =	vst v0  }
0x43: {  	[tilespmem:s10+$0x250] =	vst v0  }
0x44: {  	[tilespmem:s10+$0x260] =	vst v0  }
0x45: {  	[spmem:s6] =	stream.linear.scatter [tilespmem:s22], [sflag:$0x3], $0x4000, $0x38;
	[tilespmem:$0x1BE00] =	vst v63  }
0x46: {  	_ =	swait.ge [sflag:s26], $0x4000  }
0x47: {  	[sflag:s26] =	ssyncset.done $0x0  }
0x48: {  	[sflag:s26] =	ssyncadd.s32 $0xFFFFC000  }
0x49: {  	[spmem:s15] =	stream.linear.scatter [tilespmem:s22], [sflag:$0x3], $0x4000, $0x38;
	[tilespmem:$0x1BE00] =	vst v63  }
0x4a: {  	_ =	swait.ge [sflag:s26], $0x4000  }
0x4b: {  	[sflag:s26] =	ssyncset.done $0x0  }
0x4c: {  	[sflag:s26] =	ssyncadd.s32 $0xFFFFC000  }
0x4d: {  	[spmem:s16] =	stream.linear.scatter [tilespmem:s22], [sflag:$0x3], $0x4000, $0x38;
	[tilespmem:$0x1BE00] =	vst v63  }
0x4e: {  	_ =	swait.ge [sflag:s26], $0x4000  }
0x4f: {  	[sflag:s26] =	ssyncset.done $0x0  }
0x50: {  	[sflag:s26] =	ssyncadd.s32 $0xFFFFC000  }
0x51: {  	[spmem:s20] =	stream.linear.scatter [tilespmem:s22], [sflag:$0x3], $0x4000, $0x38;
	[tilespmem:$0x1BE00] =	vst v63  }
0x52: {  	_ =	swait.ge [sflag:s26], $0x4000  }
0x53: {  	[sflag:s26] =	ssyncset.done $0x0  }
0x54: {  	[sflag:s26] =	ssyncadd.s32 $0xFFFFC000  }
0x55: {  	[spmem:s7] =	stream.linear.scatter [tilespmem:s22], [sflag:$0x3], $0x3C00, $0x38;
	[tilespmem:$0x1BE00] =	vst v63  }
0x56: {  	_ =	swait.ge [sflag:s26], $0x3C00  }
0x57: {  	[sflag:s26] =	ssyncset.done $0x0  }
0x58: {  	[sflag:s26] =	ssyncadd.s32 $0xFFFFC400  }
0x59: {  	[bflag:$0x0] =	sbarrier.arrive $0xFFFF  }
0x5a: {  	s9 =	rddreg [dreg:$0x4]  }
0x5b: {  	[tilespmem:s3], [sflag:$0x3] =	stream.linear.gather [hbm4b:s9+s3], $0x80, $0x38;
	[tilespmem:$0x1BE00] =	vst v63  }
0x5c: {  	_ =	swait.ge [sflag:s26], $0x80  }
0x5d: {  	[sflag:s26] =	ssyncset.done $0x0  }
0x5e: {  	s11 =	rddreg [dreg:$0x5];
	[sflag:s26] =	ssyncadd.s32 $0xFFFFFF80  }
0x5f: {  	[tilespmem:s28], [sflag:$0x3] =	stream.linear.gather [hbm4b:s11+s3], $0x80, $0x38;
	[tilespmem:$0x1BE00] =	vst v63  }
0x60: {  	_ =	swait.ge [sflag:s26], $0x80  }
0x61: {  	[sflag:s26] =	ssyncset.done $0x0  }
0x62: {  	[sflag:s26] =	ssyncadd.s32 $0xFFFFFF80  }
0x63: {  	[tilespmem:s22], [sflag:$0x1] =	stream.indirect.gather [hbm4b:s5+s28], $0x80, s3, s28, $0xb8;
	[tilespmem:$0x1BE00] =	vst v63  }
0x64: {  	s12 =	rddreg [dreg:$0x6]  }
0x65: {  	[tilespmem:s29], [sflag:$0x3] =	stream.linear.gather [hbm4b:s12+s3], $0x80, $0x38;
	[tilespmem:$0x1BE00] =	vst v63  }
0x66: {  	_ =	swait.ge [sflag:s26], $0x80  }
0x67: {  	[sflag:s26] =	ssyncset.done $0x0  }
0x68: {  	s13 =	rddreg [dreg:$0x7];
	[sflag:s26] =	ssyncadd.s32 $0xFFFFFF80  }
0x69: {  	[tilespmem:s30], [sflag:$0x3] =	stream.linear.gather [hbm4b:s13+s3], $0x80, $0x38;
	[tilespmem:$0x1BE00] =	vst v63  }
0x6a: {  	_ =	swait.ge [sflag:s26], $0x80  }
0x6b: {  	[sflag:s26] =	ssyncset.done $0x0  }
0x6c: {  	s10 =	simm.s32 $0xFFFFFFB2;
	[sflag:s26] =	ssyncadd.s32 $0xFFFFFF80  }
0x6d: {  	[tilespmem:s31], [sflag:$0x2] =	stream.indirect.gather [hbm4b:s5+s28], $0x80, s29, s28, $0xb8;
	[tilespmem:$0x1BE00] =	vst v63  }
.LBB2_4:
0x6e: {  	_ =	swait.ge [sflag:s0], $0x4000;
	s11 =	sadd.s32 s10, s21  }
0x6f: {  	[sflag:s0] =	ssyncset.done $0x0;
	s9 =	sadd.s32 $0x50, s11  }
0x70: {  	[sflag:s0] =	ssyncadd.s32 $0xFFFFC000;
	p0 =	slt.s32 s9, $0x9FF  }
0x71: {  	[spmem:s2] =	stream.indirect.scatter.add.f32 [tilespmem:s22], [sflag:$0x3], $0x80, s28, s28, $0xb8;
	[tilespmem:$0x1BE00] =	vst v63  }
0x72: {  	s9 =	simm.s32 @!p0 $0x9FF  }
0x73: {  	s12 =	sshll.u32 s9, $0x7  }
0x74: {  	s12 =	sand.u32 $0x7FF80, s12  }
0x75: {  	_ =	swait.ge [sflag:s26], $0x4000;
	s12 =	sadd.s32 $0x50000, s12  }
0x76: {  	[sflag:s26] =	ssyncset.done $0x0;
	s12 =	sshrl.u32 s12, $0x3  }
0x77: {  	[sflag:s26] =	ssyncadd.s32 $0xFFFFC000;
	s12 =	sadd.s32 s1, s12  }
0x78: {  	[tilespmem:s3], [sflag:$0x3] =	stream.linear.gather [hbm4b:s12+s3], $0x80, $0x38;
	[tilespmem:$0x1BE00] =	vst v63  }
0x79: {  	_ =	swait.ge [sflag:s26], $0x80  }
0x7a: {  	s9 =	sshll.u32 s9, $0x4;
	[sflag:s26] =	ssyncset.done $0x0  }
0x7b: {  	s9 =	sadd.s32 s1, s9;
	[sflag:s26] =	ssyncadd.s32 $0xFFFFFF80  }
0x7c: {  	[tilespmem:s28], [sflag:$0x3] =	stream.linear.gather [hbm4b:s9+s3], $0x80, $0x38;
	[tilespmem:$0x1BE00] =	vst v63  }
0x7d: {  	p0 =	seq.s32 s10, $0x0;
	_ =	swait.ge [sflag:s26], $0x80  }
0x7e: {  	s13 =	simm.s32 @!p0 $0x200;
	[sflag:s26] =	ssyncset.done $0x0  }
0x7f: {  	s12 =	simm.s32 @!p0 $0x0;
	s9 =	simm.s32 @!p0 $0x80;
	[sflag:s26] =	ssyncadd.s32 $0xFFFFFF80  }
0x80: {  	[tilespmem:s13], [sflag:$0x1] =	stream.indirect.gather @!p0 [hbm4b:s5+s9], $0x80, s12, s9, $0xb8;
	[tilespmem:$0x1BE00] =	vst v63  }
0x81: {  	s9 =	sadd.s32 $0x51, s11  }
0x82: {  	_ =	swait.ge [sflag:s4], $0x4000;
	p1 =	slt.s32 s9, $0x9FF  }
0x83: {  	[sflag:s4] =	ssyncset.done $0x0;
	s9 =	simm.s32 @!p1 $0x9FF  }
0x84: {  	[sflag:s4] =	ssyncadd.s32 $0xFFFFC000;
	s13 =	sshll.u32 s9, $0x7  }
0x85: {  	[spmem:s2] =	stream.indirect.scatter.add.f32 [tilespmem:s31], [sflag:$0x3], $0x80, s30, s28, $0xb8;
	[tilespmem:$0x1BE00] =	vst v63  }
0x86: {  	s11 =	sand.u32 $0x7FF80, s13  }
0x87: {  	_ =	swait.ge [sflag:s26], $0x4000;
	s11 =	sadd.s32 $0x50000, s11  }
0x88: {  	[sflag:s26] =	ssyncset.done $0x0;
	s11 =	sshrl.u32 s11, $0x3  }
0x89: {  	[sflag:s26] =	ssyncadd.s32 $0xFFFFC000;
	s11 =	sadd.s32 s1, s11  }
0x8a: {  	[tilespmem:s29], [sflag:$0x3] =	stream.linear.gather [hbm4b:s11+s3], $0x80, $0x38;
	[tilespmem:$0x1BE00] =	vst v63  }
0x8b: {  	_ =	swait.ge [sflag:s26], $0x80  }
0x8c: {  	s9 =	sshll.u32 s9, $0x4;
	[sflag:s26] =	ssyncset.done $0x0  }
.Ltmp3:
0x8d: {  	s9 =	sadd.s32 s1, s9;
	[sflag:s26] =	ssyncadd.s32 $0xFFFFFF80;
	(pc) =	sbr.rel @p0 .LBB2_6-.Ltmp3, $4  }
0x8e: {  	[tilespmem:s30], [sflag:$0x3] =	stream.linear.gather [hbm4b:s9+s3], $0x80, $0x38;
	[tilespmem:$0x1BE00] =	vst v63  }
0x8f: {  	_ =	swait.ge [sflag:s26], $0x80  }
0x90: {  	[sflag:s26] =	ssyncset.done $0x0  }
0x91: {  	[sflag:s26] =	ssyncadd.s32 $0xFFFFFF80  }
.Ltmp4:
0x92: {  	(pc) =	sbr.rel .LBB2_4-.Ltmp4, $3  }
0x93: {  	_ =	sdelay $0x1  }
0x94: {  	[tilespmem:s31], [sflag:$0x2] =	stream.indirect.gather [hbm4b:s5+s28], $0x80, s29, s28, $0xb8;
	[tilespmem:$0x1BE00] =	vst v63  }
0x95: {  	s10 =	sadd.s32 $0x2, s10  }
.LBB2_7:
0x96: {  	_ =	sfence.sel $0x180000  }
0x97: {  	[bflag:$0x0] =	sbarrier.arrive $0xFFFF  }
0x98: {  	_ =	strace $0x90000053  }
0x99: {  	s0 =	stileid.u32;
	[bflag:$0x2] =	sbarrier.arrive $0xFFFF  }
0x9a: {  	p0 =	sne.s32 s0, $0x0;
	s0 =	rddreg [dreg:$0x3]  }
0x9b: {  	s0 =	sadd.s32 @!p0 $0x100000, s0  }
0x9c: {  	[sflag:s0] =	ssyncadd.tile.s32 @!p0 $0x1;
	_ =	shalt  }
.Lfunc_end2:
_tile_overlayer_lowered:
.L_overlay_start_2:
0x9d: {  	(tag) =	ssettag $0x2  }
0x9e: {  	s0 =	rddreg [dreg:$0x0];
	s2 =	stileid.u32  }
0x9f: {  	s1 =	rddreg [dreg:$0x1];
	p0 =	sne.s32 s2, $0x0  }
0xa0: {  	s3 =	rddreg [dreg:$0x2];
	[bflag:$0x3] =	sbarrier.arrive $0xFFFF;
	s2 =	simm.s32 @!p0 $0x1C03  }
0xa1: {  	[timem:s3], [sflag:s2] =	dma.local @!p0 [hbm:s0], s1  }
0xa2: {  	s0 =	simm.s32 @!p0 $0x3  }
0xa3: {  	_ =	swait.ge @!p0 [sflag:s0], s1  }
0xa4: {  	s1 =	ssub.s32 @!p0 $0x0, s1;
	[sflag:s0] =	ssyncset.done @!p0 $0x0  }
0xa5: {  	[sflag:s0] =	ssyncadd.s32 @!p0 s1  }
0xa6: {  	[bflag:$0x3] =	sbarrier.arrive $0xFFFF  }
0xa7: {  	_ =	shalt  }

</sc_bundles>
